<compile_context>
chip_gen: v7x
topology: tpu7x:2x2x1
jax: 0.10.2.dev20260603
libtpu: 0.0.44.dev20260713+nightly
codegen_flags: <defaults>
</compile_context>

<pallas_src>
import functools

import jax
import jax.numpy as jnp
from jax import lax
from jax.experimental import pallas as pl
from jax.experimental.pallas import tpu as pltpu
from jax.experimental.pallas import tpu_sc as plsc


_B, _S, _D = 4, 8192, 768
_NC, _NS = 2, 16
_NW = _NC * _NS
_ROWS_W = _S // _NW
_CHUNK = 16
_NVPR = _D // 16
_NPOS = _ROWS_W // _CHUNK
_NCI2 = _NPOS // 2


def _sc_body(x_hbm, pos_hbm, out_hbm,
             xb00, xb01, xb02, xb03, xb10, xb11, xb12, xb13, pb0, pb1,
             sin00, sin01, sin02, sin03, sin10, sin11, sin12, sin13,
             sout00, sout01, sout02, sout03, sout10, sout11, sout12, sout13,
             spos0, spos1):
    wid = lax.axis_index("s") * _NC + lax.axis_index("c")
    row_base = wid * _ROWS_W
    xbufs = ((xb00, xb01, xb02, xb03), (xb10, xb11, xb12, xb13))
    sins = ((sin00, sin01, sin02, sin03), (sin10, sin11, sin12, sin13))
    souts = ((sout00, sout01, sout02, sout03),
             (sout10, sout11, sout12, sout13))
    pbufs, sposs = (pb0, pb1), (spos0, spos1)

    def rows(ci):
        return pl.ds(row_base + ci * _CHUNK, _CHUNK)

    def in_copy(ci, p, b):
        return pltpu.make_async_copy(
            x_hbm.at[b, rows(ci)], xbufs[p][b], sins[p][b])

    def out_copy(ci, p, b):
        return pltpu.make_async_copy(
            xbufs[p][b], out_hbm.at[b, rows(ci)], souts[p][b])

    def pos_copy(ci, p):
        return pltpu.make_async_copy(pos_hbm.at[rows(ci)], pbufs[p], sposs[p])

    def add_chunk(p):
        pb = pbufs[p]
        x0, x1, x2, x3 = xbufs[p]

        @plsc.parallel_loop(0, _CHUNK)
        def _(r):
            for j in range(_NVPR):
                sl = pl.ds(j * 16, 16)
                v = pb[r, sl]
                plsc.addupdate(x0.at[r, sl], v)
                plsc.addupdate(x1.at[r, sl], v)
                plsc.addupdate(x2.at[r, sl], v)
                plsc.addupdate(x3.at[r, sl], v)

    pos_copy(0, 0).start()
    pos_copy(1, 1).start()
    for b in range(_B):
        in_copy(0, 0, b).start()

    def outer(ci2, carry):
        for q in range(2):
            ci = ci2 * 2 + q
            for b in range(_B):
                if q == 0:
                    @pl.when(ci2 > 0)
                    def _():
                        out_copy(ci - 1, 1, b).wait()
                else:
                    out_copy(ci - 1, 0, b).wait()
            if q == 0:
                for b in range(_B):
                    in_copy(ci + 1, 1, b).start()
            else:
                @pl.when(ci2 < _NCI2 - 1)
                def _():
                    for b in range(_B):
                        in_copy(ci + 1, 0, b).start()
            pos_copy(ci, q).wait()
            for b in range(_B):
                in_copy(ci, q, b).wait()
            add_chunk(q)
            for b in range(_B):
                out_copy(ci, q, b).start()

            @pl.when(ci2 < _NCI2 - 1)
            def _():
                pos_copy(ci + 2, q).start()
        return carry

    lax.fori_loop(0, _NCI2, outer, 0)
    for b in range(_B):
        out_copy(_NPOS - 1, 1, b).wait()


_sc_add = functools.partial(
    pl.kernel,
    mesh=plsc.VectorSubcoreMesh(core_axis_name="c", subcore_axis_name="s"),
    out_type=jax.ShapeDtypeStruct((_B, _S, _D), jnp.float32),
    scratch_types=(
        [pltpu.VMEM((_CHUNK, _D), jnp.float32) for _ in range(10)]
        + [pltpu.SemaphoreType.DMA for _ in range(18)]
    ),
)(_sc_body)


def kernel(x, pos_table):
    return _sc_add(x, pos_table)

# --- scband reference (transcript-rebuilt; emitter-appended) ---
"""Pipeline reference for scband-position-embedding-38800734552159 (READ-ONLY COPY).

The authoritative reference and input builder live on the scoring server;
editing this copy changes nothing except your own understanding.
"""

import jax, jax.numpy as jnp
import numpy as np

MAXLEN = 8192
EMBED_DIM = 768
BATCH = 4

def setup_inputs(seed: int = 0) -> dict:
    key = jax.random.key(seed)
    k1, k2 = jax.random.split(key)
    x = jax.random.normal(k1, (BATCH, MAXLEN, EMBED_DIM), dtype=jnp.float32)
    # learned position embedding table, sized per init_kwargs (maxlen, embed_dim)
    pos_table = jax.random.normal(k2, (MAXLEN, EMBED_DIM), dtype=jnp.float32) * 0.05
    return {"x": x, "pos_table": pos_table}

def reference(x, pos_table):
    # positions = range(0, maxlen); gather rows from table; broadcast-add to x
    positions = jnp.arange(0, MAXLEN, 1)
    pos = jnp.take(pos_table, positions, axis=0)  # [maxlen, embed_dim]
    return x + pos  # broadcast over batch

if __name__ == "__main__":
    import jax
    _d = setup_inputs()
    print(jax.jit(kernel)(*tuple(_d.values())))

</pallas_src>

<mosaic_0001>
#map = affine_map<(d0, d1) -> (0, 0, 0)>
#map1 = affine_map<(d0, d1) -> (0, 0)>
module attributes {stable_mosaic.version = 14 : i64} {
  func.func @_sc_body(%arg0: i32, %arg1: i32, %arg2: memref<4x8192x768xf32, #tpu.memory_space<hbm>>, %arg3: memref<8192x768xf32, #tpu.memory_space<hbm>>, %arg4: memref<4x8192x768xf32, #tpu.memory_space<hbm>>, %arg5: memref<16x768xf32, #tpu.memory_space<vmem>>, %arg6: memref<16x768xf32, #tpu.memory_space<vmem>>, %arg7: memref<16x768xf32, #tpu.memory_space<vmem>>, %arg8: memref<16x768xf32, #tpu.memory_space<vmem>>, %arg9: memref<16x768xf32, #tpu.memory_space<vmem>>, %arg10: memref<16x768xf32, #tpu.memory_space<vmem>>, %arg11: memref<16x768xf32, #tpu.memory_space<vmem>>, %arg12: memref<16x768xf32, #tpu.memory_space<vmem>>, %arg13: memref<16x768xf32, #tpu.memory_space<vmem>>, %arg14: memref<16x768xf32, #tpu.memory_space<vmem>>, %arg15: memref<!tpu.dma_semaphore, #tpu.memory_space<semaphore_mem>>, %arg16: memref<!tpu.dma_semaphore, #tpu.memory_space<semaphore_mem>>, %arg17: memref<!tpu.dma_semaphore, #tpu.memory_space<semaphore_mem>>, %arg18: memref<!tpu.dma_semaphore, #tpu.memory_space<semaphore_mem>>, %arg19: memref<!tpu.dma_semaphore, #tpu.memory_space<semaphore_mem>>, %arg20: memref<!tpu.dma_semaphore, #tpu.memory_space<semaphore_mem>>, %arg21: memref<!tpu.dma_semaphore, #tpu.memory_space<semaphore_mem>>, %arg22: memref<!tpu.dma_semaphore, #tpu.memory_space<semaphore_mem>>, %arg23: memref<!tpu.dma_semaphore, #tpu.memory_space<semaphore_mem>>, %arg24: memref<!tpu.dma_semaphore, #tpu.memory_space<semaphore_mem>>, %arg25: memref<!tpu.dma_semaphore, #tpu.memory_space<semaphore_mem>>, %arg26: memref<!tpu.dma_semaphore, #tpu.memory_space<semaphore_mem>>, %arg27: memref<!tpu.dma_semaphore, #tpu.memory_space<semaphore_mem>>, %arg28: memref<!tpu.dma_semaphore, #tpu.memory_space<semaphore_mem>>, %arg29: memref<!tpu.dma_semaphore, #tpu.memory_space<semaphore_mem>>, %arg30: memref<!tpu.dma_semaphore, #tpu.memory_space<semaphore_mem>>, %arg31: memref<!tpu.dma_semaphore, #tpu.memory_space<semaphore_mem>>, %arg32: memref<!tpu.dma_semaphore, #tpu.memory_space<semaphore_mem>>) attributes {dimension_semantics = [#tpu.dimension_semantics<core_parallel>, #tpu.dimension_semantics<subcore_parallel>], iteration_bounds = array<i64: 2, 16>, scalar_prefetch = 0 : i64, scratch_operands = 28 : i64, tpu.core_type = #tpu.core_type<sc_vector_subcore>, window_params = [{transform_indices = #map}, {transform_indices = #map1}, {transform_indices = #map}]} {
    %mul3A = arith.constant 2 : i32
    %mul3A_0 = arith.muli %arg1, %mul3A : i32
    %add3A = arith.addi %mul3A_0, %arg0 : i32
    %mul3A_1 = arith.constant 256 : i32
    %mul3A_2 = arith.muli %add3A, %mul3A_1 : i32
    %add3A_3 = arith.constant 0 : i32
    %add3A_4 = arith.addi %mul3A_2, %add3A_3 : i32
    %dma_start3A = arith.constant 0 : i32
    %dma_start3A_5 = tpu.memref_slice %arg3[%add3A_4, %dma_start3A] : memref<8192x768xf32, #tpu.memory_space<hbm>> -> memref<16x768xf32, #tpu.memory_space<hbm>>
    %dma_start3A_6 = arith.constant 0 : i32
    %dma_start3A_7 = tpu.memref_slice %arg3[%add3A_4, %dma_start3A_6] : memref<8192x768xf32, #tpu.memory_space<hbm>> -> memref<16x768xf32, #tpu.memory_space<hbm>>
    tpu.enqueue_dma source(%dma_start3A_7 : memref<16x768xf32, #tpu.memory_space<hbm>>) target(%arg13 : memref<16x768xf32, #tpu.memory_space<vmem>>) target_semaphore(%arg31 : memref<!tpu.dma_semaphore, #tpu.memory_space<semaphore_mem>>)
    %add3A_8 = arith.constant 16 : i32
    %add3A_9 = arith.addi %mul3A_2, %add3A_8 : i32
    %dma_start3A_10 = arith.constant 0 : i32
    %dma_start3A_11 = tpu.memref_slice %arg3[%add3A_9, %dma_start3A_10] : memref<8192x768xf32, #tpu.memory_space<hbm>> -> memref<16x768xf32, #tpu.memory_space<hbm>>
    %dma_start3A_12 = arith.constant 0 : i32
    %dma_start3A_13 = tpu.memref_slice %arg3[%add3A_9, %dma_start3A_12] : memref<8192x768xf32, #tpu.memory_space<hbm>> -> memref<16x768xf32, #tpu.memory_space<hbm>>
    tpu.enqueue_dma source(%dma_start3A_13 : memref<16x768xf32, #tpu.memory_space<hbm>>) target(%arg14 : memref<16x768xf32, #tpu.memory_space<vmem>>) target_semaphore(%arg32 : memref<!tpu.dma_semaphore, #tpu.memory_space<semaphore_mem>>)
    %add3A_14 = arith.constant 0 : i32
    %add3A_15 = arith.addi %mul3A_2, %add3A_14 : i32
    %dma_start3A_16 = arith.constant 0 : i32
    %dma_start3A_17 = arith.constant 0 : i32
    %dma_start3A_18 = tpu.memref_slice %arg2[%dma_start3A_16, %add3A_15, %dma_start3A_17] : memref<4x8192x768xf32, #tpu.memory_space<hbm>> -> memref<1x16x768xf32, #tpu.memory_space<hbm>>
    %dma_start3A_19 = tpu.memref_squeeze %dma_start3A_18 : memref<1x16x768xf32, #tpu.memory_space<hbm>> -> memref<16x768xf32, #tpu.memory_space<hbm>>
    %dma_start3A_20 = arith.constant 0 : i32
    %dma_start3A_21 = tpu.memref_slice %arg2[%dma_start3A_16, %add3A_15, %dma_start3A_20] : memref<4x8192x768xf32, #tpu.memory_space<hbm>> -> memref<1x16x768xf32, #tpu.memory_space<hbm>>
    %dma_start3A_22 = tpu.memref_squeeze %dma_start3A_21 : memref<1x16x768xf32, #tpu.memory_space<hbm>> -> memref<16x768xf32, #tpu.memory_space<hbm>>
    tpu.enqueue_dma source(%dma_start3A_22 : memref<16x768xf32, #tpu.memory_space<hbm>>) target(%arg5 : memref<16x768xf32, #tpu.memory_space<vmem>>) target_semaphore(%arg15 : memref<!tpu.dma_semaphore, #tpu.memory_space<semaphore_mem>>)
    %add3A_23 = arith.constant 0 : i32
    %add3A_24 = arith.addi %mul3A_2, %add3A_23 : i32
    %dma_start3A_25 = arith.constant 1 : i32
    %dma_start3A_26 = arith.constant 0 : i32
    %dma_start3A_27 = tpu.memref_slice %arg2[%dma_start3A_25, %add3A_24, %dma_start3A_26] : memref<4x8192x768xf32, #tpu.memory_space<hbm>> -> memref<1x16x768xf32, #tpu.memory_space<hbm>>
    %dma_start3A_28 = tpu.memref_squeeze %dma_start3A_27 : memref<1x16x768xf32, #tpu.memory_space<hbm>> -> memref<16x768xf32, #tpu.memory_space<hbm>>
    %dma_start3A_29 = arith.constant 0 : i32
    %dma_start3A_30 = tpu.memref_slice %arg2[%dma_start3A_25, %add3A_24, %dma_start3A_29] : memref<4x8192x768xf32, #tpu.memory_space<hbm>> -> memref<1x16x768xf32, #tpu.memory_space<hbm>>
    %dma_start3A_31 = tpu.memref_squeeze %dma_start3A_30 : memref<1x16x768xf32, #tpu.memory_space<hbm>> -> memref<16x768xf32, #tpu.memory_space<hbm>>
    tpu.enqueue_dma source(%dma_start3A_31 : memref<16x768xf32, #tpu.memory_space<hbm>>) target(%arg6 : memref<16x768xf32, #tpu.memory_space<vmem>>) target_semaphore(%arg16 : memref<!tpu.dma_semaphore, #tpu.memory_space<semaphore_mem>>)
    %add3A_32 = arith.constant 0 : i32
    %add3A_33 = arith.addi %mul3A_2, %add3A_32 : i32
    %dma_start3A_34 = arith.constant 2 : i32
    %dma_start3A_35 = arith.constant 0 : i32
    %dma_start3A_36 = tpu.memref_slice %arg2[%dma_start3A_34, %add3A_33, %dma_start3A_35] : memref<4x8192x768xf32, #tpu.memory_space<hbm>> -> memref<1x16x768xf32, #tpu.memory_space<hbm>>
    %dma_start3A_37 = tpu.memref_squeeze %dma_start3A_36 : memref<1x16x768xf32, #tpu.memory_space<hbm>> -> memref<16x768xf32, #tpu.memory_space<hbm>>
    %dma_start3A_38 = arith.constant 0 : i32
    %dma_start3A_39 = tpu.memref_slice %arg2[%dma_start3A_34, %add3A_33, %dma_start3A_38] : memref<4x8192x768xf32, #tpu.memory_space<hbm>> -> memref<1x16x768xf32, #tpu.memory_space<hbm>>
    %dma_start3A_40 = tpu.memref_squeeze %dma_start3A_39 : memref<1x16x768xf32, #tpu.memory_space<hbm>> -> memref<16x768xf32, #tpu.memory_space<hbm>>
    tpu.enqueue_dma source(%dma_start3A_40 : memref<16x768xf32, #tpu.memory_space<hbm>>) target(%arg7 : memref<16x768xf32, #tpu.memory_space<vmem>>) target_semaphore(%arg17 : memref<!tpu.dma_semaphore, #tpu.memory_space<semaphore_mem>>)
    %add3A_41 = arith.constant 0 : i32
    %add3A_42 = arith.addi %mul3A_2, %add3A_41 : i32
    %dma_start3A_43 = arith.constant 3 : i32
    %dma_start3A_44 = arith.constant 0 : i32
    %dma_start3A_45 = tpu.memref_slice %arg2[%dma_start3A_43, %add3A_42, %dma_start3A_44] : memref<4x8192x768xf32, #tpu.memory_space<hbm>> -> memref<1x16x768xf32, #tpu.memory_space<hbm>>
    %dma_start3A_46 = tpu.memref_squeeze %dma_start3A_45 : memref<1x16x768xf32, #tpu.memory_space<hbm>> -> memref<16x768xf32, #tpu.memory_space<hbm>>
    %dma_start3A_47 = arith.constant 0 : i32
    %dma_start3A_48 = tpu.memref_slice %arg2[%dma_start3A_43, %add3A_42, %dma_start3A_47] : memref<4x8192x768xf32, #tpu.memory_space<hbm>> -> memref<1x16x768xf32, #tpu.memory_space<hbm>>
    %dma_start3A_49 = tpu.memref_squeeze %dma_start3A_48 : memref<1x16x768xf32, #tpu.memory_space<hbm>> -> memref<16x768xf32, #tpu.memory_space<hbm>>
    tpu.enqueue_dma source(%dma_start3A_49 : memref<16x768xf32, #tpu.memory_space<hbm>>) target(%arg8 : memref<16x768xf32, #tpu.memory_space<vmem>>) target_semaphore(%arg18 : memref<!tpu.dma_semaphore, #tpu.memory_space<semaphore_mem>>)
    %scan3A = arith.constant 0 : i32
    %scan3A_50 = arith.constant 0 : i32
    %scan3A_51 = arith.constant 8 : i32
    %scan3A_52 = arith.addi %scan3A_50, %scan3A_51 : i32
    %scan3A_53 = arith.constant 1 : i32
    scf.for %scan3A_90 = %scan3A_50 to %scan3A_52 step %scan3A_53  : i32 {
      %mul3A_91 = arith.constant 2 : i32
      %mul3A_92 = arith.muli %scan3A_90, %mul3A_91 : i32
      %add3A_93 = arith.constant 0 : i32
      %add3A_94 = arith.addi %mul3A_92, %add3A_93 : i32
      %gt3A = arith.constant 0 : i32
      %gt3A_95 = arith.cmpi sgt, %scan3A_90, %gt3A : i32
      %convert_element_type3A = arith.extui %gt3A_95 : i1 to i32
      %cond3A = arith.constant 0 : i32
      %cond3A_96 = arith.cmpi ne, %convert_element_type3A, %cond3A : i32
      scf.if %cond3A_96 {
        %sub3A_404 = arith.constant 1 : i32
        %sub3A_405 = arith.subi %add3A_94, %sub3A_404 : i32
        %mul3A_406 = arith.constant 16 : i32
        %mul3A_407 = arith.muli %sub3A_405, %mul3A_406 : i32
        %add3A_408 = arith.addi %mul3A_2, %mul3A_407 : i32
        %dma_wait3A_409 = arith.constant 0 : i32
        %dma_wait3A_410 = arith.constant 0 : i32
        %dma_wait3A_411 = tpu.memref_slice %arg4[%dma_wait3A_409, %add3A_408, %dma_wait3A_410] : memref<4x8192x768xf32, #tpu.memory_space<hbm>> -> memref<1x16x768xf32, #tpu.memory_space<hbm>>
        %dma_wait3A_412 = tpu.memref_squeeze %dma_wait3A_411 : memref<1x16x768xf32, #tpu.memory_space<hbm>> -> memref<16x768xf32, #tpu.memory_space<hbm>>
        %dma_wait3A_413 = arith.constant 0 : i32
        %dma_wait3A_414 = tpu.memref_slice %arg4[%dma_wait3A_409, %add3A_408, %dma_wait3A_413] : memref<4x8192x768xf32, #tpu.memory_space<hbm>> -> memref<1x16x768xf32, #tpu.memory_space<hbm>>
        %dma_wait3A_415 = tpu.memref_squeeze %dma_wait3A_414 : memref<1x16x768xf32, #tpu.memory_space<hbm>> -> memref<16x768xf32, #tpu.memory_space<hbm>>
        tpu.wait_dma2 semaphore(%arg27 : memref<!tpu.dma_semaphore, #tpu.memory_space<semaphore_mem>>) src(%arg9 : memref<16x768xf32, #tpu.memory_space<vmem>>) dst(%dma_wait3A_415 : memref<16x768xf32, #tpu.memory_space<hbm>>)
      } else {
      }
      %gt3A_97 = arith.constant 0 : i32
      %gt3A_98 = arith.cmpi sgt, %scan3A_90, %gt3A_97 : i32
      %convert_element_type3A_99 = arith.extui %gt3A_98 : i1 to i32
      %cond3A_100 = arith.constant 0 : i32
      %cond3A_101 = arith.cmpi ne, %convert_element_type3A_99, %cond3A_100 : i32
      scf.if %cond3A_101 {
        %sub3A_404 = arith.constant 1 : i32
        %sub3A_405 = arith.subi %add3A_94, %sub3A_404 : i32
        %mul3A_406 = arith.constant 16 : i32
        %mul3A_407 = arith.muli %sub3A_405, %mul3A_406 : i32
        %add3A_408 = arith.addi %mul3A_2, %mul3A_407 : i32
        %dma_wait3A_409 = arith.constant 1 : i32
        %dma_wait3A_410 = arith.constant 0 : i32
        %dma_wait3A_411 = tpu.memref_slice %arg4[%dma_wait3A_409, %add3A_408, %dma_wait3A_410] : memref<4x8192x768xf32, #tpu.memory_space<hbm>> -> memref<1x16x768xf32, #tpu.memory_space<hbm>>
        %dma_wait3A_412 = tpu.memref_squeeze %dma_wait3A_411 : memref<1x16x768xf32, #tpu.memory_space<hbm>> -> memref<16x768xf32, #tpu.memory_space<hbm>>
        %dma_wait3A_413 = arith.constant 0 : i32
        %dma_wait3A_414 = tpu.memref_slice %arg4[%dma_wait3A_409, %add3A_408, %dma_wait3A_413] : memref<4x8192x768xf32, #tpu.memory_space<hbm>> -> memref<1x16x768xf32, #tpu.memory_space<hbm>>
        %dma_wait3A_415 = tpu.memref_squeeze %dma_wait3A_414 : memref<1x16x768xf32, #tpu.memory_space<hbm>> -> memref<16x768xf32, #tpu.memory_space<hbm>>
        tpu.wait_dma2 semaphore(%arg28 : memref<!tpu.dma_semaphore, #tpu.memory_space<semaphore_mem>>) src(%arg10 : memref<16x768xf32, #tpu.memory_space<vmem>>) dst(%dma_wait3A_415 : memref<16x768xf32, #tpu.memory_space<hbm>>)
      } else {
      }
      %gt3A_102 = arith.constant 0 : i32
      %gt3A_103 = arith.cmpi sgt, %scan3A_90, %gt3A_102 : i32
      %convert_element_type3A_104 = arith.extui %gt3A_103 : i1 to i32
      %cond3A_105 = arith.constant 0 : i32
      %cond3A_106 = arith.cmpi ne, %convert_element_type3A_104, %cond3A_105 : i32
      scf.if %cond3A_106 {
        %sub3A_404 = arith.constant 1 : i32
        %sub3A_405 = arith.subi %add3A_94, %sub3A_404 : i32
        %mul3A_406 = arith.constant 16 : i32
        %mul3A_407 = arith.muli %sub3A_405, %mul3A_406 : i32
        %add3A_408 = arith.addi %mul3A_2, %mul3A_407 : i32
        %dma_wait3A_409 = arith.constant 2 : i32
        %dma_wait3A_410 = arith.constant 0 : i32
        %dma_wait3A_411 = tpu.memref_slice %arg4[%dma_wait3A_409, %add3A_408, %dma_wait3A_410] : memref<4x8192x768xf32, #tpu.memory_space<hbm>> -> memref<1x16x768xf32, #tpu.memory_space<hbm>>
        %dma_wait3A_412 = tpu.memref_squeeze %dma_wait3A_411 : memref<1x16x768xf32, #tpu.memory_space<hbm>> -> memref<16x768xf32, #tpu.memory_space<hbm>>
        %dma_wait3A_413 = arith.constant 0 : i32
        %dma_wait3A_414 = tpu.memref_slice %arg4[%dma_wait3A_409, %add3A_408, %dma_wait3A_413] : memref<4x8192x768xf32, #tpu.memory_space<hbm>> -> memref<1x16x768xf32, #tpu.memory_space<hbm>>
        %dma_wait3A_415 = tpu.memref_squeeze %dma_wait3A_414 : memref<1x16x768xf32, #tpu.memory_space<hbm>> -> memref<16x768xf32, #tpu.memory_space<hbm>>
        tpu.wait_dma2 semaphore(%arg29 : memref<!tpu.dma_semaphore, #tpu.memory_space<semaphore_mem>>) src(%arg11 : memref<16x768xf32, #tpu.memory_space<vmem>>) dst(%dma_wait3A_415 : memref<16x768xf32, #tpu.memory_space<hbm>>)
      } else {
      }
      %gt3A_107 = arith.constant 0 : i32
      %gt3A_108 = arith.cmpi sgt, %scan3A_90, %gt3A_107 : i32
      %convert_element_type3A_109 = arith.extui %gt3A_108 : i1 to i32
      %cond3A_110 = arith.constant 0 : i32
      %cond3A_111 = arith.cmpi ne, %convert_element_type3A_109, %cond3A_110 : i32
      scf.if %cond3A_111 {
        %sub3A_404 = arith.constant 1 : i32
        %sub3A_405 = arith.subi %add3A_94, %sub3A_404 : i32
        %mul3A_406 = arith.constant 16 : i32
        %mul3A_407 = arith.muli %sub3A_405, %mul3A_406 : i32
        %add3A_408 = arith.addi %mul3A_2, %mul3A_407 : i32
        %dma_wait3A_409 = arith.constant 3 : i32
        %dma_wait3A_410 = arith.constant 0 : i32
        %dma_wait3A_411 = tpu.memref_slice %arg4[%dma_wait3A_409, %add3A_408, %dma_wait3A_410] : memref<4x8192x768xf32, #tpu.memory_space<hbm>> -> memref<1x16x768xf32, #tpu.memory_space<hbm>>
        %dma_wait3A_412 = tpu.memref_squeeze %dma_wait3A_411 : memref<1x16x768xf32, #tpu.memory_space<hbm>> -> memref<16x768xf32, #tpu.memory_space<hbm>>
        %dma_wait3A_413 = arith.constant 0 : i32
        %dma_wait3A_414 = tpu.memref_slice %arg4[%dma_wait3A_409, %add3A_408, %dma_wait3A_413] : memref<4x8192x768xf32, #tpu.memory_space<hbm>> -> memref<1x16x768xf32, #tpu.memory_space<hbm>>
        %dma_wait3A_415 = tpu.memref_squeeze %dma_wait3A_414 : memref<1x16x768xf32, #tpu.memory_space<hbm>> -> memref<16x768xf32, #tpu.memory_space<hbm>>
        tpu.wait_dma2 semaphore(%arg30 : memref<!tpu.dma_semaphore, #tpu.memory_space<semaphore_mem>>) src(%arg12 : memref<16x768xf32, #tpu.memory_space<vmem>>) dst(%dma_wait3A_415 : memref<16x768xf32, #tpu.memory_space<hbm>>)
      } else {
      }
      %add3A_112 = arith.constant 1 : i32
      %add3A_113 = arith.addi %add3A_94, %add3A_112 : i32
      %mul3A_114 = arith.constant 16 : i32
      %mul3A_115 = arith.muli %add3A_113, %mul3A_114 : i32
      %add3A_116 = arith.addi %mul3A_2, %mul3A_115 : i32
      %dma_start3A_117 = arith.constant 0 : i32
      %dma_start3A_118 = arith.constant 0 : i32
      %dma_start3A_119 = tpu.memref_slice %arg2[%dma_start3A_117, %add3A_116, %dma_start3A_118] : memref<4x8192x768xf32, #tpu.memory_space<hbm>> -> memref<1x16x768xf32, #tpu.memory_space<hbm>>
      %dma_start3A_120 = tpu.memref_squeeze %dma_start3A_119 : memref<1x16x768xf32, #tpu.memory_space<hbm>> -> memref<16x768xf32, #tpu.memory_space<hbm>>
      %dma_start3A_121 = arith.constant 0 : i32
      %dma_start3A_122 = tpu.memref_slice %arg2[%dma_start3A_117, %add3A_116, %dma_start3A_121] : memref<4x8192x768xf32, #tpu.memory_space<hbm>> -> memref<1x16x768xf32, #tpu.memory_space<hbm>>
      %dma_start3A_123 = tpu.memref_squeeze %dma_start3A_122 : memref<1x16x768xf32, #tpu.memory_space<hbm>> -> memref<16x768xf32, #tpu.memory_space<hbm>>
      tpu.enqueue_dma source(%dma_start3A_123 : memref<16x768xf32, #tpu.memory_space<hbm>>) target(%arg9 : memref<16x768xf32, #tpu.memory_space<vmem>>) target_semaphore(%arg19 : memref<!tpu.dma_semaphore, #tpu.memory_space<semaphore_mem>>)
      %add3A_124 = arith.constant 1 : i32
      %add3A_125 = arith.addi %add3A_94, %add3A_124 : i32
      %mul3A_126 = arith.constant 16 : i32
      %mul3A_127 = arith.muli %add3A_125, %mul3A_126 : i32
      %add3A_128 = arith.addi %mul3A_2, %mul3A_127 : i32
      %dma_start3A_129 = arith.constant 1 : i32
      %dma_start3A_130 = arith.constant 0 : i32
      %dma_start3A_131 = tpu.memref_slice %arg2[%dma_start3A_129, %add3A_128, %dma_start3A_130] : memref<4x8192x768xf32, #tpu.memory_space<hbm>> -> memref<1x16x768xf32, #tpu.memory_space<hbm>>
      %dma_start3A_132 = tpu.memref_squeeze %dma_start3A_131 : memref<1x16x768xf32, #tpu.memory_space<hbm>> -> memref<16x768xf32, #tpu.memory_space<hbm>>
      %dma_start3A_133 = arith.constant 0 : i32
      %dma_start3A_134 = tpu.memref_slice %arg2[%dma_start3A_129, %add3A_128, %dma_start3A_133] : memref<4x8192x768xf32, #tpu.memory_space<hbm>> -> memref<1x16x768xf32, #tpu.memory_space<hbm>>
      %dma_start3A_135 = tpu.memref_squeeze %dma_start3A_134 : memref<1x16x768xf32, #tpu.memory_space<hbm>> -> memref<16x768xf32, #tpu.memory_space<hbm>>
      tpu.enqueue_dma source(%dma_start3A_135 : memref<16x768xf32, #tpu.memory_space<hbm>>) target(%arg10 : memref<16x768xf32, #tpu.memory_space<vmem>>) target_semaphore(%arg20 : memref<!tpu.dma_semaphore, #tpu.memory_space<semaphore_mem>>)
      %add3A_136 = arith.constant 1 : i32
      %add3A_137 = arith.addi %add3A_94, %add3A_136 : i32
      %mul3A_138 = arith.constant 16 : i32
      %mul3A_139 = arith.muli %add3A_137, %mul3A_138 : i32
      %add3A_140 = arith.addi %mul3A_2, %mul3A_139 : i32
      %dma_start3A_141 = arith.constant 2 : i32
      %dma_start3A_142 = arith.constant 0 : i32
      %dma_start3A_143 = tpu.memref_slice %arg2[%dma_start3A_141, %add3A_140, %dma_start3A_142] : memref<4x8192x768xf32, #tpu.memory_space<hbm>> -> memref<1x16x768xf32, #tpu.memory_space<hbm>>
      %dma_start3A_144 = tpu.memref_squeeze %dma_start3A_143 : memref<1x16x768xf32, #tpu.memory_space<hbm>> -> memref<16x768xf32, #tpu.memory_space<hbm>>
      %dma_start3A_145 = arith.constant 0 : i32
      %dma_start3A_146 = tpu.memref_slice %arg2[%dma_start3A_141, %add3A_140, %dma_start3A_145] : memref<4x8192x768xf32, #tpu.memory_space<hbm>> -> memref<1x16x768xf32, #tpu.memory_space<hbm>>
      %dma_start3A_147 = tpu.memref_squeeze %dma_start3A_146 : memref<1x16x768xf32, #tpu.memory_space<hbm>> -> memref<16x768xf32, #tpu.memory_space<hbm>>
      tpu.enqueue_dma source(%dma_start3A_147 : memref<16x768xf32, #tpu.memory_space<hbm>>) target(%arg11 : memref<16x768xf32, #tpu.memory_space<vmem>>) target_semaphore(%arg21 : memref<!tpu.dma_semaphore, #tpu.memory_space<semaphore_mem>>)
      %add3A_148 = arith.constant 1 : i32
      %add3A_149 = arith.addi %add3A_94, %add3A_148 : i32
      %mul3A_150 = arith.constant 16 : i32
      %mul3A_151 = arith.muli %add3A_149, %mul3A_150 : i32
      %add3A_152 = arith.addi %mul3A_2, %mul3A_151 : i32
      %dma_start3A_153 = arith.constant 3 : i32
      %dma_start3A_154 = arith.constant 0 : i32
      %dma_start3A_155 = tpu.memref_slice %arg2[%dma_start3A_153, %add3A_152, %dma_start3A_154] : memref<4x8192x768xf32, #tpu.memory_space<hbm>> -> memref<1x16x768xf32, #tpu.memory_space<hbm>>
      %dma_start3A_156 = tpu.memref_squeeze %dma_start3A_155 : memref<1x16x768xf32, #tpu.memory_space<hbm>> -> memref<16x768xf32, #tpu.memory_space<hbm>>
      %dma_start3A_157 = arith.constant 0 : i32
      %dma_start3A_158 = tpu.memref_slice %arg2[%dma_start3A_153, %add3A_152, %dma_start3A_157] : memref<4x8192x768xf32, #tpu.memory_space<hbm>> -> memref<1x16x768xf32, #tpu.memory_space<hbm>>
      %dma_start3A_159 = tpu.memref_squeeze %dma_start3A_158 : memref<1x16x768xf32, #tpu.memory_space<hbm>> -> memref<16x768xf32, #tpu.memory_space<hbm>>
      tpu.enqueue_dma source(%dma_start3A_159 : memref<16x768xf32, #tpu.memory_space<hbm>>) target(%arg12 : memref<16x768xf32, #tpu.memory_space<vmem>>) target_semaphore(%arg22 : memref<!tpu.dma_semaphore, #tpu.memory_space<semaphore_mem>>)
      %mul3A_160 = arith.constant 16 : i32
      %mul3A_161 = arith.muli %add3A_94, %mul3A_160 : i32
      %add3A_162 = arith.addi %mul3A_2, %mul3A_161 : i32
      %dma_wait3A_163 = arith.constant 0 : i32
      %dma_wait3A_164 = tpu.memref_slice %arg3[%add3A_162, %dma_wait3A_163] : memref<8192x768xf32, #tpu.memory_space<hbm>> -> memref<16x768xf32, #tpu.memory_space<hbm>>
      %dma_wait3A_165 = arith.constant 0 : i32
      %dma_wait3A_166 = tpu.memref_slice %arg3[%add3A_162, %dma_wait3A_165] : memref<8192x768xf32, #tpu.memory_space<hbm>> -> memref<16x768xf32, #tpu.memory_space<hbm>>
      tpu.wait_dma2 semaphore(%arg31 : memref<!tpu.dma_semaphore, #tpu.memory_space<semaphore_mem>>) src(%dma_wait3A_166 : memref<16x768xf32, #tpu.memory_space<hbm>>) dst(%arg13 : memref<16x768xf32, #tpu.memory_space<vmem>>)
      %mul3A_167 = arith.constant 16 : i32
      %mul3A_168 = arith.muli %add3A_94, %mul3A_167 : i32
      %add3A_169 = arith.addi %mul3A_2, %mul3A_168 : i32
      %dma_wait3A_170 = arith.constant 0 : i32
      %dma_wait3A_171 = arith.constant 0 : i32
      %dma_wait3A_172 = tpu.memref_slice %arg2[%dma_wait3A_170, %add3A_169, %dma_wait3A_171] : memref<4x8192x768xf32, #tpu.memory_space<hbm>> -> memref<1x16x768xf32, #tpu.memory_space<hbm>>
      %dma_wait3A_173 = tpu.memref_squeeze %dma_wait3A_172 : memref<1x16x768xf32, #tpu.memory_space<hbm>> -> memref<16x768xf32, #tpu.memory_space<hbm>>
      %dma_wait3A_174 = arith.constant 0 : i32
      %dma_wait3A_175 = tpu.memref_slice %arg2[%dma_wait3A_170, %add3A_169, %dma_wait3A_174] : memref<4x8192x768xf32, #tpu.memory_space<hbm>> -> memref<1x16x768xf32, #tpu.memory_space<hbm>>
      %dma_wait3A_176 = tpu.memref_squeeze %dma_wait3A_175 : memref<1x16x768xf32, #tpu.memory_space<hbm>> -> memref<16x768xf32, #tpu.memory_space<hbm>>
      tpu.wait_dma2 semaphore(%arg15 : memref<!tpu.dma_semaphore, #tpu.memory_space<semaphore_mem>>) src(%dma_wait3A_176 : memref<16x768xf32, #tpu.memory_space<hbm>>) dst(%arg5 : memref<16x768xf32, #tpu.memory_space<vmem>>)
      %mul3A_177 = arith.constant 16 : i32
      %mul3A_178 = arith.muli %add3A_94, %mul3A_177 : i32
      %add3A_179 = arith.addi %mul3A_2, %mul3A_178 : i32
      %dma_wait3A_180 = arith.constant 1 : i32
      %dma_wait3A_181 = arith.constant 0 : i32
      %dma_wait3A_182 = tpu.memref_slice %arg2[%dma_wait3A_180, %add3A_179, %dma_wait3A_181] : memref<4x8192x768xf32, #tpu.memory_space<hbm>> -> memref<1x16x768xf32, #tpu.memory_space<hbm>>
      %dma_wait3A_183 = tpu.memref_squeeze %dma_wait3A_182 : memref<1x16x768xf32, #tpu.memory_space<hbm>> -> memref<16x768xf32, #tpu.memory_space<hbm>>
      %dma_wait3A_184 = arith.constant 0 : i32
      %dma_wait3A_185 = tpu.memref_slice %arg2[%dma_wait3A_180, %add3A_179, %dma_wait3A_184] : memref<4x8192x768xf32, #tpu.memory_space<hbm>> -> memref<1x16x768xf32, #tpu.memory_space<hbm>>
      %dma_wait3A_186 = tpu.memref_squeeze %dma_wait3A_185 : memref<1x16x768xf32, #tpu.memory_space<hbm>> -> memref<16x768xf32, #tpu.memory_space<hbm>>
      tpu.wait_dma2 semaphore(%arg16 : memref<!tpu.dma_semaphore, #tpu.memory_space<semaphore_mem>>) src(%dma_wait3A_186 : memref<16x768xf32, #tpu.memory_space<hbm>>) dst(%arg6 : memref<16x768xf32, #tpu.memory_space<vmem>>)
      %mul3A_187 = arith.constant 16 : i32
      %mul3A_188 = arith.muli %add3A_94, %mul3A_187 : i32
      %add3A_189 = arith.addi %mul3A_2, %mul3A_188 : i32
      %dma_wait3A_190 = arith.constant 2 : i32
      %dma_wait3A_191 = arith.constant 0 : i32
      %dma_wait3A_192 = tpu.memref_slice %arg2[%dma_wait3A_190, %add3A_189, %dma_wait3A_191] : memref<4x8192x768xf32, #tpu.memory_space<hbm>> -> memref<1x16x768xf32, #tpu.memory_space<hbm>>
      %dma_wait3A_193 = tpu.memref_squeeze %dma_wait3A_192 : memref<1x16x768xf32, #tpu.memory_space<hbm>> -> memref<16x768xf32, #tpu.memory_space<hbm>>
      %dma_wait3A_194 = arith.constant 0 : i32
      %dma_wait3A_195 = tpu.memref_slice %arg2[%dma_wait3A_190, %add3A_189, %dma_wait3A_194] : memref<4x8192x768xf32, #tpu.memory_space<hbm>> -> memref<1x16x768xf32, #tpu.memory_space<hbm>>
      %dma_wait3A_196 = tpu.memref_squeeze %dma_wait3A_195 : memref<1x16x768xf32, #tpu.memory_space<hbm>> -> memref<16x768xf32, #tpu.memory_space<hbm>>
      tpu.wait_dma2 semaphore(%arg17 : memref<!tpu.dma_semaphore, #tpu.memory_space<semaphore_mem>>) src(%dma_wait3A_196 : memref<16x768xf32, #tpu.memory_space<hbm>>) dst(%arg7 : memref<16x768xf32, #tpu.memory_space<vmem>>)
      %mul3A_197 = arith.constant 16 : i32
      %mul3A_198 = arith.muli %add3A_94, %mul3A_197 : i32
      %add3A_199 = arith.addi %mul3A_2, %mul3A_198 : i32
      %dma_wait3A_200 = arith.constant 3 : i32
      %dma_wait3A_201 = arith.constant 0 : i32
      %dma_wait3A_202 = tpu.memref_slice %arg2[%dma_wait3A_200, %add3A_199, %dma_wait3A_201] : memref<4x8192x768xf32, #tpu.memory_space<hbm>> -> memref<1x16x768xf32, #tpu.memory_space<hbm>>
      %dma_wait3A_203 = tpu.memref_squeeze %dma_wait3A_202 : memref<1x16x768xf32, #tpu.memory_space<hbm>> -> memref<16x768xf32, #tpu.memory_space<hbm>>
      %dma_wait3A_204 = arith.constant 0 : i32
      %dma_wait3A_205 = tpu.memref_slice %arg2[%dma_wait3A_200, %add3A_199, %dma_wait3A_204] : memref<4x8192x768xf32, #tpu.memory_space<hbm>> -> memref<1x16x768xf32, #tpu.memory_space<hbm>>
      %dma_wait3A_206 = tpu.memref_squeeze %dma_wait3A_205 : memref<1x16x768xf32, #tpu.memory_space<hbm>> -> memref<16x768xf32, #tpu.memory_space<hbm>>
      tpu.wait_dma2 semaphore(%arg18 : memref<!tpu.dma_semaphore, #tpu.memory_space<semaphore_mem>>) src(%dma_wait3A_206 : memref<16x768xf32, #tpu.memory_space<hbm>>) dst(%arg8 : memref<16x768xf32, #tpu.memory_space<vmem>>)
      %parallel_loop3A = arith.constant 0 : i32
      %parallel_loop3A_207 = arith.constant 16 : i32
      %parallel_loop3A_208 = arith.constant 1 : i32
      scf.for %parallel_loop3A_404 = %parallel_loop3A to %parallel_loop3A_207 step %parallel_loop3A_208  : i32 {
        %parallel_loop3A_405 = arith.index_cast %parallel_loop3A_404 : i32 to index
        %parallel_loop3A_406 = arith.constant 0 : index
        %parallel_loop3A_407 = tpu.vector_load %arg13[%parallel_loop3A_405, %parallel_loop3A_406] {strides = array<i32>} : memref<16x768xf32, #tpu.memory_space<vmem>>, vector<1x16xf32>,
        %parallel_loop3A_408 = vector.shape_cast %parallel_loop3A_407 : vector<1x16xf32> to vector<16xf32>
        %parallel_loop3A_409 = arith.index_cast %parallel_loop3A_404 : i32 to index
        %parallel_loop3A_410 = arith.constant 0 : index
        %parallel_loop3A_411 = tpu.vector_load %arg5[%parallel_loop3A_409, %parallel_loop3A_410] {strides = array<i32>} : memref<16x768xf32, #tpu.memory_space<vmem>>, vector<1x16xf32>,
        %parallel_loop3A_412 = vector.shape_cast %parallel_loop3A_411 : vector<1x16xf32> to vector<16xf32>
        %parallel_loop3A_413 = vector.shape_cast %parallel_loop3A_408 : vector<16xf32> to vector<1x16xf32>
        tpu.vector_store %arg5[%parallel_loop3A_409, %parallel_loop3A_410], %parallel_loop3A_413 {add = true, strides = array<i32>} : memref<16x768xf32, #tpu.memory_space<vmem>>, vector<1x16xf32>,
        %parallel_loop3A_414 = arith.index_cast %parallel_loop3A_404 : i32 to index
        %parallel_loop3A_415 = arith.constant 0 : index
        %parallel_loop3A_416 = tpu.vector_load %arg6[%parallel_loop3A_414, %parallel_loop3A_415] {strides = array<i32>} : memref<16x768xf32, #tpu.memory_space<vmem>>, vector<1x16xf32>,
        %parallel_loop3A_417 = vector.shape_cast %parallel_loop3A_416 : vector<1x16xf32> to vector<16xf32>
        %parallel_loop3A_418 = vector.shape_cast %parallel_loop3A_408 : vector<16xf32> to vector<1x16xf32>
        tpu.vector_store %arg6[%parallel_loop3A_414, %parallel_loop3A_415], %parallel_loop3A_418 {add = true, strides = array<i32>} : memref<16x768xf32, #tpu.memory_space<vmem>>, vector<1x16xf32>,
        %parallel_loop3A_419 = arith.index_cast %parallel_loop3A_404 : i32 to index
        %parallel_loop3A_420 = arith.constant 0 : index
        %parallel_loop3A_421 = tpu.vector_load %arg7[%parallel_loop3A_419, %parallel_loop3A_420] {strides = array<i32>} : memref<16x768xf32, #tpu.memory_space<vmem>>, vector<1x16xf32>,
        %parallel_loop3A_422 = vector.shape_cast %parallel_loop3A_421 : vector<1x16xf32> to vector<16xf32>
        %parallel_loop3A_423 = vector.shape_cast %parallel_loop3A_408 : vector<16xf32> to vector<1x16xf32>
        tpu.vector_store %arg7[%parallel_loop3A_419, %parallel_loop3A_420], %parallel_loop3A_423 {add = true, strides = array<i32>} : memref<16x768xf32, #tpu.memory_space<vmem>>, vector<1x16xf32>,
        %parallel_loop3A_424 = arith.index_cast %parallel_loop3A_404 : i32 to index
        %parallel_loop3A_425 = arith.constant 0 : index
        %parallel_loop3A_426 = tpu.vector_load %arg8[%parallel_loop3A_424, %parallel_loop3A_425] {strides = array<i32>} : memref<16x768xf32, #tpu.memory_space<vmem>>, vector<1x16xf32>,
        %parallel_loop3A_427 = vector.shape_cast %parallel_loop3A_426 : vector<1x16xf32> to vector<16xf32>
        %parallel_loop3A_428 = vector.shape_cast %parallel_loop3A_408 : vector<16xf32> to vector<1x16xf32>
        tpu.vector_store %arg8[%parallel_loop3A_424, %parallel_loop3A_425], %parallel_loop3A_428 {add = true, strides = array<i32>} : memref<16x768xf32, #tpu.memory_space<vmem>>, vector<1x16xf32>,
        %parallel_loop3A_429 = arith.index_cast %parallel_loop3A_404 : i32 to index
        %parallel_loop3A_430 = arith.constant 16 : index
        %parallel_loop3A_431 = tpu.vector_load %arg13[%parallel_loop3A_429, %parallel_loop3A_430] {strides = array<i32>} : memref<16x768xf32, #tpu.memory_space<vmem>>, vector<1x16xf32>,
        %parallel_loop3A_432 = vector.shape_cast %parallel_loop3A_431 : vector<1x16xf32> to vector<16xf32>
        %parallel_loop3A_433 = arith.index_cast %parallel_loop3A_404 : i32 to index
        %parallel_loop3A_434 = arith.constant 16 : index
        %parallel_loop3A_435 = tpu.vector_load %arg5[%parallel_loop3A_433, %parallel_loop3A_434] {strides = array<i32>} : memref<16x768xf32, #tpu.memory_space<vmem>>, vector<1x16xf32>,
        %parallel_loop3A_436 = vector.shape_cast %parallel_loop3A_435 : vector<1x16xf32> to vector<16xf32>
        %parallel_loop3A_437 = vector.shape_cast %parallel_loop3A_432 : vector<16xf32> to vector<1x16xf32>
        tpu.vector_store %arg5[%parallel_loop3A_433, %parallel_loop3A_434], %parallel_loop3A_437 {add = true, strides = array<i32>} : memref<16x768xf32, #tpu.memory_space<vmem>>, vector<1x16xf32>,
        %parallel_loop3A_438 = arith.index_cast %parallel_loop3A_404 : i32 to index
        %parallel_loop3A_439 = arith.constant 16 : index
        %parallel_loop3A_440 = tpu.vector_load %arg6[%parallel_loop3A_438, %parallel_loop3A_439] {strides = array<i32>} : memref<16x768xf32, #tpu.memory_space<vmem>>, vector<1x16xf32>,
        %parallel_loop3A_441 = vector.shape_cast %parallel_loop3A_440 : vector<1x16xf32> to vector<16xf32>
        %parallel_loop3A_442 = vector.shape_cast %parallel_loop3A_432 : vector<16xf32> to vector<1x16xf32>
        tpu.vector_store %arg6[%parallel_loop3A_438, %parallel_loop3A_439], %parallel_loop3A_442 {add = true, strides = array<i32>} : memref<16x768xf32, #tpu.memory_space<vmem>>, vector<1x16xf32>,
        %parallel_loop3A_443 = arith.index_cast %parallel_loop3A_404 : i32 to index
        %parallel_loop3A_444 = arith.constant 16 : index
        %parallel_loop3A_445 = tpu.vector_load %arg7[%parallel_loop3A_443, %parallel_loop3A_444] {strides = array<i32>} : memref<16x768xf32, #tpu.memory_space<vmem>>, vector<1x16xf32>,
        %parallel_loop3A_446 = vector.shape_cast %parallel_loop3A_445 : vector<1x16xf32> to vector<16xf32>
        %parallel_loop3A_447 = vector.shape_cast %parallel_loop3A_432 : vector<16xf32> to vector<1x16xf32>
        tpu.vector_store %arg7[%parallel_loop3A_443, %parallel_loop3A_444], %parallel_loop3A_447 {add = true, strides = array<i32>} : memref<16x768xf32, #tpu.memory_space<vmem>>, vector<1x16xf32>,
        %parallel_loop3A_448 = arith.index_cast %parallel_loop3A_404 : i32 to index
        %parallel_loop3A_449 = arith.constant 16 : index
        %parallel_loop3A_450 = tpu.vector_load %arg8[%parallel_loop3A_448, %parallel_loop3A_449] {strides = array<i32>} : memref<16x768xf32, #tpu.memory_space<vmem>>, vector<1x16xf32>,
        %parallel_loop3A_451 = vector.shape_cast %parallel_loop3A_450 : vector<1x16xf32> to vector<16xf32>
        %parallel_loop3A_452 = vector.shape_cast %parallel_loop3A_432 : vector<16xf32> to vector<1x16xf32>
        tpu.vector_store %arg8[%parallel_loop3A_448, %parallel_loop3A_449], %parallel_loop3A_452 {add = true, strides = array<i32>} : memref<16x768xf32, #tpu.memory_space<vmem>>, vector<1x16xf32>,
        %parallel_loop3A_453 = arith.index_cast %parallel_loop3A_404 : i32 to index
        %parallel_loop3A_454 = arith.constant 32 : index
        %parallel_loop3A_455 = tpu.vector_load %arg13[%parallel_loop3A_453, %parallel_loop3A_454] {strides = array<i32>} : memref<16x768xf32, #tpu.memory_space<vmem>>, vector<1x16xf32>,
        %parallel_loop3A_456 = vector.shape_cast %parallel_loop3A_455 : vector<1x16xf32> to vector<16xf32>
        %parallel_loop3A_457 = arith.index_cast %parallel_loop3A_404 : i32 to index
        %parallel_loop3A_458 = arith.constant 32 : index
        %parallel_loop3A_459 = tpu.vector_load %arg5[%parallel_loop3A_457, %parallel_loop3A_458] {strides = array<i32>} : memref<16x768xf32, #tpu.memory_space<vmem>>, vector<1x16xf32>,
        %parallel_loop3A_460 = vector.shape_cast %parallel_loop3A_459 : vector<1x16xf32> to vector<16xf32>
        %parallel_loop3A_461 = vector.shape_cast %parallel_loop3A_456 : vector<16xf32> to vector<1x16xf32>
        tpu.vector_store %arg5[%parallel_loop3A_457, %parallel_loop3A_458], %parallel_loop3A_461 {add = true, strides = array<i32>} : memref<16x768xf32, #tpu.memory_space<vmem>>, vector<1x16xf32>,
        %parallel_loop3A_462 = arith.index_cast %parallel_loop3A_404 : i32 to index
        %parallel_loop3A_463 = arith.constant 32 : index
        %parallel_loop3A_464 = tpu.vector_load %arg6[%parallel_loop3A_462, %parallel_loop3A_463] {strides = array<i32>} : memref<16x768xf32, #tpu.memory_space<vmem>>, vector<1x16xf32>,
        %parallel_loop3A_465 = vector.shape_cast %parallel_loop3A_464 : vector<1x16xf32> to vector<16xf32>
        %parallel_loop3A_466 = vector.shape_cast %parallel_loop3A_456 : vector<16xf32> to vector<1x16xf32>
        tpu.vector_store %arg6[%parallel_loop3A_462, %parallel_loop3A_463], %parallel_loop3A_466 {add = true, strides = array<i32>} : memref<16x768xf32, #tpu.memory_space<vmem>>, vector<1x16xf32>,
        %parallel_loop3A_467 = arith.index_cast %parallel_loop3A_404 : i32 to index
        %parallel_loop3A_468 = arith.constant 32 : index
        %parallel_loop3A_469 = tpu.vector_load %arg7[%parallel_loop3A_467, %parallel_loop3A_468] {strides = array<i32>} : memref<16x768xf32, #tpu.memory_space<vmem>>, vector<1x16xf32>,
        %parallel_loop3A_470 = vector.shape_cast %parallel_loop3A_469 : vector<1x16xf32> to vector<16xf32>
        %parallel_loop3A_471 = vector.shape_cast %parallel_loop3A_456 : vector<16xf32> to vector<1x16xf32>
        tpu.vector_store %arg7[%parallel_loop3A_467, %parallel_loop3A_468], %parallel_loop3A_471 {add = true, strides = array<i32>} : memref<16x768xf32, #tpu.memory_space<vmem>>, vector<1x16xf32>,
        %parallel_loop3A_472 = arith.index_cast %parallel_loop3A_404 : i32 to index
        %parallel_loop3A_473 = arith.constant 32 : index
        %parallel_loop3A_474 = tpu.vector_load %arg8[%parallel_loop3A_472, %parallel_loop3A_473] {strides = array<i32>} : memref<16x768xf32, #tpu.memory_space<vmem>>, vector<1x16xf32>,
        %parallel_loop3A_475 = vector.shape_cast %parallel_loop3A_474 : vector<1x16xf32> to vector<16xf32>
        %parallel_loop3A_476 = vector.shape_cast %parallel_loop3A_456 : vector<16xf32> to vector<1x16xf32>
        tpu.vector_store %arg8[%parallel_loop3A_472, %parallel_loop3A_473], %parallel_loop3A_476 {add = true, strides = array<i32>} : memref<16x768xf32, #tpu.memory_space<vmem>>, vector<1x16xf32>,
        %parallel_loop3A_477 = arith.index_cast %parallel_loop3A_404 : i32 to index
        %parallel_loop3A_478 = arith.constant 48 : index
        %parallel_loop3A_479 = tpu.vector_load %arg13[%parallel_loop3A_477, %parallel_loop3A_478] {strides = array<i32>} : memref<16x768xf32, #tpu.memory_space<vmem>>, vector<1x16xf32>,
        %parallel_loop3A_480 = vector.shape_cast %parallel_loop3A_479 : vector<1x16xf32> to vector<16xf32>
        %parallel_loop3A_481 = arith.index_cast %parallel_loop3A_404 : i32 to index
        %parallel_loop3A_482 = arith.constant 48 : index
        %parallel_loop3A_483 = tpu.vector_load %arg5[%parallel_loop3A_481, %parallel_loop3A_482] {strides = array<i32>} : memref<16x768xf32, #tpu.memory_space<vmem>>, vector<1x16xf32>,
        %parallel_loop3A_484 = vector.shape_cast %parallel_loop3A_483 : vector<1x16xf32> to vector<16xf32>
        %parallel_loop3A_485 = vector.shape_cast %parallel_loop3A_480 : vector<16xf32> to vector<1x16xf32>
        tpu.vector_store %arg5[%parallel_loop3A_481, %parallel_loop3A_482], %parallel_loop3A_485 {add = true, strides = array<i32>} : memref<16x768xf32, #tpu.memory_space<vmem>>, vector<1x16xf32>,
        %parallel_loop3A_486 = arith.index_cast %parallel_loop3A_404 : i32 to index
        %parallel_loop3A_487 = arith.constant 48 : index
        %parallel_loop3A_488 = tpu.vector_load %arg6[%parallel_loop3A_486, %parallel_loop3A_487] {strides = array<i32>} : memref<16x768xf32, #tpu.memory_space<vmem>>, vector<1x16xf32>,
        %parallel_loop3A_489 = vector.shape_cast %parallel_loop3A_488 : vector<1x16xf32> to vector<16xf32>
        %parallel_loop3A_490 = vector.shape_cast %parallel_loop3A_480 : vector<16xf32> to vector<1x16xf32>
        tpu.vector_store %arg6[%parallel_loop3A_486, %parallel_loop3A_487], %parallel_loop3A_490 {add = true, strides = array<i32>} : memref<16x768xf32, #tpu.memory_space<vmem>>, vector<1x16xf32>,
        %parallel_loop3A_491 = arith.index_cast %parallel_loop3A_404 : i32 to index
        %parallel_loop3A_492 = arith.constant 48 : index
        %parallel_loop3A_493 = tpu.vector_load %arg7[%parallel_loop3A_491, %parallel_loop3A_492] {strides = array<i32>} : memref<16x768xf32, #tpu.memory_space<vmem>>, vector<1x16xf32>,
        %parallel_loop3A_494 = vector.shape_cast %parallel_loop3A_493 : vector<1x16xf32> to vector<16xf32>
        %parallel_loop3A_495 = vector.shape_cast %parallel_loop3A_480 : vector<16xf32> to vector<1x16xf32>
        tpu.vector_store %arg7[%parallel_loop3A_491, %parallel_loop3A_492], %parallel_loop3A_495 {add = true, strides = array<i32>} : memref<16x768xf32, #tpu.memory_space<vmem>>, vector<1x16xf32>,
        %parallel_loop3A_496 = arith.index_cast %parallel_loop3A_404 : i32 to index
        %parallel_loop3A_497 = arith.constant 48 : index
        %parallel_loop3A_498 = tpu.vector_load %arg8[%parallel_loop3A_496, %parallel_loop3A_497] {strides = array<i32>} : memref<16x768xf32, #tpu.memory_space<vmem>>, vector<1x16xf32>,
        %parallel_loop3A_499 = vector.shape_cast %parallel_loop3A_498 : vector<1x16xf32> to vector<16xf32>
        %parallel_loop3A_500 = vector.shape_cast %parallel_loop3A_480 : vector<16xf32> to vector<1x16xf32>
        tpu.vector_store %arg8[%parallel_loop3A_496, %parallel_loop3A_497], %parallel_loop3A_500 {add = true, strides = array<i32>} : memref<16x768xf32, #tpu.memory_space<vmem>>, vector<1x16xf32>,
        %parallel_loop3A_501 = arith.index_cast %parallel_loop3A_404 : i32 to index
        %parallel_loop3A_502 = arith.constant 64 : index
        %parallel_loop3A_503 = tpu.vector_load %arg13[%parallel_loop3A_501, %parallel_loop3A_502] {strides = array<i32>} : memref<16x768xf32, #tpu.memory_space<vmem>>, vector<1x16xf32>,
        %parallel_loop3A_504 = vector.shape_cast %parallel_loop3A_503 : vector<1x16xf32> to vector<16xf32>
        %parallel_loop3A_505 = arith.index_cast %parallel_loop3A_404 : i32 to index
        %parallel_loop3A_506 = arith.constant 64 : index
        %parallel_loop3A_507 = tpu.vector_load %arg5[%parallel_loop3A_505, %parallel_loop3A_506] {strides = array<i32>} : memref<16x768xf32, #tpu.memory_space<vmem>>, vector<1x16xf32>,
        %parallel_loop3A_508 = vector.shape_cast %parallel_loop3A_507 : vector<1x16xf32> to vector<16xf32>
        %parallel_loop3A_509 = vector.shape_cast %parallel_loop3A_504 : vector<16xf32> to vector<1x16xf32>
        tpu.vector_store %arg5[%parallel_loop3A_505, %parallel_loop3A_506], %parallel_loop3A_509 {add = true, strides = array<i32>} : memref<16x768xf32, #tpu.memory_space<vmem>>, vector<1x16xf32>,
        %parallel_loop3A_510 = arith.index_cast %parallel_loop3A_404 : i32 to index
        %parallel_loop3A_511 = arith.constant 64 : index
        %parallel_loop3A_512 = tpu.vector_load %arg6[%parallel_loop3A_510, %parallel_loop3A_511] {strides = array<i32>} : memref<16x768xf32, #tpu.memory_space<vmem>>, vector<1x16xf32>,
        %parallel_loop3A_513 = vector.shape_cast %parallel_loop3A_512 : vector<1x16xf32> to vector<16xf32>
        %parallel_loop3A_514 = vector.shape_cast %parallel_loop3A_504 : vector<16xf32> to vector<1x16xf32>
        tpu.vector_store %arg6[%parallel_loop3A_510, %parallel_loop3A_511], %parallel_loop3A_514 {add = true, strides = array<i32>} : memref<16x768xf32, #tpu.memory_space<vmem>>, vector<1x16xf32>,
        %parallel_loop3A_515 = arith.index_cast %parallel_loop3A_404 : i32 to index
        %parallel_loop3A_516 = arith.constant 64 : index
        %parallel_loop3A_517 = tpu.vector_load %arg7[%parallel_loop3A_515, %parallel_loop3A_516] {strides = array<i32>} : memref<16x768xf32, #tpu.memory_space<vmem>>, vector<1x16xf32>,
        %parallel_loop3A_518 = vector.shape_cast %parallel_loop3A_517 : vector<1x16xf32> to vector<16xf32>
        %parallel_loop3A_519 = vector.shape_cast %parallel_loop3A_504 : vector<16xf32> to vector<1x16xf32>
        tpu.vector_store %arg7[%parallel_loop3A_515, %parallel_loop3A_516], %parallel_loop3A_519 {add = true, strides = array<i32>} : memref<16x768xf32, #tpu.memory_space<vmem>>, vector<1x16xf32>,
        %parallel_loop3A_520 = arith.index_cast %parallel_loop3A_404 : i32 to index
        %parallel_loop3A_521 = arith.constant 64 : index
        %parallel_loop3A_522 = tpu.vector_load %arg8[%parallel_loop3A_520, %parallel_loop3A_521] {strides = array<i32>} : memref<16x768xf32, #tpu.memory_space<vmem>>, vector<1x16xf32>,
        %parallel_loop3A_523 = vector.shape_cast %parallel_loop3A_522 : vector<1x16xf32> to vector<16xf32>
        %parallel_loop3A_524 = vector.shape_cast %parallel_loop3A_504 : vector<16xf32> to vector<1x16xf32>
        tpu.vector_store %arg8[%parallel_loop3A_520, %parallel_loop3A_521], %parallel_loop3A_524 {add = true, strides = array<i32>} : memref<16x768xf32, #tpu.memory_space<vmem>>, vector<1x16xf32>,
        %parallel_loop3A_525 = arith.index_cast %parallel_loop3A_404 : i32 to index
        %parallel_loop3A_526 = arith.constant 80 : index
        %parallel_loop3A_527 = tpu.vector_load %arg13[%parallel_loop3A_525, %parallel_loop3A_526] {strides = array<i32>} : memref<16x768xf32, #tpu.memory_space<vmem>>, vector<1x16xf32>,
        %parallel_loop3A_528 = vector.shape_cast %parallel_loop3A_527 : vector<1x16xf32> to vector<16xf32>
        %parallel_loop3A_529 = arith.index_cast %parallel_loop3A_404 : i32 to index
        %parallel_loop3A_530 = arith.constant 80 : index
        %parallel_loop3A_531 = tpu.vector_load %arg5[%parallel_loop3A_529, %parallel_loop3A_530] {strides = array<i32>} : memref<16x768xf32, #tpu.memory_space<vmem>>, vector<1x16xf32>,
        %parallel_loop3A_532 = vector.shape_cast %parallel_loop3A_531 : vector<1x16xf32> to vector<16xf32>
        %parallel_loop3A_533 = vector.shape_cast %parallel_loop3A_528 : vector<16xf32> to vector<1x16xf32>
        tpu.vector_store %arg5[%parallel_loop3A_529, %parallel_loop3A_530], %parallel_loop3A_533 {add = true, strides = array<i32>} : memref<16x768xf32, #tpu.memory_space<vmem>>, vector<1x16xf32>,
        %parallel_loop3A_534 = arith.index_cast %parallel_loop3A_404 : i32 to index
        %parallel_loop3A_535 = arith.constant 80 : index
        %parallel_loop3A_536 = tpu.vector_load %arg6[%parallel_loop3A_534, %parallel_loop3A_535] {strides = array<i32>} : memref<16x768xf32, #tpu.memory_space<vmem>>, vector<1x16xf32>,
        %parallel_loop3A_537 = vector.shape_cast %parallel_loop3A_536 : vector<1x16xf32> to vector<16xf32>
        %parallel_loop3A_538 = vector.shape_cast %parallel_loop3A_528 : vector<16xf32> to vector<1x16xf32>
        tpu.vector_store %arg6[%parallel_loop3A_534, %parallel_loop3A_535], %parallel_loop3A_538 {add = true, strides = array<i32>} : memref<16x768xf32, #tpu.memory_space<vmem>>, vector<1x16xf32>,
        %parallel_loop3A_539 = arith.index_cast %parallel_loop3A_404 : i32 to index
        %parallel_loop3A_540 = arith.constant 80 : index
        %parallel_loop3A_541 = tpu.vector_load %arg7[%parallel_loop3A_539, %parallel_loop3A_540] {strides = array<i32>} : memref<16x768xf32, #tpu.memory_space<vmem>>, vector<1x16xf32>,
        %parallel_loop3A_542 = vector.shape_cast %parallel_loop3A_541 : vector<1x16xf32> to vector<16xf32>
        %parallel_loop3A_543 = vector.shape_cast %parallel_loop3A_528 : vector<16xf32> to vector<1x16xf32>
        tpu.vector_store %arg7[%parallel_loop3A_539, %parallel_loop3A_540], %parallel_loop3A_543 {add = true, strides = array<i32>} : memref<16x768xf32, #tpu.memory_space<vmem>>, vector<1x16xf32>,
        %parallel_loop3A_544 = arith.index_cast %parallel_loop3A_404 : i32 to index
        %parallel_loop3A_545 = arith.constant 80 : index
        %parallel_loop3A_546 = tpu.vector_load %arg8[%parallel_loop3A_544, %parallel_loop3A_545] {strides = array<i32>} : memref<16x768xf32, #tpu.memory_space<vmem>>, vector<1x16xf32>,
        %parallel_loop3A_547 = vector.shape_cast %parallel_loop3A_546 : vector<1x16xf32> to vector<16xf32>
        %parallel_loop3A_548 = vector.shape_cast %parallel_loop3A_528 : vector<16xf32> to vector<1x16xf32>
        tpu.vector_store %arg8[%parallel_loop3A_544, %parallel_loop3A_545], %parallel_loop3A_548 {add = true, strides = array<i32>} : memref<16x768xf32, #tpu.memory_space<vmem>>, vector<1x16xf32>,
        %parallel_loop3A_549 = arith.index_cast %parallel_loop3A_404 : i32 to index
        %parallel_loop3A_550 = arith.constant 96 : index
        %parallel_loop3A_551 = tpu.vector_load %arg13[%parallel_loop3A_549, %parallel_loop3A_550] {strides = array<i32>} : memref<16x768xf32, #tpu.memory_space<vmem>>, vector<1x16xf32>,
        %parallel_loop3A_552 = vector.shape_cast %parallel_loop3A_551 : vector<1x16xf32> to vector<16xf32>
        %parallel_loop3A_553 = arith.index_cast %parallel_loop3A_404 : i32 to index
        %parallel_loop3A_554 = arith.constant 96 : index
        %parallel_loop3A_555 = tpu.vector_load %arg5[%parallel_loop3A_553, %parallel_loop3A_554] {strides = array<i32>} : memref<16x768xf32, #tpu.memory_space<vmem>>, vector<1x16xf32>,
        %parallel_loop3A_556 = vector.shape_cast %parallel_loop3A_555 : vector<1x16xf32> to vector<16xf32>
        %parallel_loop3A_557 = vector.shape_cast %parallel_loop3A_552 : vector<16xf32> to vector<1x16xf32>
        tpu.vector_store %arg5[%parallel_loop3A_553, %parallel_loop3A_554], %parallel_loop3A_557 {add = true, strides = array<i32>} : memref<16x768xf32, #tpu.memory_space<vmem>>, vector<1x16xf32>,
        %parallel_loop3A_558 = arith.index_cast %parallel_loop3A_404 : i32 to index
        %parallel_loop3A_559 = arith.constant 96 : index
        %parallel_loop3A_560 = tpu.vector_load %arg6[%parallel_loop3A_558, %parallel_loop3A_559] {strides = array<i32>} : memref<16x768xf32, #tpu.memory_space<vmem>>, vector<1x16xf32>,
        %parallel_loop3A_561 = vector.shape_cast %parallel_loop3A_560 : vector<1x16xf32> to vector<16xf32>
        %parallel_loop3A_562 = vector.shape_cast %parallel_loop3A_552 : vector<16xf32> to vector<1x16xf32>
        tpu.vector_store %arg6[%parallel_loop3A_558, %parallel_loop3A_559], %parallel_loop3A_562 {add = true, strides = array<i32>} : memref<16x768xf32, #tpu.memory_space<vmem>>, vector<1x16xf32>,
        %parallel_loop3A_563 = arith.index_cast %parallel_loop3A_404 : i32 to index
        %parallel_loop3A_564 = arith.constant 96 : index
        %parallel_loop3A_565 = tpu.vector_load %arg7[%parallel_loop3A_563, %parallel_loop3A_564] {strides = array<i32>} : memref<16x768xf32, #tpu.memory_space<vmem>>, vector<1x16xf32>,
        %parallel_loop3A_566 = vector.shape_cast %parallel_loop3A_565 : vector<1x16xf32> to vector<16xf32>
        %parallel_loop3A_567 = vector.shape_cast %parallel_loop3A_552 : vector<16xf32> to vector<1x16xf32>
        tpu.vector_store %arg7[%parallel_loop3A_563, %parallel_loop3A_564], %parallel_loop3A_567 {add = true, strides = array<i32>} : memref<16x768xf32, #tpu.memory_space<vmem>>, vector<1x16xf32>,
        %parallel_loop3A_568 = arith.index_cast %parallel_loop3A_404 : i32 to index
        %parallel_loop3A_569 = arith.constant 96 : index
        %parallel_loop3A_570 = tpu.vector_load %arg8[%parallel_loop3A_568, %parallel_loop3A_569] {strides = array<i32>} : memref<16x768xf32, #tpu.memory_space<vmem>>, vector<1x16xf32>,
        %parallel_loop3A_571 = vector.shape_cast %parallel_loop3A_570 : vector<1x16xf32> to vector<16xf32>
        %parallel_loop3A_572 = vector.shape_cast %parallel_loop3A_552 : vector<16xf32> to vector<1x16xf32>
        tpu.vector_store %arg8[%parallel_loop3A_568, %parallel_loop3A_569], %parallel_loop3A_572 {add = true, strides = array<i32>} : memref<16x768xf32, #tpu.memory_space<vmem>>, vector<1x16xf32>,
        %parallel_loop3A_573 = arith.index_cast %parallel_loop3A_404 : i32 to index
        %parallel_loop3A_574 = arith.constant 112 : index
        %parallel_loop3A_575 = tpu.vector_load %arg13[%parallel_loop3A_573, %parallel_loop3A_574] {strides = array<i32>} : memref<16x768xf32, #tpu.memory_space<vmem>>, vector<1x16xf32>,
        %parallel_loop3A_576 = vector.shape_cast %parallel_loop3A_575 : vector<1x16xf32> to vector<16xf32>
        %parallel_loop3A_577 = arith.index_cast %parallel_loop3A_404 : i32 to index
        %parallel_loop3A_578 = arith.constant 112 : index
        %parallel_loop3A_579 = tpu.vector_load %arg5[%parallel_loop3A_577, %parallel_loop3A_578] {strides = array<i32>} : memref<16x768xf32, #tpu.memory_space<vmem>>, vector<1x16xf32>,
        %parallel_loop3A_580 = vector.shape_cast %parallel_loop3A_579 : vector<1x16xf32> to vector<16xf32>
        %parallel_loop3A_581 = vector.shape_cast %parallel_loop3A_576 : vector<16xf32> to vector<1x16xf32>
        tpu.vector_store %arg5[%parallel_loop3A_577, %parallel_loop3A_578], %parallel_loop3A_581 {add = true, strides = array<i32>} : memref<16x768xf32, #tpu.memory_space<vmem>>, vector<1x16xf32>,
        %parallel_loop3A_582 = arith.index_cast %parallel_loop3A_404 : i32 to index
        %parallel_loop3A_583 = arith.constant 112 : index
        %parallel_loop3A_584 = tpu.vector_load %arg6[%parallel_loop3A_582, %parallel_loop3A_583] {strides = array<i32>} : memref<16x768xf32, #tpu.memory_space<vmem>>, vector<1x16xf32>,
        %parallel_loop3A_585 = vector.shape_cast %parallel_loop3A_584 : vector<1x16xf32> to vector<16xf32>
        %parallel_loop3A_586 = vector.shape_cast %parallel_loop3A_576 : vector<16xf32> to vector<1x16xf32>
        tpu.vector_store %arg6[%parallel_loop3A_582, %parallel_loop3A_583], %parallel_loop3A_586 {add = true, strides = array<i32>} : memref<16x768xf32, #tpu.memory_space<vmem>>, vector<1x16xf32>,
        %parallel_loop3A_587 = arith.index_cast %parallel_loop3A_404 : i32 to index
        %parallel_loop3A_588 = arith.constant 112 : index
        %parallel_loop3A_589 = tpu.vector_load %arg7[%parallel_loop3A_587, %parallel_loop3A_588] {strides = array<i32>} : memref<16x768xf32, #tpu.memory_space<vmem>>, vector<1x16xf32>,
        %parallel_loop3A_590 = vector.shape_cast %parallel_loop3A_589 : vector<1x16xf32> to vector<16xf32>
        %parallel_loop3A_591 = vector.shape_cast %parallel_loop3A_576 : vector<16xf32> to vector<1x16xf32>
        tpu.vector_store %arg7[%parallel_loop3A_587, %parallel_loop3A_588], %parallel_loop3A_591 {add = true, strides = array<i32>} : memref<16x768xf32, #tpu.memory_space<vmem>>, vector<1x16xf32>,
        %parallel_loop3A_592 = arith.index_cast %parallel_loop3A_404 : i32 to index
        %parallel_loop3A_593 = arith.constant 112 : index
        %parallel_loop3A_594 = tpu.vector_load %arg8[%parallel_loop3A_592, %parallel_loop3A_593] {strides = array<i32>} : memref<16x768xf32, #tpu.memory_space<vmem>>, vector<1x16xf32>,
        %parallel_loop3A_595 = vector.shape_cast %parallel_loop3A_594 : vector<1x16xf32> to vector<16xf32>
        %parallel_loop3A_596 = vector.shape_cast %parallel_loop3A_576 : vector<16xf32> to vector<1x16xf32>
        tpu.vector_store %arg8[%parallel_loop3A_592, %parallel_loop3A_593], %parallel_loop3A_596 {add = true, strides = array<i32>} : memref<16x768xf32, #tpu.memory_space<vmem>>, vector<1x16xf32>,
        %parallel_loop3A_597 = arith.index_cast %parallel_loop3A_404 : i32 to index
        %parallel_loop3A_598 = arith.constant 128 : index
        %parallel_loop3A_599 = tpu.vector_load %arg13[%parallel_loop3A_597, %parallel_loop3A_598] {strides = array<i32>} : memref<16x768xf32, #tpu.memory_space<vmem>>, vector<1x16xf32>,
        %parallel_loop3A_600 = vector.shape_cast %parallel_loop3A_599 : vector<1x16xf32> to vector<16xf32>
        %parallel_loop3A_601 = arith.index_cast %parallel_loop3A_404 : i32 to index
        %parallel_loop3A_602 = arith.constant 128 : index
        %parallel_loop3A_603 = tpu.vector_load %arg5[%parallel_loop3A_601, %parallel_loop3A_602] {strides = array<i32>} : memref<16x768xf32, #tpu.memory_space<vmem>>, vector<1x16xf32>,
        %parallel_loop3A_604 = vector.shape_cast %parallel_loop3A_603 : vector<1x16xf32> to vector<16xf32>
        %parallel_loop3A_605 = vector.shape_cast %parallel_loop3A_600 : vector<16xf32> to vector<1x16xf32>
        tpu.vector_store %arg5[%parallel_loop3A_601, %parallel_loop3A_602], %parallel_loop3A_605 {add = true, strides = array<i32>} : memref<16x768xf32, #tpu.memory_space<vmem>>, vector<1x16xf32>,
        %parallel_loop3A_606 = arith.index_cast %parallel_loop3A_404 : i32 to index
        %parallel_loop3A_607 = arith.constant 128 : index
        %parallel_loop3A_608 = tpu.vector_load %arg6[%parallel_loop3A_606, %parallel_loop3A_607] {strides = array<i32>} : memref<16x768xf32, #tpu.memory_space<vmem>>, vector<1x16xf32>,
        %parallel_loop3A_609 = vector.shape_cast %parallel_loop3A_608 : vector<1x16xf32> to vector<16xf32>
        %parallel_loop3A_610 = vector.shape_cast %parallel_loop3A_600 : vector<16xf32> to vector<1x16xf32>
        tpu.vector_store %arg6[%parallel_loop3A_606, %parallel_loop3A_607], %parallel_loop3A_610 {add = true, strides = array<i32>} : memref<16x768xf32, #tpu.memory_space<vmem>>, vector<1x16xf32>,
        %parallel_loop3A_611 = arith.index_cast %parallel_loop3A_404 : i32 to index
        %parallel_loop3A_612 = arith.constant 128 : index
        %parallel_loop3A_613 = tpu.vector_load %arg7[%parallel_loop3A_611, %parallel_loop3A_612] {strides = array<i32>} : memref<16x768xf32, #tpu.memory_space<vmem>>, vector<1x16xf32>,
        %parallel_loop3A_614 = vector.shape_cast %parallel_loop3A_613 : vector<1x16xf32> to vector<16xf32>
        %parallel_loop3A_615 = vector.shape_cast %parallel_loop3A_600 : vector<16xf32> to vector<1x16xf32>
        tpu.vector_store %arg7[%parallel_loop3A_611, %parallel_loop3A_612], %parallel_loop3A_615 {add = true, strides = array<i32>} : memref<16x768xf32, #tpu.memory_space<vmem>>, vector<1x16xf32>,
        %parallel_loop3A_616 = arith.index_cast %parallel_loop3A_404 : i32 to index
        %parallel_loop3A_617 = arith.constant 128 : index
        %parallel_loop3A_618 = tpu.vector_load %arg8[%parallel_loop3A_616, %parallel_loop3A_617] {strides = array<i32>} : memref<16x768xf32, #tpu.memory_space<vmem>>, vector<1x16xf32>,
        %parallel_loop3A_619 = vector.shape_cast %parallel_loop3A_618 : vector<1x16xf32> to vector<16xf32>
        %parallel_loop3A_620 = vector.shape_cast %parallel_loop3A_600 : vector<16xf32> to vector<1x16xf32>
        tpu.vector_store %arg8[%parallel_loop3A_616, %parallel_loop3A_617], %parallel_loop3A_620 {add = true, strides = array<i32>} : memref<16x768xf32, #tpu.memory_space<vmem>>, vector<1x16xf32>,
        %parallel_loop3A_621 = arith.index_cast %parallel_loop3A_404 : i32 to index
        %parallel_loop3A_622 = arith.constant 144 : index
        %parallel_loop3A_623 = tpu.vector_load %arg13[%parallel_loop3A_621, %parallel_loop3A_622] {strides = array<i32>} : memref<16x768xf32, #tpu.memory_space<vmem>>, vector<1x16xf32>,
        %parallel_loop3A_624 = vector.shape_cast %parallel_loop3A_623 : vector<1x16xf32> to vector<16xf32>
        %parallel_loop3A_625 = arith.index_cast %parallel_loop3A_404 : i32 to index
        %parallel_loop3A_626 = arith.constant 144 : index
        %parallel_loop3A_627 = tpu.vector_load %arg5[%parallel_loop3A_625, %parallel_loop3A_626] {strides = array<i32>} : memref<16x768xf32, #tpu.memory_space<vmem>>, vector<1x16xf32>,
        %parallel_loop3A_628 = vector.shape_cast %parallel_loop3A_627 : vector<1x16xf32> to vector<16xf32>
        %parallel_loop3A_629 = vector.shape_cast %parallel_loop3A_624 : vector<16xf32> to vector<1x16xf32>
        tpu.vector_store %arg5[%parallel_loop3A_625, %parallel_loop3A_626], %parallel_loop3A_629 {add = true, strides = array<i32>} : memref<16x768xf32, #tpu.memory_space<vmem>>, vector<1x16xf32>,
        %parallel_loop3A_630 = arith.index_cast %parallel_loop3A_404 : i32 to index
        %parallel_loop3A_631 = arith.constant 144 : index
        %parallel_loop3A_632 = tpu.vector_load %arg6[%parallel_loop3A_630, %parallel_loop3A_631] {strides = array<i32>} : memref<16x768xf32, #tpu.memory_space<vmem>>, vector<1x16xf32>,
        %parallel_loop3A_633 = vector.shape_cast %parallel_loop3A_632 : vector<1x16xf32> to vector<16xf32>
        %parallel_loop3A_634 = vector.shape_cast %parallel_loop3A_624 : vector<16xf32> to vector<1x16xf32>
        tpu.vector_store %arg6[%parallel_loop3A_630, %parallel_loop3A_631], %parallel_loop3A_634 {add = true, strides = array<i32>} : memref<16x768xf32, #tpu.memory_space<vmem>>, vector<1x16xf32>,
        %parallel_loop3A_635 = arith.index_cast %parallel_loop3A_404 : i32 to index
        %parallel_loop3A_636 = arith.constant 144 : index
        %parallel_loop3A_637 = tpu.vector_load %arg7[%parallel_loop3A_635, %parallel_loop3A_636] {strides = array<i32>} : memref<16x768xf32, #tpu.memory_space<vmem>>, vector<1x16xf32>,
        %parallel_loop3A_638 = vector.shape_cast %parallel_loop3A_637 : vector<1x16xf32> to vector<16xf32>
        %parallel_loop3A_639 = vector.shape_cast %parallel_loop3A_624 : vector<16xf32> to vector<1x16xf32>
        tpu.vector_store %arg7[%parallel_loop3A_635, %parallel_loop3A_636], %parallel_loop3A_639 {add = true, strides = array<i32>} : memref<16x768xf32, #tpu.memory_space<vmem>>, vector<1x16xf32>,
        %parallel_loop3A_640 = arith.index_cast %parallel_loop3A_404 : i32 to index
        %parallel_loop3A_641 = arith.constant 144 : index
        %parallel_loop3A_642 = tpu.vector_load %arg8[%parallel_loop3A_640, %parallel_loop3A_641] {strides = array<i32>} : memref<16x768xf32, #tpu.memory_space<vmem>>, vector<1x16xf32>,
        %parallel_loop3A_643 = vector.shape_cast %parallel_loop3A_642 : vector<1x16xf32> to vector<16xf32>
        %parallel_loop3A_644 = vector.shape_cast %parallel_loop3A_624 : vector<16xf32> to vector<1x16xf32>
        tpu.vector_store %arg8[%parallel_loop3A_640, %parallel_loop3A_641], %parallel_loop3A_644 {add = true, strides = array<i32>} : memref<16x768xf32, #tpu.memory_space<vmem>>, vector<1x16xf32>,
        %parallel_loop3A_645 = arith.index_cast %parallel_loop3A_404 : i32 to index
        %parallel_loop3A_646 = arith.constant 160 : index
        %parallel_loop3A_647 = tpu.vector_load %arg13[%parallel_loop3A_645, %parallel_loop3A_646] {strides = array<i32>} : memref<16x768xf32, #tpu.memory_space<vmem>>, vector<1x16xf32>,
        %parallel_loop3A_648 = vector.shape_cast %parallel_loop3A_647 : vector<1x16xf32> to vector<16xf32>
        %parallel_loop3A_649 = arith.index_cast %parallel_loop3A_404 : i32 to index
        %parallel_loop3A_650 = arith.constant 160 : index
        %parallel_loop3A_651 = tpu.vector_load %arg5[%parallel_loop3A_649, %parallel_loop3A_650] {strides = array<i32>} : memref<16x768xf32, #tpu.memory_space<vmem>>, vector<1x16xf32>,
        %parallel_loop3A_652 = vector.shape_cast %parallel_loop3A_651 : vector<1x16xf32> to vector<16xf32>
        %parallel_loop3A_653 = vector.shape_cast %parallel_loop3A_648 : vector<16xf32> to vector<1x16xf32>
        tpu.vector_store %arg5[%parallel_loop3A_649, %parallel_loop3A_650], %parallel_loop3A_653 {add = true, strides = array<i32>} : memref<16x768xf32, #tpu.memory_space<vmem>>, vector<1x16xf32>,
        %parallel_loop3A_654 = arith.index_cast %parallel_loop3A_404 : i32 to index
        %parallel_loop3A_655 = arith.constant 160 : index
        %parallel_loop3A_656 = tpu.vector_load %arg6[%parallel_loop3A_654, %parallel_loop3A_655] {strides = array<i32>} : memref<16x768xf32, #tpu.memory_space<vmem>>, vector<1x16xf32>,
        %parallel_loop3A_657 = vector.shape_cast %parallel_loop3A_656 : vector<1x16xf32> to vector<16xf32>
        %parallel_loop3A_658 = vector.shape_cast %parallel_loop3A_648 : vector<16xf32> to vector<1x16xf32>
        tpu.vector_store %arg6[%parallel_loop3A_654, %parallel_loop3A_655], %parallel_loop3A_658 {add = true, strides = array<i32>} : memref<16x768xf32, #tpu.memory_space<vmem>>, vector<1x16xf32>,
        %parallel_loop3A_659 = arith.index_cast %parallel_loop3A_404 : i32 to index
        %parallel_loop3A_660 = arith.constant 160 : index
        %parallel_loop3A_661 = tpu.vector_load %arg7[%parallel_loop3A_659, %parallel_loop3A_660] {strides = array<i32>} : memref<16x768xf32, #tpu.memory_space<vmem>>, vector<1x16xf32>,
        %parallel_loop3A_662 = vector.shape_cast %parallel_loop3A_661 : vector<1x16xf32> to vector<16xf32>
        %parallel_loop3A_663 = vector.shape_cast %parallel_loop3A_648 : vector<16xf32> to vector<1x16xf32>
        tpu.vector_store %arg7[%parallel_loop3A_659, %parallel_loop3A_660], %parallel_loop3A_663 {add = true, strides = array<i32>} : memref<16x768xf32, #tpu.memory_space<vmem>>, vector<1x16xf32>,
        %parallel_loop3A_664 = arith.index_cast %parallel_loop3A_404 : i32 to index
        %parallel_loop3A_665 = arith.constant 160 : index
        %parallel_loop3A_666 = tpu.vector_load %arg8[%parallel_loop3A_664, %parallel_loop3A_665] {strides = array<i32>} : memref<16x768xf32, #tpu.memory_space<vmem>>, vector<1x16xf32>,
        %parallel_loop3A_667 = vector.shape_cast %parallel_loop3A_666 : vector<1x16xf32> to vector<16xf32>
        %parallel_loop3A_668 = vector.shape_cast %parallel_loop3A_648 : vector<16xf32> to vector<1x16xf32>
        tpu.vector_store %arg8[%parallel_loop3A_664, %parallel_loop3A_665], %parallel_loop3A_668 {add = true, strides = array<i32>} : memref<16x768xf32, #tpu.memory_space<vmem>>, vector<1x16xf32>,
        %parallel_loop3A_669 = arith.index_cast %parallel_loop3A_404 : i32 to index
        %parallel_loop3A_670 = arith.constant 176 : index
        %parallel_loop3A_671 = tpu.vector_load %arg13[%parallel_loop3A_669, %parallel_loop3A_670] {strides = array<i32>} : memref<16x768xf32, #tpu.memory_space<vmem>>, vector<1x16xf32>,
        %parallel_loop3A_672 = vector.shape_cast %parallel_loop3A_671 : vector<1x16xf32> to vector<16xf32>
        %parallel_loop3A_673 = arith.index_cast %parallel_loop3A_404 : i32 to index
        %parallel_loop3A_674 = arith.constant 176 : index
        %parallel_loop3A_675 = tpu.vector_load %arg5[%parallel_loop3A_673, %parallel_loop3A_674] {strides = array<i32>} : memref<16x768xf32, #tpu.memory_space<vmem>>, vector<1x16xf32>,
        %parallel_loop3A_676 = vector.shape_cast %parallel_loop3A_675 : vector<1x16xf32> to vector<16xf32>
        %parallel_loop3A_677 = vector.shape_cast %parallel_loop3A_672 : vector<16xf32> to vector<1x16xf32>
        tpu.vector_store %arg5[%parallel_loop3A_673, %parallel_loop3A_674], %parallel_loop3A_677 {add = true, strides = array<i32>} : memref<16x768xf32, #tpu.memory_space<vmem>>, vector<1x16xf32>,
        %parallel_loop3A_678 = arith.index_cast %parallel_loop3A_404 : i32 to index
        %parallel_loop3A_679 = arith.constant 176 : index
        %parallel_loop3A_680 = tpu.vector_load %arg6[%parallel_loop3A_678, %parallel_loop3A_679] {strides = array<i32>} : memref<16x768xf32, #tpu.memory_space<vmem>>, vector<1x16xf32>,
        %parallel_loop3A_681 = vector.shape_cast %parallel_loop3A_680 : vector<1x16xf32> to vector<16xf32>
        %parallel_loop3A_682 = vector.shape_cast %parallel_loop3A_672 : vector<16xf32> to vector<1x16xf32>
        tpu.vector_store %arg6[%parallel_loop3A_678, %parallel_loop3A_679], %parallel_loop3A_682 {add = true, strides = array<i32>} : memref<16x768xf32, #tpu.memory_space<vmem>>, vector<1x16xf32>,
        %parallel_loop3A_683 = arith.index_cast %parallel_loop3A_404 : i32 to index
        %parallel_loop3A_684 = arith.constant 176 : index
        %parallel_loop3A_685 = tpu.vector_load %arg7[%parallel_loop3A_683, %parallel_loop3A_684] {strides = array<i32>} : memref<16x768xf32, #tpu.memory_space<vmem>>, vector<1x16xf32>,
        %parallel_loop3A_686 = vector.shape_cast %parallel_loop3A_685 : vector<1x16xf32> to vector<16xf32>
        %parallel_loop3A_687 = vector.shape_cast %parallel_loop3A_672 : vector<16xf32> to vector<1x16xf32>
        tpu.vector_store %arg7[%parallel_loop3A_683, %parallel_loop3A_684], %parallel_loop3A_687 {add = true, strides = array<i32>} : memref<16x768xf32, #tpu.memory_space<vmem>>, vector<1x16xf32>,
        %parallel_loop3A_688 = arith.index_cast %parallel_loop3A_404 : i32 to index
        %parallel_loop3A_689 = arith.constant 176 : index
        %parallel_loop3A_690 = tpu.vector_load %arg8[%parallel_loop3A_688, %parallel_loop3A_689] {strides = array<i32>} : memref<16x768xf32, #tpu.memory_space<vmem>>, vector<1x16xf32>,
        %parallel_loop3A_691 = vector.shape_cast %parallel_loop3A_690 : vector<1x16xf32> to vector<16xf32>
        %parallel_loop3A_692 = vector.shape_cast %parallel_loop3A_672 : vector<16xf32> to vector<1x16xf32>
        tpu.vector_store %arg8[%parallel_loop3A_688, %parallel_loop3A_689], %parallel_loop3A_692 {add = true, strides = array<i32>} : memref<16x768xf32, #tpu.memory_space<vmem>>, vector<1x16xf32>,
        %parallel_loop3A_693 = arith.index_cast %parallel_loop3A_404 : i32 to index
        %parallel_loop3A_694 = arith.constant 192 : index
        %parallel_loop3A_695 = tpu.vector_load %arg13[%parallel_loop3A_693, %parallel_loop3A_694] {strides = array<i32>} : memref<16x768xf32, #tpu.memory_space<vmem>>, vector<1x16xf32>,
        %parallel_loop3A_696 = vector.shape_cast %parallel_loop3A_695 : vector<1x16xf32> to vector<16xf32>
        %parallel_loop3A_697 = arith.index_cast %parallel_loop3A_404 : i32 to index
        %parallel_loop3A_698 = arith.constant 192 : index
        %parallel_loop3A_699 = tpu.vector_load %arg5[%parallel_loop3A_697, %parallel_loop3A_698] {strides = array<i32>} : memref<16x768xf32, #tpu.memory_space<vmem>>, vector<1x16xf32>,
        %parallel_loop3A_700 = vector.shape_cast %parallel_loop3A_699 : vector<1x16xf32> to vector<16xf32>
        %parallel_loop3A_701 = vector.shape_cast %parallel_loop3A_696 : vector<16xf32> to vector<1x16xf32>
        tpu.vector_store %arg5[%parallel_loop3A_697, %parallel_loop3A_698], %parallel_loop3A_701 {add = true, strides = array<i32>} : memref<16x768xf32, #tpu.memory_space<vmem>>, vector<1x16xf32>,
        %parallel_loop3A_702 = arith.index_cast %parallel_loop3A_404 : i32 to index
        %parallel_loop3A_703 = arith.constant 192 : index
        %parallel_loop3A_704 = tpu.vector_load %arg6[%parallel_loop3A_702, %parallel_loop3A_703] {strides = array<i32>} : memref<16x768xf32, #tpu.memory_space<vmem>>, vector<1x16xf32>,
        %parallel_loop3A_705 = vector.shape_cast %parallel_loop3A_704 : vector<1x16xf32> to vector<16xf32>
        %parallel_loop3A_706 = vector.shape_cast %parallel_loop3A_696 : vector<16xf32> to vector<1x16xf32>
        tpu.vector_store %arg6[%parallel_loop3A_702, %parallel_loop3A_703], %parallel_loop3A_706 {add = true, strides = array<i32>} : memref<16x768xf32, #tpu.memory_space<vmem>>, vector<1x16xf32>,
        %parallel_loop3A_707 = arith.index_cast %parallel_loop3A_404 : i32 to index
        %parallel_loop3A_708 = arith.constant 192 : index
        %parallel_loop3A_709 = tpu.vector_load %arg7[%parallel_loop3A_707, %parallel_loop3A_708] {strides = array<i32>} : memref<16x768xf32, #tpu.memory_space<vmem>>, vector<1x16xf32>,
        %parallel_loop3A_710 = vector.shape_cast %parallel_loop3A_709 : vector<1x16xf32> to vector<16xf32>
        %parallel_loop3A_711 = vector.shape_cast %parallel_loop3A_696 : vector<16xf32> to vector<1x16xf32>
        tpu.vector_store %arg7[%parallel_loop3A_707, %parallel_loop3A_708], %parallel_loop3A_711 {add = true, strides = array<i32>} : memref<16x768xf32, #tpu.memory_space<vmem>>, vector<1x16xf32>,
        %parallel_loop3A_712 = arith.index_cast %parallel_loop3A_404 : i32 to index
        %parallel_loop3A_713 = arith.constant 192 : index
        %parallel_loop3A_714 = tpu.vector_load %arg8[%parallel_loop3A_712, %parallel_loop3A_713] {strides = array<i32>} : memref<16x768xf32, #tpu.memory_space<vmem>>, vector<1x16xf32>,
        %parallel_loop3A_715 = vector.shape_cast %parallel_loop3A_714 : vector<1x16xf32> to vector<16xf32>
        %parallel_loop3A_716 = vector.shape_cast %parallel_loop3A_696 : vector<16xf32> to vector<1x16xf32>
        tpu.vector_store %arg8[%parallel_loop3A_712, %parallel_loop3A_713], %parallel_loop3A_716 {add = true, strides = array<i32>} : memref<16x768xf32, #tpu.memory_space<vmem>>, vector<1x16xf32>,
        %parallel_loop3A_717 = arith.index_cast %parallel_loop3A_404 : i32 to index
        %parallel_loop3A_718 = arith.constant 208 : index
        %parallel_loop3A_719 = tpu.vector_load %arg13[%parallel_loop3A_717, %parallel_loop3A_718] {strides = array<i32>} : memref<16x768xf32, #tpu.memory_space<vmem>>, vector<1x16xf32>,
        %parallel_loop3A_720 = vector.shape_cast %parallel_loop3A_719 : vector<1x16xf32> to vector<16xf32>
        %parallel_loop3A_721 = arith.index_cast %parallel_loop3A_404 : i32 to index
        %parallel_loop3A_722 = arith.constant 208 : index
        %parallel_loop3A_723 = tpu.vector_load %arg5[%parallel_loop3A_721, %parallel_loop3A_722] {strides = array<i32>} : memref<16x768xf32, #tpu.memory_space<vmem>>, vector<1x16xf32>,
        %parallel_loop3A_724 = vector.shape_cast %parallel_loop3A_723 : vector<1x16xf32> to vector<16xf32>
        %parallel_loop3A_725 = vector.shape_cast %parallel_loop3A_720 : vector<16xf32> to vector<1x16xf32>
        tpu.vector_store %arg5[%parallel_loop3A_721, %parallel_loop3A_722], %parallel_loop3A_725 {add = true, strides = array<i32>} : memref<16x768xf32, #tpu.memory_space<vmem>>, vector<1x16xf32>,
        %parallel_loop3A_726 = arith.index_cast %parallel_loop3A_404 : i32 to index
        %parallel_loop3A_727 = arith.constant 208 : index
        %parallel_loop3A_728 = tpu.vector_load %arg6[%parallel_loop3A_726, %parallel_loop3A_727] {strides = array<i32>} : memref<16x768xf32, #tpu.memory_space<vmem>>, vector<1x16xf32>,
        %parallel_loop3A_729 = vector.shape_cast %parallel_loop3A_728 : vector<1x16xf32> to vector<16xf32>
        %parallel_loop3A_730 = vector.shape_cast %parallel_loop3A_720 : vector<16xf32> to vector<1x16xf32>
        tpu.vector_store %arg6[%parallel_loop3A_726, %parallel_loop3A_727], %parallel_loop3A_730 {add = true, strides = array<i32>} : memref<16x768xf32, #tpu.memory_space<vmem>>, vector<1x16xf32>,
        %parallel_loop3A_731 = arith.index_cast %parallel_loop3A_404 : i32 to index
        %parallel_loop3A_732 = arith.constant 208 : index
        %parallel_loop3A_733 = tpu.vector_load %arg7[%parallel_loop3A_731, %parallel_loop3A_732] {strides = array<i32>} : memref<16x768xf32, #tpu.memory_space<vmem>>, vector<1x16xf32>,
        %parallel_loop3A_734 = vector.shape_cast %parallel_loop3A_733 : vector<1x16xf32> to vector<16xf32>
        %parallel_loop3A_735 = vector.shape_cast %parallel_loop3A_720 : vector<16xf32> to vector<1x16xf32>
        tpu.vector_store %arg7[%parallel_loop3A_731, %parallel_loop3A_732], %parallel_loop3A_735 {add = true, strides = array<i32>} : memref<16x768xf32, #tpu.memory_space<vmem>>, vector<1x16xf32>,
        %parallel_loop3A_736 = arith.index_cast %parallel_loop3A_404 : i32 to index
        %parallel_loop3A_737 = arith.constant 208 : index
        %parallel_loop3A_738 = tpu.vector_load %arg8[%parallel_loop3A_736, %parallel_loop3A_737] {strides = array<i32>} : memref<16x768xf32, #tpu.memory_space<vmem>>, vector<1x16xf32>,
        %parallel_loop3A_739 = vector.shape_cast %parallel_loop3A_738 : vector<1x16xf32> to vector<16xf32>
        %parallel_loop3A_740 = vector.shape_cast %parallel_loop3A_720 : vector<16xf32> to vector<1x16xf32>
        tpu.vector_store %arg8[%parallel_loop3A_736, %parallel_loop3A_737], %parallel_loop3A_740 {add = true, strides = array<i32>} : memref<16x768xf32, #tpu.memory_space<vmem>>, vector<1x16xf32>,
        %parallel_loop3A_741 = arith.index_cast %parallel_loop3A_404 : i32 to index
        %parallel_loop3A_742 = arith.constant 224 : index
        %parallel_loop3A_743 = tpu.vector_load %arg13[%parallel_loop3A_741, %parallel_loop3A_742] {strides = array<i32>} : memref<16x768xf32, #tpu.memory_space<vmem>>, vector<1x16xf32>,
        %parallel_loop3A_744 = vector.shape_cast %parallel_loop3A_743 : vector<1x16xf32> to vector<16xf32>
        %parallel_loop3A_745 = arith.index_cast %parallel_loop3A_404 : i32 to index
        %parallel_loop3A_746 = arith.constant 224 : index
        %parallel_loop3A_747 = tpu.vector_load %arg5[%parallel_loop3A_745, %parallel_loop3A_746] {strides = array<i32>} : memref<16x768xf32, #tpu.memory_space<vmem>>, vector<1x16xf32>,
        %parallel_loop3A_748 = vector.shape_cast %parallel_loop3A_747 : vector<1x16xf32> to vector<16xf32>
        %parallel_loop3A_749 = vector.shape_cast %parallel_loop3A_744 : vector<16xf32> to vector<1x16xf32>
        tpu.vector_store %arg5[%parallel_loop3A_745, %parallel_loop3A_746], %parallel_loop3A_749 {add = true, strides = array<i32>} : memref<16x768xf32, #tpu.memory_space<vmem>>, vector<1x16xf32>,
        %parallel_loop3A_750 = arith.index_cast %parallel_loop3A_404 : i32 to index
        %parallel_loop3A_751 = arith.constant 224 : index
        %parallel_loop3A_752 = tpu.vector_load %arg6[%parallel_loop3A_750, %parallel_loop3A_751] {strides = array<i32>} : memref<16x768xf32, #tpu.memory_space<vmem>>, vector<1x16xf32>,
        %parallel_loop3A_753 = vector.shape_cast %parallel_loop3A_752 : vector<1x16xf32> to vector<16xf32>
        %parallel_loop3A_754 = vector.shape_cast %parallel_loop3A_744 : vector<16xf32> to vector<1x16xf32>
        tpu.vector_store %arg6[%parallel_loop3A_750, %parallel_loop3A_751], %parallel_loop3A_754 {add = true, strides = array<i32>} : memref<16x768xf32, #tpu.memory_space<vmem>>, vector<1x16xf32>,
        %parallel_loop3A_755 = arith.index_cast %parallel_loop3A_404 : i32 to index
        %parallel_loop3A_756 = arith.constant 224 : index
        %parallel_loop3A_757 = tpu.vector_load %arg7[%parallel_loop3A_755, %parallel_loop3A_756] {strides = array<i32>} : memref<16x768xf32, #tpu.memory_space<vmem>>, vector<1x16xf32>,
        %parallel_loop3A_758 = vector.shape_cast %parallel_loop3A_757 : vector<1x16xf32> to vector<16xf32>
        %parallel_loop3A_759 = vector.shape_cast %parallel_loop3A_744 : vector<16xf32> to vector<1x16xf32>
        tpu.vector_store %arg7[%parallel_loop3A_755, %parallel_loop3A_756], %parallel_loop3A_759 {add = true, strides = array<i32>} : memref<16x768xf32, #tpu.memory_space<vmem>>, vector<1x16xf32>,
        %parallel_loop3A_760 = arith.index_cast %parallel_loop3A_404 : i32 to index
        %parallel_loop3A_761 = arith.constant 224 : index
        %parallel_loop3A_762 = tpu.vector_load %arg8[%parallel_loop3A_760, %parallel_loop3A_761] {strides = array<i32>} : memref<16x768xf32, #tpu.memory_space<vmem>>, vector<1x16xf32>,
        %parallel_loop3A_763 = vector.shape_cast %parallel_loop3A_762 : vector<1x16xf32> to vector<16xf32>
        %parallel_loop3A_764 = vector.shape_cast %parallel_loop3A_744 : vector<16xf32> to vector<1x16xf32>
        tpu.vector_store %arg8[%parallel_loop3A_760, %parallel_loop3A_761], %parallel_loop3A_764 {add = true, strides = array<i32>} : memref<16x768xf32, #tpu.memory_space<vmem>>, vector<1x16xf32>,
        %parallel_loop3A_765 = arith.index_cast %parallel_loop3A_404 : i32 to index
        %parallel_loop3A_766 = arith.constant 240 : index
        %parallel_loop3A_767 = tpu.vector_load %arg13[%parallel_loop3A_765, %parallel_loop3A_766] {strides = array<i32>} : memref<16x768xf32, #tpu.memory_space<vmem>>, vector<1x16xf32>,
        %parallel_loop3A_768 = vector.shape_cast %parallel_loop3A_767 : vector<1x16xf32> to vector<16xf32>
        %parallel_loop3A_769 = arith.index_cast %parallel_loop3A_404 : i32 to index
        %parallel_loop3A_770 = arith.constant 240 : index
        %parallel_loop3A_771 = tpu.vector_load %arg5[%parallel_loop3A_769, %parallel_loop3A_770] {strides = array<i32>} : memref<16x768xf32, #tpu.memory_space<vmem>>, vector<1x16xf32>,
        %parallel_loop3A_772 = vector.shape_cast %parallel_loop3A_771 : vector<1x16xf32> to vector<16xf32>
        %parallel_loop3A_773 = vector.shape_cast %parallel_loop3A_768 : vector<16xf32> to vector<1x16xf32>
        tpu.vector_store %arg5[%parallel_loop3A_769, %parallel_loop3A_770], %parallel_loop3A_773 {add = true, strides = array<i32>} : memref<16x768xf32, #tpu.memory_space<vmem>>, vector<1x16xf32>,
        %parallel_loop3A_774 = arith.index_cast %parallel_loop3A_404 : i32 to index
        %parallel_loop3A_775 = arith.constant 240 : index
        %parallel_loop3A_776 = tpu.vector_load %arg6[%parallel_loop3A_774, %parallel_loop3A_775] {strides = array<i32>} : memref<16x768xf32, #tpu.memory_space<vmem>>, vector<1x16xf32>,
        %parallel_loop3A_777 = vector.shape_cast %parallel_loop3A_776 : vector<1x16xf32> to vector<16xf32>
        %parallel_loop3A_778 = vector.shape_cast %parallel_loop3A_768 : vector<16xf32> to vector<1x16xf32>
        tpu.vector_store %arg6[%parallel_loop3A_774, %parallel_loop3A_775], %parallel_loop3A_778 {add = true, strides = array<i32>} : memref<16x768xf32, #tpu.memory_space<vmem>>, vector<1x16xf32>,
        %parallel_loop3A_779 = arith.index_cast %parallel_loop3A_404 : i32 to index
        %parallel_loop3A_780 = arith.constant 240 : index
        %parallel_loop3A_781 = tpu.vector_load %arg7[%parallel_loop3A_779, %parallel_loop3A_780] {strides = array<i32>} : memref<16x768xf32, #tpu.memory_space<vmem>>, vector<1x16xf32>,
        %parallel_loop3A_782 = vector.shape_cast %parallel_loop3A_781 : vector<1x16xf32> to vector<16xf32>
        %parallel_loop3A_783 = vector.shape_cast %parallel_loop3A_768 : vector<16xf32> to vector<1x16xf32>
        tpu.vector_store %arg7[%parallel_loop3A_779, %parallel_loop3A_780], %parallel_loop3A_783 {add = true, strides = array<i32>} : memref<16x768xf32, #tpu.memory_space<vmem>>, vector<1x16xf32>,
        %parallel_loop3A_784 = arith.index_cast %parallel_loop3A_404 : i32 to index
        %parallel_loop3A_785 = arith.constant 240 : index
        %parallel_loop3A_786 = tpu.vector_load %arg8[%parallel_loop3A_784, %parallel_loop3A_785] {strides = array<i32>} : memref<16x768xf32, #tpu.memory_space<vmem>>, vector<1x16xf32>,
        %parallel_loop3A_787 = vector.shape_cast %parallel_loop3A_786 : vector<1x16xf32> to vector<16xf32>
        %parallel_loop3A_788 = vector.shape_cast %parallel_loop3A_768 : vector<16xf32> to vector<1x16xf32>
        tpu.vector_store %arg8[%parallel_loop3A_784, %parallel_loop3A_785], %parallel_loop3A_788 {add = true, strides = array<i32>} : memref<16x768xf32, #tpu.memory_space<vmem>>, vector<1x16xf32>,
        %parallel_loop3A_789 = arith.index_cast %parallel_loop3A_404 : i32 to index
        %parallel_loop3A_790 = arith.constant 256 : index
        %parallel_loop3A_791 = tpu.vector_load %arg13[%parallel_loop3A_789, %parallel_loop3A_790] {strides = array<i32>} : memref<16x768xf32, #tpu.memory_space<vmem>>, vector<1x16xf32>,
        %parallel_loop3A_792 = vector.shape_cast %parallel_loop3A_791 : vector<1x16xf32> to vector<16xf32>
        %parallel_loop3A_793 = arith.index_cast %parallel_loop3A_404 : i32 to index
        %parallel_loop3A_794 = arith.constant 256 : index
        %parallel_loop3A_795 = tpu.vector_load %arg5[%parallel_loop3A_793, %parallel_loop3A_794] {strides = array<i32>} : memref<16x768xf32, #tpu.memory_space<vmem>>, vector<1x16xf32>,
        %parallel_loop3A_796 = vector.shape_cast %parallel_loop3A_795 : vector<1x16xf32> to vector<16xf32>
        %parallel_loop3A_797 = vector.shape_cast %parallel_loop3A_792 : vector<16xf32> to vector<1x16xf32>
        tpu.vector_store %arg5[%parallel_loop3A_793, %parallel_loop3A_794], %parallel_loop3A_797 {add = true, strides = array<i32>} : memref<16x768xf32, #tpu.memory_space<vmem>>, vector<1x16xf32>,
        %parallel_loop3A_798 = arith.index_cast %parallel_loop3A_404 : i32 to index
        %parallel_loop3A_799 = arith.constant 256 : index
        %parallel_loop3A_800 = tpu.vector_load %arg6[%parallel_loop3A_798, %parallel_loop3A_799] {strides = array<i32>} : memref<16x768xf32, #tpu.memory_space<vmem>>, vector<1x16xf32>,
        %parallel_loop3A_801 = vector.shape_cast %parallel_loop3A_800 : vector<1x16xf32> to vector<16xf32>
        %parallel_loop3A_802 = vector.shape_cast %parallel_loop3A_792 : vector<16xf32> to vector<1x16xf32>
        tpu.vector_store %arg6[%parallel_loop3A_798, %parallel_loop3A_799], %parallel_loop3A_802 {add = true, strides = array<i32>} : memref<16x768xf32, #tpu.memory_space<vmem>>, vector<1x16xf32>,
        %parallel_loop3A_803 = arith.index_cast %parallel_loop3A_404 : i32 to index
        %parallel_loop3A_804 = arith.constant 256 : index
        %parallel_loop3A_805 = tpu.vector_load %arg7[%parallel_loop3A_803, %parallel_loop3A_804] {strides = array<i32>} : memref<16x768xf32, #tpu.memory_space<vmem>>, vector<1x16xf32>,
        %parallel_loop3A_806 = vector.shape_cast %parallel_loop3A_805 : vector<1x16xf32> to vector<16xf32>
        %parallel_loop3A_807 = vector.shape_cast %parallel_loop3A_792 : vector<16xf32> to vector<1x16xf32>
        tpu.vector_store %arg7[%parallel_loop3A_803, %parallel_loop3A_804], %parallel_loop3A_807 {add = true, strides = array<i32>} : memref<16x768xf32, #tpu.memory_space<vmem>>, vector<1x16xf32>,
        %parallel_loop3A_808 = arith.index_cast %parallel_loop3A_404 : i32 to index
        %parallel_loop3A_809 = arith.constant 256 : index
        %parallel_loop3A_810 = tpu.vector_load %arg8[%parallel_loop3A_808, %parallel_loop3A_809] {strides = array<i32>} : memref<16x768xf32, #tpu.memory_space<vmem>>, vector<1x16xf32>,
        %parallel_loop3A_811 = vector.shape_cast %parallel_loop3A_810 : vector<1x16xf32> to vector<16xf32>
        %parallel_loop3A_812 = vector.shape_cast %parallel_loop3A_792 : vector<16xf32> to vector<1x16xf32>
        tpu.vector_store %arg8[%parallel_loop3A_808, %parallel_loop3A_809], %parallel_loop3A_812 {add = true, strides = array<i32>} : memref<16x768xf32, #tpu.memory_space<vmem>>, vector<1x16xf32>,
        %parallel_loop3A_813 = arith.index_cast %parallel_loop3A_404 : i32 to index
        %parallel_loop3A_814 = arith.constant 272 : index
        %parallel_loop3A_815 = tpu.vector_load %arg13[%parallel_loop3A_813, %parallel_loop3A_814] {strides = array<i32>} : memref<16x768xf32, #tpu.memory_space<vmem>>, vector<1x16xf32>,
        %parallel_loop3A_816 = vector.shape_cast %parallel_loop3A_815 : vector<1x16xf32> to vector<16xf32>
        %parallel_loop3A_817 = arith.index_cast %parallel_loop3A_404 : i32 to index
        %parallel_loop3A_818 = arith.constant 272 : index
        %parallel_loop3A_819 = tpu.vector_load %arg5[%parallel_loop3A_817, %parallel_loop3A_818] {strides = array<i32>} : memref<16x768xf32, #tpu.memory_space<vmem>>, vector<1x16xf32>,
        %parallel_loop3A_820 = vector.shape_cast %parallel_loop3A_819 : vector<1x16xf32> to vector<16xf32>
        %parallel_loop3A_821 = vector.shape_cast %parallel_loop3A_816 : vector<16xf32> to vector<1x16xf32>
        tpu.vector_store %arg5[%parallel_loop3A_817, %parallel_loop3A_818], %parallel_loop3A_821 {add = true, strides = array<i32>} : memref<16x768xf32, #tpu.memory_space<vmem>>, vector<1x16xf32>,
        %parallel_loop3A_822 = arith.index_cast %parallel_loop3A_404 : i32 to index
        %parallel_loop3A_823 = arith.constant 272 : index
        %parallel_loop3A_824 = tpu.vector_load %arg6[%parallel_loop3A_822, %parallel_loop3A_823] {strides = array<i32>} : memref<16x768xf32, #tpu.memory_space<vmem>>, vector<1x16xf32>,
        %parallel_loop3A_825 = vector.shape_cast %parallel_loop3A_824 : vector<1x16xf32> to vector<16xf32>
        %parallel_loop3A_826 = vector.shape_cast %parallel_loop3A_816 : vector<16xf32> to vector<1x16xf32>
        tpu.vector_store %arg6[%parallel_loop3A_822, %parallel_loop3A_823], %parallel_loop3A_826 {add = true, strides = array<i32>} : memref<16x768xf32, #tpu.memory_space<vmem>>, vector<1x16xf32>,
        %parallel_loop3A_827 = arith.index_cast %parallel_loop3A_404 : i32 to index
        %parallel_loop3A_828 = arith.constant 272 : index
        %parallel_loop3A_829 = tpu.vector_load %arg7[%parallel_loop3A_827, %parallel_loop3A_828] {strides = array<i32>} : memref<16x768xf32, #tpu.memory_space<vmem>>, vector<1x16xf32>,
        %parallel_loop3A_830 = vector.shape_cast %parallel_loop3A_829 : vector<1x16xf32> to vector<16xf32>
        %parallel_loop3A_831 = vector.shape_cast %parallel_loop3A_816 : vector<16xf32> to vector<1x16xf32>
        tpu.vector_store %arg7[%parallel_loop3A_827, %parallel_loop3A_828], %parallel_loop3A_831 {add = true, strides = array<i32>} : memref<16x768xf32, #tpu.memory_space<vmem>>, vector<1x16xf32>,
        %parallel_loop3A_832 = arith.index_cast %parallel_loop3A_404 : i32 to index
        %parallel_loop3A_833 = arith.constant 272 : index
        %parallel_loop3A_834 = tpu.vector_load %arg8[%parallel_loop3A_832, %parallel_loop3A_833] {strides = array<i32>} : memref<16x768xf32, #tpu.memory_space<vmem>>, vector<1x16xf32>,
        %parallel_loop3A_835 = vector.shape_cast %parallel_loop3A_834 : vector<1x16xf32> to vector<16xf32>
        %parallel_loop3A_836 = vector.shape_cast %parallel_loop3A_816 : vector<16xf32> to vector<1x16xf32>
        tpu.vector_store %arg8[%parallel_loop3A_832, %parallel_loop3A_833], %parallel_loop3A_836 {add = true, strides = array<i32>} : memref<16x768xf32, #tpu.memory_space<vmem>>, vector<1x16xf32>,
        %parallel_loop3A_837 = arith.index_cast %parallel_loop3A_404 : i32 to index
        %parallel_loop3A_838 = arith.constant 288 : index
        %parallel_loop3A_839 = tpu.vector_load %arg13[%parallel_loop3A_837, %parallel_loop3A_838] {strides = array<i32>} : memref<16x768xf32, #tpu.memory_space<vmem>>, vector<1x16xf32>,
        %parallel_loop3A_840 = vector.shape_cast %parallel_loop3A_839 : vector<1x16xf32> to vector<16xf32>
        %parallel_loop3A_841 = arith.index_cast %parallel_loop3A_404 : i32 to index
        %parallel_loop3A_842 = arith.constant 288 : index
        %parallel_loop3A_843 = tpu.vector_load %arg5[%parallel_loop3A_841, %parallel_loop3A_842] {strides = array<i32>} : memref<16x768xf32, #tpu.memory_space<vmem>>, vector<1x16xf32>,
        %parallel_loop3A_844 = vector.shape_cast %parallel_loop3A_843 : vector<1x16xf32> to vector<16xf32>
        %parallel_loop3A_845 = vector.shape_cast %parallel_loop3A_840 : vector<16xf32> to vector<1x16xf32>
        tpu.vector_store %arg5[%parallel_loop3A_841, %parallel_loop3A_842], %parallel_loop3A_845 {add = true, strides = array<i32>} : memref<16x768xf32, #tpu.memory_space<vmem>>, vector<1x16xf32>,
        %parallel_loop3A_846 = arith.index_cast %parallel_loop3A_404 : i32 to index
        %parallel_loop3A_847 = arith.constant 288 : index
        %parallel_loop3A_848 = tpu.vector_load %arg6[%parallel_loop3A_846, %parallel_loop3A_847] {strides = array<i32>} : memref<16x768xf32, #tpu.memory_space<vmem>>, vector<1x16xf32>,
        %parallel_loop3A_849 = vector.shape_cast %parallel_loop3A_848 : vector<1x16xf32> to vector<16xf32>
        %parallel_loop3A_850 = vector.shape_cast %parallel_loop3A_840 : vector<16xf32> to vector<1x16xf32>
        tpu.vector_store %arg6[%parallel_loop3A_846, %parallel_loop3A_847], %parallel_loop3A_850 {add = true, strides = array<i32>} : memref<16x768xf32, #tpu.memory_space<vmem>>, vector<1x16xf32>,
        %parallel_loop3A_851 = arith.index_cast %parallel_loop3A_404 : i32 to index
        %parallel_loop3A_852 = arith.constant 288 : index
        %parallel_loop3A_853 = tpu.vector_load %arg7[%parallel_loop3A_851, %parallel_loop3A_852] {strides = array<i32>} : memref<16x768xf32, #tpu.memory_space<vmem>>, vector<1x16xf32>,
        %parallel_loop3A_854 = vector.shape_cast %parallel_loop3A_853 : vector<1x16xf32> to vector<16xf32>
        %parallel_loop3A_855 = vector.shape_cast %parallel_loop3A_840 : vector<16xf32> to vector<1x16xf32>
        tpu.vector_store %arg7[%parallel_loop3A_851, %parallel_loop3A_852], %parallel_loop3A_855 {add = true, strides = array<i32>} : memref<16x768xf32, #tpu.memory_space<vmem>>, vector<1x16xf32>,
        %parallel_loop3A_856 = arith.index_cast %parallel_loop3A_404 : i32 to index
        %parallel_loop3A_857 = arith.constant 288 : index
        %parallel_loop3A_858 = tpu.vector_load %arg8[%parallel_loop3A_856, %parallel_loop3A_857] {strides = array<i32>} : memref<16x768xf32, #tpu.memory_space<vmem>>, vector<1x16xf32>,
        %parallel_loop3A_859 = vector.shape_cast %parallel_loop3A_858 : vector<1x16xf32> to vector<16xf32>
        %parallel_loop3A_860 = vector.shape_cast %parallel_loop3A_840 : vector<16xf32> to vector<1x16xf32>
        tpu.vector_store %arg8[%parallel_loop3A_856, %parallel_loop3A_857], %parallel_loop3A_860 {add = true, strides = array<i32>} : memref<16x768xf32, #tpu.memory_space<vmem>>, vector<1x16xf32>,
        %parallel_loop3A_861 = arith.index_cast %parallel_loop3A_404 : i32 to index
        %parallel_loop3A_862 = arith.constant 304 : index
        %parallel_loop3A_863 = tpu.vector_load %arg13[%parallel_loop3A_861, %parallel_loop3A_862] {strides = array<i32>} : memref<16x768xf32, #tpu.memory_space<vmem>>, vector<1x16xf32>,
        %parallel_loop3A_864 = vector.shape_cast %parallel_loop3A_863 : vector<1x16xf32> to vector<16xf32>
        %parallel_loop3A_865 = arith.index_cast %parallel_loop3A_404 : i32 to index
        %parallel_loop3A_866 = arith.constant 304 : index
        %parallel_loop3A_867 = tpu.vector_load %arg5[%parallel_loop3A_865, %parallel_loop3A_866] {strides = array<i32>} : memref<16x768xf32, #tpu.memory_space<vmem>>, vector<1x16xf32>,
        %parallel_loop3A_868 = vector.shape_cast %parallel_loop3A_867 : vector<1x16xf32> to vector<16xf32>
        %parallel_loop3A_869 = vector.shape_cast %parallel_loop3A_864 : vector<16xf32> to vector<1x16xf32>
        tpu.vector_store %arg5[%parallel_loop3A_865, %parallel_loop3A_866], %parallel_loop3A_869 {add = true, strides = array<i32>} : memref<16x768xf32, #tpu.memory_space<vmem>>, vector<1x16xf32>,
        %parallel_loop3A_870 = arith.index_cast %parallel_loop3A_404 : i32 to index
        %parallel_loop3A_871 = arith.constant 304 : index
        %parallel_loop3A_872 = tpu.vector_load %arg6[%parallel_loop3A_870, %parallel_loop3A_871] {strides = array<i32>} : memref<16x768xf32, #tpu.memory_space<vmem>>, vector<1x16xf32>,
        %parallel_loop3A_873 = vector.shape_cast %parallel_loop3A_872 : vector<1x16xf32> to vector<16xf32>
        %parallel_loop3A_874 = vector.shape_cast %parallel_loop3A_864 : vector<16xf32> to vector<1x16xf32>
        tpu.vector_store %arg6[%parallel_loop3A_870, %parallel_loop3A_871], %parallel_loop3A_874 {add = true, strides = array<i32>} : memref<16x768xf32, #tpu.memory_space<vmem>>, vector<1x16xf32>,
        %parallel_loop3A_875 = arith.index_cast %parallel_loop3A_404 : i32 to index
        %parallel_loop3A_876 = arith.constant 304 : index
        %parallel_loop3A_877 = tpu.vector_load %arg7[%parallel_loop3A_875, %parallel_loop3A_876] {strides = array<i32>} : memref<16x768xf32, #tpu.memory_space<vmem>>, vector<1x16xf32>,
        %parallel_loop3A_878 = vector.shape_cast %parallel_loop3A_877 : vector<1x16xf32> to vector<16xf32>
        %parallel_loop3A_879 = vector.shape_cast %parallel_loop3A_864 : vector<16xf32> to vector<1x16xf32>
        tpu.vector_store %arg7[%parallel_loop3A_875, %parallel_loop3A_876], %parallel_loop3A_879 {add = true, strides = array<i32>} : memref<16x768xf32, #tpu.memory_space<vmem>>, vector<1x16xf32>,
        %parallel_loop3A_880 = arith.index_cast %parallel_loop3A_404 : i32 to index
        %parallel_loop3A_881 = arith.constant 304 : index
        %parallel_loop3A_882 = tpu.vector_load %arg8[%parallel_loop3A_880, %parallel_loop3A_881] {strides = array<i32>} : memref<16x768xf32, #tpu.memory_space<vmem>>, vector<1x16xf32>,
        %parallel_loop3A_883 = vector.shape_cast %parallel_loop3A_882 : vector<1x16xf32> to vector<16xf32>
        %parallel_loop3A_884 = vector.shape_cast %parallel_loop3A_864 : vector<16xf32> to vector<1x16xf32>
        tpu.vector_store %arg8[%parallel_loop3A_880, %parallel_loop3A_881], %parallel_loop3A_884 {add = true, strides = array<i32>} : memref<16x768xf32, #tpu.memory_space<vmem>>, vector<1x16xf32>,
        %parallel_loop3A_885 = arith.index_cast %parallel_loop3A_404 : i32 to index
        %parallel_loop3A_886 = arith.constant 320 : index
        %parallel_loop3A_887 = tpu.vector_load %arg13[%parallel_loop3A_885, %parallel_loop3A_886] {strides = array<i32>} : memref<16x768xf32, #tpu.memory_space<vmem>>, vector<1x16xf32>,
        %parallel_loop3A_888 = vector.shape_cast %parallel_loop3A_887 : vector<1x16xf32> to vector<16xf32>
        %parallel_loop3A_889 = arith.index_cast %parallel_loop3A_404 : i32 to index
        %parallel_loop3A_890 = arith.constant 320 : index
        %parallel_loop3A_891 = tpu.vector_load %arg5[%parallel_loop3A_889, %parallel_loop3A_890] {strides = array<i32>} : memref<16x768xf32, #tpu.memory_space<vmem>>, vector<1x16xf32>,
        %parallel_loop3A_892 = vector.shape_cast %parallel_loop3A_891 : vector<1x16xf32> to vector<16xf32>
        %parallel_loop3A_893 = vector.shape_cast %parallel_loop3A_888 : vector<16xf32> to vector<1x16xf32>
        tpu.vector_store %arg5[%parallel_loop3A_889, %parallel_loop3A_890], %parallel_loop3A_893 {add = true, strides = array<i32>} : memref<16x768xf32, #tpu.memory_space<vmem>>, vector<1x16xf32>,
        %parallel_loop3A_894 = arith.index_cast %parallel_loop3A_404 : i32 to index
        %parallel_loop3A_895 = arith.constant 320 : index
        %parallel_loop3A_896 = tpu.vector_load %arg6[%parallel_loop3A_894, %parallel_loop3A_895] {strides = array<i32>} : memref<16x768xf32, #tpu.memory_space<vmem>>, vector<1x16xf32>,
        %parallel_loop3A_897 = vector.shape_cast %parallel_loop3A_896 : vector<1x16xf32> to vector<16xf32>
        %parallel_loop3A_898 = vector.shape_cast %parallel_loop3A_888 : vector<16xf32> to vector<1x16xf32>
        tpu.vector_store %arg6[%parallel_loop3A_894, %parallel_loop3A_895], %parallel_loop3A_898 {add = true, strides = array<i32>} : memref<16x768xf32, #tpu.memory_space<vmem>>, vector<1x16xf32>,
        %parallel_loop3A_899 = arith.index_cast %parallel_loop3A_404 : i32 to index
        %parallel_loop3A_900 = arith.constant 320 : index
        %parallel_loop3A_901 = tpu.vector_load %arg7[%parallel_loop3A_899, %parallel_loop3A_900] {strides = array<i32>} : memref<16x768xf32, #tpu.memory_space<vmem>>, vector<1x16xf32>,
        %parallel_loop3A_902 = vector.shape_cast %parallel_loop3A_901 : vector<1x16xf32> to vector<16xf32>
        %parallel_loop3A_903 = vector.shape_cast %parallel_loop3A_888 : vector<16xf32> to vector<1x16xf32>
        tpu.vector_store %arg7[%parallel_loop3A_899, %parallel_loop3A_900], %parallel_loop3A_903 {add = true, strides = array<i32>} : memref<16x768xf32, #tpu.memory_space<vmem>>, vector<1x16xf32>,
        %parallel_loop3A_904 = arith.index_cast %parallel_loop3A_404 : i32 to index
        %parallel_loop3A_905 = arith.constant 320 : index
        %parallel_loop3A_906 = tpu.vector_load %arg8[%parallel_loop3A_904, %parallel_loop3A_905] {strides = array<i32>} : memref<16x768xf32, #tpu.memory_space<vmem>>, vector<1x16xf32>,
        %parallel_loop3A_907 = vector.shape_cast %parallel_loop3A_906 : vector<1x16xf32> to vector<16xf32>
        %parallel_loop3A_908 = vector.shape_cast %parallel_loop3A_888 : vector<16xf32> to vector<1x16xf32>
        tpu.vector_store %arg8[%parallel_loop3A_904, %parallel_loop3A_905], %parallel_loop3A_908 {add = true, strides = array<i32>} : memref<16x768xf32, #tpu.memory_space<vmem>>, vector<1x16xf32>,
        %parallel_loop3A_909 = arith.index_cast %parallel_loop3A_404 : i32 to index
        %parallel_loop3A_910 = arith.constant 336 : index
        %parallel_loop3A_911 = tpu.vector_load %arg13[%parallel_loop3A_909, %parallel_loop3A_910] {strides = array<i32>} : memref<16x768xf32, #tpu.memory_space<vmem>>, vector<1x16xf32>,
        %parallel_loop3A_912 = vector.shape_cast %parallel_loop3A_911 : vector<1x16xf32> to vector<16xf32>
        %parallel_loop3A_913 = arith.index_cast %parallel_loop3A_404 : i32 to index
        %parallel_loop3A_914 = arith.constant 336 : index
        %parallel_loop3A_915 = tpu.vector_load %arg5[%parallel_loop3A_913, %parallel_loop3A_914] {strides = array<i32>} : memref<16x768xf32, #tpu.memory_space<vmem>>, vector<1x16xf32>,
        %parallel_loop3A_916 = vector.shape_cast %parallel_loop3A_915 : vector<1x16xf32> to vector<16xf32>
        %parallel_loop3A_917 = vector.shape_cast %parallel_loop3A_912 : vector<16xf32> to vector<1x16xf32>
        tpu.vector_store %arg5[%parallel_loop3A_913, %parallel_loop3A_914], %parallel_loop3A_917 {add = true, strides = array<i32>} : memref<16x768xf32, #tpu.memory_space<vmem>>, vector<1x16xf32>,
        %parallel_loop3A_918 = arith.index_cast %parallel_loop3A_404 : i32 to index
        %parallel_loop3A_919 = arith.constant 336 : index
        %parallel_loop3A_920 = tpu.vector_load %arg6[%parallel_loop3A_918, %parallel_loop3A_919] {strides = array<i32>} : memref<16x768xf32, #tpu.memory_space<vmem>>, vector<1x16xf32>,
        %parallel_loop3A_921 = vector.shape_cast %parallel_loop3A_920 : vector<1x16xf32> to vector<16xf32>
        %parallel_loop3A_922 = vector.shape_cast %parallel_loop3A_912 : vector<16xf32> to vector<1x16xf32>
        tpu.vector_store %arg6[%parallel_loop3A_918, %parallel_loop3A_919], %parallel_loop3A_922 {add = true, strides = array<i32>} : memref<16x768xf32, #tpu.memory_space<vmem>>, vector<1x16xf32>,
        %parallel_loop3A_923 = arith.index_cast %parallel_loop3A_404 : i32 to index
        %parallel_loop3A_924 = arith.constant 336 : index
        %parallel_loop3A_925 = tpu.vector_load %arg7[%parallel_loop3A_923, %parallel_loop3A_924] {strides = array<i32>} : memref<16x768xf32, #tpu.memory_space<vmem>>, vector<1x16xf32>,
        %parallel_loop3A_926 = vector.shape_cast %parallel_loop3A_925 : vector<1x16xf32> to vector<16xf32>
        %parallel_loop3A_927 = vector.shape_cast %parallel_loop3A_912 : vector<16xf32> to vector<1x16xf32>
        tpu.vector_store %arg7[%parallel_loop3A_923, %parallel_loop3A_924], %parallel_loop3A_927 {add = true, strides = array<i32>} : memref<16x768xf32, #tpu.memory_space<vmem>>, vector<1x16xf32>,
        %parallel_loop3A_928 = arith.index_cast %parallel_loop3A_404 : i32 to index
        %parallel_loop3A_929 = arith.constant 336 : index
        %parallel_loop3A_930 = tpu.vector_load %arg8[%parallel_loop3A_928, %parallel_loop3A_929] {strides = array<i32>} : memref<16x768xf32, #tpu.memory_space<vmem>>, vector<1x16xf32>,
        %parallel_loop3A_931 = vector.shape_cast %parallel_loop3A_930 : vector<1x16xf32> to vector<16xf32>
        %parallel_loop3A_932 = vector.shape_cast %parallel_loop3A_912 : vector<16xf32> to vector<1x16xf32>
        tpu.vector_store %arg8[%parallel_loop3A_928, %parallel_loop3A_929], %parallel_loop3A_932 {add = true, strides = array<i32>} : memref<16x768xf32, #tpu.memory_space<vmem>>, vector<1x16xf32>,
        %parallel_loop3A_933 = arith.index_cast %parallel_loop3A_404 : i32 to index
        %parallel_loop3A_934 = arith.constant 352 : index
        %parallel_loop3A_935 = tpu.vector_load %arg13[%parallel_loop3A_933, %parallel_loop3A_934] {strides = array<i32>} : memref<16x768xf32, #tpu.memory_space<vmem>>, vector<1x16xf32>,
        %parallel_loop3A_936 = vector.shape_cast %parallel_loop3A_935 : vector<1x16xf32> to vector<16xf32>
        %parallel_loop3A_937 = arith.index_cast %parallel_loop3A_404 : i32 to index
        %parallel_loop3A_938 = arith.constant 352 : index
        %parallel_loop3A_939 = tpu.vector_load %arg5[%parallel_loop3A_937, %parallel_loop3A_938] {strides = array<i32>} : memref<16x768xf32, #tpu.memory_space<vmem>>, vector<1x16xf32>,
        %parallel_loop3A_940 = vector.shape_cast %parallel_loop3A_939 : vector<1x16xf32> to vector<16xf32>
        %parallel_loop3A_941 = vector.shape_cast %parallel_loop3A_936 : vector<16xf32> to vector<1x16xf32>
        tpu.vector_store %arg5[%parallel_loop3A_937, %parallel_loop3A_938], %parallel_loop3A_941 {add = true, strides = array<i32>} : memref<16x768xf32, #tpu.memory_space<vmem>>, vector<1x16xf32>,
        %parallel_loop3A_942 = arith.index_cast %parallel_loop3A_404 : i32 to index
        %parallel_loop3A_943 = arith.constant 352 : index
        %parallel_loop3A_944 = tpu.vector_load %arg6[%parallel_loop3A_942, %parallel_loop3A_943] {strides = array<i32>} : memref<16x768xf32, #tpu.memory_space<vmem>>, vector<1x16xf32>,
        %parallel_loop3A_945 = vector.shape_cast %parallel_loop3A_944 : vector<1x16xf32> to vector<16xf32>
        %parallel_loop3A_946 = vector.shape_cast %parallel_loop3A_936 : vector<16xf32> to vector<1x16xf32>
        tpu.vector_store %arg6[%parallel_loop3A_942, %parallel_loop3A_943], %parallel_loop3A_946 {add = true, strides = array<i32>} : memref<16x768xf32, #tpu.memory_space<vmem>>, vector<1x16xf32>,
        %parallel_loop3A_947 = arith.index_cast %parallel_loop3A_404 : i32 to index
        %parallel_loop3A_948 = arith.constant 352 : index
        %parallel_loop3A_949 = tpu.vector_load %arg7[%parallel_loop3A_947, %parallel_loop3A_948] {strides = array<i32>} : memref<16x768xf32, #tpu.memory_space<vmem>>, vector<1x16xf32>,
        %parallel_loop3A_950 = vector.shape_cast %parallel_loop3A_949 : vector<1x16xf32> to vector<16xf32>
        %parallel_loop3A_951 = vector.shape_cast %parallel_loop3A_936 : vector<16xf32> to vector<1x16xf32>
        tpu.vector_store %arg7[%parallel_loop3A_947, %parallel_loop3A_948], %parallel_loop3A_951 {add = true, strides = array<i32>} : memref<16x768xf32, #tpu.memory_space<vmem>>, vector<1x16xf32>,
        %parallel_loop3A_952 = arith.index_cast %parallel_loop3A_404 : i32 to index
        %parallel_loop3A_953 = arith.constant 352 : index
        %parallel_loop3A_954 = tpu.vector_load %arg8[%parallel_loop3A_952, %parallel_loop3A_953] {strides = array<i32>} : memref<16x768xf32, #tpu.memory_space<vmem>>, vector<1x16xf32>,
        %parallel_loop3A_955 = vector.shape_cast %parallel_loop3A_954 : vector<1x16xf32> to vector<16xf32>
        %parallel_loop3A_956 = vector.shape_cast %parallel_loop3A_936 : vector<16xf32> to vector<1x16xf32>
        tpu.vector_store %arg8[%parallel_loop3A_952, %parallel_loop3A_953], %parallel_loop3A_956 {add = true, strides = array<i32>} : memref<16x768xf32, #tpu.memory_space<vmem>>, vector<1x16xf32>,
        %parallel_loop3A_957 = arith.index_cast %parallel_loop3A_404 : i32 to index
        %parallel_loop3A_958 = arith.constant 368 : index
        %parallel_loop3A_959 = tpu.vector_load %arg13[%parallel_loop3A_957, %parallel_loop3A_958] {strides = array<i32>} : memref<16x768xf32, #tpu.memory_space<vmem>>, vector<1x16xf32>,
        %parallel_loop3A_960 = vector.shape_cast %parallel_loop3A_959 : vector<1x16xf32> to vector<16xf32>
        %parallel_loop3A_961 = arith.index_cast %parallel_loop3A_404 : i32 to index
        %parallel_loop3A_962 = arith.constant 368 : index
        %parallel_loop3A_963 = tpu.vector_load %arg5[%parallel_loop3A_961, %parallel_loop3A_962] {strides = array<i32>} : memref<16x768xf32, #tpu.memory_space<vmem>>, vector<1x16xf32>,
        %parallel_loop3A_964 = vector.shape_cast %parallel_loop3A_963 : vector<1x16xf32> to vector<16xf32>
        %parallel_loop3A_965 = vector.shape_cast %parallel_loop3A_960 : vector<16xf32> to vector<1x16xf32>
        tpu.vector_store %arg5[%parallel_loop3A_961, %parallel_loop3A_962], %parallel_loop3A_965 {add = true, strides = array<i32>} : memref<16x768xf32, #tpu.memory_space<vmem>>, vector<1x16xf32>,
        %parallel_loop3A_966 = arith.index_cast %parallel_loop3A_404 : i32 to index
        %parallel_loop3A_967 = arith.constant 368 : index
        %parallel_loop3A_968 = tpu.vector_load %arg6[%parallel_loop3A_966, %parallel_loop3A_967] {strides = array<i32>} : memref<16x768xf32, #tpu.memory_space<vmem>>, vector<1x16xf32>,
        %parallel_loop3A_969 = vector.shape_cast %parallel_loop3A_968 : vector<1x16xf32> to vector<16xf32>
        %parallel_loop3A_970 = vector.shape_cast %parallel_loop3A_960 : vector<16xf32> to vector<1x16xf32>
        tpu.vector_store %arg6[%parallel_loop3A_966, %parallel_loop3A_967], %parallel_loop3A_970 {add = true, strides = array<i32>} : memref<16x768xf32, #tpu.memory_space<vmem>>, vector<1x16xf32>,
        %parallel_loop3A_971 = arith.index_cast %parallel_loop3A_404 : i32 to index
        %parallel_loop3A_972 = arith.constant 368 : index
        %parallel_loop3A_973 = tpu.vector_load %arg7[%parallel_loop3A_971, %parallel_loop3A_972] {strides = array<i32>} : memref<16x768xf32, #tpu.memory_space<vmem>>, vector<1x16xf32>,
        %parallel_loop3A_974 = vector.shape_cast %parallel_loop3A_973 : vector<1x16xf32> to vector<16xf32>
        %parallel_loop3A_975 = vector.shape_cast %parallel_loop3A_960 : vector<16xf32> to vector<1x16xf32>
        tpu.vector_store %arg7[%parallel_loop3A_971, %parallel_loop3A_972], %parallel_loop3A_975 {add = true, strides = array<i32>} : memref<16x768xf32, #tpu.memory_space<vmem>>, vector<1x16xf32>,
        %parallel_loop3A_976 = arith.index_cast %parallel_loop3A_404 : i32 to index
        %parallel_loop3A_977 = arith.constant 368 : index
        %parallel_loop3A_978 = tpu.vector_load %arg8[%parallel_loop3A_976, %parallel_loop3A_977] {strides = array<i32>} : memref<16x768xf32, #tpu.memory_space<vmem>>, vector<1x16xf32>,
        %parallel_loop3A_979 = vector.shape_cast %parallel_loop3A_978 : vector<1x16xf32> to vector<16xf32>
        %parallel_loop3A_980 = vector.shape_cast %parallel_loop3A_960 : vector<16xf32> to vector<1x16xf32>
        tpu.vector_store %arg8[%parallel_loop3A_976, %parallel_loop3A_977], %parallel_loop3A_980 {add = true, strides = array<i32>} : memref<16x768xf32, #tpu.memory_space<vmem>>, vector<1x16xf32>,
        %parallel_loop3A_981 = arith.index_cast %parallel_loop3A_404 : i32 to index
        %parallel_loop3A_982 = arith.constant 384 : index
        %parallel_loop3A_983 = tpu.vector_load %arg13[%parallel_loop3A_981, %parallel_loop3A_982] {strides = array<i32>} : memref<16x768xf32, #tpu.memory_space<vmem>>, vector<1x16xf32>,
        %parallel_loop3A_984 = vector.shape_cast %parallel_loop3A_983 : vector<1x16xf32> to vector<16xf32>
        %parallel_loop3A_985 = arith.index_cast %parallel_loop3A_404 : i32 to index
        %parallel_loop3A_986 = arith.constant 384 : index
        %parallel_loop3A_987 = tpu.vector_load %arg5[%parallel_loop3A_985, %parallel_loop3A_986] {strides = array<i32>} : memref<16x768xf32, #tpu.memory_space<vmem>>, vector<1x16xf32>,
        %parallel_loop3A_988 = vector.shape_cast %parallel_loop3A_987 : vector<1x16xf32> to vector<16xf32>
        %parallel_loop3A_989 = vector.shape_cast %parallel_loop3A_984 : vector<16xf32> to vector<1x16xf32>
        tpu.vector_store %arg5[%parallel_loop3A_985, %parallel_loop3A_986], %parallel_loop3A_989 {add = true, strides = array<i32>} : memref<16x768xf32, #tpu.memory_space<vmem>>, vector<1x16xf32>,
        %parallel_loop3A_990 = arith.index_cast %parallel_loop3A_404 : i32 to index
        %parallel_loop3A_991 = arith.constant 384 : index
        %parallel_loop3A_992 = tpu.vector_load %arg6[%parallel_loop3A_990, %parallel_loop3A_991] {strides = array<i32>} : memref<16x768xf32, #tpu.memory_space<vmem>>, vector<1x16xf32>,
        %parallel_loop3A_993 = vector.shape_cast %parallel_loop3A_992 : vector<1x16xf32> to vector<16xf32>
        %parallel_loop3A_994 = vector.shape_cast %parallel_loop3A_984 : vector<16xf32> to vector<1x16xf32>
        tpu.vector_store %arg6[%parallel_loop3A_990, %parallel_loop3A_991], %parallel_loop3A_994 {add = true, strides = array<i32>} : memref<16x768xf32, #tpu.memory_space<vmem>>, vector<1x16xf32>,
        %parallel_loop3A_995 = arith.index_cast %parallel_loop3A_404 : i32 to index
        %parallel_loop3A_996 = arith.constant 384 : index
        %parallel_loop3A_997 = tpu.vector_load %arg7[%parallel_loop3A_995, %parallel_loop3A_996] {strides = array<i32>} : memref<16x768xf32, #tpu.memory_space<vmem>>, vector<1x16xf32>,
        %parallel_loop3A_998 = vector.shape_cast %parallel_loop3A_997 : vector<1x16xf32> to vector<16xf32>
        %parallel_loop3A_999 = vector.shape_cast %parallel_loop3A_984 : vector<16xf32> to vector<1x16xf32>
        tpu.vector_store %arg7[%parallel_loop3A_995, %parallel_loop3A_996], %parallel_loop3A_999 {add = true, strides = array<i32>} : memref<16x768xf32, #tpu.memory_space<vmem>>, vector<1x16xf32>,
        %parallel_loop3A_1000 = arith.index_cast %parallel_loop3A_404 : i32 to index
        %parallel_loop3A_1001 = arith.constant 384 : index
        %parallel_loop3A_1002 = tpu.vector_load %arg8[%parallel_loop3A_1000, %parallel_loop3A_1001] {strides = array<i32>} : memref<16x768xf32, #tpu.memory_space<vmem>>, vector<1x16xf32>,
        %parallel_loop3A_1003 = vector.shape_cast %parallel_loop3A_1002 : vector<1x16xf32> to vector<16xf32>
        %parallel_loop3A_1004 = vector.shape_cast %parallel_loop3A_984 : vector<16xf32> to vector<1x16xf32>
        tpu.vector_store %arg8[%parallel_loop3A_1000, %parallel_loop3A_1001], %parallel_loop3A_1004 {add = true, strides = array<i32>} : memref<16x768xf32, #tpu.memory_space<vmem>>, vector<1x16xf32>,
        %parallel_loop3A_1005 = arith.index_cast %parallel_loop3A_404 : i32 to index
        %parallel_loop3A_1006 = arith.constant 400 : index
        %parallel_loop3A_1007 = tpu.vector_load %arg13[%parallel_loop3A_1005, %parallel_loop3A_1006] {strides = array<i32>} : memref<16x768xf32, #tpu.memory_space<vmem>>, vector<1x16xf32>,
        %parallel_loop3A_1008 = vector.shape_cast %parallel_loop3A_1007 : vector<1x16xf32> to vector<16xf32>
        %parallel_loop3A_1009 = arith.index_cast %parallel_loop3A_404 : i32 to index
        %parallel_loop3A_1010 = arith.constant 400 : index
        %parallel_loop3A_1011 = tpu.vector_load %arg5[%parallel_loop3A_1009, %parallel_loop3A_1010] {strides = array<i32>} : memref<16x768xf32, #tpu.memory_space<vmem>>, vector<1x16xf32>,
        %parallel_loop3A_1012 = vector.shape_cast %parallel_loop3A_1011 : vector<1x16xf32> to vector<16xf32>
        %parallel_loop3A_1013 = vector.shape_cast %parallel_loop3A_1008 : vector<16xf32> to vector<1x16xf32>
        tpu.vector_store %arg5[%parallel_loop3A_1009, %parallel_loop3A_1010], %parallel_loop3A_1013 {add = true, strides = array<i32>} : memref<16x768xf32, #tpu.memory_space<vmem>>, vector<1x16xf32>,
        %parallel_loop3A_1014 = arith.index_cast %parallel_loop3A_404 : i32 to index
        %parallel_loop3A_1015 = arith.constant 400 : index
        %parallel_loop3A_1016 = tpu.vector_load %arg6[%parallel_loop3A_1014, %parallel_loop3A_1015] {strides = array<i32>} : memref<16x768xf32, #tpu.memory_space<vmem>>, vector<1x16xf32>,
        %parallel_loop3A_1017 = vector.shape_cast %parallel_loop3A_1016 : vector<1x16xf32> to vector<16xf32>
        %parallel_loop3A_1018 = vector.shape_cast %parallel_loop3A_1008 : vector<16xf32> to vector<1x16xf32>
        tpu.vector_store %arg6[%parallel_loop3A_1014, %parallel_loop3A_1015], %parallel_loop3A_1018 {add = true, strides = array<i32>} : memref<16x768xf32, #tpu.memory_space<vmem>>, vector<1x16xf32>,
        %parallel_loop3A_1019 = arith.index_cast %parallel_loop3A_404 : i32 to index
        %parallel_loop3A_1020 = arith.constant 400 : index
        %parallel_loop3A_1021 = tpu.vector_load %arg7[%parallel_loop3A_1019, %parallel_loop3A_1020] {strides = array<i32>} : memref<16x768xf32, #tpu.memory_space<vmem>>, vector<1x16xf32>,
        %parallel_loop3A_1022 = vector.shape_cast %parallel_loop3A_1021 : vector<1x16xf32> to vector<16xf32>
        %parallel_loop3A_1023 = vector.shape_cast %parallel_loop3A_1008 : vector<16xf32> to vector<1x16xf32>
        tpu.vector_store %arg7[%parallel_loop3A_1019, %parallel_loop3A_1020], %parallel_loop3A_1023 {add = true, strides = array<i32>} : memref<16x768xf32, #tpu.memory_space<vmem>>, vector<1x16xf32>,
        %parallel_loop3A_1024 = arith.index_cast %parallel_loop3A_404 : i32 to index
        %parallel_loop3A_1025 = arith.constant 400 : index
        %parallel_loop3A_1026 = tpu.vector_load %arg8[%parallel_loop3A_1024, %parallel_loop3A_1025] {strides = array<i32>} : memref<16x768xf32, #tpu.memory_space<vmem>>, vector<1x16xf32>,
        %parallel_loop3A_1027 = vector.shape_cast %parallel_loop3A_1026 : vector<1x16xf32> to vector<16xf32>
        %parallel_loop3A_1028 = vector.shape_cast %parallel_loop3A_1008 : vector<16xf32> to vector<1x16xf32>
        tpu.vector_store %arg8[%parallel_loop3A_1024, %parallel_loop3A_1025], %parallel_loop3A_1028 {add = true, strides = array<i32>} : memref<16x768xf32, #tpu.memory_space<vmem>>, vector<1x16xf32>,
        %parallel_loop3A_1029 = arith.index_cast %parallel_loop3A_404 : i32 to index
        %parallel_loop3A_1030 = arith.constant 416 : index
        %parallel_loop3A_1031 = tpu.vector_load %arg13[%parallel_loop3A_1029, %parallel_loop3A_1030] {strides = array<i32>} : memref<16x768xf32, #tpu.memory_space<vmem>>, vector<1x16xf32>,
        %parallel_loop3A_1032 = vector.shape_cast %parallel_loop3A_1031 : vector<1x16xf32> to vector<16xf32>
        %parallel_loop3A_1033 = arith.index_cast %parallel_loop3A_404 : i32 to index
        %parallel_loop3A_1034 = arith.constant 416 : index
        %parallel_loop3A_1035 = tpu.vector_load %arg5[%parallel_loop3A_1033, %parallel_loop3A_1034] {strides = array<i32>} : memref<16x768xf32, #tpu.memory_space<vmem>>, vector<1x16xf32>,
        %parallel_loop3A_1036 = vector.shape_cast %parallel_loop3A_1035 : vector<1x16xf32> to vector<16xf32>
        %parallel_loop3A_1037 = vector.shape_cast %parallel_loop3A_1032 : vector<16xf32> to vector<1x16xf32>
        tpu.vector_store %arg5[%parallel_loop3A_1033, %parallel_loop3A_1034], %parallel_loop3A_1037 {add = true, strides = array<i32>} : memref<16x768xf32, #tpu.memory_space<vmem>>, vector<1x16xf32>,
        %parallel_loop3A_1038 = arith.index_cast %parallel_loop3A_404 : i32 to index
        %parallel_loop3A_1039 = arith.constant 416 : index
        %parallel_loop3A_1040 = tpu.vector_load %arg6[%parallel_loop3A_1038, %parallel_loop3A_1039] {strides = array<i32>} : memref<16x768xf32, #tpu.memory_space<vmem>>, vector<1x16xf32>,
        %parallel_loop3A_1041 = vector.shape_cast %parallel_loop3A_1040 : vector<1x16xf32> to vector<16xf32>
        %parallel_loop3A_1042 = vector.shape_cast %parallel_loop3A_1032 : vector<16xf32> to vector<1x16xf32>
        tpu.vector_store %arg6[%parallel_loop3A_1038, %parallel_loop3A_1039], %parallel_loop3A_1042 {add = true, strides = array<i32>} : memref<16x768xf32, #tpu.memory_space<vmem>>, vector<1x16xf32>,
        %parallel_loop3A_1043 = arith.index_cast %parallel_loop3A_404 : i32 to index
        %parallel_loop3A_1044 = arith.constant 416 : index
        %parallel_loop3A_1045 = tpu.vector_load %arg7[%parallel_loop3A_1043, %parallel_loop3A_1044] {strides = array<i32>} : memref<16x768xf32, #tpu.memory_space<vmem>>, vector<1x16xf32>,
        %parallel_loop3A_1046 = vector.shape_cast %parallel_loop3A_1045 : vector<1x16xf32> to vector<16xf32>
        %parallel_loop3A_1047 = vector.shape_cast %parallel_loop3A_1032 : vector<16xf32> to vector<1x16xf32>
        tpu.vector_store %arg7[%parallel_loop3A_1043, %parallel_loop3A_1044], %parallel_loop3A_1047 {add = true, strides = array<i32>} : memref<16x768xf32, #tpu.memory_space<vmem>>, vector<1x16xf32>,
        %parallel_loop3A_1048 = arith.index_cast %parallel_loop3A_404 : i32 to index
        %parallel_loop3A_1049 = arith.constant 416 : index
        %parallel_loop3A_1050 = tpu.vector_load %arg8[%parallel_loop3A_1048, %parallel_loop3A_1049] {strides = array<i32>} : memref<16x768xf32, #tpu.memory_space<vmem>>, vector<1x16xf32>,
        %parallel_loop3A_1051 = vector.shape_cast %parallel_loop3A_1050 : vector<1x16xf32> to vector<16xf32>
        %parallel_loop3A_1052 = vector.shape_cast %parallel_loop3A_1032 : vector<16xf32> to vector<1x16xf32>
        tpu.vector_store %arg8[%parallel_loop3A_1048, %parallel_loop3A_1049], %parallel_loop3A_1052 {add = true, strides = array<i32>} : memref<16x768xf32, #tpu.memory_space<vmem>>, vector<1x16xf32>,
        %parallel_loop3A_1053 = arith.index_cast %parallel_loop3A_404 : i32 to index
        %parallel_loop3A_1054 = arith.constant 432 : index
        %parallel_loop3A_1055 = tpu.vector_load %arg13[%parallel_loop3A_1053, %parallel_loop3A_1054] {strides = array<i32>} : memref<16x768xf32, #tpu.memory_space<vmem>>, vector<1x16xf32>,
        %parallel_loop3A_1056 = vector.shape_cast %parallel_loop3A_1055 : vector<1x16xf32> to vector<16xf32>
        %parallel_loop3A_1057 = arith.index_cast %parallel_loop3A_404 : i32 to index
        %parallel_loop3A_1058 = arith.constant 432 : index
        %parallel_loop3A_1059 = tpu.vector_load %arg5[%parallel_loop3A_1057, %parallel_loop3A_1058] {strides = array<i32>} : memref<16x768xf32, #tpu.memory_space<vmem>>, vector<1x16xf32>,
        %parallel_loop3A_1060 = vector.shape_cast %parallel_loop3A_1059 : vector<1x16xf32> to vector<16xf32>
        %parallel_loop3A_1061 = vector.shape_cast %parallel_loop3A_1056 : vector<16xf32> to vector<1x16xf32>
        tpu.vector_store %arg5[%parallel_loop3A_1057, %parallel_loop3A_1058], %parallel_loop3A_1061 {add = true, strides = array<i32>} : memref<16x768xf32, #tpu.memory_space<vmem>>, vector<1x16xf32>,
        %parallel_loop3A_1062 = arith.index_cast %parallel_loop3A_404 : i32 to index
        %parallel_loop3A_1063 = arith.constant 432 : index
        %parallel_loop3A_1064 = tpu.vector_load %arg6[%parallel_loop3A_1062, %parallel_loop3A_1063] {strides = array<i32>} : memref<16x768xf32, #tpu.memory_space<vmem>>, vector<1x16xf32>,
        %parallel_loop3A_1065 = vector.shape_cast %parallel_loop3A_1064 : vector<1x16xf32> to vector<16xf32>
        %parallel_loop3A_1066 = vector.shape_cast %parallel_loop3A_1056 : vector<16xf32> to vector<1x16xf32>
        tpu.vector_store %arg6[%parallel_loop3A_1062, %parallel_loop3A_1063], %parallel_loop3A_1066 {add = true, strides = array<i32>} : memref<16x768xf32, #tpu.memory_space<vmem>>, vector<1x16xf32>,
        %parallel_loop3A_1067 = arith.index_cast %parallel_loop3A_404 : i32 to index
        %parallel_loop3A_1068 = arith.constant 432 : index
        %parallel_loop3A_1069 = tpu.vector_load %arg7[%parallel_loop3A_1067, %parallel_loop3A_1068] {strides = array<i32>} : memref<16x768xf32, #tpu.memory_space<vmem>>, vector<1x16xf32>,
        %parallel_loop3A_1070 = vector.shape_cast %parallel_loop3A_1069 : vector<1x16xf32> to vector<16xf32>
        %parallel_loop3A_1071 = vector.shape_cast %parallel_loop3A_1056 : vector<16xf32> to vector<1x16xf32>
        tpu.vector_store %arg7[%parallel_loop3A_1067, %parallel_loop3A_1068], %parallel_loop3A_1071 {add = true, strides = array<i32>} : memref<16x768xf32, #tpu.memory_space<vmem>>, vector<1x16xf32>,
        %parallel_loop3A_1072 = arith.index_cast %parallel_loop3A_404 : i32 to index
        %parallel_loop3A_1073 = arith.constant 432 : index
        %parallel_loop3A_1074 = tpu.vector_load %arg8[%parallel_loop3A_1072, %parallel_loop3A_1073] {strides = array<i32>} : memref<16x768xf32, #tpu.memory_space<vmem>>, vector<1x16xf32>,
        %parallel_loop3A_1075 = vector.shape_cast %parallel_loop3A_1074 : vector<1x16xf32> to vector<16xf32>
        %parallel_loop3A_1076 = vector.shape_cast %parallel_loop3A_1056 : vector<16xf32> to vector<1x16xf32>
        tpu.vector_store %arg8[%parallel_loop3A_1072, %parallel_loop3A_1073], %parallel_loop3A_1076 {add = true, strides = array<i32>} : memref<16x768xf32, #tpu.memory_space<vmem>>, vector<1x16xf32>,
        %parallel_loop3A_1077 = arith.index_cast %parallel_loop3A_404 : i32 to index
        %parallel_loop3A_1078 = arith.constant 448 : index
        %parallel_loop3A_1079 = tpu.vector_load %arg13[%parallel_loop3A_1077, %parallel_loop3A_1078] {strides = array<i32>} : memref<16x768xf32, #tpu.memory_space<vmem>>, vector<1x16xf32>,
        %parallel_loop3A_1080 = vector.shape_cast %parallel_loop3A_1079 : vector<1x16xf32> to vector<16xf32>
        %parallel_loop3A_1081 = arith.index_cast %parallel_loop3A_404 : i32 to index
        %parallel_loop3A_1082 = arith.constant 448 : index
        %parallel_loop3A_1083 = tpu.vector_load %arg5[%parallel_loop3A_1081, %parallel_loop3A_1082] {strides = array<i32>} : memref<16x768xf32, #tpu.memory_space<vmem>>, vector<1x16xf32>,
        %parallel_loop3A_1084 = vector.shape_cast %parallel_loop3A_1083 : vector<1x16xf32> to vector<16xf32>
        %parallel_loop3A_1085 = vector.shape_cast %parallel_loop3A_1080 : vector<16xf32> to vector<1x16xf32>
        tpu.vector_store %arg5[%parallel_loop3A_1081, %parallel_loop3A_1082], %parallel_loop3A_1085 {add = true, strides = array<i32>} : memref<16x768xf32, #tpu.memory_space<vmem>>, vector<1x16xf32>,
        %parallel_loop3A_1086 = arith.index_cast %parallel_loop3A_404 : i32 to index
        %parallel_loop3A_1087 = arith.constant 448 : index
        %parallel_loop3A_1088 = tpu.vector_load %arg6[%parallel_loop3A_1086, %parallel_loop3A_1087] {strides = array<i32>} : memref<16x768xf32, #tpu.memory_space<vmem>>, vector<1x16xf32>,
        %parallel_loop3A_1089 = vector.shape_cast %parallel_loop3A_1088 : vector<1x16xf32> to vector<16xf32>
        %parallel_loop3A_1090 = vector.shape_cast %parallel_loop3A_1080 : vector<16xf32> to vector<1x16xf32>
        tpu.vector_store %arg6[%parallel_loop3A_1086, %parallel_loop3A_1087], %parallel_loop3A_1090 {add = true, strides = array<i32>} : memref<16x768xf32, #tpu.memory_space<vmem>>, vector<1x16xf32>,
        %parallel_loop3A_1091 = arith.index_cast %parallel_loop3A_404 : i32 to index
        %parallel_loop3A_1092 = arith.constant 448 : index
        %parallel_loop3A_1093 = tpu.vector_load %arg7[%parallel_loop3A_1091, %parallel_loop3A_1092] {strides = array<i32>} : memref<16x768xf32, #tpu.memory_space<vmem>>, vector<1x16xf32>,
        %parallel_loop3A_1094 = vector.shape_cast %parallel_loop3A_1093 : vector<1x16xf32> to vector<16xf32>
        %parallel_loop3A_1095 = vector.shape_cast %parallel_loop3A_1080 : vector<16xf32> to vector<1x16xf32>
        tpu.vector_store %arg7[%parallel_loop3A_1091, %parallel_loop3A_1092], %parallel_loop3A_1095 {add = true, strides = array<i32>} : memref<16x768xf32, #tpu.memory_space<vmem>>, vector<1x16xf32>,
        %parallel_loop3A_1096 = arith.index_cast %parallel_loop3A_404 : i32 to index
        %parallel_loop3A_1097 = arith.constant 448 : index
        %parallel_loop3A_1098 = tpu.vector_load %arg8[%parallel_loop3A_1096, %parallel_loop3A_1097] {strides = array<i32>} : memref<16x768xf32, #tpu.memory_space<vmem>>, vector<1x16xf32>,
        %parallel_loop3A_1099 = vector.shape_cast %parallel_loop3A_1098 : vector<1x16xf32> to vector<16xf32>
        %parallel_loop3A_1100 = vector.shape_cast %parallel_loop3A_1080 : vector<16xf32> to vector<1x16xf32>
        tpu.vector_store %arg8[%parallel_loop3A_1096, %parallel_loop3A_1097], %parallel_loop3A_1100 {add = true, strides = array<i32>} : memref<16x768xf32, #tpu.memory_space<vmem>>, vector<1x16xf32>,
        %parallel_loop3A_1101 = arith.index_cast %parallel_loop3A_404 : i32 to index
        %parallel_loop3A_1102 = arith.constant 464 : index
        %parallel_loop3A_1103 = tpu.vector_load %arg13[%parallel_loop3A_1101, %parallel_loop3A_1102] {strides = array<i32>} : memref<16x768xf32, #tpu.memory_space<vmem>>, vector<1x16xf32>,
        %parallel_loop3A_1104 = vector.shape_cast %parallel_loop3A_1103 : vector<1x16xf32> to vector<16xf32>
        %parallel_loop3A_1105 = arith.index_cast %parallel_loop3A_404 : i32 to index
        %parallel_loop3A_1106 = arith.constant 464 : index
        %parallel_loop3A_1107 = tpu.vector_load %arg5[%parallel_loop3A_1105, %parallel_loop3A_1106] {strides = array<i32>} : memref<16x768xf32, #tpu.memory_space<vmem>>, vector<1x16xf32>,
        %parallel_loop3A_1108 = vector.shape_cast %parallel_loop3A_1107 : vector<1x16xf32> to vector<16xf32>
        %parallel_loop3A_1109 = vector.shape_cast %parallel_loop3A_1104 : vector<16xf32> to vector<1x16xf32>
        tpu.vector_store %arg5[%parallel_loop3A_1105, %parallel_loop3A_1106], %parallel_loop3A_1109 {add = true, strides = array<i32>} : memref<16x768xf32, #tpu.memory_space<vmem>>, vector<1x16xf32>,
        %parallel_loop3A_1110 = arith.index_cast %parallel_loop3A_404 : i32 to index
        %parallel_loop3A_1111 = arith.constant 464 : index
        %parallel_loop3A_1112 = tpu.vector_load %arg6[%parallel_loop3A_1110, %parallel_loop3A_1111] {strides = array<i32>} : memref<16x768xf32, #tpu.memory_space<vmem>>, vector<1x16xf32>,
        %parallel_loop3A_1113 = vector.shape_cast %parallel_loop3A_1112 : vector<1x16xf32> to vector<16xf32>
        %parallel_loop3A_1114 = vector.shape_cast %parallel_loop3A_1104 : vector<16xf32> to vector<1x16xf32>
        tpu.vector_store %arg6[%parallel_loop3A_1110, %parallel_loop3A_1111], %parallel_loop3A_1114 {add = true, strides = array<i32>} : memref<16x768xf32, #tpu.memory_space<vmem>>, vector<1x16xf32>,
        %parallel_loop3A_1115 = arith.index_cast %parallel_loop3A_404 : i32 to index
        %parallel_loop3A_1116 = arith.constant 464 : index
        %parallel_loop3A_1117 = tpu.vector_load %arg7[%parallel_loop3A_1115, %parallel_loop3A_1116] {strides = array<i32>} : memref<16x768xf32, #tpu.memory_space<vmem>>, vector<1x16xf32>,
        %parallel_loop3A_1118 = vector.shape_cast %parallel_loop3A_1117 : vector<1x16xf32> to vector<16xf32>
        %parallel_loop3A_1119 = vector.shape_cast %parallel_loop3A_1104 : vector<16xf32> to vector<1x16xf32>
        tpu.vector_store %arg7[%parallel_loop3A_1115, %parallel_loop3A_1116], %parallel_loop3A_1119 {add = true, strides = array<i32>} : memref<16x768xf32, #tpu.memory_space<vmem>>, vector<1x16xf32>,
        %parallel_loop3A_1120 = arith.index_cast %parallel_loop3A_404 : i32 to index
        %parallel_loop3A_1121 = arith.constant 464 : index
        %parallel_loop3A_1122 = tpu.vector_load %arg8[%parallel_loop3A_1120, %parallel_loop3A_1121] {strides = array<i32>} : memref<16x768xf32, #tpu.memory_space<vmem>>, vector<1x16xf32>,
        %parallel_loop3A_1123 = vector.shape_cast %parallel_loop3A_1122 : vector<1x16xf32> to vector<16xf32>
        %parallel_loop3A_1124 = vector.shape_cast %parallel_loop3A_1104 : vector<16xf32> to vector<1x16xf32>
        tpu.vector_store %arg8[%parallel_loop3A_1120, %parallel_loop3A_1121], %parallel_loop3A_1124 {add = true, strides = array<i32>} : memref<16x768xf32, #tpu.memory_space<vmem>>, vector<1x16xf32>,
        %parallel_loop3A_1125 = arith.index_cast %parallel_loop3A_404 : i32 to index
        %parallel_loop3A_1126 = arith.constant 480 : index
        %parallel_loop3A_1127 = tpu.vector_load %arg13[%parallel_loop3A_1125, %parallel_loop3A_1126] {strides = array<i32>} : memref<16x768xf32, #tpu.memory_space<vmem>>, vector<1x16xf32>,
        %parallel_loop3A_1128 = vector.shape_cast %parallel_loop3A_1127 : vector<1x16xf32> to vector<16xf32>
        %parallel_loop3A_1129 = arith.index_cast %parallel_loop3A_404 : i32 to index
        %parallel_loop3A_1130 = arith.constant 480 : index
        %parallel_loop3A_1131 = tpu.vector_load %arg5[%parallel_loop3A_1129, %parallel_loop3A_1130] {strides = array<i32>} : memref<16x768xf32, #tpu.memory_space<vmem>>, vector<1x16xf32>,
        %parallel_loop3A_1132 = vector.shape_cast %parallel_loop3A_1131 : vector<1x16xf32> to vector<16xf32>
        %parallel_loop3A_1133 = vector.shape_cast %parallel_loop3A_1128 : vector<16xf32> to vector<1x16xf32>
        tpu.vector_store %arg5[%parallel_loop3A_1129, %parallel_loop3A_1130], %parallel_loop3A_1133 {add = true, strides = array<i32>} : memref<16x768xf32, #tpu.memory_space<vmem>>, vector<1x16xf32>,
        %parallel_loop3A_1134 = arith.index_cast %parallel_loop3A_404 : i32 to index
        %parallel_loop3A_1135 = arith.constant 480 : index
        %parallel_loop3A_1136 = tpu.vector_load %arg6[%parallel_loop3A_1134, %parallel_loop3A_1135] {strides = array<i32>} : memref<16x768xf32, #tpu.memory_space<vmem>>, vector<1x16xf32>,
        %parallel_loop3A_1137 = vector.shape_cast %parallel_loop3A_1136 : vector<1x16xf32> to vector<16xf32>
        %parallel_loop3A_1138 = vector.shape_cast %parallel_loop3A_1128 : vector<16xf32> to vector<1x16xf32>
        tpu.vector_store %arg6[%parallel_loop3A_1134, %parallel_loop3A_1135], %parallel_loop3A_1138 {add = true, strides = array<i32>} : memref<16x768xf32, #tpu.memory_space<vmem>>, vector<1x16xf32>,
        %parallel_loop3A_1139 = arith.index_cast %parallel_loop3A_404 : i32 to index
        %parallel_loop3A_1140 = arith.constant 480 : index
        %parallel_loop3A_1141 = tpu.vector_load %arg7[%parallel_loop3A_1139, %parallel_loop3A_1140] {strides = array<i32>} : memref<16x768xf32, #tpu.memory_space<vmem>>, vector<1x16xf32>,
        %parallel_loop3A_1142 = vector.shape_cast %parallel_loop3A_1141 : vector<1x16xf32> to vector<16xf32>
        %parallel_loop3A_1143 = vector.shape_cast %parallel_loop3A_1128 : vector<16xf32> to vector<1x16xf32>
        tpu.vector_store %arg7[%parallel_loop3A_1139, %parallel_loop3A_1140], %parallel_loop3A_1143 {add = true, strides = array<i32>} : memref<16x768xf32, #tpu.memory_space<vmem>>, vector<1x16xf32>,
        %parallel_loop3A_1144 = arith.index_cast %parallel_loop3A_404 : i32 to index
        %parallel_loop3A_1145 = arith.constant 480 : index
        %parallel_loop3A_1146 = tpu.vector_load %arg8[%parallel_loop3A_1144, %parallel_loop3A_1145] {strides = array<i32>} : memref<16x768xf32, #tpu.memory_space<vmem>>, vector<1x16xf32>,
        %parallel_loop3A_1147 = vector.shape_cast %parallel_loop3A_1146 : vector<1x16xf32> to vector<16xf32>
        %parallel_loop3A_1148 = vector.shape_cast %parallel_loop3A_1128 : vector<16xf32> to vector<1x16xf32>
        tpu.vector_store %arg8[%parallel_loop3A_1144, %parallel_loop3A_1145], %parallel_loop3A_1148 {add = true, strides = array<i32>} : memref<16x768xf32, #tpu.memory_space<vmem>>, vector<1x16xf32>,
        %parallel_loop3A_1149 = arith.index_cast %parallel_loop3A_404 : i32 to index
        %parallel_loop3A_1150 = arith.constant 496 : index
        %parallel_loop3A_1151 = tpu.vector_load %arg13[%parallel_loop3A_1149, %parallel_loop3A_1150] {strides = array<i32>} : memref<16x768xf32, #tpu.memory_space<vmem>>, vector<1x16xf32>,
        %parallel_loop3A_1152 = vector.shape_cast %parallel_loop3A_1151 : vector<1x16xf32> to vector<16xf32>
        %parallel_loop3A_1153 = arith.index_cast %parallel_loop3A_404 : i32 to index
        %parallel_loop3A_1154 = arith.constant 496 : index
        %parallel_loop3A_1155 = tpu.vector_load %arg5[%parallel_loop3A_1153, %parallel_loop3A_1154] {strides = array<i32>} : memref<16x768xf32, #tpu.memory_space<vmem>>, vector<1x16xf32>,
        %parallel_loop3A_1156 = vector.shape_cast %parallel_loop3A_1155 : vector<1x16xf32> to vector<16xf32>
        %parallel_loop3A_1157 = vector.shape_cast %parallel_loop3A_1152 : vector<16xf32> to vector<1x16xf32>
        tpu.vector_store %arg5[%parallel_loop3A_1153, %parallel_loop3A_1154], %parallel_loop3A_1157 {add = true, strides = array<i32>} : memref<16x768xf32, #tpu.memory_space<vmem>>, vector<1x16xf32>,
        %parallel_loop3A_1158 = arith.index_cast %parallel_loop3A_404 : i32 to index
        %parallel_loop3A_1159 = arith.constant 496 : index
        %parallel_loop3A_1160 = tpu.vector_load %arg6[%parallel_loop3A_1158, %parallel_loop3A_1159] {strides = array<i32>} : memref<16x768xf32, #tpu.memory_space<vmem>>, vector<1x16xf32>,
        %parallel_loop3A_1161 = vector.shape_cast %parallel_loop3A_1160 : vector<1x16xf32> to vector<16xf32>
        %parallel_loop3A_1162 = vector.shape_cast %parallel_loop3A_1152 : vector<16xf32> to vector<1x16xf32>
        tpu.vector_store %arg6[%parallel_loop3A_1158, %parallel_loop3A_1159], %parallel_loop3A_1162 {add = true, strides = array<i32>} : memref<16x768xf32, #tpu.memory_space<vmem>>, vector<1x16xf32>,
        %parallel_loop3A_1163 = arith.index_cast %parallel_loop3A_404 : i32 to index
        %parallel_loop3A_1164 = arith.constant 496 : index
        %parallel_loop3A_1165 = tpu.vector_load %arg7[%parallel_loop3A_1163, %parallel_loop3A_1164] {strides = array<i32>} : memref<16x768xf32, #tpu.memory_space<vmem>>, vector<1x16xf32>,
        %parallel_loop3A_1166 = vector.shape_cast %parallel_loop3A_1165 : vector<1x16xf32> to vector<16xf32>
        %parallel_loop3A_1167 = vector.shape_cast %parallel_loop3A_1152 : vector<16xf32> to vector<1x16xf32>
        tpu.vector_store %arg7[%parallel_loop3A_1163, %parallel_loop3A_1164], %parallel_loop3A_1167 {add = true, strides = array<i32>} : memref<16x768xf32, #tpu.memory_space<vmem>>, vector<1x16xf32>,
        %parallel_loop3A_1168 = arith.index_cast %parallel_loop3A_404 : i32 to index
        %parallel_loop3A_1169 = arith.constant 496 : index
        %parallel_loop3A_1170 = tpu.vector_load %arg8[%parallel_loop3A_1168, %parallel_loop3A_1169] {strides = array<i32>} : memref<16x768xf32, #tpu.memory_space<vmem>>, vector<1x16xf32>,
        %parallel_loop3A_1171 = vector.shape_cast %parallel_loop3A_1170 : vector<1x16xf32> to vector<16xf32>
        %parallel_loop3A_1172 = vector.shape_cast %parallel_loop3A_1152 : vector<16xf32> to vector<1x16xf32>
        tpu.vector_store %arg8[%parallel_loop3A_1168, %parallel_loop3A_1169], %parallel_loop3A_1172 {add = true, strides = array<i32>} : memref<16x768xf32, #tpu.memory_space<vmem>>, vector<1x16xf32>,
        %parallel_loop3A_1173 = arith.index_cast %parallel_loop3A_404 : i32 to index
        %parallel_loop3A_1174 = arith.constant 512 : index
        %parallel_loop3A_1175 = tpu.vector_load %arg13[%parallel_loop3A_1173, %parallel_loop3A_1174] {strides = array<i32>} : memref<16x768xf32, #tpu.memory_space<vmem>>, vector<1x16xf32>,
        %parallel_loop3A_1176 = vector.shape_cast %parallel_loop3A_1175 : vector<1x16xf32> to vector<16xf32>
        %parallel_loop3A_1177 = arith.index_cast %parallel_loop3A_404 : i32 to index
        %parallel_loop3A_1178 = arith.constant 512 : index
        %parallel_loop3A_1179 = tpu.vector_load %arg5[%parallel_loop3A_1177, %parallel_loop3A_1178] {strides = array<i32>} : memref<16x768xf32, #tpu.memory_space<vmem>>, vector<1x16xf32>,
        %parallel_loop3A_1180 = vector.shape_cast %parallel_loop3A_1179 : vector<1x16xf32> to vector<16xf32>
        %parallel_loop3A_1181 = vector.shape_cast %parallel_loop3A_1176 : vector<16xf32> to vector<1x16xf32>
        tpu.vector_store %arg5[%parallel_loop3A_1177, %parallel_loop3A_1178], %parallel_loop3A_1181 {add = true, strides = array<i32>} : memref<16x768xf32, #tpu.memory_space<vmem>>, vector<1x16xf32>,
        %parallel_loop3A_1182 = arith.index_cast %parallel_loop3A_404 : i32 to index
        %parallel_loop3A_1183 = arith.constant 512 : index
        %parallel_loop3A_1184 = tpu.vector_load %arg6[%parallel_loop3A_1182, %parallel_loop3A_1183] {strides = array<i32>} : memref<16x768xf32, #tpu.memory_space<vmem>>, vector<1x16xf32>,
        %parallel_loop3A_1185 = vector.shape_cast %parallel_loop3A_1184 : vector<1x16xf32> to vector<16xf32>
        %parallel_loop3A_1186 = vector.shape_cast %parallel_loop3A_1176 : vector<16xf32> to vector<1x16xf32>
        tpu.vector_store %arg6[%parallel_loop3A_1182, %parallel_loop3A_1183], %parallel_loop3A_1186 {add = true, strides = array<i32>} : memref<16x768xf32, #tpu.memory_space<vmem>>, vector<1x16xf32>,
        %parallel_loop3A_1187 = arith.index_cast %parallel_loop3A_404 : i32 to index
        %parallel_loop3A_1188 = arith.constant 512 : index
        %parallel_loop3A_1189 = tpu.vector_load %arg7[%parallel_loop3A_1187, %parallel_loop3A_1188] {strides = array<i32>} : memref<16x768xf32, #tpu.memory_space<vmem>>, vector<1x16xf32>,
        %parallel_loop3A_1190 = vector.shape_cast %parallel_loop3A_1189 : vector<1x16xf32> to vector<16xf32>
        %parallel_loop3A_1191 = vector.shape_cast %parallel_loop3A_1176 : vector<16xf32> to vector<1x16xf32>
        tpu.vector_store %arg7[%parallel_loop3A_1187, %parallel_loop3A_1188], %parallel_loop3A_1191 {add = true, strides = array<i32>} : memref<16x768xf32, #tpu.memory_space<vmem>>, vector<1x16xf32>,
        %parallel_loop3A_1192 = arith.index_cast %parallel_loop3A_404 : i32 to index
        %parallel_loop3A_1193 = arith.constant 512 : index
        %parallel_loop3A_1194 = tpu.vector_load %arg8[%parallel_loop3A_1192, %parallel_loop3A_1193] {strides = array<i32>} : memref<16x768xf32, #tpu.memory_space<vmem>>, vector<1x16xf32>,
        %parallel_loop3A_1195 = vector.shape_cast %parallel_loop3A_1194 : vector<1x16xf32> to vector<16xf32>
        %parallel_loop3A_1196 = vector.shape_cast %parallel_loop3A_1176 : vector<16xf32> to vector<1x16xf32>
        tpu.vector_store %arg8[%parallel_loop3A_1192, %parallel_loop3A_1193], %parallel_loop3A_1196 {add = true, strides = array<i32>} : memref<16x768xf32, #tpu.memory_space<vmem>>, vector<1x16xf32>,
        %parallel_loop3A_1197 = arith.index_cast %parallel_loop3A_404 : i32 to index
        %parallel_loop3A_1198 = arith.constant 528 : index
        %parallel_loop3A_1199 = tpu.vector_load %arg13[%parallel_loop3A_1197, %parallel_loop3A_1198] {strides = array<i32>} : memref<16x768xf32, #tpu.memory_space<vmem>>, vector<1x16xf32>,
        %parallel_loop3A_1200 = vector.shape_cast %parallel_loop3A_1199 : vector<1x16xf32> to vector<16xf32>
        %parallel_loop3A_1201 = arith.index_cast %parallel_loop3A_404 : i32 to index
        %parallel_loop3A_1202 = arith.constant 528 : index
        %parallel_loop3A_1203 = tpu.vector_load %arg5[%parallel_loop3A_1201, %parallel_loop3A_1202] {strides = array<i32>} : memref<16x768xf32, #tpu.memory_space<vmem>>, vector<1x16xf32>,
        %parallel_loop3A_1204 = vector.shape_cast %parallel_loop3A_1203 : vector<1x16xf32> to vector<16xf32>
        %parallel_loop3A_1205 = vector.shape_cast %parallel_loop3A_1200 : vector<16xf32> to vector<1x16xf32>
        tpu.vector_store %arg5[%parallel_loop3A_1201, %parallel_loop3A_1202], %parallel_loop3A_1205 {add = true, strides = array<i32>} : memref<16x768xf32, #tpu.memory_space<vmem>>, vector<1x16xf32>,
        %parallel_loop3A_1206 = arith.index_cast %parallel_loop3A_404 : i32 to index
        %parallel_loop3A_1207 = arith.constant 528 : index
        %parallel_loop3A_1208 = tpu.vector_load %arg6[%parallel_loop3A_1206, %parallel_loop3A_1207] {strides = array<i32>} : memref<16x768xf32, #tpu.memory_space<vmem>>, vector<1x16xf32>,
        %parallel_loop3A_1209 = vector.shape_cast %parallel_loop3A_1208 : vector<1x16xf32> to vector<16xf32>
        %parallel_loop3A_1210 = vector.shape_cast %parallel_loop3A_1200 : vector<16xf32> to vector<1x16xf32>
        tpu.vector_store %arg6[%parallel_loop3A_1206, %parallel_loop3A_1207], %parallel_loop3A_1210 {add = true, strides = array<i32>} : memref<16x768xf32, #tpu.memory_space<vmem>>, vector<1x16xf32>,
        %parallel_loop3A_1211 = arith.index_cast %parallel_loop3A_404 : i32 to index
        %parallel_loop3A_1212 = arith.constant 528 : index
        %parallel_loop3A_1213 = tpu.vector_load %arg7[%parallel_loop3A_1211, %parallel_loop3A_1212] {strides = array<i32>} : memref<16x768xf32, #tpu.memory_space<vmem>>, vector<1x16xf32>,
        %parallel_loop3A_1214 = vector.shape_cast %parallel_loop3A_1213 : vector<1x16xf32> to vector<16xf32>
        %parallel_loop3A_1215 = vector.shape_cast %parallel_loop3A_1200 : vector<16xf32> to vector<1x16xf32>
        tpu.vector_store %arg7[%parallel_loop3A_1211, %parallel_loop3A_1212], %parallel_loop3A_1215 {add = true, strides = array<i32>} : memref<16x768xf32, #tpu.memory_space<vmem>>, vector<1x16xf32>,
        %parallel_loop3A_1216 = arith.index_cast %parallel_loop3A_404 : i32 to index
        %parallel_loop3A_1217 = arith.constant 528 : index
        %parallel_loop3A_1218 = tpu.vector_load %arg8[%parallel_loop3A_1216, %parallel_loop3A_1217] {strides = array<i32>} : memref<16x768xf32, #tpu.memory_space<vmem>>, vector<1x16xf32>,
        %parallel_loop3A_1219 = vector.shape_cast %parallel_loop3A_1218 : vector<1x16xf32> to vector<16xf32>
        %parallel_loop3A_1220 = vector.shape_cast %parallel_loop3A_1200 : vector<16xf32> to vector<1x16xf32>
        tpu.vector_store %arg8[%parallel_loop3A_1216, %parallel_loop3A_1217], %parallel_loop3A_1220 {add = true, strides = array<i32>} : memref<16x768xf32, #tpu.memory_space<vmem>>, vector<1x16xf32>,
        %parallel_loop3A_1221 = arith.index_cast %parallel_loop3A_404 : i32 to index
        %parallel_loop3A_1222 = arith.constant 544 : index
        %parallel_loop3A_1223 = tpu.vector_load %arg13[%parallel_loop3A_1221, %parallel_loop3A_1222] {strides = array<i32>} : memref<16x768xf32, #tpu.memory_space<vmem>>, vector<1x16xf32>,
        %parallel_loop3A_1224 = vector.shape_cast %parallel_loop3A_1223 : vector<1x16xf32> to vector<16xf32>
        %parallel_loop3A_1225 = arith.index_cast %parallel_loop3A_404 : i32 to index
        %parallel_loop3A_1226 = arith.constant 544 : index
        %parallel_loop3A_1227 = tpu.vector_load %arg5[%parallel_loop3A_1225, %parallel_loop3A_1226] {strides = array<i32>} : memref<16x768xf32, #tpu.memory_space<vmem>>, vector<1x16xf32>,
        %parallel_loop3A_1228 = vector.shape_cast %parallel_loop3A_1227 : vector<1x16xf32> to vector<16xf32>
        %parallel_loop3A_1229 = vector.shape_cast %parallel_loop3A_1224 : vector<16xf32> to vector<1x16xf32>
        tpu.vector_store %arg5[%parallel_loop3A_1225, %parallel_loop3A_1226], %parallel_loop3A_1229 {add = true, strides = array<i32>} : memref<16x768xf32, #tpu.memory_space<vmem>>, vector<1x16xf32>,
        %parallel_loop3A_1230 = arith.index_cast %parallel_loop3A_404 : i32 to index
        %parallel_loop3A_1231 = arith.constant 544 : index
        %parallel_loop3A_1232 = tpu.vector_load %arg6[%parallel_loop3A_1230, %parallel_loop3A_1231] {strides = array<i32>} : memref<16x768xf32, #tpu.memory_space<vmem>>, vector<1x16xf32>,
        %parallel_loop3A_1233 = vector.shape_cast %parallel_loop3A_1232 : vector<1x16xf32> to vector<16xf32>
        %parallel_loop3A_1234 = vector.shape_cast %parallel_loop3A_1224 : vector<16xf32> to vector<1x16xf32>
        tpu.vector_store %arg6[%parallel_loop3A_1230, %parallel_loop3A_1231], %parallel_loop3A_1234 {add = true, strides = array<i32>} : memref<16x768xf32, #tpu.memory_space<vmem>>, vector<1x16xf32>,
        %parallel_loop3A_1235 = arith.index_cast %parallel_loop3A_404 : i32 to index
        %parallel_loop3A_1236 = arith.constant 544 : index
        %parallel_loop3A_1237 = tpu.vector_load %arg7[%parallel_loop3A_1235, %parallel_loop3A_1236] {strides = array<i32>} : memref<16x768xf32, #tpu.memory_space<vmem>>, vector<1x16xf32>,
        %parallel_loop3A_1238 = vector.shape_cast %parallel_loop3A_1237 : vector<1x16xf32> to vector<16xf32>
        %parallel_loop3A_1239 = vector.shape_cast %parallel_loop3A_1224 : vector<16xf32> to vector<1x16xf32>
        tpu.vector_store %arg7[%parallel_loop3A_1235, %parallel_loop3A_1236], %parallel_loop3A_1239 {add = true, strides = array<i32>} : memref<16x768xf32, #tpu.memory_space<vmem>>, vector<1x16xf32>,
        %parallel_loop3A_1240 = arith.index_cast %parallel_loop3A_404 : i32 to index
        %parallel_loop3A_1241 = arith.constant 544 : index
        %parallel_loop3A_1242 = tpu.vector_load %arg8[%parallel_loop3A_1240, %parallel_loop3A_1241] {strides = array<i32>} : memref<16x768xf32, #tpu.memory_space<vmem>>, vector<1x16xf32>,
        %parallel_loop3A_1243 = vector.shape_cast %parallel_loop3A_1242 : vector<1x16xf32> to vector<16xf32>
        %parallel_loop3A_1244 = vector.shape_cast %parallel_loop3A_1224 : vector<16xf32> to vector<1x16xf32>
        tpu.vector_store %arg8[%parallel_loop3A_1240, %parallel_loop3A_1241], %parallel_loop3A_1244 {add = true, strides = array<i32>} : memref<16x768xf32, #tpu.memory_space<vmem>>, vector<1x16xf32>,
        %parallel_loop3A_1245 = arith.index_cast %parallel_loop3A_404 : i32 to index
        %parallel_loop3A_1246 = arith.constant 560 : index
        %parallel_loop3A_1247 = tpu.vector_load %arg13[%parallel_loop3A_1245, %parallel_loop3A_1246] {strides = array<i32>} : memref<16x768xf32, #tpu.memory_space<vmem>>, vector<1x16xf32>,
        %parallel_loop3A_1248 = vector.shape_cast %parallel_loop3A_1247 : vector<1x16xf32> to vector<16xf32>
        %parallel_loop3A_1249 = arith.index_cast %parallel_loop3A_404 : i32 to index
        %parallel_loop3A_1250 = arith.constant 560 : index
        %parallel_loop3A_1251 = tpu.vector_load %arg5[%parallel_loop3A_1249, %parallel_loop3A_1250] {strides = array<i32>} : memref<16x768xf32, #tpu.memory_space<vmem>>, vector<1x16xf32>,
        %parallel_loop3A_1252 = vector.shape_cast %parallel_loop3A_1251 : vector<1x16xf32> to vector<16xf32>
        %parallel_loop3A_1253 = vector.shape_cast %parallel_loop3A_1248 : vector<16xf32> to vector<1x16xf32>
        tpu.vector_store %arg5[%parallel_loop3A_1249, %parallel_loop3A_1250], %parallel_loop3A_1253 {add = true, strides = array<i32>} : memref<16x768xf32, #tpu.memory_space<vmem>>, vector<1x16xf32>,
        %parallel_loop3A_1254 = arith.index_cast %parallel_loop3A_404 : i32 to index
        %parallel_loop3A_1255 = arith.constant 560 : index
        %parallel_loop3A_1256 = tpu.vector_load %arg6[%parallel_loop3A_1254, %parallel_loop3A_1255] {strides = array<i32>} : memref<16x768xf32, #tpu.memory_space<vmem>>, vector<1x16xf32>,
        %parallel_loop3A_1257 = vector.shape_cast %parallel_loop3A_1256 : vector<1x16xf32> to vector<16xf32>
        %parallel_loop3A_1258 = vector.shape_cast %parallel_loop3A_1248 : vector<16xf32> to vector<1x16xf32>
        tpu.vector_store %arg6[%parallel_loop3A_1254, %parallel_loop3A_1255], %parallel_loop3A_1258 {add = true, strides = array<i32>} : memref<16x768xf32, #tpu.memory_space<vmem>>, vector<1x16xf32>,
        %parallel_loop3A_1259 = arith.index_cast %parallel_loop3A_404 : i32 to index
        %parallel_loop3A_1260 = arith.constant 560 : index
        %parallel_loop3A_1261 = tpu.vector_load %arg7[%parallel_loop3A_1259, %parallel_loop3A_1260] {strides = array<i32>} : memref<16x768xf32, #tpu.memory_space<vmem>>, vector<1x16xf32>,
        %parallel_loop3A_1262 = vector.shape_cast %parallel_loop3A_1261 : vector<1x16xf32> to vector<16xf32>
        %parallel_loop3A_1263 = vector.shape_cast %parallel_loop3A_1248 : vector<16xf32> to vector<1x16xf32>
        tpu.vector_store %arg7[%parallel_loop3A_1259, %parallel_loop3A_1260], %parallel_loop3A_1263 {add = true, strides = array<i32>} : memref<16x768xf32, #tpu.memory_space<vmem>>, vector<1x16xf32>,
        %parallel_loop3A_1264 = arith.index_cast %parallel_loop3A_404 : i32 to index
        %parallel_loop3A_1265 = arith.constant 560 : index
        %parallel_loop3A_1266 = tpu.vector_load %arg8[%parallel_loop3A_1264, %parallel_loop3A_1265] {strides = array<i32>} : memref<16x768xf32, #tpu.memory_space<vmem>>, vector<1x16xf32>,
        %parallel_loop3A_1267 = vector.shape_cast %parallel_loop3A_1266 : vector<1x16xf32> to vector<16xf32>
        %parallel_loop3A_1268 = vector.shape_cast %parallel_loop3A_1248 : vector<16xf32> to vector<1x16xf32>
        tpu.vector_store %arg8[%parallel_loop3A_1264, %parallel_loop3A_1265], %parallel_loop3A_1268 {add = true, strides = array<i32>} : memref<16x768xf32, #tpu.memory_space<vmem>>, vector<1x16xf32>,
        %parallel_loop3A_1269 = arith.index_cast %parallel_loop3A_404 : i32 to index
        %parallel_loop3A_1270 = arith.constant 576 : index
        %parallel_loop3A_1271 = tpu.vector_load %arg13[%parallel_loop3A_1269, %parallel_loop3A_1270] {strides = array<i32>} : memref<16x768xf32, #tpu.memory_space<vmem>>, vector<1x16xf32>,
        %parallel_loop3A_1272 = vector.shape_cast %parallel_loop3A_1271 : vector<1x16xf32> to vector<16xf32>
        %parallel_loop3A_1273 = arith.index_cast %parallel_loop3A_404 : i32 to index
        %parallel_loop3A_1274 = arith.constant 576 : index
        %parallel_loop3A_1275 = tpu.vector_load %arg5[%parallel_loop3A_1273, %parallel_loop3A_1274] {strides = array<i32>} : memref<16x768xf32, #tpu.memory_space<vmem>>, vector<1x16xf32>,
        %parallel_loop3A_1276 = vector.shape_cast %parallel_loop3A_1275 : vector<1x16xf32> to vector<16xf32>
        %parallel_loop3A_1277 = vector.shape_cast %parallel_loop3A_1272 : vector<16xf32> to vector<1x16xf32>
        tpu.vector_store %arg5[%parallel_loop3A_1273, %parallel_loop3A_1274], %parallel_loop3A_1277 {add = true, strides = array<i32>} : memref<16x768xf32, #tpu.memory_space<vmem>>, vector<1x16xf32>,
        %parallel_loop3A_1278 = arith.index_cast %parallel_loop3A_404 : i32 to index
        %parallel_loop3A_1279 = arith.constant 576 : index
        %parallel_loop3A_1280 = tpu.vector_load %arg6[%parallel_loop3A_1278, %parallel_loop3A_1279] {strides = array<i32>} : memref<16x768xf32, #tpu.memory_space<vmem>>, vector<1x16xf32>,
        %parallel_loop3A_1281 = vector.shape_cast %parallel_loop3A_1280 : vector<1x16xf32> to vector<16xf32>
        %parallel_loop3A_1282 = vector.shape_cast %parallel_loop3A_1272 : vector<16xf32> to vector<1x16xf32>
        tpu.vector_store %arg6[%parallel_loop3A_1278, %parallel_loop3A_1279], %parallel_loop3A_1282 {add = true, strides = array<i32>} : memref<16x768xf32, #tpu.memory_space<vmem>>, vector<1x16xf32>,
        %parallel_loop3A_1283 = arith.index_cast %parallel_loop3A_404 : i32 to index
        %parallel_loop3A_1284 = arith.constant 576 : index
        %parallel_loop3A_1285 = tpu.vector_load %arg7[%parallel_loop3A_1283, %parallel_loop3A_1284] {strides = array<i32>} : memref<16x768xf32, #tpu.memory_space<vmem>>, vector<1x16xf32>,
        %parallel_loop3A_1286 = vector.shape_cast %parallel_loop3A_1285 : vector<1x16xf32> to vector<16xf32>
        %parallel_loop3A_1287 = vector.shape_cast %parallel_loop3A_1272 : vector<16xf32> to vector<1x16xf32>
        tpu.vector_store %arg7[%parallel_loop3A_1283, %parallel_loop3A_1284], %parallel_loop3A_1287 {add = true, strides = array<i32>} : memref<16x768xf32, #tpu.memory_space<vmem>>, vector<1x16xf32>,
        %parallel_loop3A_1288 = arith.index_cast %parallel_loop3A_404 : i32 to index
        %parallel_loop3A_1289 = arith.constant 576 : index
        %parallel_loop3A_1290 = tpu.vector_load %arg8[%parallel_loop3A_1288, %parallel_loop3A_1289] {strides = array<i32>} : memref<16x768xf32, #tpu.memory_space<vmem>>, vector<1x16xf32>,
        %parallel_loop3A_1291 = vector.shape_cast %parallel_loop3A_1290 : vector<1x16xf32> to vector<16xf32>
        %parallel_loop3A_1292 = vector.shape_cast %parallel_loop3A_1272 : vector<16xf32> to vector<1x16xf32>
        tpu.vector_store %arg8[%parallel_loop3A_1288, %parallel_loop3A_1289], %parallel_loop3A_1292 {add = true, strides = array<i32>} : memref<16x768xf32, #tpu.memory_space<vmem>>, vector<1x16xf32>,
        %parallel_loop3A_1293 = arith.index_cast %parallel_loop3A_404 : i32 to index
        %parallel_loop3A_1294 = arith.constant 592 : index
        %parallel_loop3A_1295 = tpu.vector_load %arg13[%parallel_loop3A_1293, %parallel_loop3A_1294] {strides = array<i32>} : memref<16x768xf32, #tpu.memory_space<vmem>>, vector<1x16xf32>,
        %parallel_loop3A_1296 = vector.shape_cast %parallel_loop3A_1295 : vector<1x16xf32> to vector<16xf32>
        %parallel_loop3A_1297 = arith.index_cast %parallel_loop3A_404 : i32 to index
        %parallel_loop3A_1298 = arith.constant 592 : index
        %parallel_loop3A_1299 = tpu.vector_load %arg5[%parallel_loop3A_1297, %parallel_loop3A_1298] {strides = array<i32>} : memref<16x768xf32, #tpu.memory_space<vmem>>, vector<1x16xf32>,
        %parallel_loop3A_1300 = vector.shape_cast %parallel_loop3A_1299 : vector<1x16xf32> to vector<16xf32>
        %parallel_loop3A_1301 = vector.shape_cast %parallel_loop3A_1296 : vector<16xf32> to vector<1x16xf32>
        tpu.vector_store %arg5[%parallel_loop3A_1297, %parallel_loop3A_1298], %parallel_loop3A_1301 {add = true, strides = array<i32>} : memref<16x768xf32, #tpu.memory_space<vmem>>, vector<1x16xf32>,
        %parallel_loop3A_1302 = arith.index_cast %parallel_loop3A_404 : i32 to index
        %parallel_loop3A_1303 = arith.constant 592 : index
        %parallel_loop3A_1304 = tpu.vector_load %arg6[%parallel_loop3A_1302, %parallel_loop3A_1303] {strides = array<i32>} : memref<16x768xf32, #tpu.memory_space<vmem>>, vector<1x16xf32>,
        %parallel_loop3A_1305 = vector.shape_cast %parallel_loop3A_1304 : vector<1x16xf32> to vector<16xf32>
        %parallel_loop3A_1306 = vector.shape_cast %parallel_loop3A_1296 : vector<16xf32> to vector<1x16xf32>
        tpu.vector_store %arg6[%parallel_loop3A_1302, %parallel_loop3A_1303], %parallel_loop3A_1306 {add = true, strides = array<i32>} : memref<16x768xf32, #tpu.memory_space<vmem>>, vector<1x16xf32>,
        %parallel_loop3A_1307 = arith.index_cast %parallel_loop3A_404 : i32 to index
        %parallel_loop3A_1308 = arith.constant 592 : index
        %parallel_loop3A_1309 = tpu.vector_load %arg7[%parallel_loop3A_1307, %parallel_loop3A_1308] {strides = array<i32>} : memref<16x768xf32, #tpu.memory_space<vmem>>, vector<1x16xf32>,
        %parallel_loop3A_1310 = vector.shape_cast %parallel_loop3A_1309 : vector<1x16xf32> to vector<16xf32>
        %parallel_loop3A_1311 = vector.shape_cast %parallel_loop3A_1296 : vector<16xf32> to vector<1x16xf32>
        tpu.vector_store %arg7[%parallel_loop3A_1307, %parallel_loop3A_1308], %parallel_loop3A_1311 {add = true, strides = array<i32>} : memref<16x768xf32, #tpu.memory_space<vmem>>, vector<1x16xf32>,
        %parallel_loop3A_1312 = arith.index_cast %parallel_loop3A_404 : i32 to index
        %parallel_loop3A_1313 = arith.constant 592 : index
        %parallel_loop3A_1314 = tpu.vector_load %arg8[%parallel_loop3A_1312, %parallel_loop3A_1313] {strides = array<i32>} : memref<16x768xf32, #tpu.memory_space<vmem>>, vector<1x16xf32>,
        %parallel_loop3A_1315 = vector.shape_cast %parallel_loop3A_1314 : vector<1x16xf32> to vector<16xf32>
        %parallel_loop3A_1316 = vector.shape_cast %parallel_loop3A_1296 : vector<16xf32> to vector<1x16xf32>
        tpu.vector_store %arg8[%parallel_loop3A_1312, %parallel_loop3A_1313], %parallel_loop3A_1316 {add = true, strides = array<i32>} : memref<16x768xf32, #tpu.memory_space<vmem>>, vector<1x16xf32>,
        %parallel_loop3A_1317 = arith.index_cast %parallel_loop3A_404 : i32 to index
        %parallel_loop3A_1318 = arith.constant 608 : index
        %parallel_loop3A_1319 = tpu.vector_load %arg13[%parallel_loop3A_1317, %parallel_loop3A_1318] {strides = array<i32>} : memref<16x768xf32, #tpu.memory_space<vmem>>, vector<1x16xf32>,
        %parallel_loop3A_1320 = vector.shape_cast %parallel_loop3A_1319 : vector<1x16xf32> to vector<16xf32>
        %parallel_loop3A_1321 = arith.index_cast %parallel_loop3A_404 : i32 to index
        %parallel_loop3A_1322 = arith.constant 608 : index
        %parallel_loop3A_1323 = tpu.vector_load %arg5[%parallel_loop3A_1321, %parallel_loop3A_1322] {strides = array<i32>} : memref<16x768xf32, #tpu.memory_space<vmem>>, vector<1x16xf32>,
        %parallel_loop3A_1324 = vector.shape_cast %parallel_loop3A_1323 : vector<1x16xf32> to vector<16xf32>
        %parallel_loop3A_1325 = vector.shape_cast %parallel_loop3A_1320 : vector<16xf32> to vector<1x16xf32>
        tpu.vector_store %arg5[%parallel_loop3A_1321, %parallel_loop3A_1322], %parallel_loop3A_1325 {add = true, strides = array<i32>} : memref<16x768xf32, #tpu.memory_space<vmem>>, vector<1x16xf32>,
        %parallel_loop3A_1326 = arith.index_cast %parallel_loop3A_404 : i32 to index
        %parallel_loop3A_1327 = arith.constant 608 : index
        %parallel_loop3A_1328 = tpu.vector_load %arg6[%parallel_loop3A_1326, %parallel_loop3A_1327] {strides = array<i32>} : memref<16x768xf32, #tpu.memory_space<vmem>>, vector<1x16xf32>,
        %parallel_loop3A_1329 = vector.shape_cast %parallel_loop3A_1328 : vector<1x16xf32> to vector<16xf32>
        %parallel_loop3A_1330 = vector.shape_cast %parallel_loop3A_1320 : vector<16xf32> to vector<1x16xf32>
        tpu.vector_store %arg6[%parallel_loop3A_1326, %parallel_loop3A_1327], %parallel_loop3A_1330 {add = true, strides = array<i32>} : memref<16x768xf32, #tpu.memory_space<vmem>>, vector<1x16xf32>,
        %parallel_loop3A_1331 = arith.index_cast %parallel_loop3A_404 : i32 to index
        %parallel_loop3A_1332 = arith.constant 608 : index
        %parallel_loop3A_1333 = tpu.vector_load %arg7[%parallel_loop3A_1331, %parallel_loop3A_1332] {strides = array<i32>} : memref<16x768xf32, #tpu.memory_space<vmem>>, vector<1x16xf32>,
        %parallel_loop3A_1334 = vector.shape_cast %parallel_loop3A_1333 : vector<1x16xf32> to vector<16xf32>
        %parallel_loop3A_1335 = vector.shape_cast %parallel_loop3A_1320 : vector<16xf32> to vector<1x16xf32>
        tpu.vector_store %arg7[%parallel_loop3A_1331, %parallel_loop3A_1332], %parallel_loop3A_1335 {add = true, strides = array<i32>} : memref<16x768xf32, #tpu.memory_space<vmem>>, vector<1x16xf32>,
        %parallel_loop3A_1336 = arith.index_cast %parallel_loop3A_404 : i32 to index
        %parallel_loop3A_1337 = arith.constant 608 : index
        %parallel_loop3A_1338 = tpu.vector_load %arg8[%parallel_loop3A_1336, %parallel_loop3A_1337] {strides = array<i32>} : memref<16x768xf32, #tpu.memory_space<vmem>>, vector<1x16xf32>,
        %parallel_loop3A_1339 = vector.shape_cast %parallel_loop3A_1338 : vector<1x16xf32> to vector<16xf32>
        %parallel_loop3A_1340 = vector.shape_cast %parallel_loop3A_1320 : vector<16xf32> to vector<1x16xf32>
        tpu.vector_store %arg8[%parallel_loop3A_1336, %parallel_loop3A_1337], %parallel_loop3A_1340 {add = true, strides = array<i32>} : memref<16x768xf32, #tpu.memory_space<vmem>>, vector<1x16xf32>,
        %parallel_loop3A_1341 = arith.index_cast %parallel_loop3A_404 : i32 to index
        %parallel_loop3A_1342 = arith.constant 624 : index
        %parallel_loop3A_1343 = tpu.vector_load %arg13[%parallel_loop3A_1341, %parallel_loop3A_1342] {strides = array<i32>} : memref<16x768xf32, #tpu.memory_space<vmem>>, vector<1x16xf32>,
        %parallel_loop3A_1344 = vector.shape_cast %parallel_loop3A_1343 : vector<1x16xf32> to vector<16xf32>
        %parallel_loop3A_1345 = arith.index_cast %parallel_loop3A_404 : i32 to index
        %parallel_loop3A_1346 = arith.constant 624 : index
        %parallel_loop3A_1347 = tpu.vector_load %arg5[%parallel_loop3A_1345, %parallel_loop3A_1346] {strides = array<i32>} : memref<16x768xf32, #tpu.memory_space<vmem>>, vector<1x16xf32>,
        %parallel_loop3A_1348 = vector.shape_cast %parallel_loop3A_1347 : vector<1x16xf32> to vector<16xf32>
        %parallel_loop3A_1349 = vector.shape_cast %parallel_loop3A_1344 : vector<16xf32> to vector<1x16xf32>
        tpu.vector_store %arg5[%parallel_loop3A_1345, %parallel_loop3A_1346], %parallel_loop3A_1349 {add = true, strides = array<i32>} : memref<16x768xf32, #tpu.memory_space<vmem>>, vector<1x16xf32>,
        %parallel_loop3A_1350 = arith.index_cast %parallel_loop3A_404 : i32 to index
        %parallel_loop3A_1351 = arith.constant 624 : index
        %parallel_loop3A_1352 = tpu.vector_load %arg6[%parallel_loop3A_1350, %parallel_loop3A_1351] {strides = array<i32>} : memref<16x768xf32, #tpu.memory_space<vmem>>, vector<1x16xf32>,
        %parallel_loop3A_1353 = vector.shape_cast %parallel_loop3A_1352 : vector<1x16xf32> to vector<16xf32>
        %parallel_loop3A_1354 = vector.shape_cast %parallel_loop3A_1344 : vector<16xf32> to vector<1x16xf32>
        tpu.vector_store %arg6[%parallel_loop3A_1350, %parallel_loop3A_1351], %parallel_loop3A_1354 {add = true, strides = array<i32>} : memref<16x768xf32, #tpu.memory_space<vmem>>, vector<1x16xf32>,
        %parallel_loop3A_1355 = arith.index_cast %parallel_loop3A_404 : i32 to index
        %parallel_loop3A_1356 = arith.constant 624 : index
        %parallel_loop3A_1357 = tpu.vector_load %arg7[%parallel_loop3A_1355, %parallel_loop3A_1356] {strides = array<i32>} : memref<16x768xf32, #tpu.memory_space<vmem>>, vector<1x16xf32>,
        %parallel_loop3A_1358 = vector.shape_cast %parallel_loop3A_1357 : vector<1x16xf32> to vector<16xf32>
        %parallel_loop3A_1359 = vector.shape_cast %parallel_loop3A_1344 : vector<16xf32> to vector<1x16xf32>
        tpu.vector_store %arg7[%parallel_loop3A_1355, %parallel_loop3A_1356], %parallel_loop3A_1359 {add = true, strides = array<i32>} : memref<16x768xf32, #tpu.memory_space<vmem>>, vector<1x16xf32>,
        %parallel_loop3A_1360 = arith.index_cast %parallel_loop3A_404 : i32 to index
        %parallel_loop3A_1361 = arith.constant 624 : index
        %parallel_loop3A_1362 = tpu.vector_load %arg8[%parallel_loop3A_1360, %parallel_loop3A_1361] {strides = array<i32>} : memref<16x768xf32, #tpu.memory_space<vmem>>, vector<1x16xf32>,
        %parallel_loop3A_1363 = vector.shape_cast %parallel_loop3A_1362 : vector<1x16xf32> to vector<16xf32>
        %parallel_loop3A_1364 = vector.shape_cast %parallel_loop3A_1344 : vector<16xf32> to vector<1x16xf32>
        tpu.vector_store %arg8[%parallel_loop3A_1360, %parallel_loop3A_1361], %parallel_loop3A_1364 {add = true, strides = array<i32>} : memref<16x768xf32, #tpu.memory_space<vmem>>, vector<1x16xf32>,
        %parallel_loop3A_1365 = arith.index_cast %parallel_loop3A_404 : i32 to index
        %parallel_loop3A_1366 = arith.constant 640 : index
        %parallel_loop3A_1367 = tpu.vector_load %arg13[%parallel_loop3A_1365, %parallel_loop3A_1366] {strides = array<i32>} : memref<16x768xf32, #tpu.memory_space<vmem>>, vector<1x16xf32>,
        %parallel_loop3A_1368 = vector.shape_cast %parallel_loop3A_1367 : vector<1x16xf32> to vector<16xf32>
        %parallel_loop3A_1369 = arith.index_cast %parallel_loop3A_404 : i32 to index
        %parallel_loop3A_1370 = arith.constant 640 : index
        %parallel_loop3A_1371 = tpu.vector_load %arg5[%parallel_loop3A_1369, %parallel_loop3A_1370] {strides = array<i32>} : memref<16x768xf32, #tpu.memory_space<vmem>>, vector<1x16xf32>,
        %parallel_loop3A_1372 = vector.shape_cast %parallel_loop3A_1371 : vector<1x16xf32> to vector<16xf32>
        %parallel_loop3A_1373 = vector.shape_cast %parallel_loop3A_1368 : vector<16xf32> to vector<1x16xf32>
        tpu.vector_store %arg5[%parallel_loop3A_1369, %parallel_loop3A_1370], %parallel_loop3A_1373 {add = true, strides = array<i32>} : memref<16x768xf32, #tpu.memory_space<vmem>>, vector<1x16xf32>,
        %parallel_loop3A_1374 = arith.index_cast %parallel_loop3A_404 : i32 to index
        %parallel_loop3A_1375 = arith.constant 640 : index
        %parallel_loop3A_1376 = tpu.vector_load %arg6[%parallel_loop3A_1374, %parallel_loop3A_1375] {strides = array<i32>} : memref<16x768xf32, #tpu.memory_space<vmem>>, vector<1x16xf32>,
        %parallel_loop3A_1377 = vector.shape_cast %parallel_loop3A_1376 : vector<1x16xf32> to vector<16xf32>
        %parallel_loop3A_1378 = vector.shape_cast %parallel_loop3A_1368 : vector<16xf32> to vector<1x16xf32>
        tpu.vector_store %arg6[%parallel_loop3A_1374, %parallel_loop3A_1375], %parallel_loop3A_1378 {add = true, strides = array<i32>} : memref<16x768xf32, #tpu.memory_space<vmem>>, vector<1x16xf32>,
        %parallel_loop3A_1379 = arith.index_cast %parallel_loop3A_404 : i32 to index
        %parallel_loop3A_1380 = arith.constant 640 : index
        %parallel_loop3A_1381 = tpu.vector_load %arg7[%parallel_loop3A_1379, %parallel_loop3A_1380] {strides = array<i32>} : memref<16x768xf32, #tpu.memory_space<vmem>>, vector<1x16xf32>,
        %parallel_loop3A_1382 = vector.shape_cast %parallel_loop3A_1381 : vector<1x16xf32> to vector<16xf32>
        %parallel_loop3A_1383 = vector.shape_cast %parallel_loop3A_1368 : vector<16xf32> to vector<1x16xf32>
        tpu.vector_store %arg7[%parallel_loop3A_1379, %parallel_loop3A_1380], %parallel_loop3A_1383 {add = true, strides = array<i32>} : memref<16x768xf32, #tpu.memory_space<vmem>>, vector<1x16xf32>,
        %parallel_loop3A_1384 = arith.index_cast %parallel_loop3A_404 : i32 to index
        %parallel_loop3A_1385 = arith.constant 640 : index
        %parallel_loop3A_1386 = tpu.vector_load %arg8[%parallel_loop3A_1384, %parallel_loop3A_1385] {strides = array<i32>} : memref<16x768xf32, #tpu.memory_space<vmem>>, vector<1x16xf32>,
        %parallel_loop3A_1387 = vector.shape_cast %parallel_loop3A_1386 : vector<1x16xf32> to vector<16xf32>
        %parallel_loop3A_1388 = vector.shape_cast %parallel_loop3A_1368 : vector<16xf32> to vector<1x16xf32>
        tpu.vector_store %arg8[%parallel_loop3A_1384, %parallel_loop3A_1385], %parallel_loop3A_1388 {add = true, strides = array<i32>} : memref<16x768xf32, #tpu.memory_space<vmem>>, vector<1x16xf32>,
        %parallel_loop3A_1389 = arith.index_cast %parallel_loop3A_404 : i32 to index
        %parallel_loop3A_1390 = arith.constant 656 : index
        %parallel_loop3A_1391 = tpu.vector_load %arg13[%parallel_loop3A_1389, %parallel_loop3A_1390] {strides = array<i32>} : memref<16x768xf32, #tpu.memory_space<vmem>>, vector<1x16xf32>,
        %parallel_loop3A_1392 = vector.shape_cast %parallel_loop3A_1391 : vector<1x16xf32> to vector<16xf32>
        %parallel_loop3A_1393 = arith.index_cast %parallel_loop3A_404 : i32 to index
        %parallel_loop3A_1394 = arith.constant 656 : index
        %parallel_loop3A_1395 = tpu.vector_load %arg5[%parallel_loop3A_1393, %parallel_loop3A_1394] {strides = array<i32>} : memref<16x768xf32, #tpu.memory_space<vmem>>, vector<1x16xf32>,
        %parallel_loop3A_1396 = vector.shape_cast %parallel_loop3A_1395 : vector<1x16xf32> to vector<16xf32>
        %parallel_loop3A_1397 = vector.shape_cast %parallel_loop3A_1392 : vector<16xf32> to vector<1x16xf32>
        tpu.vector_store %arg5[%parallel_loop3A_1393, %parallel_loop3A_1394], %parallel_loop3A_1397 {add = true, strides = array<i32>} : memref<16x768xf32, #tpu.memory_space<vmem>>, vector<1x16xf32>,
        %parallel_loop3A_1398 = arith.index_cast %parallel_loop3A_404 : i32 to index
        %parallel_loop3A_1399 = arith.constant 656 : index
        %parallel_loop3A_1400 = tpu.vector_load %arg6[%parallel_loop3A_1398, %parallel_loop3A_1399] {strides = array<i32>} : memref<16x768xf32, #tpu.memory_space<vmem>>, vector<1x16xf32>,
        %parallel_loop3A_1401 = vector.shape_cast %parallel_loop3A_1400 : vector<1x16xf32> to vector<16xf32>
        %parallel_loop3A_1402 = vector.shape_cast %parallel_loop3A_1392 : vector<16xf32> to vector<1x16xf32>
        tpu.vector_store %arg6[%parallel_loop3A_1398, %parallel_loop3A_1399], %parallel_loop3A_1402 {add = true, strides = array<i32>} : memref<16x768xf32, #tpu.memory_space<vmem>>, vector<1x16xf32>,
        %parallel_loop3A_1403 = arith.index_cast %parallel_loop3A_404 : i32 to index
        %parallel_loop3A_1404 = arith.constant 656 : index
        %parallel_loop3A_1405 = tpu.vector_load %arg7[%parallel_loop3A_1403, %parallel_loop3A_1404] {strides = array<i32>} : memref<16x768xf32, #tpu.memory_space<vmem>>, vector<1x16xf32>,
        %parallel_loop3A_1406 = vector.shape_cast %parallel_loop3A_1405 : vector<1x16xf32> to vector<16xf32>
        %parallel_loop3A_1407 = vector.shape_cast %parallel_loop3A_1392 : vector<16xf32> to vector<1x16xf32>
        tpu.vector_store %arg7[%parallel_loop3A_1403, %parallel_loop3A_1404], %parallel_loop3A_1407 {add = true, strides = array<i32>} : memref<16x768xf32, #tpu.memory_space<vmem>>, vector<1x16xf32>,
        %parallel_loop3A_1408 = arith.index_cast %parallel_loop3A_404 : i32 to index
        %parallel_loop3A_1409 = arith.constant 656 : index
        %parallel_loop3A_1410 = tpu.vector_load %arg8[%parallel_loop3A_1408, %parallel_loop3A_1409] {strides = array<i32>} : memref<16x768xf32, #tpu.memory_space<vmem>>, vector<1x16xf32>,
        %parallel_loop3A_1411 = vector.shape_cast %parallel_loop3A_1410 : vector<1x16xf32> to vector<16xf32>
        %parallel_loop3A_1412 = vector.shape_cast %parallel_loop3A_1392 : vector<16xf32> to vector<1x16xf32>
        tpu.vector_store %arg8[%parallel_loop3A_1408, %parallel_loop3A_1409], %parallel_loop3A_1412 {add = true, strides = array<i32>} : memref<16x768xf32, #tpu.memory_space<vmem>>, vector<1x16xf32>,
        %parallel_loop3A_1413 = arith.index_cast %parallel_loop3A_404 : i32 to index
        %parallel_loop3A_1414 = arith.constant 672 : index
        %parallel_loop3A_1415 = tpu.vector_load %arg13[%parallel_loop3A_1413, %parallel_loop3A_1414] {strides = array<i32>} : memref<16x768xf32, #tpu.memory_space<vmem>>, vector<1x16xf32>,
        %parallel_loop3A_1416 = vector.shape_cast %parallel_loop3A_1415 : vector<1x16xf32> to vector<16xf32>
        %parallel_loop3A_1417 = arith.index_cast %parallel_loop3A_404 : i32 to index
        %parallel_loop3A_1418 = arith.constant 672 : index
        %parallel_loop3A_1419 = tpu.vector_load %arg5[%parallel_loop3A_1417, %parallel_loop3A_1418] {strides = array<i32>} : memref<16x768xf32, #tpu.memory_space<vmem>>, vector<1x16xf32>,
        %parallel_loop3A_1420 = vector.shape_cast %parallel_loop3A_1419 : vector<1x16xf32> to vector<16xf32>
        %parallel_loop3A_1421 = vector.shape_cast %parallel_loop3A_1416 : vector<16xf32> to vector<1x16xf32>
        tpu.vector_store %arg5[%parallel_loop3A_1417, %parallel_loop3A_1418], %parallel_loop3A_1421 {add = true, strides = array<i32>} : memref<16x768xf32, #tpu.memory_space<vmem>>, vector<1x16xf32>,
        %parallel_loop3A_1422 = arith.index_cast %parallel_loop3A_404 : i32 to index
        %parallel_loop3A_1423 = arith.constant 672 : index
        %parallel_loop3A_1424 = tpu.vector_load %arg6[%parallel_loop3A_1422, %parallel_loop3A_1423] {strides = array<i32>} : memref<16x768xf32, #tpu.memory_space<vmem>>, vector<1x16xf32>,
        %parallel_loop3A_1425 = vector.shape_cast %parallel_loop3A_1424 : vector<1x16xf32> to vector<16xf32>
        %parallel_loop3A_1426 = vector.shape_cast %parallel_loop3A_1416 : vector<16xf32> to vector<1x16xf32>
        tpu.vector_store %arg6[%parallel_loop3A_1422, %parallel_loop3A_1423], %parallel_loop3A_1426 {add = true, strides = array<i32>} : memref<16x768xf32, #tpu.memory_space<vmem>>, vector<1x16xf32>,
        %parallel_loop3A_1427 = arith.index_cast %parallel_loop3A_404 : i32 to index
        %parallel_loop3A_1428 = arith.constant 672 : index
        %parallel_loop3A_1429 = tpu.vector_load %arg7[%parallel_loop3A_1427, %parallel_loop3A_1428] {strides = array<i32>} : memref<16x768xf32, #tpu.memory_space<vmem>>, vector<1x16xf32>,
        %parallel_loop3A_1430 = vector.shape_cast %parallel_loop3A_1429 : vector<1x16xf32> to vector<16xf32>
        %parallel_loop3A_1431 = vector.shape_cast %parallel_loop3A_1416 : vector<16xf32> to vector<1x16xf32>
        tpu.vector_store %arg7[%parallel_loop3A_1427, %parallel_loop3A_1428], %parallel_loop3A_1431 {add = true, strides = array<i32>} : memref<16x768xf32, #tpu.memory_space<vmem>>, vector<1x16xf32>,
        %parallel_loop3A_1432 = arith.index_cast %parallel_loop3A_404 : i32 to index
        %parallel_loop3A_1433 = arith.constant 672 : index
        %parallel_loop3A_1434 = tpu.vector_load %arg8[%parallel_loop3A_1432, %parallel_loop3A_1433] {strides = array<i32>} : memref<16x768xf32, #tpu.memory_space<vmem>>, vector<1x16xf32>,
        %parallel_loop3A_1435 = vector.shape_cast %parallel_loop3A_1434 : vector<1x16xf32> to vector<16xf32>
        %parallel_loop3A_1436 = vector.shape_cast %parallel_loop3A_1416 : vector<16xf32> to vector<1x16xf32>
        tpu.vector_store %arg8[%parallel_loop3A_1432, %parallel_loop3A_1433], %parallel_loop3A_1436 {add = true, strides = array<i32>} : memref<16x768xf32, #tpu.memory_space<vmem>>, vector<1x16xf32>,
        %parallel_loop3A_1437 = arith.index_cast %parallel_loop3A_404 : i32 to index
        %parallel_loop3A_1438 = arith.constant 688 : index
        %parallel_loop3A_1439 = tpu.vector_load %arg13[%parallel_loop3A_1437, %parallel_loop3A_1438] {strides = array<i32>} : memref<16x768xf32, #tpu.memory_space<vmem>>, vector<1x16xf32>,
        %parallel_loop3A_1440 = vector.shape_cast %parallel_loop3A_1439 : vector<1x16xf32> to vector<16xf32>
        %parallel_loop3A_1441 = arith.index_cast %parallel_loop3A_404 : i32 to index
        %parallel_loop3A_1442 = arith.constant 688 : index
        %parallel_loop3A_1443 = tpu.vector_load %arg5[%parallel_loop3A_1441, %parallel_loop3A_1442] {strides = array<i32>} : memref<16x768xf32, #tpu.memory_space<vmem>>, vector<1x16xf32>,
        %parallel_loop3A_1444 = vector.shape_cast %parallel_loop3A_1443 : vector<1x16xf32> to vector<16xf32>
        %parallel_loop3A_1445 = vector.shape_cast %parallel_loop3A_1440 : vector<16xf32> to vector<1x16xf32>
        tpu.vector_store %arg5[%parallel_loop3A_1441, %parallel_loop3A_1442], %parallel_loop3A_1445 {add = true, strides = array<i32>} : memref<16x768xf32, #tpu.memory_space<vmem>>, vector<1x16xf32>,
        %parallel_loop3A_1446 = arith.index_cast %parallel_loop3A_404 : i32 to index
        %parallel_loop3A_1447 = arith.constant 688 : index
        %parallel_loop3A_1448 = tpu.vector_load %arg6[%parallel_loop3A_1446, %parallel_loop3A_1447] {strides = array<i32>} : memref<16x768xf32, #tpu.memory_space<vmem>>, vector<1x16xf32>,
        %parallel_loop3A_1449 = vector.shape_cast %parallel_loop3A_1448 : vector<1x16xf32> to vector<16xf32>
        %parallel_loop3A_1450 = vector.shape_cast %parallel_loop3A_1440 : vector<16xf32> to vector<1x16xf32>
        tpu.vector_store %arg6[%parallel_loop3A_1446, %parallel_loop3A_1447], %parallel_loop3A_1450 {add = true, strides = array<i32>} : memref<16x768xf32, #tpu.memory_space<vmem>>, vector<1x16xf32>,
        %parallel_loop3A_1451 = arith.index_cast %parallel_loop3A_404 : i32 to index
        %parallel_loop3A_1452 = arith.constant 688 : index
        %parallel_loop3A_1453 = tpu.vector_load %arg7[%parallel_loop3A_1451, %parallel_loop3A_1452] {strides = array<i32>} : memref<16x768xf32, #tpu.memory_space<vmem>>, vector<1x16xf32>,
        %parallel_loop3A_1454 = vector.shape_cast %parallel_loop3A_1453 : vector<1x16xf32> to vector<16xf32>
        %parallel_loop3A_1455 = vector.shape_cast %parallel_loop3A_1440 : vector<16xf32> to vector<1x16xf32>
        tpu.vector_store %arg7[%parallel_loop3A_1451, %parallel_loop3A_1452], %parallel_loop3A_1455 {add = true, strides = array<i32>} : memref<16x768xf32, #tpu.memory_space<vmem>>, vector<1x16xf32>,
        %parallel_loop3A_1456 = arith.index_cast %parallel_loop3A_404 : i32 to index
        %parallel_loop3A_1457 = arith.constant 688 : index
        %parallel_loop3A_1458 = tpu.vector_load %arg8[%parallel_loop3A_1456, %parallel_loop3A_1457] {strides = array<i32>} : memref<16x768xf32, #tpu.memory_space<vmem>>, vector<1x16xf32>,
        %parallel_loop3A_1459 = vector.shape_cast %parallel_loop3A_1458 : vector<1x16xf32> to vector<16xf32>
        %parallel_loop3A_1460 = vector.shape_cast %parallel_loop3A_1440 : vector<16xf32> to vector<1x16xf32>
        tpu.vector_store %arg8[%parallel_loop3A_1456, %parallel_loop3A_1457], %parallel_loop3A_1460 {add = true, strides = array<i32>} : memref<16x768xf32, #tpu.memory_space<vmem>>, vector<1x16xf32>,
        %parallel_loop3A_1461 = arith.index_cast %parallel_loop3A_404 : i32 to index
        %parallel_loop3A_1462 = arith.constant 704 : index
        %parallel_loop3A_1463 = tpu.vector_load %arg13[%parallel_loop3A_1461, %parallel_loop3A_1462] {strides = array<i32>} : memref<16x768xf32, #tpu.memory_space<vmem>>, vector<1x16xf32>,
        %parallel_loop3A_1464 = vector.shape_cast %parallel_loop3A_1463 : vector<1x16xf32> to vector<16xf32>
        %parallel_loop3A_1465 = arith.index_cast %parallel_loop3A_404 : i32 to index
        %parallel_loop3A_1466 = arith.constant 704 : index
        %parallel_loop3A_1467 = tpu.vector_load %arg5[%parallel_loop3A_1465, %parallel_loop3A_1466] {strides = array<i32>} : memref<16x768xf32, #tpu.memory_space<vmem>>, vector<1x16xf32>,
        %parallel_loop3A_1468 = vector.shape_cast %parallel_loop3A_1467 : vector<1x16xf32> to vector<16xf32>
        %parallel_loop3A_1469 = vector.shape_cast %parallel_loop3A_1464 : vector<16xf32> to vector<1x16xf32>
        tpu.vector_store %arg5[%parallel_loop3A_1465, %parallel_loop3A_1466], %parallel_loop3A_1469 {add = true, strides = array<i32>} : memref<16x768xf32, #tpu.memory_space<vmem>>, vector<1x16xf32>,
        %parallel_loop3A_1470 = arith.index_cast %parallel_loop3A_404 : i32 to index
        %parallel_loop3A_1471 = arith.constant 704 : index
        %parallel_loop3A_1472 = tpu.vector_load %arg6[%parallel_loop3A_1470, %parallel_loop3A_1471] {strides = array<i32>} : memref<16x768xf32, #tpu.memory_space<vmem>>, vector<1x16xf32>,
        %parallel_loop3A_1473 = vector.shape_cast %parallel_loop3A_1472 : vector<1x16xf32> to vector<16xf32>
        %parallel_loop3A_1474 = vector.shape_cast %parallel_loop3A_1464 : vector<16xf32> to vector<1x16xf32>
        tpu.vector_store %arg6[%parallel_loop3A_1470, %parallel_loop3A_1471], %parallel_loop3A_1474 {add = true, strides = array<i32>} : memref<16x768xf32, #tpu.memory_space<vmem>>, vector<1x16xf32>,
        %parallel_loop3A_1475 = arith.index_cast %parallel_loop3A_404 : i32 to index
        %parallel_loop3A_1476 = arith.constant 704 : index
        %parallel_loop3A_1477 = tpu.vector_load %arg7[%parallel_loop3A_1475, %parallel_loop3A_1476] {strides = array<i32>} : memref<16x768xf32, #tpu.memory_space<vmem>>, vector<1x16xf32>,
        %parallel_loop3A_1478 = vector.shape_cast %parallel_loop3A_1477 : vector<1x16xf32> to vector<16xf32>
        %parallel_loop3A_1479 = vector.shape_cast %parallel_loop3A_1464 : vector<16xf32> to vector<1x16xf32>
        tpu.vector_store %arg7[%parallel_loop3A_1475, %parallel_loop3A_1476], %parallel_loop3A_1479 {add = true, strides = array<i32>} : memref<16x768xf32, #tpu.memory_space<vmem>>, vector<1x16xf32>,
        %parallel_loop3A_1480 = arith.index_cast %parallel_loop3A_404 : i32 to index
        %parallel_loop3A_1481 = arith.constant 704 : index
        %parallel_loop3A_1482 = tpu.vector_load %arg8[%parallel_loop3A_1480, %parallel_loop3A_1481] {strides = array<i32>} : memref<16x768xf32, #tpu.memory_space<vmem>>, vector<1x16xf32>,
        %parallel_loop3A_1483 = vector.shape_cast %parallel_loop3A_1482 : vector<1x16xf32> to vector<16xf32>
        %parallel_loop3A_1484 = vector.shape_cast %parallel_loop3A_1464 : vector<16xf32> to vector<1x16xf32>
        tpu.vector_store %arg8[%parallel_loop3A_1480, %parallel_loop3A_1481], %parallel_loop3A_1484 {add = true, strides = array<i32>} : memref<16x768xf32, #tpu.memory_space<vmem>>, vector<1x16xf32>,
        %parallel_loop3A_1485 = arith.index_cast %parallel_loop3A_404 : i32 to index
        %parallel_loop3A_1486 = arith.constant 720 : index
        %parallel_loop3A_1487 = tpu.vector_load %arg13[%parallel_loop3A_1485, %parallel_loop3A_1486] {strides = array<i32>} : memref<16x768xf32, #tpu.memory_space<vmem>>, vector<1x16xf32>,
        %parallel_loop3A_1488 = vector.shape_cast %parallel_loop3A_1487 : vector<1x16xf32> to vector<16xf32>
        %parallel_loop3A_1489 = arith.index_cast %parallel_loop3A_404 : i32 to index
        %parallel_loop3A_1490 = arith.constant 720 : index
        %parallel_loop3A_1491 = tpu.vector_load %arg5[%parallel_loop3A_1489, %parallel_loop3A_1490] {strides = array<i32>} : memref<16x768xf32, #tpu.memory_space<vmem>>, vector<1x16xf32>,
        %parallel_loop3A_1492 = vector.shape_cast %parallel_loop3A_1491 : vector<1x16xf32> to vector<16xf32>
        %parallel_loop3A_1493 = vector.shape_cast %parallel_loop3A_1488 : vector<16xf32> to vector<1x16xf32>
        tpu.vector_store %arg5[%parallel_loop3A_1489, %parallel_loop3A_1490], %parallel_loop3A_1493 {add = true, strides = array<i32>} : memref<16x768xf32, #tpu.memory_space<vmem>>, vector<1x16xf32>,
        %parallel_loop3A_1494 = arith.index_cast %parallel_loop3A_404 : i32 to index
        %parallel_loop3A_1495 = arith.constant 720 : index
        %parallel_loop3A_1496 = tpu.vector_load %arg6[%parallel_loop3A_1494, %parallel_loop3A_1495] {strides = array<i32>} : memref<16x768xf32, #tpu.memory_space<vmem>>, vector<1x16xf32>,
        %parallel_loop3A_1497 = vector.shape_cast %parallel_loop3A_1496 : vector<1x16xf32> to vector<16xf32>
        %parallel_loop3A_1498 = vector.shape_cast %parallel_loop3A_1488 : vector<16xf32> to vector<1x16xf32>
        tpu.vector_store %arg6[%parallel_loop3A_1494, %parallel_loop3A_1495], %parallel_loop3A_1498 {add = true, strides = array<i32>} : memref<16x768xf32, #tpu.memory_space<vmem>>, vector<1x16xf32>,
        %parallel_loop3A_1499 = arith.index_cast %parallel_loop3A_404 : i32 to index
        %parallel_loop3A_1500 = arith.constant 720 : index
        %parallel_loop3A_1501 = tpu.vector_load %arg7[%parallel_loop3A_1499, %parallel_loop3A_1500] {strides = array<i32>} : memref<16x768xf32, #tpu.memory_space<vmem>>, vector<1x16xf32>,
        %parallel_loop3A_1502 = vector.shape_cast %parallel_loop3A_1501 : vector<1x16xf32> to vector<16xf32>
        %parallel_loop3A_1503 = vector.shape_cast %parallel_loop3A_1488 : vector<16xf32> to vector<1x16xf32>
        tpu.vector_store %arg7[%parallel_loop3A_1499, %parallel_loop3A_1500], %parallel_loop3A_1503 {add = true, strides = array<i32>} : memref<16x768xf32, #tpu.memory_space<vmem>>, vector<1x16xf32>,
        %parallel_loop3A_1504 = arith.index_cast %parallel_loop3A_404 : i32 to index
        %parallel_loop3A_1505 = arith.constant 720 : index
        %parallel_loop3A_1506 = tpu.vector_load %arg8[%parallel_loop3A_1504, %parallel_loop3A_1505] {strides = array<i32>} : memref<16x768xf32, #tpu.memory_space<vmem>>, vector<1x16xf32>,
        %parallel_loop3A_1507 = vector.shape_cast %parallel_loop3A_1506 : vector<1x16xf32> to vector<16xf32>
        %parallel_loop3A_1508 = vector.shape_cast %parallel_loop3A_1488 : vector<16xf32> to vector<1x16xf32>
        tpu.vector_store %arg8[%parallel_loop3A_1504, %parallel_loop3A_1505], %parallel_loop3A_1508 {add = true, strides = array<i32>} : memref<16x768xf32, #tpu.memory_space<vmem>>, vector<1x16xf32>,
        %parallel_loop3A_1509 = arith.index_cast %parallel_loop3A_404 : i32 to index
        %parallel_loop3A_1510 = arith.constant 736 : index
        %parallel_loop3A_1511 = tpu.vector_load %arg13[%parallel_loop3A_1509, %parallel_loop3A_1510] {strides = array<i32>} : memref<16x768xf32, #tpu.memory_space<vmem>>, vector<1x16xf32>,
        %parallel_loop3A_1512 = vector.shape_cast %parallel_loop3A_1511 : vector<1x16xf32> to vector<16xf32>
        %parallel_loop3A_1513 = arith.index_cast %parallel_loop3A_404 : i32 to index
        %parallel_loop3A_1514 = arith.constant 736 : index
        %parallel_loop3A_1515 = tpu.vector_load %arg5[%parallel_loop3A_1513, %parallel_loop3A_1514] {strides = array<i32>} : memref<16x768xf32, #tpu.memory_space<vmem>>, vector<1x16xf32>,
        %parallel_loop3A_1516 = vector.shape_cast %parallel_loop3A_1515 : vector<1x16xf32> to vector<16xf32>
        %parallel_loop3A_1517 = vector.shape_cast %parallel_loop3A_1512 : vector<16xf32> to vector<1x16xf32>
        tpu.vector_store %arg5[%parallel_loop3A_1513, %parallel_loop3A_1514], %parallel_loop3A_1517 {add = true, strides = array<i32>} : memref<16x768xf32, #tpu.memory_space<vmem>>, vector<1x16xf32>,
        %parallel_loop3A_1518 = arith.index_cast %parallel_loop3A_404 : i32 to index
        %parallel_loop3A_1519 = arith.constant 736 : index
        %parallel_loop3A_1520 = tpu.vector_load %arg6[%parallel_loop3A_1518, %parallel_loop3A_1519] {strides = array<i32>} : memref<16x768xf32, #tpu.memory_space<vmem>>, vector<1x16xf32>,
        %parallel_loop3A_1521 = vector.shape_cast %parallel_loop3A_1520 : vector<1x16xf32> to vector<16xf32>
        %parallel_loop3A_1522 = vector.shape_cast %parallel_loop3A_1512 : vector<16xf32> to vector<1x16xf32>
        tpu.vector_store %arg6[%parallel_loop3A_1518, %parallel_loop3A_1519], %parallel_loop3A_1522 {add = true, strides = array<i32>} : memref<16x768xf32, #tpu.memory_space<vmem>>, vector<1x16xf32>,
        %parallel_loop3A_1523 = arith.index_cast %parallel_loop3A_404 : i32 to index
        %parallel_loop3A_1524 = arith.constant 736 : index
        %parallel_loop3A_1525 = tpu.vector_load %arg7[%parallel_loop3A_1523, %parallel_loop3A_1524] {strides = array<i32>} : memref<16x768xf32, #tpu.memory_space<vmem>>, vector<1x16xf32>,
        %parallel_loop3A_1526 = vector.shape_cast %parallel_loop3A_1525 : vector<1x16xf32> to vector<16xf32>
        %parallel_loop3A_1527 = vector.shape_cast %parallel_loop3A_1512 : vector<16xf32> to vector<1x16xf32>
        tpu.vector_store %arg7[%parallel_loop3A_1523, %parallel_loop3A_1524], %parallel_loop3A_1527 {add = true, strides = array<i32>} : memref<16x768xf32, #tpu.memory_space<vmem>>, vector<1x16xf32>,
        %parallel_loop3A_1528 = arith.index_cast %parallel_loop3A_404 : i32 to index
        %parallel_loop3A_1529 = arith.constant 736 : index
        %parallel_loop3A_1530 = tpu.vector_load %arg8[%parallel_loop3A_1528, %parallel_loop3A_1529] {strides = array<i32>} : memref<16x768xf32, #tpu.memory_space<vmem>>, vector<1x16xf32>,
        %parallel_loop3A_1531 = vector.shape_cast %parallel_loop3A_1530 : vector<1x16xf32> to vector<16xf32>
        %parallel_loop3A_1532 = vector.shape_cast %parallel_loop3A_1512 : vector<16xf32> to vector<1x16xf32>
        tpu.vector_store %arg8[%parallel_loop3A_1528, %parallel_loop3A_1529], %parallel_loop3A_1532 {add = true, strides = array<i32>} : memref<16x768xf32, #tpu.memory_space<vmem>>, vector<1x16xf32>,
        %parallel_loop3A_1533 = arith.index_cast %parallel_loop3A_404 : i32 to index
        %parallel_loop3A_1534 = arith.constant 752 : index
        %parallel_loop3A_1535 = tpu.vector_load %arg13[%parallel_loop3A_1533, %parallel_loop3A_1534] {strides = array<i32>} : memref<16x768xf32, #tpu.memory_space<vmem>>, vector<1x16xf32>,
        %parallel_loop3A_1536 = vector.shape_cast %parallel_loop3A_1535 : vector<1x16xf32> to vector<16xf32>
        %parallel_loop3A_1537 = arith.index_cast %parallel_loop3A_404 : i32 to index
        %parallel_loop3A_1538 = arith.constant 752 : index
        %parallel_loop3A_1539 = tpu.vector_load %arg5[%parallel_loop3A_1537, %parallel_loop3A_1538] {strides = array<i32>} : memref<16x768xf32, #tpu.memory_space<vmem>>, vector<1x16xf32>,
        %parallel_loop3A_1540 = vector.shape_cast %parallel_loop3A_1539 : vector<1x16xf32> to vector<16xf32>
        %parallel_loop3A_1541 = vector.shape_cast %parallel_loop3A_1536 : vector<16xf32> to vector<1x16xf32>
        tpu.vector_store %arg5[%parallel_loop3A_1537, %parallel_loop3A_1538], %parallel_loop3A_1541 {add = true, strides = array<i32>} : memref<16x768xf32, #tpu.memory_space<vmem>>, vector<1x16xf32>,
        %parallel_loop3A_1542 = arith.index_cast %parallel_loop3A_404 : i32 to index
        %parallel_loop3A_1543 = arith.constant 752 : index
        %parallel_loop3A_1544 = tpu.vector_load %arg6[%parallel_loop3A_1542, %parallel_loop3A_1543] {strides = array<i32>} : memref<16x768xf32, #tpu.memory_space<vmem>>, vector<1x16xf32>,
        %parallel_loop3A_1545 = vector.shape_cast %parallel_loop3A_1544 : vector<1x16xf32> to vector<16xf32>
        %parallel_loop3A_1546 = vector.shape_cast %parallel_loop3A_1536 : vector<16xf32> to vector<1x16xf32>
        tpu.vector_store %arg6[%parallel_loop3A_1542, %parallel_loop3A_1543], %parallel_loop3A_1546 {add = true, strides = array<i32>} : memref<16x768xf32, #tpu.memory_space<vmem>>, vector<1x16xf32>,
        %parallel_loop3A_1547 = arith.index_cast %parallel_loop3A_404 : i32 to index
        %parallel_loop3A_1548 = arith.constant 752 : index
        %parallel_loop3A_1549 = tpu.vector_load %arg7[%parallel_loop3A_1547, %parallel_loop3A_1548] {strides = array<i32>} : memref<16x768xf32, #tpu.memory_space<vmem>>, vector<1x16xf32>,
        %parallel_loop3A_1550 = vector.shape_cast %parallel_loop3A_1549 : vector<1x16xf32> to vector<16xf32>
        %parallel_loop3A_1551 = vector.shape_cast %parallel_loop3A_1536 : vector<16xf32> to vector<1x16xf32>
        tpu.vector_store %arg7[%parallel_loop3A_1547, %parallel_loop3A_1548], %parallel_loop3A_1551 {add = true, strides = array<i32>} : memref<16x768xf32, #tpu.memory_space<vmem>>, vector<1x16xf32>,
        %parallel_loop3A_1552 = arith.index_cast %parallel_loop3A_404 : i32 to index
        %parallel_loop3A_1553 = arith.constant 752 : index
        %parallel_loop3A_1554 = tpu.vector_load %arg8[%parallel_loop3A_1552, %parallel_loop3A_1553] {strides = array<i32>} : memref<16x768xf32, #tpu.memory_space<vmem>>, vector<1x16xf32>,
        %parallel_loop3A_1555 = vector.shape_cast %parallel_loop3A_1554 : vector<1x16xf32> to vector<16xf32>
        %parallel_loop3A_1556 = vector.shape_cast %parallel_loop3A_1536 : vector<16xf32> to vector<1x16xf32>
        tpu.vector_store %arg8[%parallel_loop3A_1552, %parallel_loop3A_1553], %parallel_loop3A_1556 {add = true, strides = array<i32>} : memref<16x768xf32, #tpu.memory_space<vmem>>, vector<1x16xf32>,
      } {sc.loop_unroll_factor = 1 : i64, sc.parallel_access}
      %mul3A_209 = arith.constant 16 : i32
      %mul3A_210 = arith.muli %add3A_94, %mul3A_209 : i32
      %add3A_211 = arith.addi %mul3A_2, %mul3A_210 : i32
      %dma_start3A_212 = arith.constant 0 : i32
      %dma_start3A_213 = arith.constant 0 : i32
      %dma_start3A_214 = tpu.memref_slice %arg4[%dma_start3A_212, %add3A_211, %dma_start3A_213] : memref<4x8192x768xf32, #tpu.memory_space<hbm>> -> memref<1x16x768xf32, #tpu.memory_space<hbm>>
      %dma_start3A_215 = tpu.memref_squeeze %dma_start3A_214 : memref<1x16x768xf32, #tpu.memory_space<hbm>> -> memref<16x768xf32, #tpu.memory_space<hbm>>
      %dma_start3A_216 = arith.constant 0 : i32
      %dma_start3A_217 = tpu.memref_slice %arg4[%dma_start3A_212, %add3A_211, %dma_start3A_216] : memref<4x8192x768xf32, #tpu.memory_space<hbm>> -> memref<1x16x768xf32, #tpu.memory_space<hbm>>
      %dma_start3A_218 = tpu.memref_squeeze %dma_start3A_217 : memref<1x16x768xf32, #tpu.memory_space<hbm>> -> memref<16x768xf32, #tpu.memory_space<hbm>>
      tpu.enqueue_dma source(%arg5 : memref<16x768xf32, #tpu.memory_space<vmem>>) target(%dma_start3A_218 : memref<16x768xf32, #tpu.memory_space<hbm>>) target_semaphore(%arg23 : memref<!tpu.dma_semaphore, #tpu.memory_space<semaphore_mem>>)
      %mul3A_219 = arith.constant 16 : i32
      %mul3A_220 = arith.muli %add3A_94, %mul3A_219 : i32
      %add3A_221 = arith.addi %mul3A_2, %mul3A_220 : i32
      %dma_start3A_222 = arith.constant 1 : i32
      %dma_start3A_223 = arith.constant 0 : i32
      %dma_start3A_224 = tpu.memref_slice %arg4[%dma_start3A_222, %add3A_221, %dma_start3A_223] : memref<4x8192x768xf32, #tpu.memory_space<hbm>> -> memref<1x16x768xf32, #tpu.memory_space<hbm>>
      %dma_start3A_225 = tpu.memref_squeeze %dma_start3A_224 : memref<1x16x768xf32, #tpu.memory_space<hbm>> -> memref<16x768xf32, #tpu.memory_space<hbm>>
      %dma_start3A_226 = arith.constant 0 : i32
      %dma_start3A_227 = tpu.memref_slice %arg4[%dma_start3A_222, %add3A_221, %dma_start3A_226] : memref<4x8192x768xf32, #tpu.memory_space<hbm>> -> memref<1x16x768xf32, #tpu.memory_space<hbm>>
      %dma_start3A_228 = tpu.memref_squeeze %dma_start3A_227 : memref<1x16x768xf32, #tpu.memory_space<hbm>> -> memref<16x768xf32, #tpu.memory_space<hbm>>
      tpu.enqueue_dma source(%arg6 : memref<16x768xf32, #tpu.memory_space<vmem>>) target(%dma_start3A_228 : memref<16x768xf32, #tpu.memory_space<hbm>>) target_semaphore(%arg24 : memref<!tpu.dma_semaphore, #tpu.memory_space<semaphore_mem>>)
      %mul3A_229 = arith.constant 16 : i32
      %mul3A_230 = arith.muli %add3A_94, %mul3A_229 : i32
      %add3A_231 = arith.addi %mul3A_2, %mul3A_230 : i32
      %dma_start3A_232 = arith.constant 2 : i32
      %dma_start3A_233 = arith.constant 0 : i32
      %dma_start3A_234 = tpu.memref_slice %arg4[%dma_start3A_232, %add3A_231, %dma_start3A_233] : memref<4x8192x768xf32, #tpu.memory_space<hbm>> -> memref<1x16x768xf32, #tpu.memory_space<hbm>>
      %dma_start3A_235 = tpu.memref_squeeze %dma_start3A_234 : memref<1x16x768xf32, #tpu.memory_space<hbm>> -> memref<16x768xf32, #tpu.memory_space<hbm>>
      %dma_start3A_236 = arith.constant 0 : i32
      %dma_start3A_237 = tpu.memref_slice %arg4[%dma_start3A_232, %add3A_231, %dma_start3A_236] : memref<4x8192x768xf32, #tpu.memory_space<hbm>> -> memref<1x16x768xf32, #tpu.memory_space<hbm>>
      %dma_start3A_238 = tpu.memref_squeeze %dma_start3A_237 : memref<1x16x768xf32, #tpu.memory_space<hbm>> -> memref<16x768xf32, #tpu.memory_space<hbm>>
      tpu.enqueue_dma source(%arg7 : memref<16x768xf32, #tpu.memory_space<vmem>>) target(%dma_start3A_238 : memref<16x768xf32, #tpu.memory_space<hbm>>) target_semaphore(%arg25 : memref<!tpu.dma_semaphore, #tpu.memory_space<semaphore_mem>>)
      %mul3A_239 = arith.constant 16 : i32
      %mul3A_240 = arith.muli %add3A_94, %mul3A_239 : i32
      %add3A_241 = arith.addi %mul3A_2, %mul3A_240 : i32
      %dma_start3A_242 = arith.constant 3 : i32
      %dma_start3A_243 = arith.constant 0 : i32
      %dma_start3A_244 = tpu.memref_slice %arg4[%dma_start3A_242, %add3A_241, %dma_start3A_243] : memref<4x8192x768xf32, #tpu.memory_space<hbm>> -> memref<1x16x768xf32, #tpu.memory_space<hbm>>
      %dma_start3A_245 = tpu.memref_squeeze %dma_start3A_244 : memref<1x16x768xf32, #tpu.memory_space<hbm>> -> memref<16x768xf32, #tpu.memory_space<hbm>>
      %dma_start3A_246 = arith.constant 0 : i32
      %dma_start3A_247 = tpu.memref_slice %arg4[%dma_start3A_242, %add3A_241, %dma_start3A_246] : memref<4x8192x768xf32, #tpu.memory_space<hbm>> -> memref<1x16x768xf32, #tpu.memory_space<hbm>>
      %dma_start3A_248 = tpu.memref_squeeze %dma_start3A_247 : memref<1x16x768xf32, #tpu.memory_space<hbm>> -> memref<16x768xf32, #tpu.memory_space<hbm>>
      tpu.enqueue_dma source(%arg8 : memref<16x768xf32, #tpu.memory_space<vmem>>) target(%dma_start3A_248 : memref<16x768xf32, #tpu.memory_space<hbm>>) target_semaphore(%arg26 : memref<!tpu.dma_semaphore, #tpu.memory_space<semaphore_mem>>)
      %lt3A = arith.constant 7 : i32
      %lt3A_249 = arith.cmpi slt, %scan3A_90, %lt3A : i32
      %convert_element_type3A_250 = arith.extui %lt3A_249 : i1 to i32
      %cond3A_251 = arith.constant 0 : i32
      %cond3A_252 = arith.cmpi ne, %convert_element_type3A_250, %cond3A_251 : i32
      scf.if %cond3A_252 {
        %add3A_404 = arith.constant 2 : i32
        %add3A_405 = arith.addi %add3A_94, %add3A_404 : i32
        %mul3A_406 = arith.constant 16 : i32
        %mul3A_407 = arith.muli %add3A_405, %mul3A_406 : i32
        %add3A_408 = arith.addi %mul3A_2, %mul3A_407 : i32
        %dma_start3A_409 = arith.constant 0 : i32
        %dma_start3A_410 = tpu.memref_slice %arg3[%add3A_408, %dma_start3A_409] : memref<8192x768xf32, #tpu.memory_space<hbm>> -> memref<16x768xf32, #tpu.memory_space<hbm>>
        %dma_start3A_411 = arith.constant 0 : i32
        %dma_start3A_412 = tpu.memref_slice %arg3[%add3A_408, %dma_start3A_411] : memref<8192x768xf32, #tpu.memory_space<hbm>> -> memref<16x768xf32, #tpu.memory_space<hbm>>
        tpu.enqueue_dma source(%dma_start3A_412 : memref<16x768xf32, #tpu.memory_space<hbm>>) target(%arg13 : memref<16x768xf32, #tpu.memory_space<vmem>>) target_semaphore(%arg31 : memref<!tpu.dma_semaphore, #tpu.memory_space<semaphore_mem>>)
      } else {
      }
      %mul3A_253 = arith.constant 2 : i32
      %mul3A_254 = arith.muli %scan3A_90, %mul3A_253 : i32
      %add3A_255 = arith.constant 1 : i32
      %add3A_256 = arith.addi %mul3A_254, %add3A_255 : i32
      %sub3A = arith.constant 1 : i32
      %sub3A_257 = arith.subi %add3A_256, %sub3A : i32
      %mul3A_258 = arith.constant 16 : i32
      %mul3A_259 = arith.muli %sub3A_257, %mul3A_258 : i32
      %add3A_260 = arith.addi %mul3A_2, %mul3A_259 : i32
      %dma_wait3A_261 = arith.constant 0 : i32
      %dma_wait3A_262 = arith.constant 0 : i32
      %dma_wait3A_263 = tpu.memref_slice %arg4[%dma_wait3A_261, %add3A_260, %dma_wait3A_262] : memref<4x8192x768xf32, #tpu.memory_space<hbm>> -> memref<1x16x768xf32, #tpu.memory_space<hbm>>
      %dma_wait3A_264 = tpu.memref_squeeze %dma_wait3A_263 : memref<1x16x768xf32, #tpu.memory_space<hbm>> -> memref<16x768xf32, #tpu.memory_space<hbm>>
      %dma_wait3A_265 = arith.constant 0 : i32
      %dma_wait3A_266 = tpu.memref_slice %arg4[%dma_wait3A_261, %add3A_260, %dma_wait3A_265] : memref<4x8192x768xf32, #tpu.memory_space<hbm>> -> memref<1x16x768xf32, #tpu.memory_space<hbm>>
      %dma_wait3A_267 = tpu.memref_squeeze %dma_wait3A_266 : memref<1x16x768xf32, #tpu.memory_space<hbm>> -> memref<16x768xf32, #tpu.memory_space<hbm>>
      tpu.wait_dma2 semaphore(%arg23 : memref<!tpu.dma_semaphore, #tpu.memory_space<semaphore_mem>>) src(%arg5 : memref<16x768xf32, #tpu.memory_space<vmem>>) dst(%dma_wait3A_267 : memref<16x768xf32, #tpu.memory_space<hbm>>)
      %sub3A_268 = arith.constant 1 : i32
      %sub3A_269 = arith.subi %add3A_256, %sub3A_268 : i32
      %mul3A_270 = arith.constant 16 : i32
      %mul3A_271 = arith.muli %sub3A_269, %mul3A_270 : i32
      %add3A_272 = arith.addi %mul3A_2, %mul3A_271 : i32
      %dma_wait3A_273 = arith.constant 1 : i32
      %dma_wait3A_274 = arith.constant 0 : i32
      %dma_wait3A_275 = tpu.memref_slice %arg4[%dma_wait3A_273, %add3A_272, %dma_wait3A_274] : memref<4x8192x768xf32, #tpu.memory_space<hbm>> -> memref<1x16x768xf32, #tpu.memory_space<hbm>>
      %dma_wait3A_276 = tpu.memref_squeeze %dma_wait3A_275 : memref<1x16x768xf32, #tpu.memory_space<hbm>> -> memref<16x768xf32, #tpu.memory_space<hbm>>
      %dma_wait3A_277 = arith.constant 0 : i32
      %dma_wait3A_278 = tpu.memref_slice %arg4[%dma_wait3A_273, %add3A_272, %dma_wait3A_277] : memref<4x8192x768xf32, #tpu.memory_space<hbm>> -> memref<1x16x768xf32, #tpu.memory_space<hbm>>
      %dma_wait3A_279 = tpu.memref_squeeze %dma_wait3A_278 : memref<1x16x768xf32, #tpu.memory_space<hbm>> -> memref<16x768xf32, #tpu.memory_space<hbm>>
      tpu.wait_dma2 semaphore(%arg24 : memref<!tpu.dma_semaphore, #tpu.memory_space<semaphore_mem>>) src(%arg6 : memref<16x768xf32, #tpu.memory_space<vmem>>) dst(%dma_wait3A_279 : memref<16x768xf32, #tpu.memory_space<hbm>>)
      %sub3A_280 = arith.constant 1 : i32
      %sub3A_281 = arith.subi %add3A_256, %sub3A_280 : i32
      %mul3A_282 = arith.constant 16 : i32
      %mul3A_283 = arith.muli %sub3A_281, %mul3A_282 : i32
      %add3A_284 = arith.addi %mul3A_2, %mul3A_283 : i32
      %dma_wait3A_285 = arith.constant 2 : i32
      %dma_wait3A_286 = arith.constant 0 : i32
      %dma_wait3A_287 = tpu.memref_slice %arg4[%dma_wait3A_285, %add3A_284, %dma_wait3A_286] : memref<4x8192x768xf32, #tpu.memory_space<hbm>> -> memref<1x16x768xf32, #tpu.memory_space<hbm>>
      %dma_wait3A_288 = tpu.memref_squeeze %dma_wait3A_287 : memref<1x16x768xf32, #tpu.memory_space<hbm>> -> memref<16x768xf32, #tpu.memory_space<hbm>>
      %dma_wait3A_289 = arith.constant 0 : i32
      %dma_wait3A_290 = tpu.memref_slice %arg4[%dma_wait3A_285, %add3A_284, %dma_wait3A_289] : memref<4x8192x768xf32, #tpu.memory_space<hbm>> -> memref<1x16x768xf32, #tpu.memory_space<hbm>>
      %dma_wait3A_291 = tpu.memref_squeeze %dma_wait3A_290 : memref<1x16x768xf32, #tpu.memory_space<hbm>> -> memref<16x768xf32, #tpu.memory_space<hbm>>
      tpu.wait_dma2 semaphore(%arg25 : memref<!tpu.dma_semaphore, #tpu.memory_space<semaphore_mem>>) src(%arg7 : memref<16x768xf32, #tpu.memory_space<vmem>>) dst(%dma_wait3A_291 : memref<16x768xf32, #tpu.memory_space<hbm>>)
      %sub3A_292 = arith.constant 1 : i32
      %sub3A_293 = arith.subi %add3A_256, %sub3A_292 : i32
      %mul3A_294 = arith.constant 16 : i32
      %mul3A_295 = arith.muli %sub3A_293, %mul3A_294 : i32
      %add3A_296 = arith.addi %mul3A_2, %mul3A_295 : i32
      %dma_wait3A_297 = arith.constant 3 : i32
      %dma_wait3A_298 = arith.constant 0 : i32
      %dma_wait3A_299 = tpu.memref_slice %arg4[%dma_wait3A_297, %add3A_296, %dma_wait3A_298] : memref<4x8192x768xf32, #tpu.memory_space<hbm>> -> memref<1x16x768xf32, #tpu.memory_space<hbm>>
      %dma_wait3A_300 = tpu.memref_squeeze %dma_wait3A_299 : memref<1x16x768xf32, #tpu.memory_space<hbm>> -> memref<16x768xf32, #tpu.memory_space<hbm>>
      %dma_wait3A_301 = arith.constant 0 : i32
      %dma_wait3A_302 = tpu.memref_slice %arg4[%dma_wait3A_297, %add3A_296, %dma_wait3A_301] : memref<4x8192x768xf32, #tpu.memory_space<hbm>> -> memref<1x16x768xf32, #tpu.memory_space<hbm>>
      %dma_wait3A_303 = tpu.memref_squeeze %dma_wait3A_302 : memref<1x16x768xf32, #tpu.memory_space<hbm>> -> memref<16x768xf32, #tpu.memory_space<hbm>>
      tpu.wait_dma2 semaphore(%arg26 : memref<!tpu.dma_semaphore, #tpu.memory_space<semaphore_mem>>) src(%arg8 : memref<16x768xf32, #tpu.memory_space<vmem>>) dst(%dma_wait3A_303 : memref<16x768xf32, #tpu.memory_space<hbm>>)
      %lt3A_304 = arith.constant 7 : i32
      %lt3A_305 = arith.cmpi slt, %scan3A_90, %lt3A_304 : i32
      %convert_element_type3A_306 = arith.extui %lt3A_305 : i1 to i32
      %cond3A_307 = arith.constant 0 : i32
      %cond3A_308 = arith.cmpi ne, %convert_element_type3A_306, %cond3A_307 : i32
      scf.if %cond3A_308 {
        %add3A_404 = arith.constant 1 : i32
        %add3A_405 = arith.addi %add3A_256, %add3A_404 : i32
        %mul3A_406 = arith.constant 16 : i32
        %mul3A_407 = arith.muli %add3A_405, %mul3A_406 : i32
        %add3A_408 = arith.addi %mul3A_2, %mul3A_407 : i32
        %dma_start3A_409 = arith.constant 0 : i32
        %dma_start3A_410 = arith.constant 0 : i32
        %dma_start3A_411 = tpu.memref_slice %arg2[%dma_start3A_409, %add3A_408, %dma_start3A_410] : memref<4x8192x768xf32, #tpu.memory_space<hbm>> -> memref<1x16x768xf32, #tpu.memory_space<hbm>>
        %dma_start3A_412 = tpu.memref_squeeze %dma_start3A_411 : memref<1x16x768xf32, #tpu.memory_space<hbm>> -> memref<16x768xf32, #tpu.memory_space<hbm>>
        %dma_start3A_413 = arith.constant 0 : i32
        %dma_start3A_414 = tpu.memref_slice %arg2[%dma_start3A_409, %add3A_408, %dma_start3A_413] : memref<4x8192x768xf32, #tpu.memory_space<hbm>> -> memref<1x16x768xf32, #tpu.memory_space<hbm>>
        %dma_start3A_415 = tpu.memref_squeeze %dma_start3A_414 : memref<1x16x768xf32, #tpu.memory_space<hbm>> -> memref<16x768xf32, #tpu.memory_space<hbm>>
        tpu.enqueue_dma source(%dma_start3A_415 : memref<16x768xf32, #tpu.memory_space<hbm>>) target(%arg5 : memref<16x768xf32, #tpu.memory_space<vmem>>) target_semaphore(%arg15 : memref<!tpu.dma_semaphore, #tpu.memory_space<semaphore_mem>>)
        %add3A_416 = arith.constant 1 : i32
        %add3A_417 = arith.addi %add3A_256, %add3A_416 : i32
        %mul3A_418 = arith.constant 16 : i32
        %mul3A_419 = arith.muli %add3A_417, %mul3A_418 : i32
        %add3A_420 = arith.addi %mul3A_2, %mul3A_419 : i32
        %dma_start3A_421 = arith.constant 1 : i32
        %dma_start3A_422 = arith.constant 0 : i32
        %dma_start3A_423 = tpu.memref_slice %arg2[%dma_start3A_421, %add3A_420, %dma_start3A_422] : memref<4x8192x768xf32, #tpu.memory_space<hbm>> -> memref<1x16x768xf32, #tpu.memory_space<hbm>>
        %dma_start3A_424 = tpu.memref_squeeze %dma_start3A_423 : memref<1x16x768xf32, #tpu.memory_space<hbm>> -> memref<16x768xf32, #tpu.memory_space<hbm>>
        %dma_start3A_425 = arith.constant 0 : i32
        %dma_start3A_426 = tpu.memref_slice %arg2[%dma_start3A_421, %add3A_420, %dma_start3A_425] : memref<4x8192x768xf32, #tpu.memory_space<hbm>> -> memref<1x16x768xf32, #tpu.memory_space<hbm>>
        %dma_start3A_427 = tpu.memref_squeeze %dma_start3A_426 : memref<1x16x768xf32, #tpu.memory_space<hbm>> -> memref<16x768xf32, #tpu.memory_space<hbm>>
        tpu.enqueue_dma source(%dma_start3A_427 : memref<16x768xf32, #tpu.memory_space<hbm>>) target(%arg6 : memref<16x768xf32, #tpu.memory_space<vmem>>) target_semaphore(%arg16 : memref<!tpu.dma_semaphore, #tpu.memory_space<semaphore_mem>>)
        %add3A_428 = arith.constant 1 : i32
        %add3A_429 = arith.addi %add3A_256, %add3A_428 : i32
        %mul3A_430 = arith.constant 16 : i32
        %mul3A_431 = arith.muli %add3A_429, %mul3A_430 : i32
        %add3A_432 = arith.addi %mul3A_2, %mul3A_431 : i32
        %dma_start3A_433 = arith.constant 2 : i32
        %dma_start3A_434 = arith.constant 0 : i32
        %dma_start3A_435 = tpu.memref_slice %arg2[%dma_start3A_433, %add3A_432, %dma_start3A_434] : memref<4x8192x768xf32, #tpu.memory_space<hbm>> -> memref<1x16x768xf32, #tpu.memory_space<hbm>>
        %dma_start3A_436 = tpu.memref_squeeze %dma_start3A_435 : memref<1x16x768xf32, #tpu.memory_space<hbm>> -> memref<16x768xf32, #tpu.memory_space<hbm>>
        %dma_start3A_437 = arith.constant 0 : i32
        %dma_start3A_438 = tpu.memref_slice %arg2[%dma_start3A_433, %add3A_432, %dma_start3A_437] : memref<4x8192x768xf32, #tpu.memory_space<hbm>> -> memref<1x16x768xf32, #tpu.memory_space<hbm>>
        %dma_start3A_439 = tpu.memref_squeeze %dma_start3A_438 : memref<1x16x768xf32, #tpu.memory_space<hbm>> -> memref<16x768xf32, #tpu.memory_space<hbm>>
        tpu.enqueue_dma source(%dma_start3A_439 : memref<16x768xf32, #tpu.memory_space<hbm>>) target(%arg7 : memref<16x768xf32, #tpu.memory_space<vmem>>) target_semaphore(%arg17 : memref<!tpu.dma_semaphore, #tpu.memory_space<semaphore_mem>>)
        %add3A_440 = arith.constant 1 : i32
        %add3A_441 = arith.addi %add3A_256, %add3A_440 : i32
        %mul3A_442 = arith.constant 16 : i32
        %mul3A_443 = arith.muli %add3A_441, %mul3A_442 : i32
        %add3A_444 = arith.addi %mul3A_2, %mul3A_443 : i32
        %dma_start3A_445 = arith.constant 3 : i32
        %dma_start3A_446 = arith.constant 0 : i32
        %dma_start3A_447 = tpu.memref_slice %arg2[%dma_start3A_445, %add3A_444, %dma_start3A_446] : memref<4x8192x768xf32, #tpu.memory_space<hbm>> -> memref<1x16x768xf32, #tpu.memory_space<hbm>>
        %dma_start3A_448 = tpu.memref_squeeze %dma_start3A_447 : memref<1x16x768xf32, #tpu.memory_space<hbm>> -> memref<16x768xf32, #tpu.memory_space<hbm>>
        %dma_start3A_449 = arith.constant 0 : i32
        %dma_start3A_450 = tpu.memref_slice %arg2[%dma_start3A_445, %add3A_444, %dma_start3A_449] : memref<4x8192x768xf32, #tpu.memory_space<hbm>> -> memref<1x16x768xf32, #tpu.memory_space<hbm>>
        %dma_start3A_451 = tpu.memref_squeeze %dma_start3A_450 : memref<1x16x768xf32, #tpu.memory_space<hbm>> -> memref<16x768xf32, #tpu.memory_space<hbm>>
        tpu.enqueue_dma source(%dma_start3A_451 : memref<16x768xf32, #tpu.memory_space<hbm>>) target(%arg8 : memref<16x768xf32, #tpu.memory_space<vmem>>) target_semaphore(%arg18 : memref<!tpu.dma_semaphore, #tpu.memory_space<semaphore_mem>>)
      } else {
      }
      %mul3A_309 = arith.constant 16 : i32
      %mul3A_310 = arith.muli %add3A_256, %mul3A_309 : i32
      %add3A_311 = arith.addi %mul3A_2, %mul3A_310 : i32
      %dma_wait3A_312 = arith.constant 0 : i32
      %dma_wait3A_313 = tpu.memref_slice %arg3[%add3A_311, %dma_wait3A_312] : memref<8192x768xf32, #tpu.memory_space<hbm>> -> memref<16x768xf32, #tpu.memory_space<hbm>>
      %dma_wait3A_314 = arith.constant 0 : i32
      %dma_wait3A_315 = tpu.memref_slice %arg3[%add3A_311, %dma_wait3A_314] : memref<8192x768xf32, #tpu.memory_space<hbm>> -> memref<16x768xf32, #tpu.memory_space<hbm>>
      tpu.wait_dma2 semaphore(%arg32 : memref<!tpu.dma_semaphore, #tpu.memory_space<semaphore_mem>>) src(%dma_wait3A_315 : memref<16x768xf32, #tpu.memory_space<hbm>>) dst(%arg14 : memref<16x768xf32, #tpu.memory_space<vmem>>)
      %mul3A_316 = arith.constant 16 : i32
      %mul3A_317 = arith.muli %add3A_256, %mul3A_316 : i32
      %add3A_318 = arith.addi %mul3A_2, %mul3A_317 : i32
      %dma_wait3A_319 = arith.constant 0 : i32
      %dma_wait3A_320 = arith.constant 0 : i32
      %dma_wait3A_321 = tpu.memref_slice %arg2[%dma_wait3A_319, %add3A_318, %dma_wait3A_320] : memref<4x8192x768xf32, #tpu.memory_space<hbm>> -> memref<1x16x768xf32, #tpu.memory_space<hbm>>
      %dma_wait3A_322 = tpu.memref_squeeze %dma_wait3A_321 : memref<1x16x768xf32, #tpu.memory_space<hbm>> -> memref<16x768xf32, #tpu.memory_space<hbm>>
      %dma_wait3A_323 = arith.constant 0 : i32
      %dma_wait3A_324 = tpu.memref_slice %arg2[%dma_wait3A_319, %add3A_318, %dma_wait3A_323] : memref<4x8192x768xf32, #tpu.memory_space<hbm>> -> memref<1x16x768xf32, #tpu.memory_space<hbm>>
      %dma_wait3A_325 = tpu.memref_squeeze %dma_wait3A_324 : memref<1x16x768xf32, #tpu.memory_space<hbm>> -> memref<16x768xf32, #tpu.memory_space<hbm>>
      tpu.wait_dma2 semaphore(%arg19 : memref<!tpu.dma_semaphore, #tpu.memory_space<semaphore_mem>>) src(%dma_wait3A_325 : memref<16x768xf32, #tpu.memory_space<hbm>>) dst(%arg9 : memref<16x768xf32, #tpu.memory_space<vmem>>)
      %mul3A_326 = arith.constant 16 : i32
      %mul3A_327 = arith.muli %add3A_256, %mul3A_326 : i32
      %add3A_328 = arith.addi %mul3A_2, %mul3A_327 : i32
      %dma_wait3A_329 = arith.constant 1 : i32
      %dma_wait3A_330 = arith.constant 0 : i32
      %dma_wait3A_331 = tpu.memref_slice %arg2[%dma_wait3A_329, %add3A_328, %dma_wait3A_330] : memref<4x8192x768xf32, #tpu.memory_space<hbm>> -> memref<1x16x768xf32, #tpu.memory_space<hbm>>
      %dma_wait3A_332 = tpu.memref_squeeze %dma_wait3A_331 : memref<1x16x768xf32, #tpu.memory_space<hbm>> -> memref<16x768xf32, #tpu.memory_space<hbm>>
      %dma_wait3A_333 = arith.constant 0 : i32
      %dma_wait3A_334 = tpu.memref_slice %arg2[%dma_wait3A_329, %add3A_328, %dma_wait3A_333] : memref<4x8192x768xf32, #tpu.memory_space<hbm>> -> memref<1x16x768xf32, #tpu.memory_space<hbm>>
      %dma_wait3A_335 = tpu.memref_squeeze %dma_wait3A_334 : memref<1x16x768xf32, #tpu.memory_space<hbm>> -> memref<16x768xf32, #tpu.memory_space<hbm>>
      tpu.wait_dma2 semaphore(%arg20 : memref<!tpu.dma_semaphore, #tpu.memory_space<semaphore_mem>>) src(%dma_wait3A_335 : memref<16x768xf32, #tpu.memory_space<hbm>>) dst(%arg10 : memref<16x768xf32, #tpu.memory_space<vmem>>)
      %mul3A_336 = arith.constant 16 : i32
      %mul3A_337 = arith.muli %add3A_256, %mul3A_336 : i32
      %add3A_338 = arith.addi %mul3A_2, %mul3A_337 : i32
      %dma_wait3A_339 = arith.constant 2 : i32
      %dma_wait3A_340 = arith.constant 0 : i32
      %dma_wait3A_341 = tpu.memref_slice %arg2[%dma_wait3A_339, %add3A_338, %dma_wait3A_340] : memref<4x8192x768xf32, #tpu.memory_space<hbm>> -> memref<1x16x768xf32, #tpu.memory_space<hbm>>
      %dma_wait3A_342 = tpu.memref_squeeze %dma_wait3A_341 : memref<1x16x768xf32, #tpu.memory_space<hbm>> -> memref<16x768xf32, #tpu.memory_space<hbm>>
      %dma_wait3A_343 = arith.constant 0 : i32
      %dma_wait3A_344 = tpu.memref_slice %arg2[%dma_wait3A_339, %add3A_338, %dma_wait3A_343] : memref<4x8192x768xf32, #tpu.memory_space<hbm>> -> memref<1x16x768xf32, #tpu.memory_space<hbm>>
      %dma_wait3A_345 = tpu.memref_squeeze %dma_wait3A_344 : memref<1x16x768xf32, #tpu.memory_space<hbm>> -> memref<16x768xf32, #tpu.memory_space<hbm>>
      tpu.wait_dma2 semaphore(%arg21 : memref<!tpu.dma_semaphore, #tpu.memory_space<semaphore_mem>>) src(%dma_wait3A_345 : memref<16x768xf32, #tpu.memory_space<hbm>>) dst(%arg11 : memref<16x768xf32, #tpu.memory_space<vmem>>)
      %mul3A_346 = arith.constant 16 : i32
      %mul3A_347 = arith.muli %add3A_256, %mul3A_346 : i32
      %add3A_348 = arith.addi %mul3A_2, %mul3A_347 : i32
      %dma_wait3A_349 = arith.constant 3 : i32
      %dma_wait3A_350 = arith.constant 0 : i32
      %dma_wait3A_351 = tpu.memref_slice %arg2[%dma_wait3A_349, %add3A_348, %dma_wait3A_350] : memref<4x8192x768xf32, #tpu.memory_space<hbm>> -> memref<1x16x768xf32, #tpu.memory_space<hbm>>
      %dma_wait3A_352 = tpu.memref_squeeze %dma_wait3A_351 : memref<1x16x768xf32, #tpu.memory_space<hbm>> -> memref<16x768xf32, #tpu.memory_space<hbm>>
      %dma_wait3A_353 = arith.constant 0 : i32
      %dma_wait3A_354 = tpu.memref_slice %arg2[%dma_wait3A_349, %add3A_348, %dma_wait3A_353] : memref<4x8192x768xf32, #tpu.memory_space<hbm>> -> memref<1x16x768xf32, #tpu.memory_space<hbm>>
      %dma_wait3A_355 = tpu.memref_squeeze %dma_wait3A_354 : memref<1x16x768xf32, #tpu.memory_space<hbm>> -> memref<16x768xf32, #tpu.memory_space<hbm>>
      tpu.wait_dma2 semaphore(%arg22 : memref<!tpu.dma_semaphore, #tpu.memory_space<semaphore_mem>>) src(%dma_wait3A_355 : memref<16x768xf32, #tpu.memory_space<hbm>>) dst(%arg12 : memref<16x768xf32, #tpu.memory_space<vmem>>)
      %parallel_loop3A_356 = arith.constant 0 : i32
      %parallel_loop3A_357 = arith.constant 16 : i32
      %parallel_loop3A_358 = arith.constant 1 : i32
      scf.for %parallel_loop3A_404 = %parallel_loop3A_356 to %parallel_loop3A_357 step %parallel_loop3A_358  : i32 {
        %parallel_loop3A_405 = arith.index_cast %parallel_loop3A_404 : i32 to index
        %parallel_loop3A_406 = arith.constant 0 : index
        %parallel_loop3A_407 = tpu.vector_load %arg14[%parallel_loop3A_405, %parallel_loop3A_406] {strides = array<i32>} : memref<16x768xf32, #tpu.memory_space<vmem>>, vector<1x16xf32>,
        %parallel_loop3A_408 = vector.shape_cast %parallel_loop3A_407 : vector<1x16xf32> to vector<16xf32>
        %parallel_loop3A_409 = arith.index_cast %parallel_loop3A_404 : i32 to index
        %parallel_loop3A_410 = arith.constant 0 : index
        %parallel_loop3A_411 = tpu.vector_load %arg9[%parallel_loop3A_409, %parallel_loop3A_410] {strides = array<i32>} : memref<16x768xf32, #tpu.memory_space<vmem>>, vector<1x16xf32>,
        %parallel_loop3A_412 = vector.shape_cast %parallel_loop3A_411 : vector<1x16xf32> to vector<16xf32>
        %parallel_loop3A_413 = vector.shape_cast %parallel_loop3A_408 : vector<16xf32> to vector<1x16xf32>
        tpu.vector_store %arg9[%parallel_loop3A_409, %parallel_loop3A_410], %parallel_loop3A_413 {add = true, strides = array<i32>} : memref<16x768xf32, #tpu.memory_space<vmem>>, vector<1x16xf32>,
        %parallel_loop3A_414 = arith.index_cast %parallel_loop3A_404 : i32 to index
        %parallel_loop3A_415 = arith.constant 0 : index
        %parallel_loop3A_416 = tpu.vector_load %arg10[%parallel_loop3A_414, %parallel_loop3A_415] {strides = array<i32>} : memref<16x768xf32, #tpu.memory_space<vmem>>, vector<1x16xf32>,
        %parallel_loop3A_417 = vector.shape_cast %parallel_loop3A_416 : vector<1x16xf32> to vector<16xf32>
        %parallel_loop3A_418 = vector.shape_cast %parallel_loop3A_408 : vector<16xf32> to vector<1x16xf32>
        tpu.vector_store %arg10[%parallel_loop3A_414, %parallel_loop3A_415], %parallel_loop3A_418 {add = true, strides = array<i32>} : memref<16x768xf32, #tpu.memory_space<vmem>>, vector<1x16xf32>,
        %parallel_loop3A_419 = arith.index_cast %parallel_loop3A_404 : i32 to index
        %parallel_loop3A_420 = arith.constant 0 : index
        %parallel_loop3A_421 = tpu.vector_load %arg11[%parallel_loop3A_419, %parallel_loop3A_420] {strides = array<i32>} : memref<16x768xf32, #tpu.memory_space<vmem>>, vector<1x16xf32>,
        %parallel_loop3A_422 = vector.shape_cast %parallel_loop3A_421 : vector<1x16xf32> to vector<16xf32>
        %parallel_loop3A_423 = vector.shape_cast %parallel_loop3A_408 : vector<16xf32> to vector<1x16xf32>
        tpu.vector_store %arg11[%parallel_loop3A_419, %parallel_loop3A_420], %parallel_loop3A_423 {add = true, strides = array<i32>} : memref<16x768xf32, #tpu.memory_space<vmem>>, vector<1x16xf32>,
        %parallel_loop3A_424 = arith.index_cast %parallel_loop3A_404 : i32 to index
        %parallel_loop3A_425 = arith.constant 0 : index
        %parallel_loop3A_426 = tpu.vector_load %arg12[%parallel_loop3A_424, %parallel_loop3A_425] {strides = array<i32>} : memref<16x768xf32, #tpu.memory_space<vmem>>, vector<1x16xf32>,
        %parallel_loop3A_427 = vector.shape_cast %parallel_loop3A_426 : vector<1x16xf32> to vector<16xf32>
        %parallel_loop3A_428 = vector.shape_cast %parallel_loop3A_408 : vector<16xf32> to vector<1x16xf32>
        tpu.vector_store %arg12[%parallel_loop3A_424, %parallel_loop3A_425], %parallel_loop3A_428 {add = true, strides = array<i32>} : memref<16x768xf32, #tpu.memory_space<vmem>>, vector<1x16xf32>,
        %parallel_loop3A_429 = arith.index_cast %parallel_loop3A_404 : i32 to index
        %parallel_loop3A_430 = arith.constant 16 : index
        %parallel_loop3A_431 = tpu.vector_load %arg14[%parallel_loop3A_429, %parallel_loop3A_430] {strides = array<i32>} : memref<16x768xf32, #tpu.memory_space<vmem>>, vector<1x16xf32>,
        %parallel_loop3A_432 = vector.shape_cast %parallel_loop3A_431 : vector<1x16xf32> to vector<16xf32>
        %parallel_loop3A_433 = arith.index_cast %parallel_loop3A_404 : i32 to index
        %parallel_loop3A_434 = arith.constant 16 : index
        %parallel_loop3A_435 = tpu.vector_load %arg9[%parallel_loop3A_433, %parallel_loop3A_434] {strides = array<i32>} : memref<16x768xf32, #tpu.memory_space<vmem>>, vector<1x16xf32>,
        %parallel_loop3A_436 = vector.shape_cast %parallel_loop3A_435 : vector<1x16xf32> to vector<16xf32>
        %parallel_loop3A_437 = vector.shape_cast %parallel_loop3A_432 : vector<16xf32> to vector<1x16xf32>
        tpu.vector_store %arg9[%parallel_loop3A_433, %parallel_loop3A_434], %parallel_loop3A_437 {add = true, strides = array<i32>} : memref<16x768xf32, #tpu.memory_space<vmem>>, vector<1x16xf32>,
        %parallel_loop3A_438 = arith.index_cast %parallel_loop3A_404 : i32 to index
        %parallel_loop3A_439 = arith.constant 16 : index
        %parallel_loop3A_440 = tpu.vector_load %arg10[%parallel_loop3A_438, %parallel_loop3A_439] {strides = array<i32>} : memref<16x768xf32, #tpu.memory_space<vmem>>, vector<1x16xf32>,
        %parallel_loop3A_441 = vector.shape_cast %parallel_loop3A_440 : vector<1x16xf32> to vector<16xf32>
        %parallel_loop3A_442 = vector.shape_cast %parallel_loop3A_432 : vector<16xf32> to vector<1x16xf32>
        tpu.vector_store %arg10[%parallel_loop3A_438, %parallel_loop3A_439], %parallel_loop3A_442 {add = true, strides = array<i32>} : memref<16x768xf32, #tpu.memory_space<vmem>>, vector<1x16xf32>,
        %parallel_loop3A_443 = arith.index_cast %parallel_loop3A_404 : i32 to index
        %parallel_loop3A_444 = arith.constant 16 : index
        %parallel_loop3A_445 = tpu.vector_load %arg11[%parallel_loop3A_443, %parallel_loop3A_444] {strides = array<i32>} : memref<16x768xf32, #tpu.memory_space<vmem>>, vector<1x16xf32>,
        %parallel_loop3A_446 = vector.shape_cast %parallel_loop3A_445 : vector<1x16xf32> to vector<16xf32>
        %parallel_loop3A_447 = vector.shape_cast %parallel_loop3A_432 : vector<16xf32> to vector<1x16xf32>
        tpu.vector_store %arg11[%parallel_loop3A_443, %parallel_loop3A_444], %parallel_loop3A_447 {add = true, strides = array<i32>} : memref<16x768xf32, #tpu.memory_space<vmem>>, vector<1x16xf32>,
        %parallel_loop3A_448 = arith.index_cast %parallel_loop3A_404 : i32 to index
        %parallel_loop3A_449 = arith.constant 16 : index
        %parallel_loop3A_450 = tpu.vector_load %arg12[%parallel_loop3A_448, %parallel_loop3A_449] {strides = array<i32>} : memref<16x768xf32, #tpu.memory_space<vmem>>, vector<1x16xf32>,
        %parallel_loop3A_451 = vector.shape_cast %parallel_loop3A_450 : vector<1x16xf32> to vector<16xf32>
        %parallel_loop3A_452 = vector.shape_cast %parallel_loop3A_432 : vector<16xf32> to vector<1x16xf32>
        tpu.vector_store %arg12[%parallel_loop3A_448, %parallel_loop3A_449], %parallel_loop3A_452 {add = true, strides = array<i32>} : memref<16x768xf32, #tpu.memory_space<vmem>>, vector<1x16xf32>,
        %parallel_loop3A_453 = arith.index_cast %parallel_loop3A_404 : i32 to index
        %parallel_loop3A_454 = arith.constant 32 : index
        %parallel_loop3A_455 = tpu.vector_load %arg14[%parallel_loop3A_453, %parallel_loop3A_454] {strides = array<i32>} : memref<16x768xf32, #tpu.memory_space<vmem>>, vector<1x16xf32>,
        %parallel_loop3A_456 = vector.shape_cast %parallel_loop3A_455 : vector<1x16xf32> to vector<16xf32>
        %parallel_loop3A_457 = arith.index_cast %parallel_loop3A_404 : i32 to index
        %parallel_loop3A_458 = arith.constant 32 : index
        %parallel_loop3A_459 = tpu.vector_load %arg9[%parallel_loop3A_457, %parallel_loop3A_458] {strides = array<i32>} : memref<16x768xf32, #tpu.memory_space<vmem>>, vector<1x16xf32>,
        %parallel_loop3A_460 = vector.shape_cast %parallel_loop3A_459 : vector<1x16xf32> to vector<16xf32>
        %parallel_loop3A_461 = vector.shape_cast %parallel_loop3A_456 : vector<16xf32> to vector<1x16xf32>
        tpu.vector_store %arg9[%parallel_loop3A_457, %parallel_loop3A_458], %parallel_loop3A_461 {add = true, strides = array<i32>} : memref<16x768xf32, #tpu.memory_space<vmem>>, vector<1x16xf32>,
        %parallel_loop3A_462 = arith.index_cast %parallel_loop3A_404 : i32 to index
        %parallel_loop3A_463 = arith.constant 32 : index
        %parallel_loop3A_464 = tpu.vector_load %arg10[%parallel_loop3A_462, %parallel_loop3A_463] {strides = array<i32>} : memref<16x768xf32, #tpu.memory_space<vmem>>, vector<1x16xf32>,
        %parallel_loop3A_465 = vector.shape_cast %parallel_loop3A_464 : vector<1x16xf32> to vector<16xf32>
        %parallel_loop3A_466 = vector.shape_cast %parallel_loop3A_456 : vector<16xf32> to vector<1x16xf32>
        tpu.vector_store %arg10[%parallel_loop3A_462, %parallel_loop3A_463], %parallel_loop3A_466 {add = true, strides = array<i32>} : memref<16x768xf32, #tpu.memory_space<vmem>>, vector<1x16xf32>,
        %parallel_loop3A_467 = arith.index_cast %parallel_loop3A_404 : i32 to index
        %parallel_loop3A_468 = arith.constant 32 : index
        %parallel_loop3A_469 = tpu.vector_load %arg11[%parallel_loop3A_467, %parallel_loop3A_468] {strides = array<i32>} : memref<16x768xf32, #tpu.memory_space<vmem>>, vector<1x16xf32>,
        %parallel_loop3A_470 = vector.shape_cast %parallel_loop3A_469 : vector<1x16xf32> to vector<16xf32>
        %parallel_loop3A_471 = vector.shape_cast %parallel_loop3A_456 : vector<16xf32> to vector<1x16xf32>
        tpu.vector_store %arg11[%parallel_loop3A_467, %parallel_loop3A_468], %parallel_loop3A_471 {add = true, strides = array<i32>} : memref<16x768xf32, #tpu.memory_space<vmem>>, vector<1x16xf32>,
        %parallel_loop3A_472 = arith.index_cast %parallel_loop3A_404 : i32 to index
        %parallel_loop3A_473 = arith.constant 32 : index
        %parallel_loop3A_474 = tpu.vector_load %arg12[%parallel_loop3A_472, %parallel_loop3A_473] {strides = array<i32>} : memref<16x768xf32, #tpu.memory_space<vmem>>, vector<1x16xf32>,
        %parallel_loop3A_475 = vector.shape_cast %parallel_loop3A_474 : vector<1x16xf32> to vector<16xf32>
        %parallel_loop3A_476 = vector.shape_cast %parallel_loop3A_456 : vector<16xf32> to vector<1x16xf32>
        tpu.vector_store %arg12[%parallel_loop3A_472, %parallel_loop3A_473], %parallel_loop3A_476 {add = true, strides = array<i32>} : memref<16x768xf32, #tpu.memory_space<vmem>>, vector<1x16xf32>,
        %parallel_loop3A_477 = arith.index_cast %parallel_loop3A_404 : i32 to index
        %parallel_loop3A_478 = arith.constant 48 : index
        %parallel_loop3A_479 = tpu.vector_load %arg14[%parallel_loop3A_477, %parallel_loop3A_478] {strides = array<i32>} : memref<16x768xf32, #tpu.memory_space<vmem>>, vector<1x16xf32>,
        %parallel_loop3A_480 = vector.shape_cast %parallel_loop3A_479 : vector<1x16xf32> to vector<16xf32>
        %parallel_loop3A_481 = arith.index_cast %parallel_loop3A_404 : i32 to index
        %parallel_loop3A_482 = arith.constant 48 : index
        %parallel_loop3A_483 = tpu.vector_load %arg9[%parallel_loop3A_481, %parallel_loop3A_482] {strides = array<i32>} : memref<16x768xf32, #tpu.memory_space<vmem>>, vector<1x16xf32>,
        %parallel_loop3A_484 = vector.shape_cast %parallel_loop3A_483 : vector<1x16xf32> to vector<16xf32>
        %parallel_loop3A_485 = vector.shape_cast %parallel_loop3A_480 : vector<16xf32> to vector<1x16xf32>
        tpu.vector_store %arg9[%parallel_loop3A_481, %parallel_loop3A_482], %parallel_loop3A_485 {add = true, strides = array<i32>} : memref<16x768xf32, #tpu.memory_space<vmem>>, vector<1x16xf32>,
        %parallel_loop3A_486 = arith.index_cast %parallel_loop3A_404 : i32 to index
        %parallel_loop3A_487 = arith.constant 48 : index
        %parallel_loop3A_488 = tpu.vector_load %arg10[%parallel_loop3A_486, %parallel_loop3A_487] {strides = array<i32>} : memref<16x768xf32, #tpu.memory_space<vmem>>, vector<1x16xf32>,
        %parallel_loop3A_489 = vector.shape_cast %parallel_loop3A_488 : vector<1x16xf32> to vector<16xf32>
        %parallel_loop3A_490 = vector.shape_cast %parallel_loop3A_480 : vector<16xf32> to vector<1x16xf32>
        tpu.vector_store %arg10[%parallel_loop3A_486, %parallel_loop3A_487], %parallel_loop3A_490 {add = true, strides = array<i32>} : memref<16x768xf32, #tpu.memory_space<vmem>>, vector<1x16xf32>,
        %parallel_loop3A_491 = arith.index_cast %parallel_loop3A_404 : i32 to index
        %parallel_loop3A_492 = arith.constant 48 : index
        %parallel_loop3A_493 = tpu.vector_load %arg11[%parallel_loop3A_491, %parallel_loop3A_492] {strides = array<i32>} : memref<16x768xf32, #tpu.memory_space<vmem>>, vector<1x16xf32>,
        %parallel_loop3A_494 = vector.shape_cast %parallel_loop3A_493 : vector<1x16xf32> to vector<16xf32>
        %parallel_loop3A_495 = vector.shape_cast %parallel_loop3A_480 : vector<16xf32> to vector<1x16xf32>
        tpu.vector_store %arg11[%parallel_loop3A_491, %parallel_loop3A_492], %parallel_loop3A_495 {add = true, strides = array<i32>} : memref<16x768xf32, #tpu.memory_space<vmem>>, vector<1x16xf32>,
        %parallel_loop3A_496 = arith.index_cast %parallel_loop3A_404 : i32 to index
        %parallel_loop3A_497 = arith.constant 48 : index
        %parallel_loop3A_498 = tpu.vector_load %arg12[%parallel_loop3A_496, %parallel_loop3A_497] {strides = array<i32>} : memref<16x768xf32, #tpu.memory_space<vmem>>, vector<1x16xf32>,
        %parallel_loop3A_499 = vector.shape_cast %parallel_loop3A_498 : vector<1x16xf32> to vector<16xf32>
        %parallel_loop3A_500 = vector.shape_cast %parallel_loop3A_480 : vector<16xf32> to vector<1x16xf32>
        tpu.vector_store %arg12[%parallel_loop3A_496, %parallel_loop3A_497], %parallel_loop3A_500 {add = true, strides = array<i32>} : memref<16x768xf32, #tpu.memory_space<vmem>>, vector<1x16xf32>,
        %parallel_loop3A_501 = arith.index_cast %parallel_loop3A_404 : i32 to index
        %parallel_loop3A_502 = arith.constant 64 : index
        %parallel_loop3A_503 = tpu.vector_load %arg14[%parallel_loop3A_501, %parallel_loop3A_502] {strides = array<i32>} : memref<16x768xf32, #tpu.memory_space<vmem>>, vector<1x16xf32>,
        %parallel_loop3A_504 = vector.shape_cast %parallel_loop3A_503 : vector<1x16xf32> to vector<16xf32>
        %parallel_loop3A_505 = arith.index_cast %parallel_loop3A_404 : i32 to index
        %parallel_loop3A_506 = arith.constant 64 : index
        %parallel_loop3A_507 = tpu.vector_load %arg9[%parallel_loop3A_505, %parallel_loop3A_506] {strides = array<i32>} : memref<16x768xf32, #tpu.memory_space<vmem>>, vector<1x16xf32>,
        %parallel_loop3A_508 = vector.shape_cast %parallel_loop3A_507 : vector<1x16xf32> to vector<16xf32>
        %parallel_loop3A_509 = vector.shape_cast %parallel_loop3A_504 : vector<16xf32> to vector<1x16xf32>
        tpu.vector_store %arg9[%parallel_loop3A_505, %parallel_loop3A_506], %parallel_loop3A_509 {add = true, strides = array<i32>} : memref<16x768xf32, #tpu.memory_space<vmem>>, vector<1x16xf32>,
        %parallel_loop3A_510 = arith.index_cast %parallel_loop3A_404 : i32 to index
        %parallel_loop3A_511 = arith.constant 64 : index
        %parallel_loop3A_512 = tpu.vector_load %arg10[%parallel_loop3A_510, %parallel_loop3A_511] {strides = array<i32>} : memref<16x768xf32, #tpu.memory_space<vmem>>, vector<1x16xf32>,
        %parallel_loop3A_513 = vector.shape_cast %parallel_loop3A_512 : vector<1x16xf32> to vector<16xf32>
        %parallel_loop3A_514 = vector.shape_cast %parallel_loop3A_504 : vector<16xf32> to vector<1x16xf32>
        tpu.vector_store %arg10[%parallel_loop3A_510, %parallel_loop3A_511], %parallel_loop3A_514 {add = true, strides = array<i32>} : memref<16x768xf32, #tpu.memory_space<vmem>>, vector<1x16xf32>,
        %parallel_loop3A_515 = arith.index_cast %parallel_loop3A_404 : i32 to index
        %parallel_loop3A_516 = arith.constant 64 : index
        %parallel_loop3A_517 = tpu.vector_load %arg11[%parallel_loop3A_515, %parallel_loop3A_516] {strides = array<i32>} : memref<16x768xf32, #tpu.memory_space<vmem>>, vector<1x16xf32>,
        %parallel_loop3A_518 = vector.shape_cast %parallel_loop3A_517 : vector<1x16xf32> to vector<16xf32>
        %parallel_loop3A_519 = vector.shape_cast %parallel_loop3A_504 : vector<16xf32> to vector<1x16xf32>
        tpu.vector_store %arg11[%parallel_loop3A_515, %parallel_loop3A_516], %parallel_loop3A_519 {add = true, strides = array<i32>} : memref<16x768xf32, #tpu.memory_space<vmem>>, vector<1x16xf32>,
        %parallel_loop3A_520 = arith.index_cast %parallel_loop3A_404 : i32 to index
        %parallel_loop3A_521 = arith.constant 64 : index
        %parallel_loop3A_522 = tpu.vector_load %arg12[%parallel_loop3A_520, %parallel_loop3A_521] {strides = array<i32>} : memref<16x768xf32, #tpu.memory_space<vmem>>, vector<1x16xf32>,
        %parallel_loop3A_523 = vector.shape_cast %parallel_loop3A_522 : vector<1x16xf32> to vector<16xf32>
        %parallel_loop3A_524 = vector.shape_cast %parallel_loop3A_504 : vector<16xf32> to vector<1x16xf32>
        tpu.vector_store %arg12[%parallel_loop3A_520, %parallel_loop3A_521], %parallel_loop3A_524 {add = true, strides = array<i32>} : memref<16x768xf32, #tpu.memory_space<vmem>>, vector<1x16xf32>,
        %parallel_loop3A_525 = arith.index_cast %parallel_loop3A_404 : i32 to index
        %parallel_loop3A_526 = arith.constant 80 : index
        %parallel_loop3A_527 = tpu.vector_load %arg14[%parallel_loop3A_525, %parallel_loop3A_526] {strides = array<i32>} : memref<16x768xf32, #tpu.memory_space<vmem>>, vector<1x16xf32>,
        %parallel_loop3A_528 = vector.shape_cast %parallel_loop3A_527 : vector<1x16xf32> to vector<16xf32>
        %parallel_loop3A_529 = arith.index_cast %parallel_loop3A_404 : i32 to index
        %parallel_loop3A_530 = arith.constant 80 : index
        %parallel_loop3A_531 = tpu.vector_load %arg9[%parallel_loop3A_529, %parallel_loop3A_530] {strides = array<i32>} : memref<16x768xf32, #tpu.memory_space<vmem>>, vector<1x16xf32>,
        %parallel_loop3A_532 = vector.shape_cast %parallel_loop3A_531 : vector<1x16xf32> to vector<16xf32>
        %parallel_loop3A_533 = vector.shape_cast %parallel_loop3A_528 : vector<16xf32> to vector<1x16xf32>
        tpu.vector_store %arg9[%parallel_loop3A_529, %parallel_loop3A_530], %parallel_loop3A_533 {add = true, strides = array<i32>} : memref<16x768xf32, #tpu.memory_space<vmem>>, vector<1x16xf32>,
        %parallel_loop3A_534 = arith.index_cast %parallel_loop3A_404 : i32 to index
        %parallel_loop3A_535 = arith.constant 80 : index
        %parallel_loop3A_536 = tpu.vector_load %arg10[%parallel_loop3A_534, %parallel_loop3A_535] {strides = array<i32>} : memref<16x768xf32, #tpu.memory_space<vmem>>, vector<1x16xf32>,
        %parallel_loop3A_537 = vector.shape_cast %parallel_loop3A_536 : vector<1x16xf32> to vector<16xf32>
        %parallel_loop3A_538 = vector.shape_cast %parallel_loop3A_528 : vector<16xf32> to vector<1x16xf32>
        tpu.vector_store %arg10[%parallel_loop3A_534, %parallel_loop3A_535], %parallel_loop3A_538 {add = true, strides = array<i32>} : memref<16x768xf32, #tpu.memory_space<vmem>>, vector<1x16xf32>,
        %parallel_loop3A_539 = arith.index_cast %parallel_loop3A_404 : i32 to index
        %parallel_loop3A_540 = arith.constant 80 : index
        %parallel_loop3A_541 = tpu.vector_load %arg11[%parallel_loop3A_539, %parallel_loop3A_540] {strides = array<i32>} : memref<16x768xf32, #tpu.memory_space<vmem>>, vector<1x16xf32>,
        %parallel_loop3A_542 = vector.shape_cast %parallel_loop3A_541 : vector<1x16xf32> to vector<16xf32>
        %parallel_loop3A_543 = vector.shape_cast %parallel_loop3A_528 : vector<16xf32> to vector<1x16xf32>
        tpu.vector_store %arg11[%parallel_loop3A_539, %parallel_loop3A_540], %parallel_loop3A_543 {add = true, strides = array<i32>} : memref<16x768xf32, #tpu.memory_space<vmem>>, vector<1x16xf32>,
        %parallel_loop3A_544 = arith.index_cast %parallel_loop3A_404 : i32 to index
        %parallel_loop3A_545 = arith.constant 80 : index
        %parallel_loop3A_546 = tpu.vector_load %arg12[%parallel_loop3A_544, %parallel_loop3A_545] {strides = array<i32>} : memref<16x768xf32, #tpu.memory_space<vmem>>, vector<1x16xf32>,
        %parallel_loop3A_547 = vector.shape_cast %parallel_loop3A_546 : vector<1x16xf32> to vector<16xf32>
        %parallel_loop3A_548 = vector.shape_cast %parallel_loop3A_528 : vector<16xf32> to vector<1x16xf32>
        tpu.vector_store %arg12[%parallel_loop3A_544, %parallel_loop3A_545], %parallel_loop3A_548 {add = true, strides = array<i32>} : memref<16x768xf32, #tpu.memory_space<vmem>>, vector<1x16xf32>,
        %parallel_loop3A_549 = arith.index_cast %parallel_loop3A_404 : i32 to index
        %parallel_loop3A_550 = arith.constant 96 : index
        %parallel_loop3A_551 = tpu.vector_load %arg14[%parallel_loop3A_549, %parallel_loop3A_550] {strides = array<i32>} : memref<16x768xf32, #tpu.memory_space<vmem>>, vector<1x16xf32>,
        %parallel_loop3A_552 = vector.shape_cast %parallel_loop3A_551 : vector<1x16xf32> to vector<16xf32>
        %parallel_loop3A_553 = arith.index_cast %parallel_loop3A_404 : i32 to index
        %parallel_loop3A_554 = arith.constant 96 : index
        %parallel_loop3A_555 = tpu.vector_load %arg9[%parallel_loop3A_553, %parallel_loop3A_554] {strides = array<i32>} : memref<16x768xf32, #tpu.memory_space<vmem>>, vector<1x16xf32>,
        %parallel_loop3A_556 = vector.shape_cast %parallel_loop3A_555 : vector<1x16xf32> to vector<16xf32>
        %parallel_loop3A_557 = vector.shape_cast %parallel_loop3A_552 : vector<16xf32> to vector<1x16xf32>
        tpu.vector_store %arg9[%parallel_loop3A_553, %parallel_loop3A_554], %parallel_loop3A_557 {add = true, strides = array<i32>} : memref<16x768xf32, #tpu.memory_space<vmem>>, vector<1x16xf32>,
        %parallel_loop3A_558 = arith.index_cast %parallel_loop3A_404 : i32 to index
        %parallel_loop3A_559 = arith.constant 96 : index
        %parallel_loop3A_560 = tpu.vector_load %arg10[%parallel_loop3A_558, %parallel_loop3A_559] {strides = array<i32>} : memref<16x768xf32, #tpu.memory_space<vmem>>, vector<1x16xf32>,
        %parallel_loop3A_561 = vector.shape_cast %parallel_loop3A_560 : vector<1x16xf32> to vector<16xf32>
        %parallel_loop3A_562 = vector.shape_cast %parallel_loop3A_552 : vector<16xf32> to vector<1x16xf32>
        tpu.vector_store %arg10[%parallel_loop3A_558, %parallel_loop3A_559], %parallel_loop3A_562 {add = true, strides = array<i32>} : memref<16x768xf32, #tpu.memory_space<vmem>>, vector<1x16xf32>,
        %parallel_loop3A_563 = arith.index_cast %parallel_loop3A_404 : i32 to index
        %parallel_loop3A_564 = arith.constant 96 : index
        %parallel_loop3A_565 = tpu.vector_load %arg11[%parallel_loop3A_563, %parallel_loop3A_564] {strides = array<i32>} : memref<16x768xf32, #tpu.memory_space<vmem>>, vector<1x16xf32>,
        %parallel_loop3A_566 = vector.shape_cast %parallel_loop3A_565 : vector<1x16xf32> to vector<16xf32>
        %parallel_loop3A_567 = vector.shape_cast %parallel_loop3A_552 : vector<16xf32> to vector<1x16xf32>
        tpu.vector_store %arg11[%parallel_loop3A_563, %parallel_loop3A_564], %parallel_loop3A_567 {add = true, strides = array<i32>} : memref<16x768xf32, #tpu.memory_space<vmem>>, vector<1x16xf32>,
        %parallel_loop3A_568 = arith.index_cast %parallel_loop3A_404 : i32 to index
        %parallel_loop3A_569 = arith.constant 96 : index
        %parallel_loop3A_570 = tpu.vector_load %arg12[%parallel_loop3A_568, %parallel_loop3A_569] {strides = array<i32>} : memref<16x768xf32, #tpu.memory_space<vmem>>, vector<1x16xf32>,
        %parallel_loop3A_571 = vector.shape_cast %parallel_loop3A_570 : vector<1x16xf32> to vector<16xf32>
        %parallel_loop3A_572 = vector.shape_cast %parallel_loop3A_552 : vector<16xf32> to vector<1x16xf32>
        tpu.vector_store %arg12[%parallel_loop3A_568, %parallel_loop3A_569], %parallel_loop3A_572 {add = true, strides = array<i32>} : memref<16x768xf32, #tpu.memory_space<vmem>>, vector<1x16xf32>,
        %parallel_loop3A_573 = arith.index_cast %parallel_loop3A_404 : i32 to index
        %parallel_loop3A_574 = arith.constant 112 : index
        %parallel_loop3A_575 = tpu.vector_load %arg14[%parallel_loop3A_573, %parallel_loop3A_574] {strides = array<i32>} : memref<16x768xf32, #tpu.memory_space<vmem>>, vector<1x16xf32>,
        %parallel_loop3A_576 = vector.shape_cast %parallel_loop3A_575 : vector<1x16xf32> to vector<16xf32>
        %parallel_loop3A_577 = arith.index_cast %parallel_loop3A_404 : i32 to index
        %parallel_loop3A_578 = arith.constant 112 : index
        %parallel_loop3A_579 = tpu.vector_load %arg9[%parallel_loop3A_577, %parallel_loop3A_578] {strides = array<i32>} : memref<16x768xf32, #tpu.memory_space<vmem>>, vector<1x16xf32>,
        %parallel_loop3A_580 = vector.shape_cast %parallel_loop3A_579 : vector<1x16xf32> to vector<16xf32>
        %parallel_loop3A_581 = vector.shape_cast %parallel_loop3A_576 : vector<16xf32> to vector<1x16xf32>
        tpu.vector_store %arg9[%parallel_loop3A_577, %parallel_loop3A_578], %parallel_loop3A_581 {add = true, strides = array<i32>} : memref<16x768xf32, #tpu.memory_space<vmem>>, vector<1x16xf32>,
        %parallel_loop3A_582 = arith.index_cast %parallel_loop3A_404 : i32 to index
        %parallel_loop3A_583 = arith.constant 112 : index
        %parallel_loop3A_584 = tpu.vector_load %arg10[%parallel_loop3A_582, %parallel_loop3A_583] {strides = array<i32>} : memref<16x768xf32, #tpu.memory_space<vmem>>, vector<1x16xf32>,
        %parallel_loop3A_585 = vector.shape_cast %parallel_loop3A_584 : vector<1x16xf32> to vector<16xf32>
        %parallel_loop3A_586 = vector.shape_cast %parallel_loop3A_576 : vector<16xf32> to vector<1x16xf32>
        tpu.vector_store %arg10[%parallel_loop3A_582, %parallel_loop3A_583], %parallel_loop3A_586 {add = true, strides = array<i32>} : memref<16x768xf32, #tpu.memory_space<vmem>>, vector<1x16xf32>,
        %parallel_loop3A_587 = arith.index_cast %parallel_loop3A_404 : i32 to index
        %parallel_loop3A_588 = arith.constant 112 : index
        %parallel_loop3A_589 = tpu.vector_load %arg11[%parallel_loop3A_587, %parallel_loop3A_588] {strides = array<i32>} : memref<16x768xf32, #tpu.memory_space<vmem>>, vector<1x16xf32>,
        %parallel_loop3A_590 = vector.shape_cast %parallel_loop3A_589 : vector<1x16xf32> to vector<16xf32>
        %parallel_loop3A_591 = vector.shape_cast %parallel_loop3A_576 : vector<16xf32> to vector<1x16xf32>
        tpu.vector_store %arg11[%parallel_loop3A_587, %parallel_loop3A_588], %parallel_loop3A_591 {add = true, strides = array<i32>} : memref<16x768xf32, #tpu.memory_space<vmem>>, vector<1x16xf32>,
        %parallel_loop3A_592 = arith.index_cast %parallel_loop3A_404 : i32 to index
        %parallel_loop3A_593 = arith.constant 112 : index
        %parallel_loop3A_594 = tpu.vector_load %arg12[%parallel_loop3A_592, %parallel_loop3A_593] {strides = array<i32>} : memref<16x768xf32, #tpu.memory_space<vmem>>, vector<1x16xf32>,
        %parallel_loop3A_595 = vector.shape_cast %parallel_loop3A_594 : vector<1x16xf32> to vector<16xf32>
        %parallel_loop3A_596 = vector.shape_cast %parallel_loop3A_576 : vector<16xf32> to vector<1x16xf32>
        tpu.vector_store %arg12[%parallel_loop3A_592, %parallel_loop3A_593], %parallel_loop3A_596 {add = true, strides = array<i32>} : memref<16x768xf32, #tpu.memory_space<vmem>>, vector<1x16xf32>,
        %parallel_loop3A_597 = arith.index_cast %parallel_loop3A_404 : i32 to index
        %parallel_loop3A_598 = arith.constant 128 : index
        %parallel_loop3A_599 = tpu.vector_load %arg14[%parallel_loop3A_597, %parallel_loop3A_598] {strides = array<i32>} : memref<16x768xf32, #tpu.memory_space<vmem>>, vector<1x16xf32>,
        %parallel_loop3A_600 = vector.shape_cast %parallel_loop3A_599 : vector<1x16xf32> to vector<16xf32>
        %parallel_loop3A_601 = arith.index_cast %parallel_loop3A_404 : i32 to index
        %parallel_loop3A_602 = arith.constant 128 : index
        %parallel_loop3A_603 = tpu.vector_load %arg9[%parallel_loop3A_601, %parallel_loop3A_602] {strides = array<i32>} : memref<16x768xf32, #tpu.memory_space<vmem>>, vector<1x16xf32>,
        %parallel_loop3A_604 = vector.shape_cast %parallel_loop3A_603 : vector<1x16xf32> to vector<16xf32>
        %parallel_loop3A_605 = vector.shape_cast %parallel_loop3A_600 : vector<16xf32> to vector<1x16xf32>
        tpu.vector_store %arg9[%parallel_loop3A_601, %parallel_loop3A_602], %parallel_loop3A_605 {add = true, strides = array<i32>} : memref<16x768xf32, #tpu.memory_space<vmem>>, vector<1x16xf32>,
        %parallel_loop3A_606 = arith.index_cast %parallel_loop3A_404 : i32 to index
        %parallel_loop3A_607 = arith.constant 128 : index
        %parallel_loop3A_608 = tpu.vector_load %arg10[%parallel_loop3A_606, %parallel_loop3A_607] {strides = array<i32>} : memref<16x768xf32, #tpu.memory_space<vmem>>, vector<1x16xf32>,
        %parallel_loop3A_609 = vector.shape_cast %parallel_loop3A_608 : vector<1x16xf32> to vector<16xf32>
        %parallel_loop3A_610 = vector.shape_cast %parallel_loop3A_600 : vector<16xf32> to vector<1x16xf32>
        tpu.vector_store %arg10[%parallel_loop3A_606, %parallel_loop3A_607], %parallel_loop3A_610 {add = true, strides = array<i32>} : memref<16x768xf32, #tpu.memory_space<vmem>>, vector<1x16xf32>,
        %parallel_loop3A_611 = arith.index_cast %parallel_loop3A_404 : i32 to index
        %parallel_loop3A_612 = arith.constant 128 : index
        %parallel_loop3A_613 = tpu.vector_load %arg11[%parallel_loop3A_611, %parallel_loop3A_612] {strides = array<i32>} : memref<16x768xf32, #tpu.memory_space<vmem>>, vector<1x16xf32>,
        %parallel_loop3A_614 = vector.shape_cast %parallel_loop3A_613 : vector<1x16xf32> to vector<16xf32>
        %parallel_loop3A_615 = vector.shape_cast %parallel_loop3A_600 : vector<16xf32> to vector<1x16xf32>
        tpu.vector_store %arg11[%parallel_loop3A_611, %parallel_loop3A_612], %parallel_loop3A_615 {add = true, strides = array<i32>} : memref<16x768xf32, #tpu.memory_space<vmem>>, vector<1x16xf32>,
        %parallel_loop3A_616 = arith.index_cast %parallel_loop3A_404 : i32 to index
        %parallel_loop3A_617 = arith.constant 128 : index
        %parallel_loop3A_618 = tpu.vector_load %arg12[%parallel_loop3A_616, %parallel_loop3A_617] {strides = array<i32>} : memref<16x768xf32, #tpu.memory_space<vmem>>, vector<1x16xf32>,
        %parallel_loop3A_619 = vector.shape_cast %parallel_loop3A_618 : vector<1x16xf32> to vector<16xf32>
        %parallel_loop3A_620 = vector.shape_cast %parallel_loop3A_600 : vector<16xf32> to vector<1x16xf32>
        tpu.vector_store %arg12[%parallel_loop3A_616, %parallel_loop3A_617], %parallel_loop3A_620 {add = true, strides = array<i32>} : memref<16x768xf32, #tpu.memory_space<vmem>>, vector<1x16xf32>,
        %parallel_loop3A_621 = arith.index_cast %parallel_loop3A_404 : i32 to index
        %parallel_loop3A_622 = arith.constant 144 : index
        %parallel_loop3A_623 = tpu.vector_load %arg14[%parallel_loop3A_621, %parallel_loop3A_622] {strides = array<i32>} : memref<16x768xf32, #tpu.memory_space<vmem>>, vector<1x16xf32>,
        %parallel_loop3A_624 = vector.shape_cast %parallel_loop3A_623 : vector<1x16xf32> to vector<16xf32>
        %parallel_loop3A_625 = arith.index_cast %parallel_loop3A_404 : i32 to index
        %parallel_loop3A_626 = arith.constant 144 : index
        %parallel_loop3A_627 = tpu.vector_load %arg9[%parallel_loop3A_625, %parallel_loop3A_626] {strides = array<i32>} : memref<16x768xf32, #tpu.memory_space<vmem>>, vector<1x16xf32>,
        %parallel_loop3A_628 = vector.shape_cast %parallel_loop3A_627 : vector<1x16xf32> to vector<16xf32>
        %parallel_loop3A_629 = vector.shape_cast %parallel_loop3A_624 : vector<16xf32> to vector<1x16xf32>
        tpu.vector_store %arg9[%parallel_loop3A_625, %parallel_loop3A_626], %parallel_loop3A_629 {add = true, strides = array<i32>} : memref<16x768xf32, #tpu.memory_space<vmem>>, vector<1x16xf32>,
        %parallel_loop3A_630 = arith.index_cast %parallel_loop3A_404 : i32 to index
        %parallel_loop3A_631 = arith.constant 144 : index
        %parallel_loop3A_632 = tpu.vector_load %arg10[%parallel_loop3A_630, %parallel_loop3A_631] {strides = array<i32>} : memref<16x768xf32, #tpu.memory_space<vmem>>, vector<1x16xf32>,
        %parallel_loop3A_633 = vector.shape_cast %parallel_loop3A_632 : vector<1x16xf32> to vector<16xf32>
        %parallel_loop3A_634 = vector.shape_cast %parallel_loop3A_624 : vector<16xf32> to vector<1x16xf32>
        tpu.vector_store %arg10[%parallel_loop3A_630, %parallel_loop3A_631], %parallel_loop3A_634 {add = true, strides = array<i32>} : memref<16x768xf32, #tpu.memory_space<vmem>>, vector<1x16xf32>,
        %parallel_loop3A_635 = arith.index_cast %parallel_loop3A_404 : i32 to index
        %parallel_loop3A_636 = arith.constant 144 : index
        %parallel_loop3A_637 = tpu.vector_load %arg11[%parallel_loop3A_635, %parallel_loop3A_636] {strides = array<i32>} : memref<16x768xf32, #tpu.memory_space<vmem>>, vector<1x16xf32>,
        %parallel_loop3A_638 = vector.shape_cast %parallel_loop3A_637 : vector<1x16xf32> to vector<16xf32>
        %parallel_loop3A_639 = vector.shape_cast %parallel_loop3A_624 : vector<16xf32> to vector<1x16xf32>
        tpu.vector_store %arg11[%parallel_loop3A_635, %parallel_loop3A_636], %parallel_loop3A_639 {add = true, strides = array<i32>} : memref<16x768xf32, #tpu.memory_space<vmem>>, vector<1x16xf32>,
        %parallel_loop3A_640 = arith.index_cast %parallel_loop3A_404 : i32 to index
        %parallel_loop3A_641 = arith.constant 144 : index
        %parallel_loop3A_642 = tpu.vector_load %arg12[%parallel_loop3A_640, %parallel_loop3A_641] {strides = array<i32>} : memref<16x768xf32, #tpu.memory_space<vmem>>, vector<1x16xf32>,
        %parallel_loop3A_643 = vector.shape_cast %parallel_loop3A_642 : vector<1x16xf32> to vector<16xf32>
        %parallel_loop3A_644 = vector.shape_cast %parallel_loop3A_624 : vector<16xf32> to vector<1x16xf32>
        tpu.vector_store %arg12[%parallel_loop3A_640, %parallel_loop3A_641], %parallel_loop3A_644 {add = true, strides = array<i32>} : memref<16x768xf32, #tpu.memory_space<vmem>>, vector<1x16xf32>,
        %parallel_loop3A_645 = arith.index_cast %parallel_loop3A_404 : i32 to index
        %parallel_loop3A_646 = arith.constant 160 : index
        %parallel_loop3A_647 = tpu.vector_load %arg14[%parallel_loop3A_645, %parallel_loop3A_646] {strides = array<i32>} : memref<16x768xf32, #tpu.memory_space<vmem>>, vector<1x16xf32>,
        %parallel_loop3A_648 = vector.shape_cast %parallel_loop3A_647 : vector<1x16xf32> to vector<16xf32>
        %parallel_loop3A_649 = arith.index_cast %parallel_loop3A_404 : i32 to index
        %parallel_loop3A_650 = arith.constant 160 : index
        %parallel_loop3A_651 = tpu.vector_load %arg9[%parallel_loop3A_649, %parallel_loop3A_650] {strides = array<i32>} : memref<16x768xf32, #tpu.memory_space<vmem>>, vector<1x16xf32>,
        %parallel_loop3A_652 = vector.shape_cast %parallel_loop3A_651 : vector<1x16xf32> to vector<16xf32>
        %parallel_loop3A_653 = vector.shape_cast %parallel_loop3A_648 : vector<16xf32> to vector<1x16xf32>
        tpu.vector_store %arg9[%parallel_loop3A_649, %parallel_loop3A_650], %parallel_loop3A_653 {add = true, strides = array<i32>} : memref<16x768xf32, #tpu.memory_space<vmem>>, vector<1x16xf32>,
        %parallel_loop3A_654 = arith.index_cast %parallel_loop3A_404 : i32 to index
        %parallel_loop3A_655 = arith.constant 160 : index
        %parallel_loop3A_656 = tpu.vector_load %arg10[%parallel_loop3A_654, %parallel_loop3A_655] {strides = array<i32>} : memref<16x768xf32, #tpu.memory_space<vmem>>, vector<1x16xf32>,
        %parallel_loop3A_657 = vector.shape_cast %parallel_loop3A_656 : vector<1x16xf32> to vector<16xf32>
        %parallel_loop3A_658 = vector.shape_cast %parallel_loop3A_648 : vector<16xf32> to vector<1x16xf32>
        tpu.vector_store %arg10[%parallel_loop3A_654, %parallel_loop3A_655], %parallel_loop3A_658 {add = true, strides = array<i32>} : memref<16x768xf32, #tpu.memory_space<vmem>>, vector<1x16xf32>,
        %parallel_loop3A_659 = arith.index_cast %parallel_loop3A_404 : i32 to index
        %parallel_loop3A_660 = arith.constant 160 : index
        %parallel_loop3A_661 = tpu.vector_load %arg11[%parallel_loop3A_659, %parallel_loop3A_660] {strides = array<i32>} : memref<16x768xf32, #tpu.memory_space<vmem>>, vector<1x16xf32>,
        %parallel_loop3A_662 = vector.shape_cast %parallel_loop3A_661 : vector<1x16xf32> to vector<16xf32>
        %parallel_loop3A_663 = vector.shape_cast %parallel_loop3A_648 : vector<16xf32> to vector<1x16xf32>
        tpu.vector_store %arg11[%parallel_loop3A_659, %parallel_loop3A_660], %parallel_loop3A_663 {add = true, strides = array<i32>} : memref<16x768xf32, #tpu.memory_space<vmem>>, vector<1x16xf32>,
        %parallel_loop3A_664 = arith.index_cast %parallel_loop3A_404 : i32 to index
        %parallel_loop3A_665 = arith.constant 160 : index
        %parallel_loop3A_666 = tpu.vector_load %arg12[%parallel_loop3A_664, %parallel_loop3A_665] {strides = array<i32>} : memref<16x768xf32, #tpu.memory_space<vmem>>, vector<1x16xf32>,
        %parallel_loop3A_667 = vector.shape_cast %parallel_loop3A_666 : vector<1x16xf32> to vector<16xf32>
        %parallel_loop3A_668 = vector.shape_cast %parallel_loop3A_648 : vector<16xf32> to vector<1x16xf32>
        tpu.vector_store %arg12[%parallel_loop3A_664, %parallel_loop3A_665], %parallel_loop3A_668 {add = true, strides = array<i32>} : memref<16x768xf32, #tpu.memory_space<vmem>>, vector<1x16xf32>,
        %parallel_loop3A_669 = arith.index_cast %parallel_loop3A_404 : i32 to index
        %parallel_loop3A_670 = arith.constant 176 : index
        %parallel_loop3A_671 = tpu.vector_load %arg14[%parallel_loop3A_669, %parallel_loop3A_670] {strides = array<i32>} : memref<16x768xf32, #tpu.memory_space<vmem>>, vector<1x16xf32>,
        %parallel_loop3A_672 = vector.shape_cast %parallel_loop3A_671 : vector<1x16xf32> to vector<16xf32>
        %parallel_loop3A_673 = arith.index_cast %parallel_loop3A_404 : i32 to index
        %parallel_loop3A_674 = arith.constant 176 : index
        %parallel_loop3A_675 = tpu.vector_load %arg9[%parallel_loop3A_673, %parallel_loop3A_674] {strides = array<i32>} : memref<16x768xf32, #tpu.memory_space<vmem>>, vector<1x16xf32>,
        %parallel_loop3A_676 = vector.shape_cast %parallel_loop3A_675 : vector<1x16xf32> to vector<16xf32>
        %parallel_loop3A_677 = vector.shape_cast %parallel_loop3A_672 : vector<16xf32> to vector<1x16xf32>
        tpu.vector_store %arg9[%parallel_loop3A_673, %parallel_loop3A_674], %parallel_loop3A_677 {add = true, strides = array<i32>} : memref<16x768xf32, #tpu.memory_space<vmem>>, vector<1x16xf32>,
        %parallel_loop3A_678 = arith.index_cast %parallel_loop3A_404 : i32 to index
        %parallel_loop3A_679 = arith.constant 176 : index
        %parallel_loop3A_680 = tpu.vector_load %arg10[%parallel_loop3A_678, %parallel_loop3A_679] {strides = array<i32>} : memref<16x768xf32, #tpu.memory_space<vmem>>, vector<1x16xf32>,
        %parallel_loop3A_681 = vector.shape_cast %parallel_loop3A_680 : vector<1x16xf32> to vector<16xf32>
        %parallel_loop3A_682 = vector.shape_cast %parallel_loop3A_672 : vector<16xf32> to vector<1x16xf32>
        tpu.vector_store %arg10[%parallel_loop3A_678, %parallel_loop3A_679], %parallel_loop3A_682 {add = true, strides = array<i32>} : memref<16x768xf32, #tpu.memory_space<vmem>>, vector<1x16xf32>,
        %parallel_loop3A_683 = arith.index_cast %parallel_loop3A_404 : i32 to index
        %parallel_loop3A_684 = arith.constant 176 : index
        %parallel_loop3A_685 = tpu.vector_load %arg11[%parallel_loop3A_683, %parallel_loop3A_684] {strides = array<i32>} : memref<16x768xf32, #tpu.memory_space<vmem>>, vector<1x16xf32>,
        %parallel_loop3A_686 = vector.shape_cast %parallel_loop3A_685 : vector<1x16xf32> to vector<16xf32>
        %parallel_loop3A_687 = vector.shape_cast %parallel_loop3A_672 : vector<16xf32> to vector<1x16xf32>
        tpu.vector_store %arg11[%parallel_loop3A_683, %parallel_loop3A_684], %parallel_loop3A_687 {add = true, strides = array<i32>} : memref<16x768xf32, #tpu.memory_space<vmem>>, vector<1x16xf32>,
        %parallel_loop3A_688 = arith.index_cast %parallel_loop3A_404 : i32 to index
        %parallel_loop3A_689 = arith.constant 176 : index
        %parallel_loop3A_690 = tpu.vector_load %arg12[%parallel_loop3A_688, %parallel_loop3A_689] {strides = array<i32>} : memref<16x768xf32, #tpu.memory_space<vmem>>, vector<1x16xf32>,
        %parallel_loop3A_691 = vector.shape_cast %parallel_loop3A_690 : vector<1x16xf32> to vector<16xf32>
        %parallel_loop3A_692 = vector.shape_cast %parallel_loop3A_672 : vector<16xf32> to vector<1x16xf32>
        tpu.vector_store %arg12[%parallel_loop3A_688, %parallel_loop3A_689], %parallel_loop3A_692 {add = true, strides = array<i32>} : memref<16x768xf32, #tpu.memory_space<vmem>>, vector<1x16xf32>,
        %parallel_loop3A_693 = arith.index_cast %parallel_loop3A_404 : i32 to index
        %parallel_loop3A_694 = arith.constant 192 : index
        %parallel_loop3A_695 = tpu.vector_load %arg14[%parallel_loop3A_693, %parallel_loop3A_694] {strides = array<i32>} : memref<16x768xf32, #tpu.memory_space<vmem>>, vector<1x16xf32>,
        %parallel_loop3A_696 = vector.shape_cast %parallel_loop3A_695 : vector<1x16xf32> to vector<16xf32>
        %parallel_loop3A_697 = arith.index_cast %parallel_loop3A_404 : i32 to index
        %parallel_loop3A_698 = arith.constant 192 : index
        %parallel_loop3A_699 = tpu.vector_load %arg9[%parallel_loop3A_697, %parallel_loop3A_698] {strides = array<i32>} : memref<16x768xf32, #tpu.memory_space<vmem>>, vector<1x16xf32>,
        %parallel_loop3A_700 = vector.shape_cast %parallel_loop3A_699 : vector<1x16xf32> to vector<16xf32>
        %parallel_loop3A_701 = vector.shape_cast %parallel_loop3A_696 : vector<16xf32> to vector<1x16xf32>
        tpu.vector_store %arg9[%parallel_loop3A_697, %parallel_loop3A_698], %parallel_loop3A_701 {add = true, strides = array<i32>} : memref<16x768xf32, #tpu.memory_space<vmem>>, vector<1x16xf32>,
        %parallel_loop3A_702 = arith.index_cast %parallel_loop3A_404 : i32 to index
        %parallel_loop3A_703 = arith.constant 192 : index
        %parallel_loop3A_704 = tpu.vector_load %arg10[%parallel_loop3A_702, %parallel_loop3A_703] {strides = array<i32>} : memref<16x768xf32, #tpu.memory_space<vmem>>, vector<1x16xf32>,
        %parallel_loop3A_705 = vector.shape_cast %parallel_loop3A_704 : vector<1x16xf32> to vector<16xf32>
        %parallel_loop3A_706 = vector.shape_cast %parallel_loop3A_696 : vector<16xf32> to vector<1x16xf32>
        tpu.vector_store %arg10[%parallel_loop3A_702, %parallel_loop3A_703], %parallel_loop3A_706 {add = true, strides = array<i32>} : memref<16x768xf32, #tpu.memory_space<vmem>>, vector<1x16xf32>,
        %parallel_loop3A_707 = arith.index_cast %parallel_loop3A_404 : i32 to index
        %parallel_loop3A_708 = arith.constant 192 : index
        %parallel_loop3A_709 = tpu.vector_load %arg11[%parallel_loop3A_707, %parallel_loop3A_708] {strides = array<i32>} : memref<16x768xf32, #tpu.memory_space<vmem>>, vector<1x16xf32>,
        %parallel_loop3A_710 = vector.shape_cast %parallel_loop3A_709 : vector<1x16xf32> to vector<16xf32>
        %parallel_loop3A_711 = vector.shape_cast %parallel_loop3A_696 : vector<16xf32> to vector<1x16xf32>
        tpu.vector_store %arg11[%parallel_loop3A_707, %parallel_loop3A_708], %parallel_loop3A_711 {add = true, strides = array<i32>} : memref<16x768xf32, #tpu.memory_space<vmem>>, vector<1x16xf32>,
        %parallel_loop3A_712 = arith.index_cast %parallel_loop3A_404 : i32 to index
        %parallel_loop3A_713 = arith.constant 192 : index
        %parallel_loop3A_714 = tpu.vector_load %arg12[%parallel_loop3A_712, %parallel_loop3A_713] {strides = array<i32>} : memref<16x768xf32, #tpu.memory_space<vmem>>, vector<1x16xf32>,
        %parallel_loop3A_715 = vector.shape_cast %parallel_loop3A_714 : vector<1x16xf32> to vector<16xf32>
        %parallel_loop3A_716 = vector.shape_cast %parallel_loop3A_696 : vector<16xf32> to vector<1x16xf32>
        tpu.vector_store %arg12[%parallel_loop3A_712, %parallel_loop3A_713], %parallel_loop3A_716 {add = true, strides = array<i32>} : memref<16x768xf32, #tpu.memory_space<vmem>>, vector<1x16xf32>,
        %parallel_loop3A_717 = arith.index_cast %parallel_loop3A_404 : i32 to index
        %parallel_loop3A_718 = arith.constant 208 : index
        %parallel_loop3A_719 = tpu.vector_load %arg14[%parallel_loop3A_717, %parallel_loop3A_718] {strides = array<i32>} : memref<16x768xf32, #tpu.memory_space<vmem>>, vector<1x16xf32>,
        %parallel_loop3A_720 = vector.shape_cast %parallel_loop3A_719 : vector<1x16xf32> to vector<16xf32>
        %parallel_loop3A_721 = arith.index_cast %parallel_loop3A_404 : i32 to index
        %parallel_loop3A_722 = arith.constant 208 : index
        %parallel_loop3A_723 = tpu.vector_load %arg9[%parallel_loop3A_721, %parallel_loop3A_722] {strides = array<i32>} : memref<16x768xf32, #tpu.memory_space<vmem>>, vector<1x16xf32>,
        %parallel_loop3A_724 = vector.shape_cast %parallel_loop3A_723 : vector<1x16xf32> to vector<16xf32>
        %parallel_loop3A_725 = vector.shape_cast %parallel_loop3A_720 : vector<16xf32> to vector<1x16xf32>
        tpu.vector_store %arg9[%parallel_loop3A_721, %parallel_loop3A_722], %parallel_loop3A_725 {add = true, strides = array<i32>} : memref<16x768xf32, #tpu.memory_space<vmem>>, vector<1x16xf32>,
        %parallel_loop3A_726 = arith.index_cast %parallel_loop3A_404 : i32 to index
        %parallel_loop3A_727 = arith.constant 208 : index
        %parallel_loop3A_728 = tpu.vector_load %arg10[%parallel_loop3A_726, %parallel_loop3A_727] {strides = array<i32>} : memref<16x768xf32, #tpu.memory_space<vmem>>, vector<1x16xf32>,
        %parallel_loop3A_729 = vector.shape_cast %parallel_loop3A_728 : vector<1x16xf32> to vector<16xf32>
        %parallel_loop3A_730 = vector.shape_cast %parallel_loop3A_720 : vector<16xf32> to vector<1x16xf32>
        tpu.vector_store %arg10[%parallel_loop3A_726, %parallel_loop3A_727], %parallel_loop3A_730 {add = true, strides = array<i32>} : memref<16x768xf32, #tpu.memory_space<vmem>>, vector<1x16xf32>,
        %parallel_loop3A_731 = arith.index_cast %parallel_loop3A_404 : i32 to index
        %parallel_loop3A_732 = arith.constant 208 : index
        %parallel_loop3A_733 = tpu.vector_load %arg11[%parallel_loop3A_731, %parallel_loop3A_732] {strides = array<i32>} : memref<16x768xf32, #tpu.memory_space<vmem>>, vector<1x16xf32>,
        %parallel_loop3A_734 = vector.shape_cast %parallel_loop3A_733 : vector<1x16xf32> to vector<16xf32>
        %parallel_loop3A_735 = vector.shape_cast %parallel_loop3A_720 : vector<16xf32> to vector<1x16xf32>
        tpu.vector_store %arg11[%parallel_loop3A_731, %parallel_loop3A_732], %parallel_loop3A_735 {add = true, strides = array<i32>} : memref<16x768xf32, #tpu.memory_space<vmem>>, vector<1x16xf32>,
        %parallel_loop3A_736 = arith.index_cast %parallel_loop3A_404 : i32 to index
        %parallel_loop3A_737 = arith.constant 208 : index
        %parallel_loop3A_738 = tpu.vector_load %arg12[%parallel_loop3A_736, %parallel_loop3A_737] {strides = array<i32>} : memref<16x768xf32, #tpu.memory_space<vmem>>, vector<1x16xf32>,
        %parallel_loop3A_739 = vector.shape_cast %parallel_loop3A_738 : vector<1x16xf32> to vector<16xf32>
        %parallel_loop3A_740 = vector.shape_cast %parallel_loop3A_720 : vector<16xf32> to vector<1x16xf32>
        tpu.vector_store %arg12[%parallel_loop3A_736, %parallel_loop3A_737], %parallel_loop3A_740 {add = true, strides = array<i32>} : memref<16x768xf32, #tpu.memory_space<vmem>>, vector<1x16xf32>,
        %parallel_loop3A_741 = arith.index_cast %parallel_loop3A_404 : i32 to index
        %parallel_loop3A_742 = arith.constant 224 : index
        %parallel_loop3A_743 = tpu.vector_load %arg14[%parallel_loop3A_741, %parallel_loop3A_742] {strides = array<i32>} : memref<16x768xf32, #tpu.memory_space<vmem>>, vector<1x16xf32>,
        %parallel_loop3A_744 = vector.shape_cast %parallel_loop3A_743 : vector<1x16xf32> to vector<16xf32>
        %parallel_loop3A_745 = arith.index_cast %parallel_loop3A_404 : i32 to index
        %parallel_loop3A_746 = arith.constant 224 : index
        %parallel_loop3A_747 = tpu.vector_load %arg9[%parallel_loop3A_745, %parallel_loop3A_746] {strides = array<i32>} : memref<16x768xf32, #tpu.memory_space<vmem>>, vector<1x16xf32>,
        %parallel_loop3A_748 = vector.shape_cast %parallel_loop3A_747 : vector<1x16xf32> to vector<16xf32>
        %parallel_loop3A_749 = vector.shape_cast %parallel_loop3A_744 : vector<16xf32> to vector<1x16xf32>
        tpu.vector_store %arg9[%parallel_loop3A_745, %parallel_loop3A_746], %parallel_loop3A_749 {add = true, strides = array<i32>} : memref<16x768xf32, #tpu.memory_space<vmem>>, vector<1x16xf32>,
        %parallel_loop3A_750 = arith.index_cast %parallel_loop3A_404 : i32 to index
        %parallel_loop3A_751 = arith.constant 224 : index
        %parallel_loop3A_752 = tpu.vector_load %arg10[%parallel_loop3A_750, %parallel_loop3A_751] {strides = array<i32>} : memref<16x768xf32, #tpu.memory_space<vmem>>, vector<1x16xf32>,
        %parallel_loop3A_753 = vector.shape_cast %parallel_loop3A_752 : vector<1x16xf32> to vector<16xf32>
        %parallel_loop3A_754 = vector.shape_cast %parallel_loop3A_744 : vector<16xf32> to vector<1x16xf32>
        tpu.vector_store %arg10[%parallel_loop3A_750, %parallel_loop3A_751], %parallel_loop3A_754 {add = true, strides = array<i32>} : memref<16x768xf32, #tpu.memory_space<vmem>>, vector<1x16xf32>,
        %parallel_loop3A_755 = arith.index_cast %parallel_loop3A_404 : i32 to index
        %parallel_loop3A_756 = arith.constant 224 : index
        %parallel_loop3A_757 = tpu.vector_load %arg11[%parallel_loop3A_755, %parallel_loop3A_756] {strides = array<i32>} : memref<16x768xf32, #tpu.memory_space<vmem>>, vector<1x16xf32>,
        %parallel_loop3A_758 = vector.shape_cast %parallel_loop3A_757 : vector<1x16xf32> to vector<16xf32>
        %parallel_loop3A_759 = vector.shape_cast %parallel_loop3A_744 : vector<16xf32> to vector<1x16xf32>
        tpu.vector_store %arg11[%parallel_loop3A_755, %parallel_loop3A_756], %parallel_loop3A_759 {add = true, strides = array<i32>} : memref<16x768xf32, #tpu.memory_space<vmem>>, vector<1x16xf32>,
        %parallel_loop3A_760 = arith.index_cast %parallel_loop3A_404 : i32 to index
        %parallel_loop3A_761 = arith.constant 224 : index
        %parallel_loop3A_762 = tpu.vector_load %arg12[%parallel_loop3A_760, %parallel_loop3A_761] {strides = array<i32>} : memref<16x768xf32, #tpu.memory_space<vmem>>, vector<1x16xf32>,
        %parallel_loop3A_763 = vector.shape_cast %parallel_loop3A_762 : vector<1x16xf32> to vector<16xf32>
        %parallel_loop3A_764 = vector.shape_cast %parallel_loop3A_744 : vector<16xf32> to vector<1x16xf32>
        tpu.vector_store %arg12[%parallel_loop3A_760, %parallel_loop3A_761], %parallel_loop3A_764 {add = true, strides = array<i32>} : memref<16x768xf32, #tpu.memory_space<vmem>>, vector<1x16xf32>,
        %parallel_loop3A_765 = arith.index_cast %parallel_loop3A_404 : i32 to index
        %parallel_loop3A_766 = arith.constant 240 : index
        %parallel_loop3A_767 = tpu.vector_load %arg14[%parallel_loop3A_765, %parallel_loop3A_766] {strides = array<i32>} : memref<16x768xf32, #tpu.memory_space<vmem>>, vector<1x16xf32>,
        %parallel_loop3A_768 = vector.shape_cast %parallel_loop3A_767 : vector<1x16xf32> to vector<16xf32>
        %parallel_loop3A_769 = arith.index_cast %parallel_loop3A_404 : i32 to index
        %parallel_loop3A_770 = arith.constant 240 : index
        %parallel_loop3A_771 = tpu.vector_load %arg9[%parallel_loop3A_769, %parallel_loop3A_770] {strides = array<i32>} : memref<16x768xf32, #tpu.memory_space<vmem>>, vector<1x16xf32>,
        %parallel_loop3A_772 = vector.shape_cast %parallel_loop3A_771 : vector<1x16xf32> to vector<16xf32>
        %parallel_loop3A_773 = vector.shape_cast %parallel_loop3A_768 : vector<16xf32> to vector<1x16xf32>
        tpu.vector_store %arg9[%parallel_loop3A_769, %parallel_loop3A_770], %parallel_loop3A_773 {add = true, strides = array<i32>} : memref<16x768xf32, #tpu.memory_space<vmem>>, vector<1x16xf32>,
        %parallel_loop3A_774 = arith.index_cast %parallel_loop3A_404 : i32 to index
        %parallel_loop3A_775 = arith.constant 240 : index
        %parallel_loop3A_776 = tpu.vector_load %arg10[%parallel_loop3A_774, %parallel_loop3A_775] {strides = array<i32>} : memref<16x768xf32, #tpu.memory_space<vmem>>, vector<1x16xf32>,
        %parallel_loop3A_777 = vector.shape_cast %parallel_loop3A_776 : vector<1x16xf32> to vector<16xf32>
        %parallel_loop3A_778 = vector.shape_cast %parallel_loop3A_768 : vector<16xf32> to vector<1x16xf32>
        tpu.vector_store %arg10[%parallel_loop3A_774, %parallel_loop3A_775], %parallel_loop3A_778 {add = true, strides = array<i32>} : memref<16x768xf32, #tpu.memory_space<vmem>>, vector<1x16xf32>,
        %parallel_loop3A_779 = arith.index_cast %parallel_loop3A_404 : i32 to index
        %parallel_loop3A_780 = arith.constant 240 : index
        %parallel_loop3A_781 = tpu.vector_load %arg11[%parallel_loop3A_779, %parallel_loop3A_780] {strides = array<i32>} : memref<16x768xf32, #tpu.memory_space<vmem>>, vector<1x16xf32>,
        %parallel_loop3A_782 = vector.shape_cast %parallel_loop3A_781 : vector<1x16xf32> to vector<16xf32>
        %parallel_loop3A_783 = vector.shape_cast %parallel_loop3A_768 : vector<16xf32> to vector<1x16xf32>
        tpu.vector_store %arg11[%parallel_loop3A_779, %parallel_loop3A_780], %parallel_loop3A_783 {add = true, strides = array<i32>} : memref<16x768xf32, #tpu.memory_space<vmem>>, vector<1x16xf32>,
        %parallel_loop3A_784 = arith.index_cast %parallel_loop3A_404 : i32 to index
        %parallel_loop3A_785 = arith.constant 240 : index
        %parallel_loop3A_786 = tpu.vector_load %arg12[%parallel_loop3A_784, %parallel_loop3A_785] {strides = array<i32>} : memref<16x768xf32, #tpu.memory_space<vmem>>, vector<1x16xf32>,
        %parallel_loop3A_787 = vector.shape_cast %parallel_loop3A_786 : vector<1x16xf32> to vector<16xf32>
        %parallel_loop3A_788 = vector.shape_cast %parallel_loop3A_768 : vector<16xf32> to vector<1x16xf32>
        tpu.vector_store %arg12[%parallel_loop3A_784, %parallel_loop3A_785], %parallel_loop3A_788 {add = true, strides = array<i32>} : memref<16x768xf32, #tpu.memory_space<vmem>>, vector<1x16xf32>,
        %parallel_loop3A_789 = arith.index_cast %parallel_loop3A_404 : i32 to index
        %parallel_loop3A_790 = arith.constant 256 : index
        %parallel_loop3A_791 = tpu.vector_load %arg14[%parallel_loop3A_789, %parallel_loop3A_790] {strides = array<i32>} : memref<16x768xf32, #tpu.memory_space<vmem>>, vector<1x16xf32>,
        %parallel_loop3A_792 = vector.shape_cast %parallel_loop3A_791 : vector<1x16xf32> to vector<16xf32>
        %parallel_loop3A_793 = arith.index_cast %parallel_loop3A_404 : i32 to index
        %parallel_loop3A_794 = arith.constant 256 : index
        %parallel_loop3A_795 = tpu.vector_load %arg9[%parallel_loop3A_793, %parallel_loop3A_794] {strides = array<i32>} : memref<16x768xf32, #tpu.memory_space<vmem>>, vector<1x16xf32>,
        %parallel_loop3A_796 = vector.shape_cast %parallel_loop3A_795 : vector<1x16xf32> to vector<16xf32>
        %parallel_loop3A_797 = vector.shape_cast %parallel_loop3A_792 : vector<16xf32> to vector<1x16xf32>
        tpu.vector_store %arg9[%parallel_loop3A_793, %parallel_loop3A_794], %parallel_loop3A_797 {add = true, strides = array<i32>} : memref<16x768xf32, #tpu.memory_space<vmem>>, vector<1x16xf32>,
        %parallel_loop3A_798 = arith.index_cast %parallel_loop3A_404 : i32 to index
        %parallel_loop3A_799 = arith.constant 256 : index
        %parallel_loop3A_800 = tpu.vector_load %arg10[%parallel_loop3A_798, %parallel_loop3A_799] {strides = array<i32>} : memref<16x768xf32, #tpu.memory_space<vmem>>, vector<1x16xf32>,
        %parallel_loop3A_801 = vector.shape_cast %parallel_loop3A_800 : vector<1x16xf32> to vector<16xf32>
        %parallel_loop3A_802 = vector.shape_cast %parallel_loop3A_792 : vector<16xf32> to vector<1x16xf32>
        tpu.vector_store %arg10[%parallel_loop3A_798, %parallel_loop3A_799], %parallel_loop3A_802 {add = true, strides = array<i32>} : memref<16x768xf32, #tpu.memory_space<vmem>>, vector<1x16xf32>,
        %parallel_loop3A_803 = arith.index_cast %parallel_loop3A_404 : i32 to index
        %parallel_loop3A_804 = arith.constant 256 : index
        %parallel_loop3A_805 = tpu.vector_load %arg11[%parallel_loop3A_803, %parallel_loop3A_804] {strides = array<i32>} : memref<16x768xf32, #tpu.memory_space<vmem>>, vector<1x16xf32>,
        %parallel_loop3A_806 = vector.shape_cast %parallel_loop3A_805 : vector<1x16xf32> to vector<16xf32>
        %parallel_loop3A_807 = vector.shape_cast %parallel_loop3A_792 : vector<16xf32> to vector<1x16xf32>
        tpu.vector_store %arg11[%parallel_loop3A_803, %parallel_loop3A_804], %parallel_loop3A_807 {add = true, strides = array<i32>} : memref<16x768xf32, #tpu.memory_space<vmem>>, vector<1x16xf32>,
        %parallel_loop3A_808 = arith.index_cast %parallel_loop3A_404 : i32 to index
        %parallel_loop3A_809 = arith.constant 256 : index
        %parallel_loop3A_810 = tpu.vector_load %arg12[%parallel_loop3A_808, %parallel_loop3A_809] {strides = array<i32>} : memref<16x768xf32, #tpu.memory_space<vmem>>, vector<1x16xf32>,
        %parallel_loop3A_811 = vector.shape_cast %parallel_loop3A_810 : vector<1x16xf32> to vector<16xf32>
        %parallel_loop3A_812 = vector.shape_cast %parallel_loop3A_792 : vector<16xf32> to vector<1x16xf32>
        tpu.vector_store %arg12[%parallel_loop3A_808, %parallel_loop3A_809], %parallel_loop3A_812 {add = true, strides = array<i32>} : memref<16x768xf32, #tpu.memory_space<vmem>>, vector<1x16xf32>,
        %parallel_loop3A_813 = arith.index_cast %parallel_loop3A_404 : i32 to index
        %parallel_loop3A_814 = arith.constant 272 : index
        %parallel_loop3A_815 = tpu.vector_load %arg14[%parallel_loop3A_813, %parallel_loop3A_814] {strides = array<i32>} : memref<16x768xf32, #tpu.memory_space<vmem>>, vector<1x16xf32>,
        %parallel_loop3A_816 = vector.shape_cast %parallel_loop3A_815 : vector<1x16xf32> to vector<16xf32>
        %parallel_loop3A_817 = arith.index_cast %parallel_loop3A_404 : i32 to index
        %parallel_loop3A_818 = arith.constant 272 : index
        %parallel_loop3A_819 = tpu.vector_load %arg9[%parallel_loop3A_817, %parallel_loop3A_818] {strides = array<i32>} : memref<16x768xf32, #tpu.memory_space<vmem>>, vector<1x16xf32>,
        %parallel_loop3A_820 = vector.shape_cast %parallel_loop3A_819 : vector<1x16xf32> to vector<16xf32>
        %parallel_loop3A_821 = vector.shape_cast %parallel_loop3A_816 : vector<16xf32> to vector<1x16xf32>
        tpu.vector_store %arg9[%parallel_loop3A_817, %parallel_loop3A_818], %parallel_loop3A_821 {add = true, strides = array<i32>} : memref<16x768xf32, #tpu.memory_space<vmem>>, vector<1x16xf32>,
        %parallel_loop3A_822 = arith.index_cast %parallel_loop3A_404 : i32 to index
        %parallel_loop3A_823 = arith.constant 272 : index
        %parallel_loop3A_824 = tpu.vector_load %arg10[%parallel_loop3A_822, %parallel_loop3A_823] {strides = array<i32>} : memref<16x768xf32, #tpu.memory_space<vmem>>, vector<1x16xf32>,
        %parallel_loop3A_825 = vector.shape_cast %parallel_loop3A_824 : vector<1x16xf32> to vector<16xf32>
        %parallel_loop3A_826 = vector.shape_cast %parallel_loop3A_816 : vector<16xf32> to vector<1x16xf32>
        tpu.vector_store %arg10[%parallel_loop3A_822, %parallel_loop3A_823], %parallel_loop3A_826 {add = true, strides = array<i32>} : memref<16x768xf32, #tpu.memory_space<vmem>>, vector<1x16xf32>,
        %parallel_loop3A_827 = arith.index_cast %parallel_loop3A_404 : i32 to index
        %parallel_loop3A_828 = arith.constant 272 : index
        %parallel_loop3A_829 = tpu.vector_load %arg11[%parallel_loop3A_827, %parallel_loop3A_828] {strides = array<i32>} : memref<16x768xf32, #tpu.memory_space<vmem>>, vector<1x16xf32>,
        %parallel_loop3A_830 = vector.shape_cast %parallel_loop3A_829 : vector<1x16xf32> to vector<16xf32>
        %parallel_loop3A_831 = vector.shape_cast %parallel_loop3A_816 : vector<16xf32> to vector<1x16xf32>
        tpu.vector_store %arg11[%parallel_loop3A_827, %parallel_loop3A_828], %parallel_loop3A_831 {add = true, strides = array<i32>} : memref<16x768xf32, #tpu.memory_space<vmem>>, vector<1x16xf32>,
        %parallel_loop3A_832 = arith.index_cast %parallel_loop3A_404 : i32 to index
        %parallel_loop3A_833 = arith.constant 272 : index
        %parallel_loop3A_834 = tpu.vector_load %arg12[%parallel_loop3A_832, %parallel_loop3A_833] {strides = array<i32>} : memref<16x768xf32, #tpu.memory_space<vmem>>, vector<1x16xf32>,
        %parallel_loop3A_835 = vector.shape_cast %parallel_loop3A_834 : vector<1x16xf32> to vector<16xf32>
        %parallel_loop3A_836 = vector.shape_cast %parallel_loop3A_816 : vector<16xf32> to vector<1x16xf32>
        tpu.vector_store %arg12[%parallel_loop3A_832, %parallel_loop3A_833], %parallel_loop3A_836 {add = true, strides = array<i32>} : memref<16x768xf32, #tpu.memory_space<vmem>>, vector<1x16xf32>,
        %parallel_loop3A_837 = arith.index_cast %parallel_loop3A_404 : i32 to index
        %parallel_loop3A_838 = arith.constant 288 : index
        %parallel_loop3A_839 = tpu.vector_load %arg14[%parallel_loop3A_837, %parallel_loop3A_838] {strides = array<i32>} : memref<16x768xf32, #tpu.memory_space<vmem>>, vector<1x16xf32>,
        %parallel_loop3A_840 = vector.shape_cast %parallel_loop3A_839 : vector<1x16xf32> to vector<16xf32>
        %parallel_loop3A_841 = arith.index_cast %parallel_loop3A_404 : i32 to index
        %parallel_loop3A_842 = arith.constant 288 : index
        %parallel_loop3A_843 = tpu.vector_load %arg9[%parallel_loop3A_841, %parallel_loop3A_842] {strides = array<i32>} : memref<16x768xf32, #tpu.memory_space<vmem>>, vector<1x16xf32>,
        %parallel_loop3A_844 = vector.shape_cast %parallel_loop3A_843 : vector<1x16xf32> to vector<16xf32>
        %parallel_loop3A_845 = vector.shape_cast %parallel_loop3A_840 : vector<16xf32> to vector<1x16xf32>
        tpu.vector_store %arg9[%parallel_loop3A_841, %parallel_loop3A_842], %parallel_loop3A_845 {add = true, strides = array<i32>} : memref<16x768xf32, #tpu.memory_space<vmem>>, vector<1x16xf32>,
        %parallel_loop3A_846 = arith.index_cast %parallel_loop3A_404 : i32 to index
        %parallel_loop3A_847 = arith.constant 288 : index
        %parallel_loop3A_848 = tpu.vector_load %arg10[%parallel_loop3A_846, %parallel_loop3A_847] {strides = array<i32>} : memref<16x768xf32, #tpu.memory_space<vmem>>, vector<1x16xf32>,
        %parallel_loop3A_849 = vector.shape_cast %parallel_loop3A_848 : vector<1x16xf32> to vector<16xf32>
        %parallel_loop3A_850 = vector.shape_cast %parallel_loop3A_840 : vector<16xf32> to vector<1x16xf32>
        tpu.vector_store %arg10[%parallel_loop3A_846, %parallel_loop3A_847], %parallel_loop3A_850 {add = true, strides = array<i32>} : memref<16x768xf32, #tpu.memory_space<vmem>>, vector<1x16xf32>,
        %parallel_loop3A_851 = arith.index_cast %parallel_loop3A_404 : i32 to index
        %parallel_loop3A_852 = arith.constant 288 : index
        %parallel_loop3A_853 = tpu.vector_load %arg11[%parallel_loop3A_851, %parallel_loop3A_852] {strides = array<i32>} : memref<16x768xf32, #tpu.memory_space<vmem>>, vector<1x16xf32>,
        %parallel_loop3A_854 = vector.shape_cast %parallel_loop3A_853 : vector<1x16xf32> to vector<16xf32>
        %parallel_loop3A_855 = vector.shape_cast %parallel_loop3A_840 : vector<16xf32> to vector<1x16xf32>
        tpu.vector_store %arg11[%parallel_loop3A_851, %parallel_loop3A_852], %parallel_loop3A_855 {add = true, strides = array<i32>} : memref<16x768xf32, #tpu.memory_space<vmem>>, vector<1x16xf32>,
        %parallel_loop3A_856 = arith.index_cast %parallel_loop3A_404 : i32 to index
        %parallel_loop3A_857 = arith.constant 288 : index
        %parallel_loop3A_858 = tpu.vector_load %arg12[%parallel_loop3A_856, %parallel_loop3A_857] {strides = array<i32>} : memref<16x768xf32, #tpu.memory_space<vmem>>, vector<1x16xf32>,
        %parallel_loop3A_859 = vector.shape_cast %parallel_loop3A_858 : vector<1x16xf32> to vector<16xf32>
        %parallel_loop3A_860 = vector.shape_cast %parallel_loop3A_840 : vector<16xf32> to vector<1x16xf32>
        tpu.vector_store %arg12[%parallel_loop3A_856, %parallel_loop3A_857], %parallel_loop3A_860 {add = true, strides = array<i32>} : memref<16x768xf32, #tpu.memory_space<vmem>>, vector<1x16xf32>,
        %parallel_loop3A_861 = arith.index_cast %parallel_loop3A_404 : i32 to index
        %parallel_loop3A_862 = arith.constant 304 : index
        %parallel_loop3A_863 = tpu.vector_load %arg14[%parallel_loop3A_861, %parallel_loop3A_862] {strides = array<i32>} : memref<16x768xf32, #tpu.memory_space<vmem>>, vector<1x16xf32>,
        %parallel_loop3A_864 = vector.shape_cast %parallel_loop3A_863 : vector<1x16xf32> to vector<16xf32>
        %parallel_loop3A_865 = arith.index_cast %parallel_loop3A_404 : i32 to index
        %parallel_loop3A_866 = arith.constant 304 : index
        %parallel_loop3A_867 = tpu.vector_load %arg9[%parallel_loop3A_865, %parallel_loop3A_866] {strides = array<i32>} : memref<16x768xf32, #tpu.memory_space<vmem>>, vector<1x16xf32>,
        %parallel_loop3A_868 = vector.shape_cast %parallel_loop3A_867 : vector<1x16xf32> to vector<16xf32>
        %parallel_loop3A_869 = vector.shape_cast %parallel_loop3A_864 : vector<16xf32> to vector<1x16xf32>
        tpu.vector_store %arg9[%parallel_loop3A_865, %parallel_loop3A_866], %parallel_loop3A_869 {add = true, strides = array<i32>} : memref<16x768xf32, #tpu.memory_space<vmem>>, vector<1x16xf32>,
        %parallel_loop3A_870 = arith.index_cast %parallel_loop3A_404 : i32 to index
        %parallel_loop3A_871 = arith.constant 304 : index
        %parallel_loop3A_872 = tpu.vector_load %arg10[%parallel_loop3A_870, %parallel_loop3A_871] {strides = array<i32>} : memref<16x768xf32, #tpu.memory_space<vmem>>, vector<1x16xf32>,
        %parallel_loop3A_873 = vector.shape_cast %parallel_loop3A_872 : vector<1x16xf32> to vector<16xf32>
        %parallel_loop3A_874 = vector.shape_cast %parallel_loop3A_864 : vector<16xf32> to vector<1x16xf32>
        tpu.vector_store %arg10[%parallel_loop3A_870, %parallel_loop3A_871], %parallel_loop3A_874 {add = true, strides = array<i32>} : memref<16x768xf32, #tpu.memory_space<vmem>>, vector<1x16xf32>,
        %parallel_loop3A_875 = arith.index_cast %parallel_loop3A_404 : i32 to index
        %parallel_loop3A_876 = arith.constant 304 : index
        %parallel_loop3A_877 = tpu.vector_load %arg11[%parallel_loop3A_875, %parallel_loop3A_876] {strides = array<i32>} : memref<16x768xf32, #tpu.memory_space<vmem>>, vector<1x16xf32>,
        %parallel_loop3A_878 = vector.shape_cast %parallel_loop3A_877 : vector<1x16xf32> to vector<16xf32>
        %parallel_loop3A_879 = vector.shape_cast %parallel_loop3A_864 : vector<16xf32> to vector<1x16xf32>
        tpu.vector_store %arg11[%parallel_loop3A_875, %parallel_loop3A_876], %parallel_loop3A_879 {add = true, strides = array<i32>} : memref<16x768xf32, #tpu.memory_space<vmem>>, vector<1x16xf32>,
        %parallel_loop3A_880 = arith.index_cast %parallel_loop3A_404 : i32 to index
        %parallel_loop3A_881 = arith.constant 304 : index
        %parallel_loop3A_882 = tpu.vector_load %arg12[%parallel_loop3A_880, %parallel_loop3A_881] {strides = array<i32>} : memref<16x768xf32, #tpu.memory_space<vmem>>, vector<1x16xf32>,
        %parallel_loop3A_883 = vector.shape_cast %parallel_loop3A_882 : vector<1x16xf32> to vector<16xf32>
        %parallel_loop3A_884 = vector.shape_cast %parallel_loop3A_864 : vector<16xf32> to vector<1x16xf32>
        tpu.vector_store %arg12[%parallel_loop3A_880, %parallel_loop3A_881], %parallel_loop3A_884 {add = true, strides = array<i32>} : memref<16x768xf32, #tpu.memory_space<vmem>>, vector<1x16xf32>,
        %parallel_loop3A_885 = arith.index_cast %parallel_loop3A_404 : i32 to index
        %parallel_loop3A_886 = arith.constant 320 : index
        %parallel_loop3A_887 = tpu.vector_load %arg14[%parallel_loop3A_885, %parallel_loop3A_886] {strides = array<i32>} : memref<16x768xf32, #tpu.memory_space<vmem>>, vector<1x16xf32>,
        %parallel_loop3A_888 = vector.shape_cast %parallel_loop3A_887 : vector<1x16xf32> to vector<16xf32>
        %parallel_loop3A_889 = arith.index_cast %parallel_loop3A_404 : i32 to index
        %parallel_loop3A_890 = arith.constant 320 : index
        %parallel_loop3A_891 = tpu.vector_load %arg9[%parallel_loop3A_889, %parallel_loop3A_890] {strides = array<i32>} : memref<16x768xf32, #tpu.memory_space<vmem>>, vector<1x16xf32>,
        %parallel_loop3A_892 = vector.shape_cast %parallel_loop3A_891 : vector<1x16xf32> to vector<16xf32>
        %parallel_loop3A_893 = vector.shape_cast %parallel_loop3A_888 : vector<16xf32> to vector<1x16xf32>
        tpu.vector_store %arg9[%parallel_loop3A_889, %parallel_loop3A_890], %parallel_loop3A_893 {add = true, strides = array<i32>} : memref<16x768xf32, #tpu.memory_space<vmem>>, vector<1x16xf32>,
        %parallel_loop3A_894 = arith.index_cast %parallel_loop3A_404 : i32 to index
        %parallel_loop3A_895 = arith.constant 320 : index
        %parallel_loop3A_896 = tpu.vector_load %arg10[%parallel_loop3A_894, %parallel_loop3A_895] {strides = array<i32>} : memref<16x768xf32, #tpu.memory_space<vmem>>, vector<1x16xf32>,
        %parallel_loop3A_897 = vector.shape_cast %parallel_loop3A_896 : vector<1x16xf32> to vector<16xf32>
        %parallel_loop3A_898 = vector.shape_cast %parallel_loop3A_888 : vector<16xf32> to vector<1x16xf32>
        tpu.vector_store %arg10[%parallel_loop3A_894, %parallel_loop3A_895], %parallel_loop3A_898 {add = true, strides = array<i32>} : memref<16x768xf32, #tpu.memory_space<vmem>>, vector<1x16xf32>,
        %parallel_loop3A_899 = arith.index_cast %parallel_loop3A_404 : i32 to index
        %parallel_loop3A_900 = arith.constant 320 : index
        %parallel_loop3A_901 = tpu.vector_load %arg11[%parallel_loop3A_899, %parallel_loop3A_900] {strides = array<i32>} : memref<16x768xf32, #tpu.memory_space<vmem>>, vector<1x16xf32>,
        %parallel_loop3A_902 = vector.shape_cast %parallel_loop3A_901 : vector<1x16xf32> to vector<16xf32>
        %parallel_loop3A_903 = vector.shape_cast %parallel_loop3A_888 : vector<16xf32> to vector<1x16xf32>
        tpu.vector_store %arg11[%parallel_loop3A_899, %parallel_loop3A_900], %parallel_loop3A_903 {add = true, strides = array<i32>} : memref<16x768xf32, #tpu.memory_space<vmem>>, vector<1x16xf32>,
        %parallel_loop3A_904 = arith.index_cast %parallel_loop3A_404 : i32 to index
        %parallel_loop3A_905 = arith.constant 320 : index
        %parallel_loop3A_906 = tpu.vector_load %arg12[%parallel_loop3A_904, %parallel_loop3A_905] {strides = array<i32>} : memref<16x768xf32, #tpu.memory_space<vmem>>, vector<1x16xf32>,
        %parallel_loop3A_907 = vector.shape_cast %parallel_loop3A_906 : vector<1x16xf32> to vector<16xf32>
        %parallel_loop3A_908 = vector.shape_cast %parallel_loop3A_888 : vector<16xf32> to vector<1x16xf32>
        tpu.vector_store %arg12[%parallel_loop3A_904, %parallel_loop3A_905], %parallel_loop3A_908 {add = true, strides = array<i32>} : memref<16x768xf32, #tpu.memory_space<vmem>>, vector<1x16xf32>,
        %parallel_loop3A_909 = arith.index_cast %parallel_loop3A_404 : i32 to index
        %parallel_loop3A_910 = arith.constant 336 : index
        %parallel_loop3A_911 = tpu.vector_load %arg14[%parallel_loop3A_909, %parallel_loop3A_910] {strides = array<i32>} : memref<16x768xf32, #tpu.memory_space<vmem>>, vector<1x16xf32>,
        %parallel_loop3A_912 = vector.shape_cast %parallel_loop3A_911 : vector<1x16xf32> to vector<16xf32>
        %parallel_loop3A_913 = arith.index_cast %parallel_loop3A_404 : i32 to index
        %parallel_loop3A_914 = arith.constant 336 : index
        %parallel_loop3A_915 = tpu.vector_load %arg9[%parallel_loop3A_913, %parallel_loop3A_914] {strides = array<i32>} : memref<16x768xf32, #tpu.memory_space<vmem>>, vector<1x16xf32>,
        %parallel_loop3A_916 = vector.shape_cast %parallel_loop3A_915 : vector<1x16xf32> to vector<16xf32>
        %parallel_loop3A_917 = vector.shape_cast %parallel_loop3A_912 : vector<16xf32> to vector<1x16xf32>
        tpu.vector_store %arg9[%parallel_loop3A_913, %parallel_loop3A_914], %parallel_loop3A_917 {add = true, strides = array<i32>} : memref<16x768xf32, #tpu.memory_space<vmem>>, vector<1x16xf32>,
        %parallel_loop3A_918 = arith.index_cast %parallel_loop3A_404 : i32 to index
        %parallel_loop3A_919 = arith.constant 336 : index
        %parallel_loop3A_920 = tpu.vector_load %arg10[%parallel_loop3A_918, %parallel_loop3A_919] {strides = array<i32>} : memref<16x768xf32, #tpu.memory_space<vmem>>, vector<1x16xf32>,
        %parallel_loop3A_921 = vector.shape_cast %parallel_loop3A_920 : vector<1x16xf32> to vector<16xf32>
        %parallel_loop3A_922 = vector.shape_cast %parallel_loop3A_912 : vector<16xf32> to vector<1x16xf32>
        tpu.vector_store %arg10[%parallel_loop3A_918, %parallel_loop3A_919], %parallel_loop3A_922 {add = true, strides = array<i32>} : memref<16x768xf32, #tpu.memory_space<vmem>>, vector<1x16xf32>,
        %parallel_loop3A_923 = arith.index_cast %parallel_loop3A_404 : i32 to index
        %parallel_loop3A_924 = arith.constant 336 : index
        %parallel_loop3A_925 = tpu.vector_load %arg11[%parallel_loop3A_923, %parallel_loop3A_924] {strides = array<i32>} : memref<16x768xf32, #tpu.memory_space<vmem>>, vector<1x16xf32>,
        %parallel_loop3A_926 = vector.shape_cast %parallel_loop3A_925 : vector<1x16xf32> to vector<16xf32>
        %parallel_loop3A_927 = vector.shape_cast %parallel_loop3A_912 : vector<16xf32> to vector<1x16xf32>
        tpu.vector_store %arg11[%parallel_loop3A_923, %parallel_loop3A_924], %parallel_loop3A_927 {add = true, strides = array<i32>} : memref<16x768xf32, #tpu.memory_space<vmem>>, vector<1x16xf32>,
        %parallel_loop3A_928 = arith.index_cast %parallel_loop3A_404 : i32 to index
        %parallel_loop3A_929 = arith.constant 336 : index
        %parallel_loop3A_930 = tpu.vector_load %arg12[%parallel_loop3A_928, %parallel_loop3A_929] {strides = array<i32>} : memref<16x768xf32, #tpu.memory_space<vmem>>, vector<1x16xf32>,
        %parallel_loop3A_931 = vector.shape_cast %parallel_loop3A_930 : vector<1x16xf32> to vector<16xf32>
        %parallel_loop3A_932 = vector.shape_cast %parallel_loop3A_912 : vector<16xf32> to vector<1x16xf32>
        tpu.vector_store %arg12[%parallel_loop3A_928, %parallel_loop3A_929], %parallel_loop3A_932 {add = true, strides = array<i32>} : memref<16x768xf32, #tpu.memory_space<vmem>>, vector<1x16xf32>,
        %parallel_loop3A_933 = arith.index_cast %parallel_loop3A_404 : i32 to index
        %parallel_loop3A_934 = arith.constant 352 : index
        %parallel_loop3A_935 = tpu.vector_load %arg14[%parallel_loop3A_933, %parallel_loop3A_934] {strides = array<i32>} : memref<16x768xf32, #tpu.memory_space<vmem>>, vector<1x16xf32>,
        %parallel_loop3A_936 = vector.shape_cast %parallel_loop3A_935 : vector<1x16xf32> to vector<16xf32>
        %parallel_loop3A_937 = arith.index_cast %parallel_loop3A_404 : i32 to index
        %parallel_loop3A_938 = arith.constant 352 : index
        %parallel_loop3A_939 = tpu.vector_load %arg9[%parallel_loop3A_937, %parallel_loop3A_938] {strides = array<i32>} : memref<16x768xf32, #tpu.memory_space<vmem>>, vector<1x16xf32>,
        %parallel_loop3A_940 = vector.shape_cast %parallel_loop3A_939 : vector<1x16xf32> to vector<16xf32>
        %parallel_loop3A_941 = vector.shape_cast %parallel_loop3A_936 : vector<16xf32> to vector<1x16xf32>
        tpu.vector_store %arg9[%parallel_loop3A_937, %parallel_loop3A_938], %parallel_loop3A_941 {add = true, strides = array<i32>} : memref<16x768xf32, #tpu.memory_space<vmem>>, vector<1x16xf32>,
        %parallel_loop3A_942 = arith.index_cast %parallel_loop3A_404 : i32 to index
        %parallel_loop3A_943 = arith.constant 352 : index
        %parallel_loop3A_944 = tpu.vector_load %arg10[%parallel_loop3A_942, %parallel_loop3A_943] {strides = array<i32>} : memref<16x768xf32, #tpu.memory_space<vmem>>, vector<1x16xf32>,
        %parallel_loop3A_945 = vector.shape_cast %parallel_loop3A_944 : vector<1x16xf32> to vector<16xf32>
        %parallel_loop3A_946 = vector.shape_cast %parallel_loop3A_936 : vector<16xf32> to vector<1x16xf32>
        tpu.vector_store %arg10[%parallel_loop3A_942, %parallel_loop3A_943], %parallel_loop3A_946 {add = true, strides = array<i32>} : memref<16x768xf32, #tpu.memory_space<vmem>>, vector<1x16xf32>,
        %parallel_loop3A_947 = arith.index_cast %parallel_loop3A_404 : i32 to index
        %parallel_loop3A_948 = arith.constant 352 : index
        %parallel_loop3A_949 = tpu.vector_load %arg11[%parallel_loop3A_947, %parallel_loop3A_948] {strides = array<i32>} : memref<16x768xf32, #tpu.memory_space<vmem>>, vector<1x16xf32>,
        %parallel_loop3A_950 = vector.shape_cast %parallel_loop3A_949 : vector<1x16xf32> to vector<16xf32>
        %parallel_loop3A_951 = vector.shape_cast %parallel_loop3A_936 : vector<16xf32> to vector<1x16xf32>
        tpu.vector_store %arg11[%parallel_loop3A_947, %parallel_loop3A_948], %parallel_loop3A_951 {add = true, strides = array<i32>} : memref<16x768xf32, #tpu.memory_space<vmem>>, vector<1x16xf32>,
        %parallel_loop3A_952 = arith.index_cast %parallel_loop3A_404 : i32 to index
        %parallel_loop3A_953 = arith.constant 352 : index
        %parallel_loop3A_954 = tpu.vector_load %arg12[%parallel_loop3A_952, %parallel_loop3A_953] {strides = array<i32>} : memref<16x768xf32, #tpu.memory_space<vmem>>, vector<1x16xf32>,
        %parallel_loop3A_955 = vector.shape_cast %parallel_loop3A_954 : vector<1x16xf32> to vector<16xf32>
        %parallel_loop3A_956 = vector.shape_cast %parallel_loop3A_936 : vector<16xf32> to vector<1x16xf32>
        tpu.vector_store %arg12[%parallel_loop3A_952, %parallel_loop3A_953], %parallel_loop3A_956 {add = true, strides = array<i32>} : memref<16x768xf32, #tpu.memory_space<vmem>>, vector<1x16xf32>,
        %parallel_loop3A_957 = arith.index_cast %parallel_loop3A_404 : i32 to index
        %parallel_loop3A_958 = arith.constant 368 : index
        %parallel_loop3A_959 = tpu.vector_load %arg14[%parallel_loop3A_957, %parallel_loop3A_958] {strides = array<i32>} : memref<16x768xf32, #tpu.memory_space<vmem>>, vector<1x16xf32>,
        %parallel_loop3A_960 = vector.shape_cast %parallel_loop3A_959 : vector<1x16xf32> to vector<16xf32>
        %parallel_loop3A_961 = arith.index_cast %parallel_loop3A_404 : i32 to index
        %parallel_loop3A_962 = arith.constant 368 : index
        %parallel_loop3A_963 = tpu.vector_load %arg9[%parallel_loop3A_961, %parallel_loop3A_962] {strides = array<i32>} : memref<16x768xf32, #tpu.memory_space<vmem>>, vector<1x16xf32>,
        %parallel_loop3A_964 = vector.shape_cast %parallel_loop3A_963 : vector<1x16xf32> to vector<16xf32>
        %parallel_loop3A_965 = vector.shape_cast %parallel_loop3A_960 : vector<16xf32> to vector<1x16xf32>
        tpu.vector_store %arg9[%parallel_loop3A_961, %parallel_loop3A_962], %parallel_loop3A_965 {add = true, strides = array<i32>} : memref<16x768xf32, #tpu.memory_space<vmem>>, vector<1x16xf32>,
        %parallel_loop3A_966 = arith.index_cast %parallel_loop3A_404 : i32 to index
        %parallel_loop3A_967 = arith.constant 368 : index
        %parallel_loop3A_968 = tpu.vector_load %arg10[%parallel_loop3A_966, %parallel_loop3A_967] {strides = array<i32>} : memref<16x768xf32, #tpu.memory_space<vmem>>, vector<1x16xf32>,
        %parallel_loop3A_969 = vector.shape_cast %parallel_loop3A_968 : vector<1x16xf32> to vector<16xf32>
        %parallel_loop3A_970 = vector.shape_cast %parallel_loop3A_960 : vector<16xf32> to vector<1x16xf32>
        tpu.vector_store %arg10[%parallel_loop3A_966, %parallel_loop3A_967], %parallel_loop3A_970 {add = true, strides = array<i32>} : memref<16x768xf32, #tpu.memory_space<vmem>>, vector<1x16xf32>,
        %parallel_loop3A_971 = arith.index_cast %parallel_loop3A_404 : i32 to index
        %parallel_loop3A_972 = arith.constant 368 : index
        %parallel_loop3A_973 = tpu.vector_load %arg11[%parallel_loop3A_971, %parallel_loop3A_972] {strides = array<i32>} : memref<16x768xf32, #tpu.memory_space<vmem>>, vector<1x16xf32>,
        %parallel_loop3A_974 = vector.shape_cast %parallel_loop3A_973 : vector<1x16xf32> to vector<16xf32>
        %parallel_loop3A_975 = vector.shape_cast %parallel_loop3A_960 : vector<16xf32> to vector<1x16xf32>
        tpu.vector_store %arg11[%parallel_loop3A_971, %parallel_loop3A_972], %parallel_loop3A_975 {add = true, strides = array<i32>} : memref<16x768xf32, #tpu.memory_space<vmem>>, vector<1x16xf32>,
        %parallel_loop3A_976 = arith.index_cast %parallel_loop3A_404 : i32 to index
        %parallel_loop3A_977 = arith.constant 368 : index
        %parallel_loop3A_978 = tpu.vector_load %arg12[%parallel_loop3A_976, %parallel_loop3A_977] {strides = array<i32>} : memref<16x768xf32, #tpu.memory_space<vmem>>, vector<1x16xf32>,
        %parallel_loop3A_979 = vector.shape_cast %parallel_loop3A_978 : vector<1x16xf32> to vector<16xf32>
        %parallel_loop3A_980 = vector.shape_cast %parallel_loop3A_960 : vector<16xf32> to vector<1x16xf32>
        tpu.vector_store %arg12[%parallel_loop3A_976, %parallel_loop3A_977], %parallel_loop3A_980 {add = true, strides = array<i32>} : memref<16x768xf32, #tpu.memory_space<vmem>>, vector<1x16xf32>,
        %parallel_loop3A_981 = arith.index_cast %parallel_loop3A_404 : i32 to index
        %parallel_loop3A_982 = arith.constant 384 : index
        %parallel_loop3A_983 = tpu.vector_load %arg14[%parallel_loop3A_981, %parallel_loop3A_982] {strides = array<i32>} : memref<16x768xf32, #tpu.memory_space<vmem>>, vector<1x16xf32>,
        %parallel_loop3A_984 = vector.shape_cast %parallel_loop3A_983 : vector<1x16xf32> to vector<16xf32>
        %parallel_loop3A_985 = arith.index_cast %parallel_loop3A_404 : i32 to index
        %parallel_loop3A_986 = arith.constant 384 : index
        %parallel_loop3A_987 = tpu.vector_load %arg9[%parallel_loop3A_985, %parallel_loop3A_986] {strides = array<i32>} : memref<16x768xf32, #tpu.memory_space<vmem>>, vector<1x16xf32>,
        %parallel_loop3A_988 = vector.shape_cast %parallel_loop3A_987 : vector<1x16xf32> to vector<16xf32>
        %parallel_loop3A_989 = vector.shape_cast %parallel_loop3A_984 : vector<16xf32> to vector<1x16xf32>
        tpu.vector_store %arg9[%parallel_loop3A_985, %parallel_loop3A_986], %parallel_loop3A_989 {add = true, strides = array<i32>} : memref<16x768xf32, #tpu.memory_space<vmem>>, vector<1x16xf32>,
        %parallel_loop3A_990 = arith.index_cast %parallel_loop3A_404 : i32 to index
        %parallel_loop3A_991 = arith.constant 384 : index
        %parallel_loop3A_992 = tpu.vector_load %arg10[%parallel_loop3A_990, %parallel_loop3A_991] {strides = array<i32>} : memref<16x768xf32, #tpu.memory_space<vmem>>, vector<1x16xf32>,
        %parallel_loop3A_993 = vector.shape_cast %parallel_loop3A_992 : vector<1x16xf32> to vector<16xf32>
        %parallel_loop3A_994 = vector.shape_cast %parallel_loop3A_984 : vector<16xf32> to vector<1x16xf32>
        tpu.vector_store %arg10[%parallel_loop3A_990, %parallel_loop3A_991], %parallel_loop3A_994 {add = true, strides = array<i32>} : memref<16x768xf32, #tpu.memory_space<vmem>>, vector<1x16xf32>,
        %parallel_loop3A_995 = arith.index_cast %parallel_loop3A_404 : i32 to index
        %parallel_loop3A_996 = arith.constant 384 : index
        %parallel_loop3A_997 = tpu.vector_load %arg11[%parallel_loop3A_995, %parallel_loop3A_996] {strides = array<i32>} : memref<16x768xf32, #tpu.memory_space<vmem>>, vector<1x16xf32>,
        %parallel_loop3A_998 = vector.shape_cast %parallel_loop3A_997 : vector<1x16xf32> to vector<16xf32>
        %parallel_loop3A_999 = vector.shape_cast %parallel_loop3A_984 : vector<16xf32> to vector<1x16xf32>
        tpu.vector_store %arg11[%parallel_loop3A_995, %parallel_loop3A_996], %parallel_loop3A_999 {add = true, strides = array<i32>} : memref<16x768xf32, #tpu.memory_space<vmem>>, vector<1x16xf32>,
        %parallel_loop3A_1000 = arith.index_cast %parallel_loop3A_404 : i32 to index
        %parallel_loop3A_1001 = arith.constant 384 : index
        %parallel_loop3A_1002 = tpu.vector_load %arg12[%parallel_loop3A_1000, %parallel_loop3A_1001] {strides = array<i32>} : memref<16x768xf32, #tpu.memory_space<vmem>>, vector<1x16xf32>,
        %parallel_loop3A_1003 = vector.shape_cast %parallel_loop3A_1002 : vector<1x16xf32> to vector<16xf32>
        %parallel_loop3A_1004 = vector.shape_cast %parallel_loop3A_984 : vector<16xf32> to vector<1x16xf32>
        tpu.vector_store %arg12[%parallel_loop3A_1000, %parallel_loop3A_1001], %parallel_loop3A_1004 {add = true, strides = array<i32>} : memref<16x768xf32, #tpu.memory_space<vmem>>, vector<1x16xf32>,
        %parallel_loop3A_1005 = arith.index_cast %parallel_loop3A_404 : i32 to index
        %parallel_loop3A_1006 = arith.constant 400 : index
        %parallel_loop3A_1007 = tpu.vector_load %arg14[%parallel_loop3A_1005, %parallel_loop3A_1006] {strides = array<i32>} : memref<16x768xf32, #tpu.memory_space<vmem>>, vector<1x16xf32>,
        %parallel_loop3A_1008 = vector.shape_cast %parallel_loop3A_1007 : vector<1x16xf32> to vector<16xf32>
        %parallel_loop3A_1009 = arith.index_cast %parallel_loop3A_404 : i32 to index
        %parallel_loop3A_1010 = arith.constant 400 : index
        %parallel_loop3A_1011 = tpu.vector_load %arg9[%parallel_loop3A_1009, %parallel_loop3A_1010] {strides = array<i32>} : memref<16x768xf32, #tpu.memory_space<vmem>>, vector<1x16xf32>,
        %parallel_loop3A_1012 = vector.shape_cast %parallel_loop3A_1011 : vector<1x16xf32> to vector<16xf32>
        %parallel_loop3A_1013 = vector.shape_cast %parallel_loop3A_1008 : vector<16xf32> to vector<1x16xf32>
        tpu.vector_store %arg9[%parallel_loop3A_1009, %parallel_loop3A_1010], %parallel_loop3A_1013 {add = true, strides = array<i32>} : memref<16x768xf32, #tpu.memory_space<vmem>>, vector<1x16xf32>,
        %parallel_loop3A_1014 = arith.index_cast %parallel_loop3A_404 : i32 to index
        %parallel_loop3A_1015 = arith.constant 400 : index
        %parallel_loop3A_1016 = tpu.vector_load %arg10[%parallel_loop3A_1014, %parallel_loop3A_1015] {strides = array<i32>} : memref<16x768xf32, #tpu.memory_space<vmem>>, vector<1x16xf32>,
        %parallel_loop3A_1017 = vector.shape_cast %parallel_loop3A_1016 : vector<1x16xf32> to vector<16xf32>
        %parallel_loop3A_1018 = vector.shape_cast %parallel_loop3A_1008 : vector<16xf32> to vector<1x16xf32>
        tpu.vector_store %arg10[%parallel_loop3A_1014, %parallel_loop3A_1015], %parallel_loop3A_1018 {add = true, strides = array<i32>} : memref<16x768xf32, #tpu.memory_space<vmem>>, vector<1x16xf32>,
        %parallel_loop3A_1019 = arith.index_cast %parallel_loop3A_404 : i32 to index
        %parallel_loop3A_1020 = arith.constant 400 : index
        %parallel_loop3A_1021 = tpu.vector_load %arg11[%parallel_loop3A_1019, %parallel_loop3A_1020] {strides = array<i32>} : memref<16x768xf32, #tpu.memory_space<vmem>>, vector<1x16xf32>,
        %parallel_loop3A_1022 = vector.shape_cast %parallel_loop3A_1021 : vector<1x16xf32> to vector<16xf32>
        %parallel_loop3A_1023 = vector.shape_cast %parallel_loop3A_1008 : vector<16xf32> to vector<1x16xf32>
        tpu.vector_store %arg11[%parallel_loop3A_1019, %parallel_loop3A_1020], %parallel_loop3A_1023 {add = true, strides = array<i32>} : memref<16x768xf32, #tpu.memory_space<vmem>>, vector<1x16xf32>,
        %parallel_loop3A_1024 = arith.index_cast %parallel_loop3A_404 : i32 to index
        %parallel_loop3A_1025 = arith.constant 400 : index
        %parallel_loop3A_1026 = tpu.vector_load %arg12[%parallel_loop3A_1024, %parallel_loop3A_1025] {strides = array<i32>} : memref<16x768xf32, #tpu.memory_space<vmem>>, vector<1x16xf32>,
        %parallel_loop3A_1027 = vector.shape_cast %parallel_loop3A_1026 : vector<1x16xf32> to vector<16xf32>
        %parallel_loop3A_1028 = vector.shape_cast %parallel_loop3A_1008 : vector<16xf32> to vector<1x16xf32>
        tpu.vector_store %arg12[%parallel_loop3A_1024, %parallel_loop3A_1025], %parallel_loop3A_1028 {add = true, strides = array<i32>} : memref<16x768xf32, #tpu.memory_space<vmem>>, vector<1x16xf32>,
        %parallel_loop3A_1029 = arith.index_cast %parallel_loop3A_404 : i32 to index
        %parallel_loop3A_1030 = arith.constant 416 : index
        %parallel_loop3A_1031 = tpu.vector_load %arg14[%parallel_loop3A_1029, %parallel_loop3A_1030] {strides = array<i32>} : memref<16x768xf32, #tpu.memory_space<vmem>>, vector<1x16xf32>,
        %parallel_loop3A_1032 = vector.shape_cast %parallel_loop3A_1031 : vector<1x16xf32> to vector<16xf32>
        %parallel_loop3A_1033 = arith.index_cast %parallel_loop3A_404 : i32 to index
        %parallel_loop3A_1034 = arith.constant 416 : index
        %parallel_loop3A_1035 = tpu.vector_load %arg9[%parallel_loop3A_1033, %parallel_loop3A_1034] {strides = array<i32>} : memref<16x768xf32, #tpu.memory_space<vmem>>, vector<1x16xf32>,
        %parallel_loop3A_1036 = vector.shape_cast %parallel_loop3A_1035 : vector<1x16xf32> to vector<16xf32>
        %parallel_loop3A_1037 = vector.shape_cast %parallel_loop3A_1032 : vector<16xf32> to vector<1x16xf32>
        tpu.vector_store %arg9[%parallel_loop3A_1033, %parallel_loop3A_1034], %parallel_loop3A_1037 {add = true, strides = array<i32>} : memref<16x768xf32, #tpu.memory_space<vmem>>, vector<1x16xf32>,
        %parallel_loop3A_1038 = arith.index_cast %parallel_loop3A_404 : i32 to index
        %parallel_loop3A_1039 = arith.constant 416 : index
        %parallel_loop3A_1040 = tpu.vector_load %arg10[%parallel_loop3A_1038, %parallel_loop3A_1039] {strides = array<i32>} : memref<16x768xf32, #tpu.memory_space<vmem>>, vector<1x16xf32>,
        %parallel_loop3A_1041 = vector.shape_cast %parallel_loop3A_1040 : vector<1x16xf32> to vector<16xf32>
        %parallel_loop3A_1042 = vector.shape_cast %parallel_loop3A_1032 : vector<16xf32> to vector<1x16xf32>
        tpu.vector_store %arg10[%parallel_loop3A_1038, %parallel_loop3A_1039], %parallel_loop3A_1042 {add = true, strides = array<i32>} : memref<16x768xf32, #tpu.memory_space<vmem>>, vector<1x16xf32>,
        %parallel_loop3A_1043 = arith.index_cast %parallel_loop3A_404 : i32 to index
        %parallel_loop3A_1044 = arith.constant 416 : index
        %parallel_loop3A_1045 = tpu.vector_load %arg11[%parallel_loop3A_1043, %parallel_loop3A_1044] {strides = array<i32>} : memref<16x768xf32, #tpu.memory_space<vmem>>, vector<1x16xf32>,
        %parallel_loop3A_1046 = vector.shape_cast %parallel_loop3A_1045 : vector<1x16xf32> to vector<16xf32>
        %parallel_loop3A_1047 = vector.shape_cast %parallel_loop3A_1032 : vector<16xf32> to vector<1x16xf32>
        tpu.vector_store %arg11[%parallel_loop3A_1043, %parallel_loop3A_1044], %parallel_loop3A_1047 {add = true, strides = array<i32>} : memref<16x768xf32, #tpu.memory_space<vmem>>, vector<1x16xf32>,
        %parallel_loop3A_1048 = arith.index_cast %parallel_loop3A_404 : i32 to index
        %parallel_loop3A_1049 = arith.constant 416 : index
        %parallel_loop3A_1050 = tpu.vector_load %arg12[%parallel_loop3A_1048, %parallel_loop3A_1049] {strides = array<i32>} : memref<16x768xf32, #tpu.memory_space<vmem>>, vector<1x16xf32>,
        %parallel_loop3A_1051 = vector.shape_cast %parallel_loop3A_1050 : vector<1x16xf32> to vector<16xf32>
        %parallel_loop3A_1052 = vector.shape_cast %parallel_loop3A_1032 : vector<16xf32> to vector<1x16xf32>
        tpu.vector_store %arg12[%parallel_loop3A_1048, %parallel_loop3A_1049], %parallel_loop3A_1052 {add = true, strides = array<i32>} : memref<16x768xf32, #tpu.memory_space<vmem>>, vector<1x16xf32>,
        %parallel_loop3A_1053 = arith.index_cast %parallel_loop3A_404 : i32 to index
        %parallel_loop3A_1054 = arith.constant 432 : index
        %parallel_loop3A_1055 = tpu.vector_load %arg14[%parallel_loop3A_1053, %parallel_loop3A_1054] {strides = array<i32>} : memref<16x768xf32, #tpu.memory_space<vmem>>, vector<1x16xf32>,
        %parallel_loop3A_1056 = vector.shape_cast %parallel_loop3A_1055 : vector<1x16xf32> to vector<16xf32>
        %parallel_loop3A_1057 = arith.index_cast %parallel_loop3A_404 : i32 to index
        %parallel_loop3A_1058 = arith.constant 432 : index
        %parallel_loop3A_1059 = tpu.vector_load %arg9[%parallel_loop3A_1057, %parallel_loop3A_1058] {strides = array<i32>} : memref<16x768xf32, #tpu.memory_space<vmem>>, vector<1x16xf32>,
        %parallel_loop3A_1060 = vector.shape_cast %parallel_loop3A_1059 : vector<1x16xf32> to vector<16xf32>
        %parallel_loop3A_1061 = vector.shape_cast %parallel_loop3A_1056 : vector<16xf32> to vector<1x16xf32>
        tpu.vector_store %arg9[%parallel_loop3A_1057, %parallel_loop3A_1058], %parallel_loop3A_1061 {add = true, strides = array<i32>} : memref<16x768xf32, #tpu.memory_space<vmem>>, vector<1x16xf32>,
        %parallel_loop3A_1062 = arith.index_cast %parallel_loop3A_404 : i32 to index
        %parallel_loop3A_1063 = arith.constant 432 : index
        %parallel_loop3A_1064 = tpu.vector_load %arg10[%parallel_loop3A_1062, %parallel_loop3A_1063] {strides = array<i32>} : memref<16x768xf32, #tpu.memory_space<vmem>>, vector<1x16xf32>,
        %parallel_loop3A_1065 = vector.shape_cast %parallel_loop3A_1064 : vector<1x16xf32> to vector<16xf32>
        %parallel_loop3A_1066 = vector.shape_cast %parallel_loop3A_1056 : vector<16xf32> to vector<1x16xf32>
        tpu.vector_store %arg10[%parallel_loop3A_1062, %parallel_loop3A_1063], %parallel_loop3A_1066 {add = true, strides = array<i32>} : memref<16x768xf32, #tpu.memory_space<vmem>>, vector<1x16xf32>,
        %parallel_loop3A_1067 = arith.index_cast %parallel_loop3A_404 : i32 to index
        %parallel_loop3A_1068 = arith.constant 432 : index
        %parallel_loop3A_1069 = tpu.vector_load %arg11[%parallel_loop3A_1067, %parallel_loop3A_1068] {strides = array<i32>} : memref<16x768xf32, #tpu.memory_space<vmem>>, vector<1x16xf32>,
        %parallel_loop3A_1070 = vector.shape_cast %parallel_loop3A_1069 : vector<1x16xf32> to vector<16xf32>
        %parallel_loop3A_1071 = vector.shape_cast %parallel_loop3A_1056 : vector<16xf32> to vector<1x16xf32>
        tpu.vector_store %arg11[%parallel_loop3A_1067, %parallel_loop3A_1068], %parallel_loop3A_1071 {add = true, strides = array<i32>} : memref<16x768xf32, #tpu.memory_space<vmem>>, vector<1x16xf32>,
        %parallel_loop3A_1072 = arith.index_cast %parallel_loop3A_404 : i32 to index
        %parallel_loop3A_1073 = arith.constant 432 : index
        %parallel_loop3A_1074 = tpu.vector_load %arg12[%parallel_loop3A_1072, %parallel_loop3A_1073] {strides = array<i32>} : memref<16x768xf32, #tpu.memory_space<vmem>>, vector<1x16xf32>,
        %parallel_loop3A_1075 = vector.shape_cast %parallel_loop3A_1074 : vector<1x16xf32> to vector<16xf32>
        %parallel_loop3A_1076 = vector.shape_cast %parallel_loop3A_1056 : vector<16xf32> to vector<1x16xf32>
        tpu.vector_store %arg12[%parallel_loop3A_1072, %parallel_loop3A_1073], %parallel_loop3A_1076 {add = true, strides = array<i32>} : memref<16x768xf32, #tpu.memory_space<vmem>>, vector<1x16xf32>,
        %parallel_loop3A_1077 = arith.index_cast %parallel_loop3A_404 : i32 to index
        %parallel_loop3A_1078 = arith.constant 448 : index
        %parallel_loop3A_1079 = tpu.vector_load %arg14[%parallel_loop3A_1077, %parallel_loop3A_1078] {strides = array<i32>} : memref<16x768xf32, #tpu.memory_space<vmem>>, vector<1x16xf32>,
        %parallel_loop3A_1080 = vector.shape_cast %parallel_loop3A_1079 : vector<1x16xf32> to vector<16xf32>
        %parallel_loop3A_1081 = arith.index_cast %parallel_loop3A_404 : i32 to index
        %parallel_loop3A_1082 = arith.constant 448 : index
        %parallel_loop3A_1083 = tpu.vector_load %arg9[%parallel_loop3A_1081, %parallel_loop3A_1082] {strides = array<i32>} : memref<16x768xf32, #tpu.memory_space<vmem>>, vector<1x16xf32>,
        %parallel_loop3A_1084 = vector.shape_cast %parallel_loop3A_1083 : vector<1x16xf32> to vector<16xf32>
        %parallel_loop3A_1085 = vector.shape_cast %parallel_loop3A_1080 : vector<16xf32> to vector<1x16xf32>
        tpu.vector_store %arg9[%parallel_loop3A_1081, %parallel_loop3A_1082], %parallel_loop3A_1085 {add = true, strides = array<i32>} : memref<16x768xf32, #tpu.memory_space<vmem>>, vector<1x16xf32>,
        %parallel_loop3A_1086 = arith.index_cast %parallel_loop3A_404 : i32 to index
        %parallel_loop3A_1087 = arith.constant 448 : index
        %parallel_loop3A_1088 = tpu.vector_load %arg10[%parallel_loop3A_1086, %parallel_loop3A_1087] {strides = array<i32>} : memref<16x768xf32, #tpu.memory_space<vmem>>, vector<1x16xf32>,
        %parallel_loop3A_1089 = vector.shape_cast %parallel_loop3A_1088 : vector<1x16xf32> to vector<16xf32>
        %parallel_loop3A_1090 = vector.shape_cast %parallel_loop3A_1080 : vector<16xf32> to vector<1x16xf32>
        tpu.vector_store %arg10[%parallel_loop3A_1086, %parallel_loop3A_1087], %parallel_loop3A_1090 {add = true, strides = array<i32>} : memref<16x768xf32, #tpu.memory_space<vmem>>, vector<1x16xf32>,
        %parallel_loop3A_1091 = arith.index_cast %parallel_loop3A_404 : i32 to index
        %parallel_loop3A_1092 = arith.constant 448 : index
        %parallel_loop3A_1093 = tpu.vector_load %arg11[%parallel_loop3A_1091, %parallel_loop3A_1092] {strides = array<i32>} : memref<16x768xf32, #tpu.memory_space<vmem>>, vector<1x16xf32>,
        %parallel_loop3A_1094 = vector.shape_cast %parallel_loop3A_1093 : vector<1x16xf32> to vector<16xf32>
        %parallel_loop3A_1095 = vector.shape_cast %parallel_loop3A_1080 : vector<16xf32> to vector<1x16xf32>
        tpu.vector_store %arg11[%parallel_loop3A_1091, %parallel_loop3A_1092], %parallel_loop3A_1095 {add = true, strides = array<i32>} : memref<16x768xf32, #tpu.memory_space<vmem>>, vector<1x16xf32>,
        %parallel_loop3A_1096 = arith.index_cast %parallel_loop3A_404 : i32 to index
        %parallel_loop3A_1097 = arith.constant 448 : index
        %parallel_loop3A_1098 = tpu.vector_load %arg12[%parallel_loop3A_1096, %parallel_loop3A_1097] {strides = array<i32>} : memref<16x768xf32, #tpu.memory_space<vmem>>, vector<1x16xf32>,
        %parallel_loop3A_1099 = vector.shape_cast %parallel_loop3A_1098 : vector<1x16xf32> to vector<16xf32>
        %parallel_loop3A_1100 = vector.shape_cast %parallel_loop3A_1080 : vector<16xf32> to vector<1x16xf32>
        tpu.vector_store %arg12[%parallel_loop3A_1096, %parallel_loop3A_1097], %parallel_loop3A_1100 {add = true, strides = array<i32>} : memref<16x768xf32, #tpu.memory_space<vmem>>, vector<1x16xf32>,
        %parallel_loop3A_1101 = arith.index_cast %parallel_loop3A_404 : i32 to index
        %parallel_loop3A_1102 = arith.constant 464 : index
        %parallel_loop3A_1103 = tpu.vector_load %arg14[%parallel_loop3A_1101, %parallel_loop3A_1102] {strides = array<i32>} : memref<16x768xf32, #tpu.memory_space<vmem>>, vector<1x16xf32>,
        %parallel_loop3A_1104 = vector.shape_cast %parallel_loop3A_1103 : vector<1x16xf32> to vector<16xf32>
        %parallel_loop3A_1105 = arith.index_cast %parallel_loop3A_404 : i32 to index
        %parallel_loop3A_1106 = arith.constant 464 : index
        %parallel_loop3A_1107 = tpu.vector_load %arg9[%parallel_loop3A_1105, %parallel_loop3A_1106] {strides = array<i32>} : memref<16x768xf32, #tpu.memory_space<vmem>>, vector<1x16xf32>,
        %parallel_loop3A_1108 = vector.shape_cast %parallel_loop3A_1107 : vector<1x16xf32> to vector<16xf32>
        %parallel_loop3A_1109 = vector.shape_cast %parallel_loop3A_1104 : vector<16xf32> to vector<1x16xf32>
        tpu.vector_store %arg9[%parallel_loop3A_1105, %parallel_loop3A_1106], %parallel_loop3A_1109 {add = true, strides = array<i32>} : memref<16x768xf32, #tpu.memory_space<vmem>>, vector<1x16xf32>,
        %parallel_loop3A_1110 = arith.index_cast %parallel_loop3A_404 : i32 to index
        %parallel_loop3A_1111 = arith.constant 464 : index
        %parallel_loop3A_1112 = tpu.vector_load %arg10[%parallel_loop3A_1110, %parallel_loop3A_1111] {strides = array<i32>} : memref<16x768xf32, #tpu.memory_space<vmem>>, vector<1x16xf32>,
        %parallel_loop3A_1113 = vector.shape_cast %parallel_loop3A_1112 : vector<1x16xf32> to vector<16xf32>
        %parallel_loop3A_1114 = vector.shape_cast %parallel_loop3A_1104 : vector<16xf32> to vector<1x16xf32>
        tpu.vector_store %arg10[%parallel_loop3A_1110, %parallel_loop3A_1111], %parallel_loop3A_1114 {add = true, strides = array<i32>} : memref<16x768xf32, #tpu.memory_space<vmem>>, vector<1x16xf32>,
        %parallel_loop3A_1115 = arith.index_cast %parallel_loop3A_404 : i32 to index
        %parallel_loop3A_1116 = arith.constant 464 : index
        %parallel_loop3A_1117 = tpu.vector_load %arg11[%parallel_loop3A_1115, %parallel_loop3A_1116] {strides = array<i32>} : memref<16x768xf32, #tpu.memory_space<vmem>>, vector<1x16xf32>,
        %parallel_loop3A_1118 = vector.shape_cast %parallel_loop3A_1117 : vector<1x16xf32> to vector<16xf32>
        %parallel_loop3A_1119 = vector.shape_cast %parallel_loop3A_1104 : vector<16xf32> to vector<1x16xf32>
        tpu.vector_store %arg11[%parallel_loop3A_1115, %parallel_loop3A_1116], %parallel_loop3A_1119 {add = true, strides = array<i32>} : memref<16x768xf32, #tpu.memory_space<vmem>>, vector<1x16xf32>,
        %parallel_loop3A_1120 = arith.index_cast %parallel_loop3A_404 : i32 to index
        %parallel_loop3A_1121 = arith.constant 464 : index
        %parallel_loop3A_1122 = tpu.vector_load %arg12[%parallel_loop3A_1120, %parallel_loop3A_1121] {strides = array<i32>} : memref<16x768xf32, #tpu.memory_space<vmem>>, vector<1x16xf32>,
        %parallel_loop3A_1123 = vector.shape_cast %parallel_loop3A_1122 : vector<1x16xf32> to vector<16xf32>
        %parallel_loop3A_1124 = vector.shape_cast %parallel_loop3A_1104 : vector<16xf32> to vector<1x16xf32>
        tpu.vector_store %arg12[%parallel_loop3A_1120, %parallel_loop3A_1121], %parallel_loop3A_1124 {add = true, strides = array<i32>} : memref<16x768xf32, #tpu.memory_space<vmem>>, vector<1x16xf32>,
        %parallel_loop3A_1125 = arith.index_cast %parallel_loop3A_404 : i32 to index
        %parallel_loop3A_1126 = arith.constant 480 : index
        %parallel_loop3A_1127 = tpu.vector_load %arg14[%parallel_loop3A_1125, %parallel_loop3A_1126] {strides = array<i32>} : memref<16x768xf32, #tpu.memory_space<vmem>>, vector<1x16xf32>,
        %parallel_loop3A_1128 = vector.shape_cast %parallel_loop3A_1127 : vector<1x16xf32> to vector<16xf32>
        %parallel_loop3A_1129 = arith.index_cast %parallel_loop3A_404 : i32 to index
        %parallel_loop3A_1130 = arith.constant 480 : index
        %parallel_loop3A_1131 = tpu.vector_load %arg9[%parallel_loop3A_1129, %parallel_loop3A_1130] {strides = array<i32>} : memref<16x768xf32, #tpu.memory_space<vmem>>, vector<1x16xf32>,
        %parallel_loop3A_1132 = vector.shape_cast %parallel_loop3A_1131 : vector<1x16xf32> to vector<16xf32>
        %parallel_loop3A_1133 = vector.shape_cast %parallel_loop3A_1128 : vector<16xf32> to vector<1x16xf32>
        tpu.vector_store %arg9[%parallel_loop3A_1129, %parallel_loop3A_1130], %parallel_loop3A_1133 {add = true, strides = array<i32>} : memref<16x768xf32, #tpu.memory_space<vmem>>, vector<1x16xf32>,
        %parallel_loop3A_1134 = arith.index_cast %parallel_loop3A_404 : i32 to index
        %parallel_loop3A_1135 = arith.constant 480 : index
        %parallel_loop3A_1136 = tpu.vector_load %arg10[%parallel_loop3A_1134, %parallel_loop3A_1135] {strides = array<i32>} : memref<16x768xf32, #tpu.memory_space<vmem>>, vector<1x16xf32>,
        %parallel_loop3A_1137 = vector.shape_cast %parallel_loop3A_1136 : vector<1x16xf32> to vector<16xf32>
        %parallel_loop3A_1138 = vector.shape_cast %parallel_loop3A_1128 : vector<16xf32> to vector<1x16xf32>
        tpu.vector_store %arg10[%parallel_loop3A_1134, %parallel_loop3A_1135], %parallel_loop3A_1138 {add = true, strides = array<i32>} : memref<16x768xf32, #tpu.memory_space<vmem>>, vector<1x16xf32>,
        %parallel_loop3A_1139 = arith.index_cast %parallel_loop3A_404 : i32 to index
        %parallel_loop3A_1140 = arith.constant 480 : index
        %parallel_loop3A_1141 = tpu.vector_load %arg11[%parallel_loop3A_1139, %parallel_loop3A_1140] {strides = array<i32>} : memref<16x768xf32, #tpu.memory_space<vmem>>, vector<1x16xf32>,
        %parallel_loop3A_1142 = vector.shape_cast %parallel_loop3A_1141 : vector<1x16xf32> to vector<16xf32>
        %parallel_loop3A_1143 = vector.shape_cast %parallel_loop3A_1128 : vector<16xf32> to vector<1x16xf32>
        tpu.vector_store %arg11[%parallel_loop3A_1139, %parallel_loop3A_1140], %parallel_loop3A_1143 {add = true, strides = array<i32>} : memref<16x768xf32, #tpu.memory_space<vmem>>, vector<1x16xf32>,
        %parallel_loop3A_1144 = arith.index_cast %parallel_loop3A_404 : i32 to index
        %parallel_loop3A_1145 = arith.constant 480 : index
        %parallel_loop3A_1146 = tpu.vector_load %arg12[%parallel_loop3A_1144, %parallel_loop3A_1145] {strides = array<i32>} : memref<16x768xf32, #tpu.memory_space<vmem>>, vector<1x16xf32>,
        %parallel_loop3A_1147 = vector.shape_cast %parallel_loop3A_1146 : vector<1x16xf32> to vector<16xf32>
        %parallel_loop3A_1148 = vector.shape_cast %parallel_loop3A_1128 : vector<16xf32> to vector<1x16xf32>
        tpu.vector_store %arg12[%parallel_loop3A_1144, %parallel_loop3A_1145], %parallel_loop3A_1148 {add = true, strides = array<i32>} : memref<16x768xf32, #tpu.memory_space<vmem>>, vector<1x16xf32>,
        %parallel_loop3A_1149 = arith.index_cast %parallel_loop3A_404 : i32 to index
        %parallel_loop3A_1150 = arith.constant 496 : index
        %parallel_loop3A_1151 = tpu.vector_load %arg14[%parallel_loop3A_1149, %parallel_loop3A_1150] {strides = array<i32>} : memref<16x768xf32, #tpu.memory_space<vmem>>, vector<1x16xf32>,
        %parallel_loop3A_1152 = vector.shape_cast %parallel_loop3A_1151 : vector<1x16xf32> to vector<16xf32>
        %parallel_loop3A_1153 = arith.index_cast %parallel_loop3A_404 : i32 to index
        %parallel_loop3A_1154 = arith.constant 496 : index
        %parallel_loop3A_1155 = tpu.vector_load %arg9[%parallel_loop3A_1153, %parallel_loop3A_1154] {strides = array<i32>} : memref<16x768xf32, #tpu.memory_space<vmem>>, vector<1x16xf32>,
        %parallel_loop3A_1156 = vector.shape_cast %parallel_loop3A_1155 : vector<1x16xf32> to vector<16xf32>
        %parallel_loop3A_1157 = vector.shape_cast %parallel_loop3A_1152 : vector<16xf32> to vector<1x16xf32>
        tpu.vector_store %arg9[%parallel_loop3A_1153, %parallel_loop3A_1154], %parallel_loop3A_1157 {add = true, strides = array<i32>} : memref<16x768xf32, #tpu.memory_space<vmem>>, vector<1x16xf32>,
        %parallel_loop3A_1158 = arith.index_cast %parallel_loop3A_404 : i32 to index
        %parallel_loop3A_1159 = arith.constant 496 : index
        %parallel_loop3A_1160 = tpu.vector_load %arg10[%parallel_loop3A_1158, %parallel_loop3A_1159] {strides = array<i32>} : memref<16x768xf32, #tpu.memory_space<vmem>>, vector<1x16xf32>,
        %parallel_loop3A_1161 = vector.shape_cast %parallel_loop3A_1160 : vector<1x16xf32> to vector<16xf32>
        %parallel_loop3A_1162 = vector.shape_cast %parallel_loop3A_1152 : vector<16xf32> to vector<1x16xf32>
        tpu.vector_store %arg10[%parallel_loop3A_1158, %parallel_loop3A_1159], %parallel_loop3A_1162 {add = true, strides = array<i32>} : memref<16x768xf32, #tpu.memory_space<vmem>>, vector<1x16xf32>,
        %parallel_loop3A_1163 = arith.index_cast %parallel_loop3A_404 : i32 to index
        %parallel_loop3A_1164 = arith.constant 496 : index
        %parallel_loop3A_1165 = tpu.vector_load %arg11[%parallel_loop3A_1163, %parallel_loop3A_1164] {strides = array<i32>} : memref<16x768xf32, #tpu.memory_space<vmem>>, vector<1x16xf32>,
        %parallel_loop3A_1166 = vector.shape_cast %parallel_loop3A_1165 : vector<1x16xf32> to vector<16xf32>
        %parallel_loop3A_1167 = vector.shape_cast %parallel_loop3A_1152 : vector<16xf32> to vector<1x16xf32>
        tpu.vector_store %arg11[%parallel_loop3A_1163, %parallel_loop3A_1164], %parallel_loop3A_1167 {add = true, strides = array<i32>} : memref<16x768xf32, #tpu.memory_space<vmem>>, vector<1x16xf32>,
        %parallel_loop3A_1168 = arith.index_cast %parallel_loop3A_404 : i32 to index
        %parallel_loop3A_1169 = arith.constant 496 : index
        %parallel_loop3A_1170 = tpu.vector_load %arg12[%parallel_loop3A_1168, %parallel_loop3A_1169] {strides = array<i32>} : memref<16x768xf32, #tpu.memory_space<vmem>>, vector<1x16xf32>,
        %parallel_loop3A_1171 = vector.shape_cast %parallel_loop3A_1170 : vector<1x16xf32> to vector<16xf32>
        %parallel_loop3A_1172 = vector.shape_cast %parallel_loop3A_1152 : vector<16xf32> to vector<1x16xf32>
        tpu.vector_store %arg12[%parallel_loop3A_1168, %parallel_loop3A_1169], %parallel_loop3A_1172 {add = true, strides = array<i32>} : memref<16x768xf32, #tpu.memory_space<vmem>>, vector<1x16xf32>,
        %parallel_loop3A_1173 = arith.index_cast %parallel_loop3A_404 : i32 to index
        %parallel_loop3A_1174 = arith.constant 512 : index
        %parallel_loop3A_1175 = tpu.vector_load %arg14[%parallel_loop3A_1173, %parallel_loop3A_1174] {strides = array<i32>} : memref<16x768xf32, #tpu.memory_space<vmem>>, vector<1x16xf32>,
        %parallel_loop3A_1176 = vector.shape_cast %parallel_loop3A_1175 : vector<1x16xf32> to vector<16xf32>
        %parallel_loop3A_1177 = arith.index_cast %parallel_loop3A_404 : i32 to index
        %parallel_loop3A_1178 = arith.constant 512 : index
        %parallel_loop3A_1179 = tpu.vector_load %arg9[%parallel_loop3A_1177, %parallel_loop3A_1178] {strides = array<i32>} : memref<16x768xf32, #tpu.memory_space<vmem>>, vector<1x16xf32>,
        %parallel_loop3A_1180 = vector.shape_cast %parallel_loop3A_1179 : vector<1x16xf32> to vector<16xf32>
        %parallel_loop3A_1181 = vector.shape_cast %parallel_loop3A_1176 : vector<16xf32> to vector<1x16xf32>
        tpu.vector_store %arg9[%parallel_loop3A_1177, %parallel_loop3A_1178], %parallel_loop3A_1181 {add = true, strides = array<i32>} : memref<16x768xf32, #tpu.memory_space<vmem>>, vector<1x16xf32>,
        %parallel_loop3A_1182 = arith.index_cast %parallel_loop3A_404 : i32 to index
        %parallel_loop3A_1183 = arith.constant 512 : index
        %parallel_loop3A_1184 = tpu.vector_load %arg10[%parallel_loop3A_1182, %parallel_loop3A_1183] {strides = array<i32>} : memref<16x768xf32, #tpu.memory_space<vmem>>, vector<1x16xf32>,
        %parallel_loop3A_1185 = vector.shape_cast %parallel_loop3A_1184 : vector<1x16xf32> to vector<16xf32>
        %parallel_loop3A_1186 = vector.shape_cast %parallel_loop3A_1176 : vector<16xf32> to vector<1x16xf32>
        tpu.vector_store %arg10[%parallel_loop3A_1182, %parallel_loop3A_1183], %parallel_loop3A_1186 {add = true, strides = array<i32>} : memref<16x768xf32, #tpu.memory_space<vmem>>, vector<1x16xf32>,
        %parallel_loop3A_1187 = arith.index_cast %parallel_loop3A_404 : i32 to index
        %parallel_loop3A_1188 = arith.constant 512 : index
        %parallel_loop3A_1189 = tpu.vector_load %arg11[%parallel_loop3A_1187, %parallel_loop3A_1188] {strides = array<i32>} : memref<16x768xf32, #tpu.memory_space<vmem>>, vector<1x16xf32>,
        %parallel_loop3A_1190 = vector.shape_cast %parallel_loop3A_1189 : vector<1x16xf32> to vector<16xf32>
        %parallel_loop3A_1191 = vector.shape_cast %parallel_loop3A_1176 : vector<16xf32> to vector<1x16xf32>
        tpu.vector_store %arg11[%parallel_loop3A_1187, %parallel_loop3A_1188], %parallel_loop3A_1191 {add = true, strides = array<i32>} : memref<16x768xf32, #tpu.memory_space<vmem>>, vector<1x16xf32>,
        %parallel_loop3A_1192 = arith.index_cast %parallel_loop3A_404 : i32 to index
        %parallel_loop3A_1193 = arith.constant 512 : index
        %parallel_loop3A_1194 = tpu.vector_load %arg12[%parallel_loop3A_1192, %parallel_loop3A_1193] {strides = array<i32>} : memref<16x768xf32, #tpu.memory_space<vmem>>, vector<1x16xf32>,
        %parallel_loop3A_1195 = vector.shape_cast %parallel_loop3A_1194 : vector<1x16xf32> to vector<16xf32>
        %parallel_loop3A_1196 = vector.shape_cast %parallel_loop3A_1176 : vector<16xf32> to vector<1x16xf32>
        tpu.vector_store %arg12[%parallel_loop3A_1192, %parallel_loop3A_1193], %parallel_loop3A_1196 {add = true, strides = array<i32>} : memref<16x768xf32, #tpu.memory_space<vmem>>, vector<1x16xf32>,
        %parallel_loop3A_1197 = arith.index_cast %parallel_loop3A_404 : i32 to index
        %parallel_loop3A_1198 = arith.constant 528 : index
        %parallel_loop3A_1199 = tpu.vector_load %arg14[%parallel_loop3A_1197, %parallel_loop3A_1198] {strides = array<i32>} : memref<16x768xf32, #tpu.memory_space<vmem>>, vector<1x16xf32>,
        %parallel_loop3A_1200 = vector.shape_cast %parallel_loop3A_1199 : vector<1x16xf32> to vector<16xf32>
        %parallel_loop3A_1201 = arith.index_cast %parallel_loop3A_404 : i32 to index
        %parallel_loop3A_1202 = arith.constant 528 : index
        %parallel_loop3A_1203 = tpu.vector_load %arg9[%parallel_loop3A_1201, %parallel_loop3A_1202] {strides = array<i32>} : memref<16x768xf32, #tpu.memory_space<vmem>>, vector<1x16xf32>,
        %parallel_loop3A_1204 = vector.shape_cast %parallel_loop3A_1203 : vector<1x16xf32> to vector<16xf32>
        %parallel_loop3A_1205 = vector.shape_cast %parallel_loop3A_1200 : vector<16xf32> to vector<1x16xf32>
        tpu.vector_store %arg9[%parallel_loop3A_1201, %parallel_loop3A_1202], %parallel_loop3A_1205 {add = true, strides = array<i32>} : memref<16x768xf32, #tpu.memory_space<vmem>>, vector<1x16xf32>,
        %parallel_loop3A_1206 = arith.index_cast %parallel_loop3A_404 : i32 to index
        %parallel_loop3A_1207 = arith.constant 528 : index
        %parallel_loop3A_1208 = tpu.vector_load %arg10[%parallel_loop3A_1206, %parallel_loop3A_1207] {strides = array<i32>} : memref<16x768xf32, #tpu.memory_space<vmem>>, vector<1x16xf32>,
        %parallel_loop3A_1209 = vector.shape_cast %parallel_loop3A_1208 : vector<1x16xf32> to vector<16xf32>
        %parallel_loop3A_1210 = vector.shape_cast %parallel_loop3A_1200 : vector<16xf32> to vector<1x16xf32>
        tpu.vector_store %arg10[%parallel_loop3A_1206, %parallel_loop3A_1207], %parallel_loop3A_1210 {add = true, strides = array<i32>} : memref<16x768xf32, #tpu.memory_space<vmem>>, vector<1x16xf32>,
        %parallel_loop3A_1211 = arith.index_cast %parallel_loop3A_404 : i32 to index
        %parallel_loop3A_1212 = arith.constant 528 : index
        %parallel_loop3A_1213 = tpu.vector_load %arg11[%parallel_loop3A_1211, %parallel_loop3A_1212] {strides = array<i32>} : memref<16x768xf32, #tpu.memory_space<vmem>>, vector<1x16xf32>,
        %parallel_loop3A_1214 = vector.shape_cast %parallel_loop3A_1213 : vector<1x16xf32> to vector<16xf32>
        %parallel_loop3A_1215 = vector.shape_cast %parallel_loop3A_1200 : vector<16xf32> to vector<1x16xf32>
        tpu.vector_store %arg11[%parallel_loop3A_1211, %parallel_loop3A_1212], %parallel_loop3A_1215 {add = true, strides = array<i32>} : memref<16x768xf32, #tpu.memory_space<vmem>>, vector<1x16xf32>,
        %parallel_loop3A_1216 = arith.index_cast %parallel_loop3A_404 : i32 to index
        %parallel_loop3A_1217 = arith.constant 528 : index
        %parallel_loop3A_1218 = tpu.vector_load %arg12[%parallel_loop3A_1216, %parallel_loop3A_1217] {strides = array<i32>} : memref<16x768xf32, #tpu.memory_space<vmem>>, vector<1x16xf32>,
        %parallel_loop3A_1219 = vector.shape_cast %parallel_loop3A_1218 : vector<1x16xf32> to vector<16xf32>
        %parallel_loop3A_1220 = vector.shape_cast %parallel_loop3A_1200 : vector<16xf32> to vector<1x16xf32>
        tpu.vector_store %arg12[%parallel_loop3A_1216, %parallel_loop3A_1217], %parallel_loop3A_1220 {add = true, strides = array<i32>} : memref<16x768xf32, #tpu.memory_space<vmem>>, vector<1x16xf32>,
        %parallel_loop3A_1221 = arith.index_cast %parallel_loop3A_404 : i32 to index
        %parallel_loop3A_1222 = arith.constant 544 : index
        %parallel_loop3A_1223 = tpu.vector_load %arg14[%parallel_loop3A_1221, %parallel_loop3A_1222] {strides = array<i32>} : memref<16x768xf32, #tpu.memory_space<vmem>>, vector<1x16xf32>,
        %parallel_loop3A_1224 = vector.shape_cast %parallel_loop3A_1223 : vector<1x16xf32> to vector<16xf32>
        %parallel_loop3A_1225 = arith.index_cast %parallel_loop3A_404 : i32 to index
        %parallel_loop3A_1226 = arith.constant 544 : index
        %parallel_loop3A_1227 = tpu.vector_load %arg9[%parallel_loop3A_1225, %parallel_loop3A_1226] {strides = array<i32>} : memref<16x768xf32, #tpu.memory_space<vmem>>, vector<1x16xf32>,
        %parallel_loop3A_1228 = vector.shape_cast %parallel_loop3A_1227 : vector<1x16xf32> to vector<16xf32>
        %parallel_loop3A_1229 = vector.shape_cast %parallel_loop3A_1224 : vector<16xf32> to vector<1x16xf32>
        tpu.vector_store %arg9[%parallel_loop3A_1225, %parallel_loop3A_1226], %parallel_loop3A_1229 {add = true, strides = array<i32>} : memref<16x768xf32, #tpu.memory_space<vmem>>, vector<1x16xf32>,
        %parallel_loop3A_1230 = arith.index_cast %parallel_loop3A_404 : i32 to index
        %parallel_loop3A_1231 = arith.constant 544 : index
        %parallel_loop3A_1232 = tpu.vector_load %arg10[%parallel_loop3A_1230, %parallel_loop3A_1231] {strides = array<i32>} : memref<16x768xf32, #tpu.memory_space<vmem>>, vector<1x16xf32>,
        %parallel_loop3A_1233 = vector.shape_cast %parallel_loop3A_1232 : vector<1x16xf32> to vector<16xf32>
        %parallel_loop3A_1234 = vector.shape_cast %parallel_loop3A_1224 : vector<16xf32> to vector<1x16xf32>
        tpu.vector_store %arg10[%parallel_loop3A_1230, %parallel_loop3A_1231], %parallel_loop3A_1234 {add = true, strides = array<i32>} : memref<16x768xf32, #tpu.memory_space<vmem>>, vector<1x16xf32>,
        %parallel_loop3A_1235 = arith.index_cast %parallel_loop3A_404 : i32 to index
        %parallel_loop3A_1236 = arith.constant 544 : index
        %parallel_loop3A_1237 = tpu.vector_load %arg11[%parallel_loop3A_1235, %parallel_loop3A_1236] {strides = array<i32>} : memref<16x768xf32, #tpu.memory_space<vmem>>, vector<1x16xf32>,
        %parallel_loop3A_1238 = vector.shape_cast %parallel_loop3A_1237 : vector<1x16xf32> to vector<16xf32>
        %parallel_loop3A_1239 = vector.shape_cast %parallel_loop3A_1224 : vector<16xf32> to vector<1x16xf32>
        tpu.vector_store %arg11[%parallel_loop3A_1235, %parallel_loop3A_1236], %parallel_loop3A_1239 {add = true, strides = array<i32>} : memref<16x768xf32, #tpu.memory_space<vmem>>, vector<1x16xf32>,
        %parallel_loop3A_1240 = arith.index_cast %parallel_loop3A_404 : i32 to index
        %parallel_loop3A_1241 = arith.constant 544 : index
        %parallel_loop3A_1242 = tpu.vector_load %arg12[%parallel_loop3A_1240, %parallel_loop3A_1241] {strides = array<i32>} : memref<16x768xf32, #tpu.memory_space<vmem>>, vector<1x16xf32>,
        %parallel_loop3A_1243 = vector.shape_cast %parallel_loop3A_1242 : vector<1x16xf32> to vector<16xf32>
        %parallel_loop3A_1244 = vector.shape_cast %parallel_loop3A_1224 : vector<16xf32> to vector<1x16xf32>
        tpu.vector_store %arg12[%parallel_loop3A_1240, %parallel_loop3A_1241], %parallel_loop3A_1244 {add = true, strides = array<i32>} : memref<16x768xf32, #tpu.memory_space<vmem>>, vector<1x16xf32>,
        %parallel_loop3A_1245 = arith.index_cast %parallel_loop3A_404 : i32 to index
        %parallel_loop3A_1246 = arith.constant 560 : index
        %parallel_loop3A_1247 = tpu.vector_load %arg14[%parallel_loop3A_1245, %parallel_loop3A_1246] {strides = array<i32>} : memref<16x768xf32, #tpu.memory_space<vmem>>, vector<1x16xf32>,
        %parallel_loop3A_1248 = vector.shape_cast %parallel_loop3A_1247 : vector<1x16xf32> to vector<16xf32>
        %parallel_loop3A_1249 = arith.index_cast %parallel_loop3A_404 : i32 to index
        %parallel_loop3A_1250 = arith.constant 560 : index
        %parallel_loop3A_1251 = tpu.vector_load %arg9[%parallel_loop3A_1249, %parallel_loop3A_1250] {strides = array<i32>} : memref<16x768xf32, #tpu.memory_space<vmem>>, vector<1x16xf32>,
        %parallel_loop3A_1252 = vector.shape_cast %parallel_loop3A_1251 : vector<1x16xf32> to vector<16xf32>
        %parallel_loop3A_1253 = vector.shape_cast %parallel_loop3A_1248 : vector<16xf32> to vector<1x16xf32>
        tpu.vector_store %arg9[%parallel_loop3A_1249, %parallel_loop3A_1250], %parallel_loop3A_1253 {add = true, strides = array<i32>} : memref<16x768xf32, #tpu.memory_space<vmem>>, vector<1x16xf32>,
        %parallel_loop3A_1254 = arith.index_cast %parallel_loop3A_404 : i32 to index
        %parallel_loop3A_1255 = arith.constant 560 : index
        %parallel_loop3A_1256 = tpu.vector_load %arg10[%parallel_loop3A_1254, %parallel_loop3A_1255] {strides = array<i32>} : memref<16x768xf32, #tpu.memory_space<vmem>>, vector<1x16xf32>,
        %parallel_loop3A_1257 = vector.shape_cast %parallel_loop3A_1256 : vector<1x16xf32> to vector<16xf32>
        %parallel_loop3A_1258 = vector.shape_cast %parallel_loop3A_1248 : vector<16xf32> to vector<1x16xf32>
        tpu.vector_store %arg10[%parallel_loop3A_1254, %parallel_loop3A_1255], %parallel_loop3A_1258 {add = true, strides = array<i32>} : memref<16x768xf32, #tpu.memory_space<vmem>>, vector<1x16xf32>,
        %parallel_loop3A_1259 = arith.index_cast %parallel_loop3A_404 : i32 to index
        %parallel_loop3A_1260 = arith.constant 560 : index
        %parallel_loop3A_1261 = tpu.vector_load %arg11[%parallel_loop3A_1259, %parallel_loop3A_1260] {strides = array<i32>} : memref<16x768xf32, #tpu.memory_space<vmem>>, vector<1x16xf32>,
        %parallel_loop3A_1262 = vector.shape_cast %parallel_loop3A_1261 : vector<1x16xf32> to vector<16xf32>
        %parallel_loop3A_1263 = vector.shape_cast %parallel_loop3A_1248 : vector<16xf32> to vector<1x16xf32>
        tpu.vector_store %arg11[%parallel_loop3A_1259, %parallel_loop3A_1260], %parallel_loop3A_1263 {add = true, strides = array<i32>} : memref<16x768xf32, #tpu.memory_space<vmem>>, vector<1x16xf32>,
        %parallel_loop3A_1264 = arith.index_cast %parallel_loop3A_404 : i32 to index
        %parallel_loop3A_1265 = arith.constant 560 : index
        %parallel_loop3A_1266 = tpu.vector_load %arg12[%parallel_loop3A_1264, %parallel_loop3A_1265] {strides = array<i32>} : memref<16x768xf32, #tpu.memory_space<vmem>>, vector<1x16xf32>,
        %parallel_loop3A_1267 = vector.shape_cast %parallel_loop3A_1266 : vector<1x16xf32> to vector<16xf32>
        %parallel_loop3A_1268 = vector.shape_cast %parallel_loop3A_1248 : vector<16xf32> to vector<1x16xf32>
        tpu.vector_store %arg12[%parallel_loop3A_1264, %parallel_loop3A_1265], %parallel_loop3A_1268 {add = true, strides = array<i32>} : memref<16x768xf32, #tpu.memory_space<vmem>>, vector<1x16xf32>,
        %parallel_loop3A_1269 = arith.index_cast %parallel_loop3A_404 : i32 to index
        %parallel_loop3A_1270 = arith.constant 576 : index
        %parallel_loop3A_1271 = tpu.vector_load %arg14[%parallel_loop3A_1269, %parallel_loop3A_1270] {strides = array<i32>} : memref<16x768xf32, #tpu.memory_space<vmem>>, vector<1x16xf32>,
        %parallel_loop3A_1272 = vector.shape_cast %parallel_loop3A_1271 : vector<1x16xf32> to vector<16xf32>
        %parallel_loop3A_1273 = arith.index_cast %parallel_loop3A_404 : i32 to index
        %parallel_loop3A_1274 = arith.constant 576 : index
        %parallel_loop3A_1275 = tpu.vector_load %arg9[%parallel_loop3A_1273, %parallel_loop3A_1274] {strides = array<i32>} : memref<16x768xf32, #tpu.memory_space<vmem>>, vector<1x16xf32>,
        %parallel_loop3A_1276 = vector.shape_cast %parallel_loop3A_1275 : vector<1x16xf32> to vector<16xf32>
        %parallel_loop3A_1277 = vector.shape_cast %parallel_loop3A_1272 : vector<16xf32> to vector<1x16xf32>
        tpu.vector_store %arg9[%parallel_loop3A_1273, %parallel_loop3A_1274], %parallel_loop3A_1277 {add = true, strides = array<i32>} : memref<16x768xf32, #tpu.memory_space<vmem>>, vector<1x16xf32>,
        %parallel_loop3A_1278 = arith.index_cast %parallel_loop3A_404 : i32 to index
        %parallel_loop3A_1279 = arith.constant 576 : index
        %parallel_loop3A_1280 = tpu.vector_load %arg10[%parallel_loop3A_1278, %parallel_loop3A_1279] {strides = array<i32>} : memref<16x768xf32, #tpu.memory_space<vmem>>, vector<1x16xf32>,
        %parallel_loop3A_1281 = vector.shape_cast %parallel_loop3A_1280 : vector<1x16xf32> to vector<16xf32>
        %parallel_loop3A_1282 = vector.shape_cast %parallel_loop3A_1272 : vector<16xf32> to vector<1x16xf32>
        tpu.vector_store %arg10[%parallel_loop3A_1278, %parallel_loop3A_1279], %parallel_loop3A_1282 {add = true, strides = array<i32>} : memref<16x768xf32, #tpu.memory_space<vmem>>, vector<1x16xf32>,
        %parallel_loop3A_1283 = arith.index_cast %parallel_loop3A_404 : i32 to index
        %parallel_loop3A_1284 = arith.constant 576 : index
        %parallel_loop3A_1285 = tpu.vector_load %arg11[%parallel_loop3A_1283, %parallel_loop3A_1284] {strides = array<i32>} : memref<16x768xf32, #tpu.memory_space<vmem>>, vector<1x16xf32>,
        %parallel_loop3A_1286 = vector.shape_cast %parallel_loop3A_1285 : vector<1x16xf32> to vector<16xf32>
        %parallel_loop3A_1287 = vector.shape_cast %parallel_loop3A_1272 : vector<16xf32> to vector<1x16xf32>
        tpu.vector_store %arg11[%parallel_loop3A_1283, %parallel_loop3A_1284], %parallel_loop3A_1287 {add = true, strides = array<i32>} : memref<16x768xf32, #tpu.memory_space<vmem>>, vector<1x16xf32>,
        %parallel_loop3A_1288 = arith.index_cast %parallel_loop3A_404 : i32 to index
        %parallel_loop3A_1289 = arith.constant 576 : index
        %parallel_loop3A_1290 = tpu.vector_load %arg12[%parallel_loop3A_1288, %parallel_loop3A_1289] {strides = array<i32>} : memref<16x768xf32, #tpu.memory_space<vmem>>, vector<1x16xf32>,
        %parallel_loop3A_1291 = vector.shape_cast %parallel_loop3A_1290 : vector<1x16xf32> to vector<16xf32>
        %parallel_loop3A_1292 = vector.shape_cast %parallel_loop3A_1272 : vector<16xf32> to vector<1x16xf32>
        tpu.vector_store %arg12[%parallel_loop3A_1288, %parallel_loop3A_1289], %parallel_loop3A_1292 {add = true, strides = array<i32>} : memref<16x768xf32, #tpu.memory_space<vmem>>, vector<1x16xf32>,
        %parallel_loop3A_1293 = arith.index_cast %parallel_loop3A_404 : i32 to index
        %parallel_loop3A_1294 = arith.constant 592 : index
        %parallel_loop3A_1295 = tpu.vector_load %arg14[%parallel_loop3A_1293, %parallel_loop3A_1294] {strides = array<i32>} : memref<16x768xf32, #tpu.memory_space<vmem>>, vector<1x16xf32>,
        %parallel_loop3A_1296 = vector.shape_cast %parallel_loop3A_1295 : vector<1x16xf32> to vector<16xf32>
        %parallel_loop3A_1297 = arith.index_cast %parallel_loop3A_404 : i32 to index
        %parallel_loop3A_1298 = arith.constant 592 : index
        %parallel_loop3A_1299 = tpu.vector_load %arg9[%parallel_loop3A_1297, %parallel_loop3A_1298] {strides = array<i32>} : memref<16x768xf32, #tpu.memory_space<vmem>>, vector<1x16xf32>,
        %parallel_loop3A_1300 = vector.shape_cast %parallel_loop3A_1299 : vector<1x16xf32> to vector<16xf32>
        %parallel_loop3A_1301 = vector.shape_cast %parallel_loop3A_1296 : vector<16xf32> to vector<1x16xf32>
        tpu.vector_store %arg9[%parallel_loop3A_1297, %parallel_loop3A_1298], %parallel_loop3A_1301 {add = true, strides = array<i32>} : memref<16x768xf32, #tpu.memory_space<vmem>>, vector<1x16xf32>,
        %parallel_loop3A_1302 = arith.index_cast %parallel_loop3A_404 : i32 to index
        %parallel_loop3A_1303 = arith.constant 592 : index
        %parallel_loop3A_1304 = tpu.vector_load %arg10[%parallel_loop3A_1302, %parallel_loop3A_1303] {strides = array<i32>} : memref<16x768xf32, #tpu.memory_space<vmem>>, vector<1x16xf32>,
        %parallel_loop3A_1305 = vector.shape_cast %parallel_loop3A_1304 : vector<1x16xf32> to vector<16xf32>
        %parallel_loop3A_1306 = vector.shape_cast %parallel_loop3A_1296 : vector<16xf32> to vector<1x16xf32>
        tpu.vector_store %arg10[%parallel_loop3A_1302, %parallel_loop3A_1303], %parallel_loop3A_1306 {add = true, strides = array<i32>} : memref<16x768xf32, #tpu.memory_space<vmem>>, vector<1x16xf32>,
        %parallel_loop3A_1307 = arith.index_cast %parallel_loop3A_404 : i32 to index
        %parallel_loop3A_1308 = arith.constant 592 : index
        %parallel_loop3A_1309 = tpu.vector_load %arg11[%parallel_loop3A_1307, %parallel_loop3A_1308] {strides = array<i32>} : memref<16x768xf32, #tpu.memory_space<vmem>>, vector<1x16xf32>,
        %parallel_loop3A_1310 = vector.shape_cast %parallel_loop3A_1309 : vector<1x16xf32> to vector<16xf32>
        %parallel_loop3A_1311 = vector.shape_cast %parallel_loop3A_1296 : vector<16xf32> to vector<1x16xf32>
        tpu.vector_store %arg11[%parallel_loop3A_1307, %parallel_loop3A_1308], %parallel_loop3A_1311 {add = true, strides = array<i32>} : memref<16x768xf32, #tpu.memory_space<vmem>>, vector<1x16xf32>,
        %parallel_loop3A_1312 = arith.index_cast %parallel_loop3A_404 : i32 to index
        %parallel_loop3A_1313 = arith.constant 592 : index
        %parallel_loop3A_1314 = tpu.vector_load %arg12[%parallel_loop3A_1312, %parallel_loop3A_1313] {strides = array<i32>} : memref<16x768xf32, #tpu.memory_space<vmem>>, vector<1x16xf32>,
        %parallel_loop3A_1315 = vector.shape_cast %parallel_loop3A_1314 : vector<1x16xf32> to vector<16xf32>
        %parallel_loop3A_1316 = vector.shape_cast %parallel_loop3A_1296 : vector<16xf32> to vector<1x16xf32>
        tpu.vector_store %arg12[%parallel_loop3A_1312, %parallel_loop3A_1313], %parallel_loop3A_1316 {add = true, strides = array<i32>} : memref<16x768xf32, #tpu.memory_space<vmem>>, vector<1x16xf32>,
        %parallel_loop3A_1317 = arith.index_cast %parallel_loop3A_404 : i32 to index
        %parallel_loop3A_1318 = arith.constant 608 : index
        %parallel_loop3A_1319 = tpu.vector_load %arg14[%parallel_loop3A_1317, %parallel_loop3A_1318] {strides = array<i32>} : memref<16x768xf32, #tpu.memory_space<vmem>>, vector<1x16xf32>,
        %parallel_loop3A_1320 = vector.shape_cast %parallel_loop3A_1319 : vector<1x16xf32> to vector<16xf32>
        %parallel_loop3A_1321 = arith.index_cast %parallel_loop3A_404 : i32 to index
        %parallel_loop3A_1322 = arith.constant 608 : index
        %parallel_loop3A_1323 = tpu.vector_load %arg9[%parallel_loop3A_1321, %parallel_loop3A_1322] {strides = array<i32>} : memref<16x768xf32, #tpu.memory_space<vmem>>, vector<1x16xf32>,
        %parallel_loop3A_1324 = vector.shape_cast %parallel_loop3A_1323 : vector<1x16xf32> to vector<16xf32>
        %parallel_loop3A_1325 = vector.shape_cast %parallel_loop3A_1320 : vector<16xf32> to vector<1x16xf32>
        tpu.vector_store %arg9[%parallel_loop3A_1321, %parallel_loop3A_1322], %parallel_loop3A_1325 {add = true, strides = array<i32>} : memref<16x768xf32, #tpu.memory_space<vmem>>, vector<1x16xf32>,
        %parallel_loop3A_1326 = arith.index_cast %parallel_loop3A_404 : i32 to index
        %parallel_loop3A_1327 = arith.constant 608 : index
        %parallel_loop3A_1328 = tpu.vector_load %arg10[%parallel_loop3A_1326, %parallel_loop3A_1327] {strides = array<i32>} : memref<16x768xf32, #tpu.memory_space<vmem>>, vector<1x16xf32>,
        %parallel_loop3A_1329 = vector.shape_cast %parallel_loop3A_1328 : vector<1x16xf32> to vector<16xf32>
        %parallel_loop3A_1330 = vector.shape_cast %parallel_loop3A_1320 : vector<16xf32> to vector<1x16xf32>
        tpu.vector_store %arg10[%parallel_loop3A_1326, %parallel_loop3A_1327], %parallel_loop3A_1330 {add = true, strides = array<i32>} : memref<16x768xf32, #tpu.memory_space<vmem>>, vector<1x16xf32>,
        %parallel_loop3A_1331 = arith.index_cast %parallel_loop3A_404 : i32 to index
        %parallel_loop3A_1332 = arith.constant 608 : index
        %parallel_loop3A_1333 = tpu.vector_load %arg11[%parallel_loop3A_1331, %parallel_loop3A_1332] {strides = array<i32>} : memref<16x768xf32, #tpu.memory_space<vmem>>, vector<1x16xf32>,
        %parallel_loop3A_1334 = vector.shape_cast %parallel_loop3A_1333 : vector<1x16xf32> to vector<16xf32>
        %parallel_loop3A_1335 = vector.shape_cast %parallel_loop3A_1320 : vector<16xf32> to vector<1x16xf32>
        tpu.vector_store %arg11[%parallel_loop3A_1331, %parallel_loop3A_1332], %parallel_loop3A_1335 {add = true, strides = array<i32>} : memref<16x768xf32, #tpu.memory_space<vmem>>, vector<1x16xf32>,
        %parallel_loop3A_1336 = arith.index_cast %parallel_loop3A_404 : i32 to index
        %parallel_loop3A_1337 = arith.constant 608 : index
        %parallel_loop3A_1338 = tpu.vector_load %arg12[%parallel_loop3A_1336, %parallel_loop3A_1337] {strides = array<i32>} : memref<16x768xf32, #tpu.memory_space<vmem>>, vector<1x16xf32>,
        %parallel_loop3A_1339 = vector.shape_cast %parallel_loop3A_1338 : vector<1x16xf32> to vector<16xf32>
        %parallel_loop3A_1340 = vector.shape_cast %parallel_loop3A_1320 : vector<16xf32> to vector<1x16xf32>
        tpu.vector_store %arg12[%parallel_loop3A_1336, %parallel_loop3A_1337], %parallel_loop3A_1340 {add = true, strides = array<i32>} : memref<16x768xf32, #tpu.memory_space<vmem>>, vector<1x16xf32>,
        %parallel_loop3A_1341 = arith.index_cast %parallel_loop3A_404 : i32 to index
        %parallel_loop3A_1342 = arith.constant 624 : index
        %parallel_loop3A_1343 = tpu.vector_load %arg14[%parallel_loop3A_1341, %parallel_loop3A_1342] {strides = array<i32>} : memref<16x768xf32, #tpu.memory_space<vmem>>, vector<1x16xf32>,
        %parallel_loop3A_1344 = vector.shape_cast %parallel_loop3A_1343 : vector<1x16xf32> to vector<16xf32>
        %parallel_loop3A_1345 = arith.index_cast %parallel_loop3A_404 : i32 to index
        %parallel_loop3A_1346 = arith.constant 624 : index
        %parallel_loop3A_1347 = tpu.vector_load %arg9[%parallel_loop3A_1345, %parallel_loop3A_1346] {strides = array<i32>} : memref<16x768xf32, #tpu.memory_space<vmem>>, vector<1x16xf32>,
        %parallel_loop3A_1348 = vector.shape_cast %parallel_loop3A_1347 : vector<1x16xf32> to vector<16xf32>
        %parallel_loop3A_1349 = vector.shape_cast %parallel_loop3A_1344 : vector<16xf32> to vector<1x16xf32>
        tpu.vector_store %arg9[%parallel_loop3A_1345, %parallel_loop3A_1346], %parallel_loop3A_1349 {add = true, strides = array<i32>} : memref<16x768xf32, #tpu.memory_space<vmem>>, vector<1x16xf32>,
        %parallel_loop3A_1350 = arith.index_cast %parallel_loop3A_404 : i32 to index
        %parallel_loop3A_1351 = arith.constant 624 : index
        %parallel_loop3A_1352 = tpu.vector_load %arg10[%parallel_loop3A_1350, %parallel_loop3A_1351] {strides = array<i32>} : memref<16x768xf32, #tpu.memory_space<vmem>>, vector<1x16xf32>,
        %parallel_loop3A_1353 = vector.shape_cast %parallel_loop3A_1352 : vector<1x16xf32> to vector<16xf32>
        %parallel_loop3A_1354 = vector.shape_cast %parallel_loop3A_1344 : vector<16xf32> to vector<1x16xf32>
        tpu.vector_store %arg10[%parallel_loop3A_1350, %parallel_loop3A_1351], %parallel_loop3A_1354 {add = true, strides = array<i32>} : memref<16x768xf32, #tpu.memory_space<vmem>>, vector<1x16xf32>,
        %parallel_loop3A_1355 = arith.index_cast %parallel_loop3A_404 : i32 to index
        %parallel_loop3A_1356 = arith.constant 624 : index
        %parallel_loop3A_1357 = tpu.vector_load %arg11[%parallel_loop3A_1355, %parallel_loop3A_1356] {strides = array<i32>} : memref<16x768xf32, #tpu.memory_space<vmem>>, vector<1x16xf32>,
        %parallel_loop3A_1358 = vector.shape_cast %parallel_loop3A_1357 : vector<1x16xf32> to vector<16xf32>
        %parallel_loop3A_1359 = vector.shape_cast %parallel_loop3A_1344 : vector<16xf32> to vector<1x16xf32>
        tpu.vector_store %arg11[%parallel_loop3A_1355, %parallel_loop3A_1356], %parallel_loop3A_1359 {add = true, strides = array<i32>} : memref<16x768xf32, #tpu.memory_space<vmem>>, vector<1x16xf32>,
        %parallel_loop3A_1360 = arith.index_cast %parallel_loop3A_404 : i32 to index
        %parallel_loop3A_1361 = arith.constant 624 : index
        %parallel_loop3A_1362 = tpu.vector_load %arg12[%parallel_loop3A_1360, %parallel_loop3A_1361] {strides = array<i32>} : memref<16x768xf32, #tpu.memory_space<vmem>>, vector<1x16xf32>,
        %parallel_loop3A_1363 = vector.shape_cast %parallel_loop3A_1362 : vector<1x16xf32> to vector<16xf32>
        %parallel_loop3A_1364 = vector.shape_cast %parallel_loop3A_1344 : vector<16xf32> to vector<1x16xf32>
        tpu.vector_store %arg12[%parallel_loop3A_1360, %parallel_loop3A_1361], %parallel_loop3A_1364 {add = true, strides = array<i32>} : memref<16x768xf32, #tpu.memory_space<vmem>>, vector<1x16xf32>,
        %parallel_loop3A_1365 = arith.index_cast %parallel_loop3A_404 : i32 to index
        %parallel_loop3A_1366 = arith.constant 640 : index
        %parallel_loop3A_1367 = tpu.vector_load %arg14[%parallel_loop3A_1365, %parallel_loop3A_1366] {strides = array<i32>} : memref<16x768xf32, #tpu.memory_space<vmem>>, vector<1x16xf32>,
        %parallel_loop3A_1368 = vector.shape_cast %parallel_loop3A_1367 : vector<1x16xf32> to vector<16xf32>
        %parallel_loop3A_1369 = arith.index_cast %parallel_loop3A_404 : i32 to index
        %parallel_loop3A_1370 = arith.constant 640 : index
        %parallel_loop3A_1371 = tpu.vector_load %arg9[%parallel_loop3A_1369, %parallel_loop3A_1370] {strides = array<i32>} : memref<16x768xf32, #tpu.memory_space<vmem>>, vector<1x16xf32>,
        %parallel_loop3A_1372 = vector.shape_cast %parallel_loop3A_1371 : vector<1x16xf32> to vector<16xf32>
        %parallel_loop3A_1373 = vector.shape_cast %parallel_loop3A_1368 : vector<16xf32> to vector<1x16xf32>
        tpu.vector_store %arg9[%parallel_loop3A_1369, %parallel_loop3A_1370], %parallel_loop3A_1373 {add = true, strides = array<i32>} : memref<16x768xf32, #tpu.memory_space<vmem>>, vector<1x16xf32>,
        %parallel_loop3A_1374 = arith.index_cast %parallel_loop3A_404 : i32 to index
        %parallel_loop3A_1375 = arith.constant 640 : index
        %parallel_loop3A_1376 = tpu.vector_load %arg10[%parallel_loop3A_1374, %parallel_loop3A_1375] {strides = array<i32>} : memref<16x768xf32, #tpu.memory_space<vmem>>, vector<1x16xf32>,
        %parallel_loop3A_1377 = vector.shape_cast %parallel_loop3A_1376 : vector<1x16xf32> to vector<16xf32>
        %parallel_loop3A_1378 = vector.shape_cast %parallel_loop3A_1368 : vector<16xf32> to vector<1x16xf32>
        tpu.vector_store %arg10[%parallel_loop3A_1374, %parallel_loop3A_1375], %parallel_loop3A_1378 {add = true, strides = array<i32>} : memref<16x768xf32, #tpu.memory_space<vmem>>, vector<1x16xf32>,
        %parallel_loop3A_1379 = arith.index_cast %parallel_loop3A_404 : i32 to index
        %parallel_loop3A_1380 = arith.constant 640 : index
        %parallel_loop3A_1381 = tpu.vector_load %arg11[%parallel_loop3A_1379, %parallel_loop3A_1380] {strides = array<i32>} : memref<16x768xf32, #tpu.memory_space<vmem>>, vector<1x16xf32>,
        %parallel_loop3A_1382 = vector.shape_cast %parallel_loop3A_1381 : vector<1x16xf32> to vector<16xf32>
        %parallel_loop3A_1383 = vector.shape_cast %parallel_loop3A_1368 : vector<16xf32> to vector<1x16xf32>
        tpu.vector_store %arg11[%parallel_loop3A_1379, %parallel_loop3A_1380], %parallel_loop3A_1383 {add = true, strides = array<i32>} : memref<16x768xf32, #tpu.memory_space<vmem>>, vector<1x16xf32>,
        %parallel_loop3A_1384 = arith.index_cast %parallel_loop3A_404 : i32 to index
        %parallel_loop3A_1385 = arith.constant 640 : index
        %parallel_loop3A_1386 = tpu.vector_load %arg12[%parallel_loop3A_1384, %parallel_loop3A_1385] {strides = array<i32>} : memref<16x768xf32, #tpu.memory_space<vmem>>, vector<1x16xf32>,
        %parallel_loop3A_1387 = vector.shape_cast %parallel_loop3A_1386 : vector<1x16xf32> to vector<16xf32>
        %parallel_loop3A_1388 = vector.shape_cast %parallel_loop3A_1368 : vector<16xf32> to vector<1x16xf32>
        tpu.vector_store %arg12[%parallel_loop3A_1384, %parallel_loop3A_1385], %parallel_loop3A_1388 {add = true, strides = array<i32>} : memref<16x768xf32, #tpu.memory_space<vmem>>, vector<1x16xf32>,
        %parallel_loop3A_1389 = arith.index_cast %parallel_loop3A_404 : i32 to index
        %parallel_loop3A_1390 = arith.constant 656 : index
        %parallel_loop3A_1391 = tpu.vector_load %arg14[%parallel_loop3A_1389, %parallel_loop3A_1390] {strides = array<i32>} : memref<16x768xf32, #tpu.memory_space<vmem>>, vector<1x16xf32>,
        %parallel_loop3A_1392 = vector.shape_cast %parallel_loop3A_1391 : vector<1x16xf32> to vector<16xf32>
        %parallel_loop3A_1393 = arith.index_cast %parallel_loop3A_404 : i32 to index
        %parallel_loop3A_1394 = arith.constant 656 : index
        %parallel_loop3A_1395 = tpu.vector_load %arg9[%parallel_loop3A_1393, %parallel_loop3A_1394] {strides = array<i32>} : memref<16x768xf32, #tpu.memory_space<vmem>>, vector<1x16xf32>,
        %parallel_loop3A_1396 = vector.shape_cast %parallel_loop3A_1395 : vector<1x16xf32> to vector<16xf32>
        %parallel_loop3A_1397 = vector.shape_cast %parallel_loop3A_1392 : vector<16xf32> to vector<1x16xf32>
        tpu.vector_store %arg9[%parallel_loop3A_1393, %parallel_loop3A_1394], %parallel_loop3A_1397 {add = true, strides = array<i32>} : memref<16x768xf32, #tpu.memory_space<vmem>>, vector<1x16xf32>,
        %parallel_loop3A_1398 = arith.index_cast %parallel_loop3A_404 : i32 to index
        %parallel_loop3A_1399 = arith.constant 656 : index
        %parallel_loop3A_1400 = tpu.vector_load %arg10[%parallel_loop3A_1398, %parallel_loop3A_1399] {strides = array<i32>} : memref<16x768xf32, #tpu.memory_space<vmem>>, vector<1x16xf32>,
        %parallel_loop3A_1401 = vector.shape_cast %parallel_loop3A_1400 : vector<1x16xf32> to vector<16xf32>
        %parallel_loop3A_1402 = vector.shape_cast %parallel_loop3A_1392 : vector<16xf32> to vector<1x16xf32>
        tpu.vector_store %arg10[%parallel_loop3A_1398, %parallel_loop3A_1399], %parallel_loop3A_1402 {add = true, strides = array<i32>} : memref<16x768xf32, #tpu.memory_space<vmem>>, vector<1x16xf32>,
        %parallel_loop3A_1403 = arith.index_cast %parallel_loop3A_404 : i32 to index
        %parallel_loop3A_1404 = arith.constant 656 : index
        %parallel_loop3A_1405 = tpu.vector_load %arg11[%parallel_loop3A_1403, %parallel_loop3A_1404] {strides = array<i32>} : memref<16x768xf32, #tpu.memory_space<vmem>>, vector<1x16xf32>,
        %parallel_loop3A_1406 = vector.shape_cast %parallel_loop3A_1405 : vector<1x16xf32> to vector<16xf32>
        %parallel_loop3A_1407 = vector.shape_cast %parallel_loop3A_1392 : vector<16xf32> to vector<1x16xf32>
        tpu.vector_store %arg11[%parallel_loop3A_1403, %parallel_loop3A_1404], %parallel_loop3A_1407 {add = true, strides = array<i32>} : memref<16x768xf32, #tpu.memory_space<vmem>>, vector<1x16xf32>,
        %parallel_loop3A_1408 = arith.index_cast %parallel_loop3A_404 : i32 to index
        %parallel_loop3A_1409 = arith.constant 656 : index
        %parallel_loop3A_1410 = tpu.vector_load %arg12[%parallel_loop3A_1408, %parallel_loop3A_1409] {strides = array<i32>} : memref<16x768xf32, #tpu.memory_space<vmem>>, vector<1x16xf32>,
        %parallel_loop3A_1411 = vector.shape_cast %parallel_loop3A_1410 : vector<1x16xf32> to vector<16xf32>
        %parallel_loop3A_1412 = vector.shape_cast %parallel_loop3A_1392 : vector<16xf32> to vector<1x16xf32>
        tpu.vector_store %arg12[%parallel_loop3A_1408, %parallel_loop3A_1409], %parallel_loop3A_1412 {add = true, strides = array<i32>} : memref<16x768xf32, #tpu.memory_space<vmem>>, vector<1x16xf32>,
        %parallel_loop3A_1413 = arith.index_cast %parallel_loop3A_404 : i32 to index
        %parallel_loop3A_1414 = arith.constant 672 : index
        %parallel_loop3A_1415 = tpu.vector_load %arg14[%parallel_loop3A_1413, %parallel_loop3A_1414] {strides = array<i32>} : memref<16x768xf32, #tpu.memory_space<vmem>>, vector<1x16xf32>,
        %parallel_loop3A_1416 = vector.shape_cast %parallel_loop3A_1415 : vector<1x16xf32> to vector<16xf32>
        %parallel_loop3A_1417 = arith.index_cast %parallel_loop3A_404 : i32 to index
        %parallel_loop3A_1418 = arith.constant 672 : index
        %parallel_loop3A_1419 = tpu.vector_load %arg9[%parallel_loop3A_1417, %parallel_loop3A_1418] {strides = array<i32>} : memref<16x768xf32, #tpu.memory_space<vmem>>, vector<1x16xf32>,
        %parallel_loop3A_1420 = vector.shape_cast %parallel_loop3A_1419 : vector<1x16xf32> to vector<16xf32>
        %parallel_loop3A_1421 = vector.shape_cast %parallel_loop3A_1416 : vector<16xf32> to vector<1x16xf32>
        tpu.vector_store %arg9[%parallel_loop3A_1417, %parallel_loop3A_1418], %parallel_loop3A_1421 {add = true, strides = array<i32>} : memref<16x768xf32, #tpu.memory_space<vmem>>, vector<1x16xf32>,
        %parallel_loop3A_1422 = arith.index_cast %parallel_loop3A_404 : i32 to index
        %parallel_loop3A_1423 = arith.constant 672 : index
        %parallel_loop3A_1424 = tpu.vector_load %arg10[%parallel_loop3A_1422, %parallel_loop3A_1423] {strides = array<i32>} : memref<16x768xf32, #tpu.memory_space<vmem>>, vector<1x16xf32>,
        %parallel_loop3A_1425 = vector.shape_cast %parallel_loop3A_1424 : vector<1x16xf32> to vector<16xf32>
        %parallel_loop3A_1426 = vector.shape_cast %parallel_loop3A_1416 : vector<16xf32> to vector<1x16xf32>
        tpu.vector_store %arg10[%parallel_loop3A_1422, %parallel_loop3A_1423], %parallel_loop3A_1426 {add = true, strides = array<i32>} : memref<16x768xf32, #tpu.memory_space<vmem>>, vector<1x16xf32>,
        %parallel_loop3A_1427 = arith.index_cast %parallel_loop3A_404 : i32 to index
        %parallel_loop3A_1428 = arith.constant 672 : index
        %parallel_loop3A_1429 = tpu.vector_load %arg11[%parallel_loop3A_1427, %parallel_loop3A_1428] {strides = array<i32>} : memref<16x768xf32, #tpu.memory_space<vmem>>, vector<1x16xf32>,
        %parallel_loop3A_1430 = vector.shape_cast %parallel_loop3A_1429 : vector<1x16xf32> to vector<16xf32>
        %parallel_loop3A_1431 = vector.shape_cast %parallel_loop3A_1416 : vector<16xf32> to vector<1x16xf32>
        tpu.vector_store %arg11[%parallel_loop3A_1427, %parallel_loop3A_1428], %parallel_loop3A_1431 {add = true, strides = array<i32>} : memref<16x768xf32, #tpu.memory_space<vmem>>, vector<1x16xf32>,
        %parallel_loop3A_1432 = arith.index_cast %parallel_loop3A_404 : i32 to index
        %parallel_loop3A_1433 = arith.constant 672 : index
        %parallel_loop3A_1434 = tpu.vector_load %arg12[%parallel_loop3A_1432, %parallel_loop3A_1433] {strides = array<i32>} : memref<16x768xf32, #tpu.memory_space<vmem>>, vector<1x16xf32>,
        %parallel_loop3A_1435 = vector.shape_cast %parallel_loop3A_1434 : vector<1x16xf32> to vector<16xf32>
        %parallel_loop3A_1436 = vector.shape_cast %parallel_loop3A_1416 : vector<16xf32> to vector<1x16xf32>
        tpu.vector_store %arg12[%parallel_loop3A_1432, %parallel_loop3A_1433], %parallel_loop3A_1436 {add = true, strides = array<i32>} : memref<16x768xf32, #tpu.memory_space<vmem>>, vector<1x16xf32>,
        %parallel_loop3A_1437 = arith.index_cast %parallel_loop3A_404 : i32 to index
        %parallel_loop3A_1438 = arith.constant 688 : index
        %parallel_loop3A_1439 = tpu.vector_load %arg14[%parallel_loop3A_1437, %parallel_loop3A_1438] {strides = array<i32>} : memref<16x768xf32, #tpu.memory_space<vmem>>, vector<1x16xf32>,
        %parallel_loop3A_1440 = vector.shape_cast %parallel_loop3A_1439 : vector<1x16xf32> to vector<16xf32>
        %parallel_loop3A_1441 = arith.index_cast %parallel_loop3A_404 : i32 to index
        %parallel_loop3A_1442 = arith.constant 688 : index
        %parallel_loop3A_1443 = tpu.vector_load %arg9[%parallel_loop3A_1441, %parallel_loop3A_1442] {strides = array<i32>} : memref<16x768xf32, #tpu.memory_space<vmem>>, vector<1x16xf32>,
        %parallel_loop3A_1444 = vector.shape_cast %parallel_loop3A_1443 : vector<1x16xf32> to vector<16xf32>
        %parallel_loop3A_1445 = vector.shape_cast %parallel_loop3A_1440 : vector<16xf32> to vector<1x16xf32>
        tpu.vector_store %arg9[%parallel_loop3A_1441, %parallel_loop3A_1442], %parallel_loop3A_1445 {add = true, strides = array<i32>} : memref<16x768xf32, #tpu.memory_space<vmem>>, vector<1x16xf32>,
        %parallel_loop3A_1446 = arith.index_cast %parallel_loop3A_404 : i32 to index
        %parallel_loop3A_1447 = arith.constant 688 : index
        %parallel_loop3A_1448 = tpu.vector_load %arg10[%parallel_loop3A_1446, %parallel_loop3A_1447] {strides = array<i32>} : memref<16x768xf32, #tpu.memory_space<vmem>>, vector<1x16xf32>,
        %parallel_loop3A_1449 = vector.shape_cast %parallel_loop3A_1448 : vector<1x16xf32> to vector<16xf32>
        %parallel_loop3A_1450 = vector.shape_cast %parallel_loop3A_1440 : vector<16xf32> to vector<1x16xf32>
        tpu.vector_store %arg10[%parallel_loop3A_1446, %parallel_loop3A_1447], %parallel_loop3A_1450 {add = true, strides = array<i32>} : memref<16x768xf32, #tpu.memory_space<vmem>>, vector<1x16xf32>,
        %parallel_loop3A_1451 = arith.index_cast %parallel_loop3A_404 : i32 to index
        %parallel_loop3A_1452 = arith.constant 688 : index
        %parallel_loop3A_1453 = tpu.vector_load %arg11[%parallel_loop3A_1451, %parallel_loop3A_1452] {strides = array<i32>} : memref<16x768xf32, #tpu.memory_space<vmem>>, vector<1x16xf32>,
        %parallel_loop3A_1454 = vector.shape_cast %parallel_loop3A_1453 : vector<1x16xf32> to vector<16xf32>
        %parallel_loop3A_1455 = vector.shape_cast %parallel_loop3A_1440 : vector<16xf32> to vector<1x16xf32>
        tpu.vector_store %arg11[%parallel_loop3A_1451, %parallel_loop3A_1452], %parallel_loop3A_1455 {add = true, strides = array<i32>} : memref<16x768xf32, #tpu.memory_space<vmem>>, vector<1x16xf32>,
        %parallel_loop3A_1456 = arith.index_cast %parallel_loop3A_404 : i32 to index
        %parallel_loop3A_1457 = arith.constant 688 : index
        %parallel_loop3A_1458 = tpu.vector_load %arg12[%parallel_loop3A_1456, %parallel_loop3A_1457] {strides = array<i32>} : memref<16x768xf32, #tpu.memory_space<vmem>>, vector<1x16xf32>,
        %parallel_loop3A_1459 = vector.shape_cast %parallel_loop3A_1458 : vector<1x16xf32> to vector<16xf32>
        %parallel_loop3A_1460 = vector.shape_cast %parallel_loop3A_1440 : vector<16xf32> to vector<1x16xf32>
        tpu.vector_store %arg12[%parallel_loop3A_1456, %parallel_loop3A_1457], %parallel_loop3A_1460 {add = true, strides = array<i32>} : memref<16x768xf32, #tpu.memory_space<vmem>>, vector<1x16xf32>,
        %parallel_loop3A_1461 = arith.index_cast %parallel_loop3A_404 : i32 to index
        %parallel_loop3A_1462 = arith.constant 704 : index
        %parallel_loop3A_1463 = tpu.vector_load %arg14[%parallel_loop3A_1461, %parallel_loop3A_1462] {strides = array<i32>} : memref<16x768xf32, #tpu.memory_space<vmem>>, vector<1x16xf32>,
        %parallel_loop3A_1464 = vector.shape_cast %parallel_loop3A_1463 : vector<1x16xf32> to vector<16xf32>
        %parallel_loop3A_1465 = arith.index_cast %parallel_loop3A_404 : i32 to index
        %parallel_loop3A_1466 = arith.constant 704 : index
        %parallel_loop3A_1467 = tpu.vector_load %arg9[%parallel_loop3A_1465, %parallel_loop3A_1466] {strides = array<i32>} : memref<16x768xf32, #tpu.memory_space<vmem>>, vector<1x16xf32>,
        %parallel_loop3A_1468 = vector.shape_cast %parallel_loop3A_1467 : vector<1x16xf32> to vector<16xf32>
        %parallel_loop3A_1469 = vector.shape_cast %parallel_loop3A_1464 : vector<16xf32> to vector<1x16xf32>
        tpu.vector_store %arg9[%parallel_loop3A_1465, %parallel_loop3A_1466], %parallel_loop3A_1469 {add = true, strides = array<i32>} : memref<16x768xf32, #tpu.memory_space<vmem>>, vector<1x16xf32>,
        %parallel_loop3A_1470 = arith.index_cast %parallel_loop3A_404 : i32 to index
        %parallel_loop3A_1471 = arith.constant 704 : index
        %parallel_loop3A_1472 = tpu.vector_load %arg10[%parallel_loop3A_1470, %parallel_loop3A_1471] {strides = array<i32>} : memref<16x768xf32, #tpu.memory_space<vmem>>, vector<1x16xf32>,
        %parallel_loop3A_1473 = vector.shape_cast %parallel_loop3A_1472 : vector<1x16xf32> to vector<16xf32>
        %parallel_loop3A_1474 = vector.shape_cast %parallel_loop3A_1464 : vector<16xf32> to vector<1x16xf32>
        tpu.vector_store %arg10[%parallel_loop3A_1470, %parallel_loop3A_1471], %parallel_loop3A_1474 {add = true, strides = array<i32>} : memref<16x768xf32, #tpu.memory_space<vmem>>, vector<1x16xf32>,
        %parallel_loop3A_1475 = arith.index_cast %parallel_loop3A_404 : i32 to index
        %parallel_loop3A_1476 = arith.constant 704 : index
        %parallel_loop3A_1477 = tpu.vector_load %arg11[%parallel_loop3A_1475, %parallel_loop3A_1476] {strides = array<i32>} : memref<16x768xf32, #tpu.memory_space<vmem>>, vector<1x16xf32>,
        %parallel_loop3A_1478 = vector.shape_cast %parallel_loop3A_1477 : vector<1x16xf32> to vector<16xf32>
        %parallel_loop3A_1479 = vector.shape_cast %parallel_loop3A_1464 : vector<16xf32> to vector<1x16xf32>
        tpu.vector_store %arg11[%parallel_loop3A_1475, %parallel_loop3A_1476], %parallel_loop3A_1479 {add = true, strides = array<i32>} : memref<16x768xf32, #tpu.memory_space<vmem>>, vector<1x16xf32>,
        %parallel_loop3A_1480 = arith.index_cast %parallel_loop3A_404 : i32 to index
        %parallel_loop3A_1481 = arith.constant 704 : index
        %parallel_loop3A_1482 = tpu.vector_load %arg12[%parallel_loop3A_1480, %parallel_loop3A_1481] {strides = array<i32>} : memref<16x768xf32, #tpu.memory_space<vmem>>, vector<1x16xf32>,
        %parallel_loop3A_1483 = vector.shape_cast %parallel_loop3A_1482 : vector<1x16xf32> to vector<16xf32>
        %parallel_loop3A_1484 = vector.shape_cast %parallel_loop3A_1464 : vector<16xf32> to vector<1x16xf32>
        tpu.vector_store %arg12[%parallel_loop3A_1480, %parallel_loop3A_1481], %parallel_loop3A_1484 {add = true, strides = array<i32>} : memref<16x768xf32, #tpu.memory_space<vmem>>, vector<1x16xf32>,
        %parallel_loop3A_1485 = arith.index_cast %parallel_loop3A_404 : i32 to index
        %parallel_loop3A_1486 = arith.constant 720 : index
        %parallel_loop3A_1487 = tpu.vector_load %arg14[%parallel_loop3A_1485, %parallel_loop3A_1486] {strides = array<i32>} : memref<16x768xf32, #tpu.memory_space<vmem>>, vector<1x16xf32>,
        %parallel_loop3A_1488 = vector.shape_cast %parallel_loop3A_1487 : vector<1x16xf32> to vector<16xf32>
        %parallel_loop3A_1489 = arith.index_cast %parallel_loop3A_404 : i32 to index
        %parallel_loop3A_1490 = arith.constant 720 : index
        %parallel_loop3A_1491 = tpu.vector_load %arg9[%parallel_loop3A_1489, %parallel_loop3A_1490] {strides = array<i32>} : memref<16x768xf32, #tpu.memory_space<vmem>>, vector<1x16xf32>,
        %parallel_loop3A_1492 = vector.shape_cast %parallel_loop3A_1491 : vector<1x16xf32> to vector<16xf32>
        %parallel_loop3A_1493 = vector.shape_cast %parallel_loop3A_1488 : vector<16xf32> to vector<1x16xf32>
        tpu.vector_store %arg9[%parallel_loop3A_1489, %parallel_loop3A_1490], %parallel_loop3A_1493 {add = true, strides = array<i32>} : memref<16x768xf32, #tpu.memory_space<vmem>>, vector<1x16xf32>,
        %parallel_loop3A_1494 = arith.index_cast %parallel_loop3A_404 : i32 to index
        %parallel_loop3A_1495 = arith.constant 720 : index
        %parallel_loop3A_1496 = tpu.vector_load %arg10[%parallel_loop3A_1494, %parallel_loop3A_1495] {strides = array<i32>} : memref<16x768xf32, #tpu.memory_space<vmem>>, vector<1x16xf32>,
        %parallel_loop3A_1497 = vector.shape_cast %parallel_loop3A_1496 : vector<1x16xf32> to vector<16xf32>
        %parallel_loop3A_1498 = vector.shape_cast %parallel_loop3A_1488 : vector<16xf32> to vector<1x16xf32>
        tpu.vector_store %arg10[%parallel_loop3A_1494, %parallel_loop3A_1495], %parallel_loop3A_1498 {add = true, strides = array<i32>} : memref<16x768xf32, #tpu.memory_space<vmem>>, vector<1x16xf32>,
        %parallel_loop3A_1499 = arith.index_cast %parallel_loop3A_404 : i32 to index
        %parallel_loop3A_1500 = arith.constant 720 : index
        %parallel_loop3A_1501 = tpu.vector_load %arg11[%parallel_loop3A_1499, %parallel_loop3A_1500] {strides = array<i32>} : memref<16x768xf32, #tpu.memory_space<vmem>>, vector<1x16xf32>,
        %parallel_loop3A_1502 = vector.shape_cast %parallel_loop3A_1501 : vector<1x16xf32> to vector<16xf32>
        %parallel_loop3A_1503 = vector.shape_cast %parallel_loop3A_1488 : vector<16xf32> to vector<1x16xf32>
        tpu.vector_store %arg11[%parallel_loop3A_1499, %parallel_loop3A_1500], %parallel_loop3A_1503 {add = true, strides = array<i32>} : memref<16x768xf32, #tpu.memory_space<vmem>>, vector<1x16xf32>,
        %parallel_loop3A_1504 = arith.index_cast %parallel_loop3A_404 : i32 to index
        %parallel_loop3A_1505 = arith.constant 720 : index
        %parallel_loop3A_1506 = tpu.vector_load %arg12[%parallel_loop3A_1504, %parallel_loop3A_1505] {strides = array<i32>} : memref<16x768xf32, #tpu.memory_space<vmem>>, vector<1x16xf32>,
        %parallel_loop3A_1507 = vector.shape_cast %parallel_loop3A_1506 : vector<1x16xf32> to vector<16xf32>
        %parallel_loop3A_1508 = vector.shape_cast %parallel_loop3A_1488 : vector<16xf32> to vector<1x16xf32>
        tpu.vector_store %arg12[%parallel_loop3A_1504, %parallel_loop3A_1505], %parallel_loop3A_1508 {add = true, strides = array<i32>} : memref<16x768xf32, #tpu.memory_space<vmem>>, vector<1x16xf32>,
        %parallel_loop3A_1509 = arith.index_cast %parallel_loop3A_404 : i32 to index
        %parallel_loop3A_1510 = arith.constant 736 : index
        %parallel_loop3A_1511 = tpu.vector_load %arg14[%parallel_loop3A_1509, %parallel_loop3A_1510] {strides = array<i32>} : memref<16x768xf32, #tpu.memory_space<vmem>>, vector<1x16xf32>,
        %parallel_loop3A_1512 = vector.shape_cast %parallel_loop3A_1511 : vector<1x16xf32> to vector<16xf32>
        %parallel_loop3A_1513 = arith.index_cast %parallel_loop3A_404 : i32 to index
        %parallel_loop3A_1514 = arith.constant 736 : index
        %parallel_loop3A_1515 = tpu.vector_load %arg9[%parallel_loop3A_1513, %parallel_loop3A_1514] {strides = array<i32>} : memref<16x768xf32, #tpu.memory_space<vmem>>, vector<1x16xf32>,
        %parallel_loop3A_1516 = vector.shape_cast %parallel_loop3A_1515 : vector<1x16xf32> to vector<16xf32>
        %parallel_loop3A_1517 = vector.shape_cast %parallel_loop3A_1512 : vector<16xf32> to vector<1x16xf32>
        tpu.vector_store %arg9[%parallel_loop3A_1513, %parallel_loop3A_1514], %parallel_loop3A_1517 {add = true, strides = array<i32>} : memref<16x768xf32, #tpu.memory_space<vmem>>, vector<1x16xf32>,
        %parallel_loop3A_1518 = arith.index_cast %parallel_loop3A_404 : i32 to index
        %parallel_loop3A_1519 = arith.constant 736 : index
        %parallel_loop3A_1520 = tpu.vector_load %arg10[%parallel_loop3A_1518, %parallel_loop3A_1519] {strides = array<i32>} : memref<16x768xf32, #tpu.memory_space<vmem>>, vector<1x16xf32>,
        %parallel_loop3A_1521 = vector.shape_cast %parallel_loop3A_1520 : vector<1x16xf32> to vector<16xf32>
        %parallel_loop3A_1522 = vector.shape_cast %parallel_loop3A_1512 : vector<16xf32> to vector<1x16xf32>
        tpu.vector_store %arg10[%parallel_loop3A_1518, %parallel_loop3A_1519], %parallel_loop3A_1522 {add = true, strides = array<i32>} : memref<16x768xf32, #tpu.memory_space<vmem>>, vector<1x16xf32>,
        %parallel_loop3A_1523 = arith.index_cast %parallel_loop3A_404 : i32 to index
        %parallel_loop3A_1524 = arith.constant 736 : index
        %parallel_loop3A_1525 = tpu.vector_load %arg11[%parallel_loop3A_1523, %parallel_loop3A_1524] {strides = array<i32>} : memref<16x768xf32, #tpu.memory_space<vmem>>, vector<1x16xf32>,
        %parallel_loop3A_1526 = vector.shape_cast %parallel_loop3A_1525 : vector<1x16xf32> to vector<16xf32>
        %parallel_loop3A_1527 = vector.shape_cast %parallel_loop3A_1512 : vector<16xf32> to vector<1x16xf32>
        tpu.vector_store %arg11[%parallel_loop3A_1523, %parallel_loop3A_1524], %parallel_loop3A_1527 {add = true, strides = array<i32>} : memref<16x768xf32, #tpu.memory_space<vmem>>, vector<1x16xf32>,
        %parallel_loop3A_1528 = arith.index_cast %parallel_loop3A_404 : i32 to index
        %parallel_loop3A_1529 = arith.constant 736 : index
        %parallel_loop3A_1530 = tpu.vector_load %arg12[%parallel_loop3A_1528, %parallel_loop3A_1529] {strides = array<i32>} : memref<16x768xf32, #tpu.memory_space<vmem>>, vector<1x16xf32>,
        %parallel_loop3A_1531 = vector.shape_cast %parallel_loop3A_1530 : vector<1x16xf32> to vector<16xf32>
        %parallel_loop3A_1532 = vector.shape_cast %parallel_loop3A_1512 : vector<16xf32> to vector<1x16xf32>
        tpu.vector_store %arg12[%parallel_loop3A_1528, %parallel_loop3A_1529], %parallel_loop3A_1532 {add = true, strides = array<i32>} : memref<16x768xf32, #tpu.memory_space<vmem>>, vector<1x16xf32>,
        %parallel_loop3A_1533 = arith.index_cast %parallel_loop3A_404 : i32 to index
        %parallel_loop3A_1534 = arith.constant 752 : index
        %parallel_loop3A_1535 = tpu.vector_load %arg14[%parallel_loop3A_1533, %parallel_loop3A_1534] {strides = array<i32>} : memref<16x768xf32, #tpu.memory_space<vmem>>, vector<1x16xf32>,
        %parallel_loop3A_1536 = vector.shape_cast %parallel_loop3A_1535 : vector<1x16xf32> to vector<16xf32>
        %parallel_loop3A_1537 = arith.index_cast %parallel_loop3A_404 : i32 to index
        %parallel_loop3A_1538 = arith.constant 752 : index
        %parallel_loop3A_1539 = tpu.vector_load %arg9[%parallel_loop3A_1537, %parallel_loop3A_1538] {strides = array<i32>} : memref<16x768xf32, #tpu.memory_space<vmem>>, vector<1x16xf32>,
        %parallel_loop3A_1540 = vector.shape_cast %parallel_loop3A_1539 : vector<1x16xf32> to vector<16xf32>
        %parallel_loop3A_1541 = vector.shape_cast %parallel_loop3A_1536 : vector<16xf32> to vector<1x16xf32>
        tpu.vector_store %arg9[%parallel_loop3A_1537, %parallel_loop3A_1538], %parallel_loop3A_1541 {add = true, strides = array<i32>} : memref<16x768xf32, #tpu.memory_space<vmem>>, vector<1x16xf32>,
        %parallel_loop3A_1542 = arith.index_cast %parallel_loop3A_404 : i32 to index
        %parallel_loop3A_1543 = arith.constant 752 : index
        %parallel_loop3A_1544 = tpu.vector_load %arg10[%parallel_loop3A_1542, %parallel_loop3A_1543] {strides = array<i32>} : memref<16x768xf32, #tpu.memory_space<vmem>>, vector<1x16xf32>,
        %parallel_loop3A_1545 = vector.shape_cast %parallel_loop3A_1544 : vector<1x16xf32> to vector<16xf32>
        %parallel_loop3A_1546 = vector.shape_cast %parallel_loop3A_1536 : vector<16xf32> to vector<1x16xf32>
        tpu.vector_store %arg10[%parallel_loop3A_1542, %parallel_loop3A_1543], %parallel_loop3A_1546 {add = true, strides = array<i32>} : memref<16x768xf32, #tpu.memory_space<vmem>>, vector<1x16xf32>,
        %parallel_loop3A_1547 = arith.index_cast %parallel_loop3A_404 : i32 to index
        %parallel_loop3A_1548 = arith.constant 752 : index
        %parallel_loop3A_1549 = tpu.vector_load %arg11[%parallel_loop3A_1547, %parallel_loop3A_1548] {strides = array<i32>} : memref<16x768xf32, #tpu.memory_space<vmem>>, vector<1x16xf32>,
        %parallel_loop3A_1550 = vector.shape_cast %parallel_loop3A_1549 : vector<1x16xf32> to vector<16xf32>
        %parallel_loop3A_1551 = vector.shape_cast %parallel_loop3A_1536 : vector<16xf32> to vector<1x16xf32>
        tpu.vector_store %arg11[%parallel_loop3A_1547, %parallel_loop3A_1548], %parallel_loop3A_1551 {add = true, strides = array<i32>} : memref<16x768xf32, #tpu.memory_space<vmem>>, vector<1x16xf32>,
        %parallel_loop3A_1552 = arith.index_cast %parallel_loop3A_404 : i32 to index
        %parallel_loop3A_1553 = arith.constant 752 : index
        %parallel_loop3A_1554 = tpu.vector_load %arg12[%parallel_loop3A_1552, %parallel_loop3A_1553] {strides = array<i32>} : memref<16x768xf32, #tpu.memory_space<vmem>>, vector<1x16xf32>,
        %parallel_loop3A_1555 = vector.shape_cast %parallel_loop3A_1554 : vector<1x16xf32> to vector<16xf32>
        %parallel_loop3A_1556 = vector.shape_cast %parallel_loop3A_1536 : vector<16xf32> to vector<1x16xf32>
        tpu.vector_store %arg12[%parallel_loop3A_1552, %parallel_loop3A_1553], %parallel_loop3A_1556 {add = true, strides = array<i32>} : memref<16x768xf32, #tpu.memory_space<vmem>>, vector<1x16xf32>,
      } {sc.loop_unroll_factor = 1 : i64, sc.parallel_access}
      %mul3A_359 = arith.constant 16 : i32
      %mul3A_360 = arith.muli %add3A_256, %mul3A_359 : i32
      %add3A_361 = arith.addi %mul3A_2, %mul3A_360 : i32
      %dma_start3A_362 = arith.constant 0 : i32
      %dma_start3A_363 = arith.constant 0 : i32
      %dma_start3A_364 = tpu.memref_slice %arg4[%dma_start3A_362, %add3A_361, %dma_start3A_363] : memref<4x8192x768xf32, #tpu.memory_space<hbm>> -> memref<1x16x768xf32, #tpu.memory_space<hbm>>
      %dma_start3A_365 = tpu.memref_squeeze %dma_start3A_364 : memref<1x16x768xf32, #tpu.memory_space<hbm>> -> memref<16x768xf32, #tpu.memory_space<hbm>>
      %dma_start3A_366 = arith.constant 0 : i32
      %dma_start3A_367 = tpu.memref_slice %arg4[%dma_start3A_362, %add3A_361, %dma_start3A_366] : memref<4x8192x768xf32, #tpu.memory_space<hbm>> -> memref<1x16x768xf32, #tpu.memory_space<hbm>>
      %dma_start3A_368 = tpu.memref_squeeze %dma_start3A_367 : memref<1x16x768xf32, #tpu.memory_space<hbm>> -> memref<16x768xf32, #tpu.memory_space<hbm>>
      tpu.enqueue_dma source(%arg9 : memref<16x768xf32, #tpu.memory_space<vmem>>) target(%dma_start3A_368 : memref<16x768xf32, #tpu.memory_space<hbm>>) target_semaphore(%arg27 : memref<!tpu.dma_semaphore, #tpu.memory_space<semaphore_mem>>)
      %mul3A_369 = arith.constant 16 : i32
      %mul3A_370 = arith.muli %add3A_256, %mul3A_369 : i32
      %add3A_371 = arith.addi %mul3A_2, %mul3A_370 : i32
      %dma_start3A_372 = arith.constant 1 : i32
      %dma_start3A_373 = arith.constant 0 : i32
      %dma_start3A_374 = tpu.memref_slice %arg4[%dma_start3A_372, %add3A_371, %dma_start3A_373] : memref<4x8192x768xf32, #tpu.memory_space<hbm>> -> memref<1x16x768xf32, #tpu.memory_space<hbm>>
      %dma_start3A_375 = tpu.memref_squeeze %dma_start3A_374 : memref<1x16x768xf32, #tpu.memory_space<hbm>> -> memref<16x768xf32, #tpu.memory_space<hbm>>
      %dma_start3A_376 = arith.constant 0 : i32
      %dma_start3A_377 = tpu.memref_slice %arg4[%dma_start3A_372, %add3A_371, %dma_start3A_376] : memref<4x8192x768xf32, #tpu.memory_space<hbm>> -> memref<1x16x768xf32, #tpu.memory_space<hbm>>
      %dma_start3A_378 = tpu.memref_squeeze %dma_start3A_377 : memref<1x16x768xf32, #tpu.memory_space<hbm>> -> memref<16x768xf32, #tpu.memory_space<hbm>>
      tpu.enqueue_dma source(%arg10 : memref<16x768xf32, #tpu.memory_space<vmem>>) target(%dma_start3A_378 : memref<16x768xf32, #tpu.memory_space<hbm>>) target_semaphore(%arg28 : memref<!tpu.dma_semaphore, #tpu.memory_space<semaphore_mem>>)
      %mul3A_379 = arith.constant 16 : i32
      %mul3A_380 = arith.muli %add3A_256, %mul3A_379 : i32
      %add3A_381 = arith.addi %mul3A_2, %mul3A_380 : i32
      %dma_start3A_382 = arith.constant 2 : i32
      %dma_start3A_383 = arith.constant 0 : i32
      %dma_start3A_384 = tpu.memref_slice %arg4[%dma_start3A_382, %add3A_381, %dma_start3A_383] : memref<4x8192x768xf32, #tpu.memory_space<hbm>> -> memref<1x16x768xf32, #tpu.memory_space<hbm>>
      %dma_start3A_385 = tpu.memref_squeeze %dma_start3A_384 : memref<1x16x768xf32, #tpu.memory_space<hbm>> -> memref<16x768xf32, #tpu.memory_space<hbm>>
      %dma_start3A_386 = arith.constant 0 : i32
      %dma_start3A_387 = tpu.memref_slice %arg4[%dma_start3A_382, %add3A_381, %dma_start3A_386] : memref<4x8192x768xf32, #tpu.memory_space<hbm>> -> memref<1x16x768xf32, #tpu.memory_space<hbm>>
      %dma_start3A_388 = tpu.memref_squeeze %dma_start3A_387 : memref<1x16x768xf32, #tpu.memory_space<hbm>> -> memref<16x768xf32, #tpu.memory_space<hbm>>
      tpu.enqueue_dma source(%arg11 : memref<16x768xf32, #tpu.memory_space<vmem>>) target(%dma_start3A_388 : memref<16x768xf32, #tpu.memory_space<hbm>>) target_semaphore(%arg29 : memref<!tpu.dma_semaphore, #tpu.memory_space<semaphore_mem>>)
      %mul3A_389 = arith.constant 16 : i32
      %mul3A_390 = arith.muli %add3A_256, %mul3A_389 : i32
      %add3A_391 = arith.addi %mul3A_2, %mul3A_390 : i32
      %dma_start3A_392 = arith.constant 3 : i32
      %dma_start3A_393 = arith.constant 0 : i32
      %dma_start3A_394 = tpu.memref_slice %arg4[%dma_start3A_392, %add3A_391, %dma_start3A_393] : memref<4x8192x768xf32, #tpu.memory_space<hbm>> -> memref<1x16x768xf32, #tpu.memory_space<hbm>>
      %dma_start3A_395 = tpu.memref_squeeze %dma_start3A_394 : memref<1x16x768xf32, #tpu.memory_space<hbm>> -> memref<16x768xf32, #tpu.memory_space<hbm>>
      %dma_start3A_396 = arith.constant 0 : i32
      %dma_start3A_397 = tpu.memref_slice %arg4[%dma_start3A_392, %add3A_391, %dma_start3A_396] : memref<4x8192x768xf32, #tpu.memory_space<hbm>> -> memref<1x16x768xf32, #tpu.memory_space<hbm>>
      %dma_start3A_398 = tpu.memref_squeeze %dma_start3A_397 : memref<1x16x768xf32, #tpu.memory_space<hbm>> -> memref<16x768xf32, #tpu.memory_space<hbm>>
      tpu.enqueue_dma source(%arg12 : memref<16x768xf32, #tpu.memory_space<vmem>>) target(%dma_start3A_398 : memref<16x768xf32, #tpu.memory_space<hbm>>) target_semaphore(%arg30 : memref<!tpu.dma_semaphore, #tpu.memory_space<semaphore_mem>>)
      %lt3A_399 = arith.constant 7 : i32
      %lt3A_400 = arith.cmpi slt, %scan3A_90, %lt3A_399 : i32
      %convert_element_type3A_401 = arith.extui %lt3A_400 : i1 to i32
      %cond3A_402 = arith.constant 0 : i32
      %cond3A_403 = arith.cmpi ne, %convert_element_type3A_401, %cond3A_402 : i32
      scf.if %cond3A_403 {
        %add3A_404 = arith.constant 2 : i32
        %add3A_405 = arith.addi %add3A_256, %add3A_404 : i32
        %mul3A_406 = arith.constant 16 : i32
        %mul3A_407 = arith.muli %add3A_405, %mul3A_406 : i32
        %add3A_408 = arith.addi %mul3A_2, %mul3A_407 : i32
        %dma_start3A_409 = arith.constant 0 : i32
        %dma_start3A_410 = tpu.memref_slice %arg3[%add3A_408, %dma_start3A_409] : memref<8192x768xf32, #tpu.memory_space<hbm>> -> memref<16x768xf32, #tpu.memory_space<hbm>>
        %dma_start3A_411 = arith.constant 0 : i32
        %dma_start3A_412 = tpu.memref_slice %arg3[%add3A_408, %dma_start3A_411] : memref<8192x768xf32, #tpu.memory_space<hbm>> -> memref<16x768xf32, #tpu.memory_space<hbm>>
        tpu.enqueue_dma source(%dma_start3A_412 : memref<16x768xf32, #tpu.memory_space<hbm>>) target(%arg14 : memref<16x768xf32, #tpu.memory_space<vmem>>) target_semaphore(%arg32 : memref<!tpu.dma_semaphore, #tpu.memory_space<semaphore_mem>>)
      } else {
      }
    }
    %scan3A_54 = arith.constant 8 : i32
    %add3A_55 = arith.constant 240 : i32
    %add3A_56 = arith.addi %mul3A_2, %add3A_55 : i32
    %dma_wait3A = arith.constant 0 : i32
    %dma_wait3A_57 = arith.constant 0 : i32
    %dma_wait3A_58 = tpu.memref_slice %arg4[%dma_wait3A, %add3A_56, %dma_wait3A_57] : memref<4x8192x768xf32, #tpu.memory_space<hbm>> -> memref<1x16x768xf32, #tpu.memory_space<hbm>>
    %dma_wait3A_59 = tpu.memref_squeeze %dma_wait3A_58 : memref<1x16x768xf32, #tpu.memory_space<hbm>> -> memref<16x768xf32, #tpu.memory_space<hbm>>
    %dma_wait3A_60 = arith.constant 0 : i32
    %dma_wait3A_61 = tpu.memref_slice %arg4[%dma_wait3A, %add3A_56, %dma_wait3A_60] : memref<4x8192x768xf32, #tpu.memory_space<hbm>> -> memref<1x16x768xf32, #tpu.memory_space<hbm>>
    %dma_wait3A_62 = tpu.memref_squeeze %dma_wait3A_61 : memref<1x16x768xf32, #tpu.memory_space<hbm>> -> memref<16x768xf32, #tpu.memory_space<hbm>>
    tpu.wait_dma2 semaphore(%arg27 : memref<!tpu.dma_semaphore, #tpu.memory_space<semaphore_mem>>) src(%arg9 : memref<16x768xf32, #tpu.memory_space<vmem>>) dst(%dma_wait3A_62 : memref<16x768xf32, #tpu.memory_space<hbm>>)
    %add3A_63 = arith.constant 240 : i32
    %add3A_64 = arith.addi %mul3A_2, %add3A_63 : i32
    %dma_wait3A_65 = arith.constant 1 : i32
    %dma_wait3A_66 = arith.constant 0 : i32
    %dma_wait3A_67 = tpu.memref_slice %arg4[%dma_wait3A_65, %add3A_64, %dma_wait3A_66] : memref<4x8192x768xf32, #tpu.memory_space<hbm>> -> memref<1x16x768xf32, #tpu.memory_space<hbm>>
    %dma_wait3A_68 = tpu.memref_squeeze %dma_wait3A_67 : memref<1x16x768xf32, #tpu.memory_space<hbm>> -> memref<16x768xf32, #tpu.memory_space<hbm>>
    %dma_wait3A_69 = arith.constant 0 : i32
    %dma_wait3A_70 = tpu.memref_slice %arg4[%dma_wait3A_65, %add3A_64, %dma_wait3A_69] : memref<4x8192x768xf32, #tpu.memory_space<hbm>> -> memref<1x16x768xf32, #tpu.memory_space<hbm>>
    %dma_wait3A_71 = tpu.memref_squeeze %dma_wait3A_70 : memref<1x16x768xf32, #tpu.memory_space<hbm>> -> memref<16x768xf32, #tpu.memory_space<hbm>>
    tpu.wait_dma2 semaphore(%arg28 : memref<!tpu.dma_semaphore, #tpu.memory_space<semaphore_mem>>) src(%arg10 : memref<16x768xf32, #tpu.memory_space<vmem>>) dst(%dma_wait3A_71 : memref<16x768xf32, #tpu.memory_space<hbm>>)
    %add3A_72 = arith.constant 240 : i32
    %add3A_73 = arith.addi %mul3A_2, %add3A_72 : i32
    %dma_wait3A_74 = arith.constant 2 : i32
    %dma_wait3A_75 = arith.constant 0 : i32
    %dma_wait3A_76 = tpu.memref_slice %arg4[%dma_wait3A_74, %add3A_73, %dma_wait3A_75] : memref<4x8192x768xf32, #tpu.memory_space<hbm>> -> memref<1x16x768xf32, #tpu.memory_space<hbm>>
    %dma_wait3A_77 = tpu.memref_squeeze %dma_wait3A_76 : memref<1x16x768xf32, #tpu.memory_space<hbm>> -> memref<16x768xf32, #tpu.memory_space<hbm>>
    %dma_wait3A_78 = arith.constant 0 : i32
    %dma_wait3A_79 = tpu.memref_slice %arg4[%dma_wait3A_74, %add3A_73, %dma_wait3A_78] : memref<4x8192x768xf32, #tpu.memory_space<hbm>> -> memref<1x16x768xf32, #tpu.memory_space<hbm>>
    %dma_wait3A_80 = tpu.memref_squeeze %dma_wait3A_79 : memref<1x16x768xf32, #tpu.memory_space<hbm>> -> memref<16x768xf32, #tpu.memory_space<hbm>>
    tpu.wait_dma2 semaphore(%arg29 : memref<!tpu.dma_semaphore, #tpu.memory_space<semaphore_mem>>) src(%arg11 : memref<16x768xf32, #tpu.memory_space<vmem>>) dst(%dma_wait3A_80 : memref<16x768xf32, #tpu.memory_space<hbm>>)
    %add3A_81 = arith.constant 240 : i32
    %add3A_82 = arith.addi %mul3A_2, %add3A_81 : i32
    %dma_wait3A_83 = arith.constant 3 : i32
    %dma_wait3A_84 = arith.constant 0 : i32
    %dma_wait3A_85 = tpu.memref_slice %arg4[%dma_wait3A_83, %add3A_82, %dma_wait3A_84] : memref<4x8192x768xf32, #tpu.memory_space<hbm>> -> memref<1x16x768xf32, #tpu.memory_space<hbm>>
    %dma_wait3A_86 = tpu.memref_squeeze %dma_wait3A_85 : memref<1x16x768xf32, #tpu.memory_space<hbm>> -> memref<16x768xf32, #tpu.memory_space<hbm>>
    %dma_wait3A_87 = arith.constant 0 : i32
    %dma_wait3A_88 = tpu.memref_slice %arg4[%dma_wait3A_83, %add3A_82, %dma_wait3A_87] : memref<4x8192x768xf32, #tpu.memory_space<hbm>> -> memref<1x16x768xf32, #tpu.memory_space<hbm>>
    %dma_wait3A_89 = tpu.memref_squeeze %dma_wait3A_88 : memref<1x16x768xf32, #tpu.memory_space<hbm>> -> memref<16x768xf32, #tpu.memory_space<hbm>>
    tpu.wait_dma2 semaphore(%arg30 : memref<!tpu.dma_semaphore, #tpu.memory_space<semaphore_mem>>) src(%arg12 : memref<16x768xf32, #tpu.memory_space<vmem>>) dst(%dma_wait3A_89 : memref<16x768xf32, #tpu.memory_space<hbm>>)
    return
  }
}

</mosaic_0001>

<sc_bundles>
// kernel: kernel.3.cloned.1.call-start
scs
__scs_entry_jumppad:
0x0: {  	(pc) =	sbr.rel $0x88, $3  }
0x1: {  	(tag) =	ssettag $0x0;
	lr =	simm.s32 $0x1  }
0x2: {  	[smem:$0x3F9F] =	sst lr;
	_ =	strace $0xD0000000  }
0x3: {  	_ = 	snop  }
0x4: {  	_ = 	snop  }
0x5: {  	_ = 	snop  }
0x6: {  	_ = 	snop  }
0x7: {  	_ = 	snop  }
__scs_overlays_trampoline_lowered:
0x8: {  	[smem:$0x3FAE] =	sst s0  }
0x9: {  	[smem:$0x3FAF] =	sst s1  }
0xa: {  	[smem:$0x3FB0] =	sst s2  }
0xb: {  	[smem:$0x3FB1] =	sst s3  }
0xc: {  	[smem:$0x3FB2] =	sst s4  }
0xd: {  	[smem:$0x3FB3] =	sst s5  }
0xe: {  	[smem:$0x3FB4] =	sst s6  }
0xf: {  	[smem:$0x3FB5] =	sst s7  }
0x10: {  	[smem:$0x3FB6] =	sst s8  }
0x11: {  	[smem:$0x3FB7] =	sst s9;
	s0 =	simm.s32 @!p0 $0x0  }
0x12: {  	s1 =	sld [smem:$0x3F9D];
	s0 =	simm.s32 @p0 $0x1  }
0x13: {  	[smem:$0x3FB8] =	sst s0;
	s0 =	simm.s32 @!p1 $0x0  }
0x14: {  	s2 =	sld [smem:$0x3F9C];
	s0 =	simm.s32 @p1 $0x1  }
0x15: {  	[smem:$0x3FB9] =	sst s0;
	s0 =	simm.s32 @!p2 $0x0  }
0x16: {  	s3 =	sld [smem:$0x3FDB];
	s0 =	simm.s32 @p2 $0x1  }
0x17: {  	s4 =	simm.s32 $0x1BF5;
	[smem:$0x3FBB] =	sst s0  }
0x18: {  	s0 =	sld [smem:$0x3F9E];
	_ =	swait.ge [sflag:s4], $0x0  }
0x19: {  	s7 =	sld [smem:$0x3F9F]  }
0x1a: {  	s8 =	sadd.s32 $0xFFFFE003, lr  }
0x1b: {  	s9 =	sadd.s32 $0xFFFFFEF7, lr;
	s5 =	simm.s32 $0xFFFFFFFF;
	p2 =	slt.u32 s8, $0xFFFFF086  }
0x1c: {  	p1 =	slt.u32 s9, $0xF7A;
	s5 =	simm.s32 @!p2 $0x0  }
0x1d: {  	s5 =	simm.s32 @p1 $0x1;
	p0 =	seq.s32 s7, s2  }
0x1e: {  	s7 =	smul.u32 @!p0 $0xF7A, s2;
	p2 =	seq.s32 @!p0 s5, $0x0  }
0x1f: {  	s9 =	smul.u32 $0xF7A, s1;
	s8 =	simm.s32 @!p0 $0x1BF5;
	p2 =	por !p2, p0  }
0x20: {  	[sflag:s8] =	ssyncset.s32 @!p0 $0xFFFFF086;
	s6 =	sadd.s32 @!p0 s3, s7;
	s7 =	simm.s32 @!p0 $0x108  }
0x21: {  	s3 =	sadd.s32 s3, s9;
	s6 =	sadd.s32 @!p0 $0x88, s6;
	s7 =	simm.s32 @p2 $0x1082  }
0x22: {  	[simem:s7], [sflag:s8] =	dma.local @!p0 [hbm:s6], $0xF7A  }
0x23: {  	s9 =	sor.u32 $0xD0000000, s2;
	s6 =	simm.s32 $0x108;
	_ =	swait.ge @!p0 [sflag:s8], $0x0  }
0x24: {  	s3 =	sadd.s32 $0x88, s3;
	s6 =	simm.s32 @!p1 $0x1082;
	[sflag:s4] =	ssyncset.s32 $0xFFFFF086  }
0x25: {  	[simem:s6], [sflag:s4] =	dma.local [hbm:s3], $0xF7A  }
0x26: {  	[smem:$0x3F9F] =	sst s1;
	(tag) =	ssettag s2;
	_ =	strace s9  }
0x27: {  	s1 =	sld [smem:$0x3FAF]  }
0x28: {  	s2 =	sld [smem:$0x3FB0]  }
0x29: {  	s4 =	sld [smem:$0x3FB2]  }
0x2a: {  	p0 =	seq.s32 s5, $0x0;
	s5 =	sld [smem:$0x3FB3]  }
0x2b: {  	s6 =	sld [smem:$0x3FB4]  }
0x2c: {  	s7 =	sld [smem:$0x3FB5]  }
0x2d: {  	s3 =	simm.s32 $0x108;
	s8 =	sld [smem:$0x3FB6]  }
0x2e: {  	s3 =	simm.s32 @!p0 $0x1082;
	s9 =	sld [smem:$0x3FB7]  }
0x2f: {  	lr =	sadd.s32 s0, s3;
	s0 =	sld [smem:$0x3FAE]  }
0x30: {  	s3 =	sld [smem:$0x3FB1]  }
0x31: {  	[smem:$0x3FBA] =	sst s10  }
0x32: {  	s10 =	sld [smem:$0x3FB8];
	_ =	sdelay $0x3  }
0x33: {  	p0 =	seq.s32 s10, $0x1;
	s10 =	sld [smem:$0x3FBA];
	_ =	sdelay $0x3  }
0x34: {  	[smem:$0x3FBA] =	sst s10  }
0x35: {  	s10 =	sld [smem:$0x3FB9];
	_ =	sdelay $0x3  }
0x36: {  	p1 =	seq.s32 s10, $0x1;
	s10 =	sld [smem:$0x3FBA];
	_ =	sdelay $0x3  }
0x37: {  	[smem:$0x3FBA] =	sst s10  }
0x38: {  	s10 =	sld [smem:$0x3FBB]  }
0x39: {  	_ = 	snop;
	(pc) =	sbr.ind lr, $3  }
0x3a: {  	_ = 	snop  }
0x3b: {  	_ = 	snop  }
0x3c: {  	p2 =	seq.s32 s10, $0x1;
	s10 =	sld [smem:$0x3FBA]  }
0x3d: {  	_ =	shalt  }
0x3e: {  	_ =	shalt  }
0x3f: {  	_ =	shalt  }
0x40: {  	_ =	shalt  }
0x41: {  	_ =	shalt  }
0x42: {  	_ =	shalt  }
0x43: {  	_ =	shalt  }
0x44: {  	_ =	shalt  }
0x45: {  	_ =	shalt  }
0x46: {  	_ =	shalt  }
0x47: {  	_ =	shalt  }
0x48: {  	_ =	shalt  }
0x49: {  	_ =	shalt  }
0x4a: {  	_ =	shalt  }
0x4b: {  	_ =	shalt  }
0x4c: {  	_ =	shalt  }
0x4d: {  	_ =	shalt  }
0x4e: {  	_ =	shalt  }
0x4f: {  	_ =	shalt  }
0x50: {  	_ =	shalt  }
0x51: {  	_ =	shalt  }
0x52: {  	_ =	shalt  }
0x53: {  	_ =	shalt  }
0x54: {  	_ =	shalt  }
0x55: {  	_ =	shalt  }
0x56: {  	_ =	shalt  }
0x57: {  	_ =	shalt  }
0x58: {  	_ =	shalt  }
0x59: {  	_ =	shalt  }
0x5a: {  	_ =	shalt  }
0x5b: {  	_ =	shalt  }
0x5c: {  	_ =	shalt  }
0x5d: {  	_ =	shalt  }
0x5e: {  	_ =	shalt  }
0x5f: {  	_ =	shalt  }
0x60: {  	_ =	shalt  }
0x61: {  	_ =	shalt  }
0x62: {  	_ =	shalt  }
0x63: {  	_ =	shalt  }
0x64: {  	_ =	shalt  }
0x65: {  	_ =	shalt  }
0x66: {  	_ =	shalt  }
0x67: {  	_ =	shalt  }
0x68: {  	_ =	shalt  }
0x69: {  	_ =	shalt  }
0x6a: {  	_ =	shalt  }
0x6b: {  	_ =	shalt  }
0x6c: {  	_ =	shalt  }
0x6d: {  	_ =	shalt  }
0x6e: {  	_ =	shalt  }
0x6f: {  	_ =	shalt  }
0x70: {  	_ =	shalt  }
0x71: {  	_ =	shalt  }
0x72: {  	_ =	shalt  }
0x73: {  	_ =	shalt  }
0x74: {  	_ =	shalt  }
0x75: {  	_ =	shalt  }
0x76: {  	_ =	shalt  }
0x77: {  	_ =	shalt  }
0x78: {  	_ =	shalt  }
0x79: {  	_ =	shalt  }
0x7a: {  	_ =	shalt  }
0x7b: {  	_ =	shalt  }
0x7c: {  	_ =	shalt  }
0x7d: {  	_ =	shalt  }
0x7e: {  	_ =	shalt  }
0x7f: {  	_ =	shalt  }
0x80: {  	_ =	shalt  }
0x81: {  	_ =	shalt  }
0x82: {  	_ =	shalt  }
0x83: {  	_ =	shalt  }
0x84: {  	_ =	shalt  }
0x85: {  	_ =	shalt  }
0x86: {  	_ =	shalt  }
0x87: {  	_ =	shalt  }
.Lfunc_end0:
.L_simem_size_0:
called_computation_lowered:
.L_overlay_start_0:
0x88: {  	s2 =	sld [smem:$0x3FD9]  }
0x89: {  	s3 =	sld [smem:$0x3FFE];
	_ =	sdelay $0x1  }
0x8a: {  	s1 =	srdreg.scid  }
0x8b: {  	s0 =	sand.u32 $0x1, s1  }
0x8c: {  	s18 =	sshll.u32 s0, $0xA;
	s2 =	sadd.s32 s3, s2  }
0x8d: {  	s2 =	sadd.s32 s2, s18  }
0x8e: {  	[smem:$0x3FC6] =	sst s2  }
0x8f: {  	_ = 	snop  }
0x90: {  	s2 =	sld [smem:$0x3FC9]  }
0x91: {  	s19 =	sld [smem:$0x3FC8]  }
0x92: {  	s4 =	sld [smem:$0x3FD0];
	(tm) =	ssettm $0x1  }
0x93: {  	s5 =	sld [smem:$0x3FFB];
	_ =	sdelay $0x3  }
0x94: {  	_ =	strace s5  }
0x95: {  	s5 =	sld [smem:$0x3FFC];
	_ =	sdelay $0x3  }
0x96: {  	_ =	strace s5  }
0x97: {  	s5 =	sld [smem:$0x3FFD];
	_ =	sdelay $0x3  }
0x98: {  	_ =	strace s5  }
0x99: {  	_ =	strace $0x8FFFFFFF  }
0x9a: {  	s20 =	sld [smem:$0x3FDB];
	_ =	sdelay $0x1  }
0x9b: {  	s6 =	simm.s32 $_scs_section_size  }
0x9c: {  	s7 =	simm.s32 $_size__tile_overlayer_lowered;
	s8 =	simm.s32 $_tile_overlayer_lowered  }
0x9d: {  	s23 =	simm.s32 $0x1BFF;
	s22 =	sshll.u32 s8, $0x1;
	s5 =	sadd.s32 s6, s20  }
0x9e: {  	s9 =	simm.s32 $0x0;
	s21 =	sshll.u32 s7, $0x1;
	s7 =	sadd.s32 s22, s5  }
0x9f: {  	[timem:s9], [sflag:s23] =	dma.local [hbm:s7], s21  }
0xa0: {  	_ =	swait.ge [sflag:s23], s21  }
0xa1: {  	s6 =	ssub.s32 $0x0, s21;
	[sflag:s23] =	ssyncset.done $0x0  }
0xa2: {  	[sflag:s23] =	ssyncadd.s32 s6;
	_ =	sdelay $0x1  }
0xa3: {  	s24 =	simm.s32 $0x1B8B  }
0xa4: {  	_ =	swait.ge [sflag:s24], $0x1  }
0xa5: {  	[sflag:s24] =	ssyncset.done $0x0  }
0xa6: {  	s25 =	simm.s32 $0x1B8E;
	[sflag:s24] =	ssyncadd.s32 $0xFFFFFFFF  }
0xa7: {  	s26 =	simm.s32 $execute0_lowered;
	[smem:$0x3FD2] =	sst s25  }
0xa8: {  	s6 =	sshll.u32 s26, $0x1;
	_ =	strace $0x80000046;
	[dreg:$0x1] =	wrdreg $0xFFFFFFFF  }
0xa9: {  	s28 =	simm.s32 $_size_execute0_lowered;
	s5 =	sadd.s32 s5, s6;
	[dreg:$0x0] =	wrdreg $0x0  }
0xaa: {  	s6 =	sshll.u32 s28, $0x1;
	[dreg:$0x2] =	wrdreg s5  }
0xab: {  	[dreg:$0x3] =	wrdreg s6  }
0xac: {  	[dreg:$0x4] =	wrdreg $0xC0  }
0xad: {  	_ =	task [dreg:s9], $0x5FFFF  }
0xae: {  	[dreg:$0x1] =	wrdreg $0xFFFFFFFF  }
0xaf: {  	[dreg:$0x0] =	wrdreg $0x60  }
0xb0: {  	[dreg:$0x2] =	wrdreg s2  }
0xb1: {  	[dreg:$0x3] =	wrdreg s19  }
0xb2: {  	[dreg:$0x4] =	wrdreg s4  }
0xb3: {  	[dreg:$0x5] =	wrdreg $0x9  }
0xb4: {  	_ =	task.clear_ibuf [dreg:s9], $0x6FFFF;
	_ =	strace $0x90000046  }
0xb5: {  	s29 =	simm.s32 $0x9;
	_ =	strace $0x80000048  }
0xb6: {  	_ =	swait.ge [sflag:s29], $0x1  }
0xb7: {  	[sflag:s29] =	ssyncadd.s32 $0xFFFFFFFF  }
0xb8: {  	_ =	strace $0x90000048  }
0xb9: {  	_ =	sfence  }
0xba: {  	s30 =	sld [smem:$0x0];
	_ =	sdelay $0x2  }
0xbb: {  	s31 =	sshll.u32 s1, $0xD;
	s1 =	sshrl.u32 s1, $0x2  }
0xbc: {  	s3 =	sand.u32 $0x4000, s31;
	s1 =	sadd.s32 s1, s30  }
0xbd: {  	s0 =	sor.u32 s3, s0;
	s1 =	sshll.u32 s1, $0x11  }
0xbe: {  	s0 =	sor.u32 s1, s0  }
0xbf: {  	s0 =	sadd.s32 $0x8F2B, s0  }
0xc0: {  	[sflag:s0] =	ssyncadd.remote.s32 $0x1  }
0xc1: {  	_ =	sfence.sel $0xFFFF  }
0xc2: {  	[dreg:$0x0] =	wrdreg $0xFFFFFFFF;
	(pc) =	sbr.abs _section_cstart, $3  }
0xc3: {  	[dreg:$0x1] =	wrdreg $0xFFFFFFFF  }
0xc4: {  	_ =	task.clear_ibuf [dreg:s9], $0x2FFFF;
	_ =	strace $0x9FFFFFFF  }
0xc5: {  	(tm) =	ssettm $0x7FFFFFFF  }
tec
execute0_lowered:
.L_overlay_start_1:
0x0: {  	(tag) =	ssettag $0x1  }
0x1: {  	s1 =	rddreg [dreg:$0x0]  }
0x2: {  	s0 =	srdreg.scid;
	s7 =	rddreg [dreg:$0x1]  }
0x3: {  	s2 =	stileid.u32;
	s5 =	rddreg [dreg:$0x2]  }
0x4: {  	s6 =	simm.s32 $0x0;
	s13 =	simm.s32 $0xC000;
	s28 =	simm.s32 $0x2  }
0x5: {  	s29 =	simm.s32 $0x3;
	s30 =	simm.s32 $0x4;
	s31 =	simm.s32 $0x9  }
0x6: {  	s16 =	simm.s32 $0xC;
	s9 =	simm.s32 $0x5;
	s10 =	simm.s32 $0x6  }
0x7: {  	s11 =	simm.s32 $0x7;
	s0 =	sand.u32 $0x1, s0;
	s2 =	sshll.u32 s2, $0x9  }
0x8: {  	[smem:$0x7FF] =	sst s6;
	s3 =	sshll.u32 s0, $0x8;
	s0 =	ssub.s32 $0x2, s0  }
0x9: {  	_ =	strace $0x80000047;
	s8 =	sor.u32 s3, s2;
	s4 =	sshrl.u32 s0, $0x1  }
0xa: {  	s2 =	sshrl.u32 s8, $0x3;
	s0 =	ssub.s32 s0, s4;
	s25 =	sor.u32 $0x20, s8  }
0xb: {  	s26 =	sor.u32 $0x30, s8;
	s20 =	smul.u32 $0x1800, s2;
	[dreg:$0xa] =	wrdreg s25  }
0xc: {  	s2 =	smul.u32 $0x300, s2;
	[dreg:$0xb] =	wrdreg s26;
	s0 =	smax.u32 s0, $0x1  }
0xd: {  	s12 =	simm.s32 $0x8;
	[dreg:$0xc] =	wrdreg s0;
	s3 =	sshrl.u32 s20, $0x3  }
0xe: {  	s2 =	sadd.s32 s2, s7;
	s21 =	sadd.s32 s1, s3;
	s3 =	sadd.s32 s7, s3  }
0xf: {  	s25 =	simm.s32 $0x11;
	s2 =	sadd.s32 $0x600, s2;
	[dreg:$0x5] =	wrdreg s3  }
0x10: {  	s26 =	simm.s32 $0x1;
	s0 =	simm.s32 $0xB;
	[dreg:$0x6] =	wrdreg s2  }
.Ltmp0:
0x11: {  	s22 =	sadd.s32 $0xC0000, s21;
	[dreg:$0x4] =	wrdreg s21;
	(pc) =	sbr.rel .LBB2_1-.Ltmp0, $4  }
0x12: {  	s7 =	simm.s32 $0x0;
	s23 =	sadd.s32 $0x180000, s21;
	[dreg:$0x7] =	wrdreg s22  }
0x13: {  	s24 =	sadd.s32 $0x240000, s21;
	s21 =	simm.s32 $0xF000;
	[dreg:$0x8] =	wrdreg s23  }
0x14: {  	s2 =	simm.s32 $0xA;
	[dreg:$0x9] =	wrdreg s24;
	s23 =	smov.u32 s8  }
0x15: {  	s22 =	simm.s32 $0x12000;
	s24 =	simm.s32 $0x15000;
	s8 =	simm.s32 $0x12  }
.LBB2_8:
0x16: {  	s3 =	simm.s32 $0xD  }
0x17: {  	_ =	swait.ge [sflag:s3], $0x3000  }
0x18: {  	[sflag:s3] =	ssyncset.done $0x0  }
0x19: {  	s18 =	simm.s32 $0xE;
	[sflag:s3] =	ssyncadd.s32 $0xFFFFD000  }
0x1a: {  	_ =	swait.ge [sflag:s18], $0x3000  }
0x1b: {  	[sflag:s18] =	ssyncset.done $0x0  }
0x1c: {  	s19 =	simm.s32 $0xF;
	[sflag:s18] =	ssyncadd.s32 $0xFFFFD000  }
0x1d: {  	_ =	swait.ge [sflag:s19], $0x3000  }
0x1e: {  	[sflag:s19] =	ssyncset.done $0x0  }
0x1f: {  	s4 =	simm.s32 $0x10;
	[sflag:s19] =	ssyncadd.s32 $0xFFFFD000  }
0x20: {  	_ =	swait.ge [sflag:s4], $0x3000  }
0x21: {  	s7 =	rddreg [dreg:$0xd]  }
0x22: {  	s20 =	rddreg [dreg:$0xc];
	s7 =	sadd.s32 $0x1, s7  }
0x23: {  	p0 =	sne.s32 s7, s20  }
.Ltmp1:
0x24: {  	_ = 	snop;
	(pc) =	sbr.rel @!p0 .LBB2_9-.Ltmp1, $3  }
0x25: {  	_ =	sdelay $0x1  }
0x26: {  	[sflag:s4] =	ssyncset.done $0x0  }
0x27: {  	[sflag:s4] =	ssyncadd.s32 $0xFFFFD000  }
.LBB2_1:
0x28: {  	[dreg:$0xd] =	wrdreg s7  }
0x29: {  	s3 =	rddreg [dreg:$0x5];
	s4 =	simm.s32 $0x18000  }
0x2a: {  	[tilespmem:s4], [sflag:$0x11] =	stream.linear.gather [hbm4b:s3+s6], $0x3000, $0x38;
	[tilespmem:$0x1E000] =	vst v63  }
0x2b: {  	s19 =	rddreg [dreg:$0x6];
	s20 =	simm.s32 $0x1B000  }
0x2c: {  	[tilespmem:s20], [sflag:$0x12] =	stream.linear.gather [hbm4b:s19+s6], $0x3000, $0x38;
	[tilespmem:$0x1E000] =	vst v63  }
0x2d: {  	s7 =	rddreg [dreg:$0x4]  }
0x2e: {  	[tilespmem:s6], [sflag:$0x1] =	stream.linear.gather [hbm4b:s7+s6], $0x3000, $0x38;
	[tilespmem:$0x1E000] =	vst v63  }
0x2f: {  	s14 =	rddreg [dreg:$0x7];
	s15 =	simm.s32 $0x3000  }
0x30: {  	[tilespmem:s15], [sflag:$0x2] =	stream.linear.gather [hbm4b:s14+s6], $0x3000, $0x38;
	[tilespmem:$0x1E000] =	vst v63  }
0x31: {  	s17 =	rddreg [dreg:$0x8];
	s18 =	simm.s32 $0x6000  }
0x32: {  	[tilespmem:s18], [sflag:$0x3] =	stream.linear.gather [hbm4b:s17+s6], $0x3000, $0x38;
	[tilespmem:$0x1E000] =	vst v63  }
0x33: {  	s19 =	rddreg [dreg:$0x9];
	s20 =	simm.s32 $0x9000;
	s7 =	simm.s32 $0x0  }
0x34: {  	[tilespmem:s20], [sflag:$0x4] =	stream.linear.gather [hbm4b:s19+s6], $0x3000, $0x38;
	[tilespmem:$0x1E000] =	vst v63  }
.LBB2_2:
0x35: {  	p0 =	seq.s32 s7, $0x0  }
0x36: {  	s3 =	simm.s32 @!p0 $0xD  }
0x37: {  	_ =	swait.ge @!p0 [sflag:s3], $0x3000  }
0x38: {  	[sflag:s3] =	ssyncset.done @!p0 $0x0  }
0x39: {  	[sflag:s3] =	ssyncadd.s32 @!p0 $0xFFFFD000;
	s3 =	simm.s32 @!p0 $0xE  }
0x3a: {  	_ =	swait.ge @!p0 [sflag:s3], $0x3000  }
0x3b: {  	s15 =	sshll.u32 s7, $0x5;
	[sflag:s3] =	ssyncset.done @!p0 $0x0  }
0x3c: {  	s4 =	sor.u32 s15, s23;
	[sflag:s3] =	ssyncadd.s32 @!p0 $0xFFFFD000;
	s3 =	simm.s32 @!p0 $0xF  }
0x3d: {  	s4 =	sshrl.u32 s4, $0x3;
	_ =	swait.ge @!p0 [sflag:s3], $0x3000  }
0x3e: {  	s4 =	smul.u32 $0x1800, s4;
	[sflag:s3] =	ssyncset.done @!p0 $0x0  }
0x3f: {  	[sflag:s3] =	ssyncadd.s32 @!p0 $0xFFFFD000;
	s3 =	simm.s32 @!p0 $0x10  }
0x40: {  	s14 =	sshrl.u32 s4, $0x3;
	_ =	swait.ge @!p0 [sflag:s3], $0x3000  }
0x41: {  	s4 =	simm.s32 $0x0;
	s17 =	sadd.s32 $0x600, s14;
	[sflag:s3] =	ssyncset.done @!p0 $0x0  }
0x42: {  	s18 =	sadd.s32 $0xC0600, s14;
	s19 =	sadd.s32 s1, s17;
	[sflag:s3] =	ssyncadd.s32 @!p0 $0xFFFFD000  }
0x43: {  	[tilespmem:s13], [sflag:$0x5] =	stream.linear.gather [hbm4b:s19+s4], $0x3000, $0x38;
	[tilespmem:$0x1E000] =	vst v63  }
0x44: {  	s20 =	sadd.s32 s1, s18;
	s19 =	sadd.s32 $0x180600, s14  }
0x45: {  	[tilespmem:s21], [sflag:$0x6] =	stream.linear.gather [hbm4b:s20+s4], $0x3000, $0x38;
	[tilespmem:$0x1E000] =	vst v63  }
0x46: {  	s21 =	sadd.s32 s1, s19;
	s20 =	sadd.s32 $0x240600, s14  }
0x47: {  	[tilespmem:s22], [sflag:$0x7] =	stream.linear.gather [hbm4b:s21+s4], $0x3000, $0x38;
	[tilespmem:$0x1E000] =	vst v63  }
0x48: {  	s22 =	sadd.s32 s1, s20  }
0x49: {  	[tilespmem:s24], [sflag:$0x8] =	stream.linear.gather [hbm4b:s22+s4], $0x3000, $0x38;
	[tilespmem:$0x1E000] =	vst v63  }
0x4a: {  	_ =	swait.ge [sflag:s25], $0x3000  }
0x4b: {  	[sflag:s25] =	ssyncset.done $0x0  }
0x4c: {  	[sflag:s25] =	ssyncadd.s32 $0xFFFFD000  }
0x4d: {  	_ =	swait.ge [sflag:s26], $0x3000  }
0x4e: {  	[sflag:s26] =	ssyncset.done $0x0  }
0x4f: {  	[sflag:s26] =	ssyncadd.s32 $0xFFFFD000  }
0x50: {  	_ =	swait.ge [sflag:s28], $0x3000  }
0x51: {  	[sflag:s28] =	ssyncset.done $0x0  }
0x52: {  	[sflag:s28] =	ssyncadd.s32 $0xFFFFD000  }
0x53: {  	_ =	swait.ge [sflag:s29], $0x3000  }
0x54: {  	[sflag:s29] =	ssyncset.done $0x0  }
0x55: {  	s13 =	simm.s32 $0x0;
	[sflag:s29] =	ssyncadd.s32 $0xFFFFD000  }
0x56: {  	s3 =	smul.u32 $0x1800, s13;
	_ =	swait.ge [sflag:s30], $0x3000  }
0x57: {  	s4 =	sand.u32 $0x380, s4;
	[sflag:s30] =	ssyncset.done $0x0  }
0x58: {  	s3 =	sor.u32 s4, s3;
	[sflag:s30] =	ssyncadd.s32 $0xFFFFD000  }
0x59: {  	v0 =	vld [tilespmem:s3+$0x18000];
	_ =	sdelay $0x3  }
0x5a: {  	v1 =	vld [tilespmem:s3+$0x18010]  }
0x5b: {  	[tilespmem:s3+$0x0] =	vst.add.f32.msk $0xffff, v0  }
0x5c: {  	[tilespmem:s3+$0x3000] =	vst.add.f32.msk $0xffff, v0  }
0x5d: {  	[tilespmem:s3+$0x6000] =	vst.add.f32.msk $0xffff, v0  }
0x5e: {  	s4 =	sor.u32 $0x10, s3;
	[tilespmem:s3+$0x9000] =	vst.add.f32.msk $0xffff, v0  }
0x5f: {  	[tilespmem:s4+$0x0] =	vst.add.f32.msk $0xffff, v1  }
0x60: {  	v0 =	vld [tilespmem:s3+$0x18020];
	_ =	sdelay $0x1  }
0x61: {  	[tilespmem:s3+$0x3010] =	vst.add.f32.msk $0xffff, v1  }
0x62: {  	[tilespmem:s3+$0x6010] =	vst.add.f32.msk $0xffff, v1  }
0x63: {  	s21 =	sor.u32 $0x20, s3;
	[tilespmem:s3+$0x9010] =	vst.add.f32.msk $0xffff, v1  }
0x64: {  	[tilespmem:s21+$0x0] =	vst.add.f32.msk $0xffff, v0  }
0x65: {  	v1 =	vld [tilespmem:s3+$0x18030];
	_ =	sdelay $0x1  }
0x66: {  	[tilespmem:s3+$0x3020] =	vst.add.f32.msk $0xffff, v0  }
0x67: {  	[tilespmem:s3+$0x6020] =	vst.add.f32.msk $0xffff, v0  }
0x68: {  	s22 =	sor.u32 $0x30, s3;
	[tilespmem:s3+$0x9020] =	vst.add.f32.msk $0xffff, v0  }
0x69: {  	[tilespmem:s22+$0x0] =	vst.add.f32.msk $0xffff, v1  }
0x6a: {  	v0 =	vld [tilespmem:s3+$0x18040];
	_ =	sdelay $0x1  }
0x6b: {  	[tilespmem:s3+$0x3030] =	vst.add.f32.msk $0xffff, v1  }
0x6c: {  	[tilespmem:s3+$0x6030] =	vst.add.f32.msk $0xffff, v1  }
0x6d: {  	s13 =	sor.u32 $0x40, s3;
	[tilespmem:s3+$0x9030] =	vst.add.f32.msk $0xffff, v1  }
0x6e: {  	[tilespmem:s13+$0x0] =	vst.add.f32.msk $0xffff, v0  }
0x6f: {  	v1 =	vld [tilespmem:s3+$0x18050];
	_ =	sdelay $0x1  }
0x70: {  	[tilespmem:s3+$0x3040] =	vst.add.f32.msk $0xffff, v0  }
0x71: {  	[tilespmem:s3+$0x6040] =	vst.add.f32.msk $0xffff, v0  }
0x72: {  	s21 =	sor.u32 $0x50, s3;
	[tilespmem:s3+$0x9040] =	vst.add.f32.msk $0xffff, v0  }
0x73: {  	[tilespmem:s21+$0x0] =	vst.add.f32.msk $0xffff, v1  }
0x74: {  	v0 =	vld [tilespmem:s3+$0x18060];
	_ =	sdelay $0x1  }
0x75: {  	[tilespmem:s3+$0x3050] =	vst.add.f32.msk $0xffff, v1  }
0x76: {  	[tilespmem:s3+$0x6050] =	vst.add.f32.msk $0xffff, v1  }
0x77: {  	s22 =	sor.u32 $0x60, s3;
	[tilespmem:s3+$0x9050] =	vst.add.f32.msk $0xffff, v1  }
0x78: {  	[tilespmem:s22+$0x0] =	vst.add.f32.msk $0xffff, v0  }
0x79: {  	v1 =	vld [tilespmem:s3+$0x18070];
	_ =	sdelay $0x1  }
0x7a: {  	[tilespmem:s3+$0x3060] =	vst.add.f32.msk $0xffff, v0  }
0x7b: {  	[tilespmem:s3+$0x6060] =	vst.add.f32.msk $0xffff, v0  }
0x7c: {  	s13 =	sor.u32 $0x70, s3;
	[tilespmem:s3+$0x9060] =	vst.add.f32.msk $0xffff, v0  }
0x7d: {  	[tilespmem:s13+$0x0] =	vst.add.f32.msk $0xffff, v1  }
0x7e: {  	v0 =	vld [tilespmem:s3+$0x18400];
	_ =	sdelay $0x1  }
0x7f: {  	[tilespmem:s3+$0x3070] =	vst.add.f32.msk $0xffff, v1  }
0x80: {  	[tilespmem:s3+$0x6070] =	vst.add.f32.msk $0xffff, v1  }
0x81: {  	s21 =	sor.u32 $0x400, s3;
	[tilespmem:s3+$0x9070] =	vst.add.f32.msk $0xffff, v1  }
0x82: {  	[tilespmem:s21+$0x0] =	vst.add.f32.msk $0xffff, v0  }
0x83: {  	v1 =	vld [tilespmem:s3+$0x18410];
	_ =	sdelay $0x1  }
0x84: {  	[tilespmem:s3+$0x3400] =	vst.add.f32.msk $0xffff, v0  }
0x85: {  	[tilespmem:s3+$0x6400] =	vst.add.f32.msk $0xffff, v0  }
0x86: {  	s22 =	sor.u32 $0x410, s3;
	[tilespmem:s3+$0x9400] =	vst.add.f32.msk $0xffff, v0  }
0x87: {  	[tilespmem:s22+$0x0] =	vst.add.f32.msk $0xffff, v1  }
0x88: {  	v0 =	vld [tilespmem:s3+$0x18420];
	_ =	sdelay $0x1  }
0x89: {  	[tilespmem:s3+$0x3410] =	vst.add.f32.msk $0xffff, v1  }
0x8a: {  	[tilespmem:s3+$0x6410] =	vst.add.f32.msk $0xffff, v1  }
0x8b: {  	s13 =	sor.u32 $0x420, s3;
	[tilespmem:s3+$0x9410] =	vst.add.f32.msk $0xffff, v1  }
0x8c: {  	[tilespmem:s13+$0x0] =	vst.add.f32.msk $0xffff, v0  }
0x8d: {  	v1 =	vld [tilespmem:s3+$0x18430];
	_ =	sdelay $0x1  }
0x8e: {  	[tilespmem:s3+$0x3420] =	vst.add.f32.msk $0xffff, v0  }
0x8f: {  	[tilespmem:s3+$0x6420] =	vst.add.f32.msk $0xffff, v0  }
0x90: {  	s21 =	sor.u32 $0x430, s3;
	[tilespmem:s3+$0x9420] =	vst.add.f32.msk $0xffff, v0  }
0x91: {  	[tilespmem:s21+$0x0] =	vst.add.f32.msk $0xffff, v1  }
0x92: {  	v0 =	vld [tilespmem:s3+$0x18440];
	_ =	sdelay $0x1  }
0x93: {  	[tilespmem:s3+$0x3430] =	vst.add.f32.msk $0xffff, v1  }
0x94: {  	[tilespmem:s3+$0x6430] =	vst.add.f32.msk $0xffff, v1  }
0x95: {  	s22 =	sor.u32 $0x440, s3;
	[tilespmem:s3+$0x9430] =	vst.add.f32.msk $0xffff, v1  }
0x96: {  	[tilespmem:s22+$0x0] =	vst.add.f32.msk $0xffff, v0  }
0x97: {  	v1 =	vld [tilespmem:s3+$0x18450];
	_ =	sdelay $0x1  }
0x98: {  	[tilespmem:s3+$0x3440] =	vst.add.f32.msk $0xffff, v0  }
0x99: {  	[tilespmem:s3+$0x6440] =	vst.add.f32.msk $0xffff, v0  }
0x9a: {  	s13 =	sor.u32 $0x450, s3;
	[tilespmem:s3+$0x9440] =	vst.add.f32.msk $0xffff, v0  }
0x9b: {  	[tilespmem:s13+$0x0] =	vst.add.f32.msk $0xffff, v1  }
0x9c: {  	v2 =	vld [tilespmem:s3+$0x18460];
	_ =	sdelay $0x1  }
0x9d: {  	[tilespmem:s3+$0x3450] =	vst.add.f32.msk $0xffff, v1  }
0x9e: {  	[tilespmem:s3+$0x6450] =	vst.add.f32.msk $0xffff, v1  }
0x9f: {  	s21 =	sor.u32 $0x460, s3;
	[tilespmem:s3+$0x9450] =	vst.add.f32.msk $0xffff, v1  }
0xa0: {  	[tilespmem:s21+$0x0] =	vst.add.f32.msk $0xffff, v2  }
0xa1: {  	v0 =	vld [tilespmem:s3+$0x18470];
	_ =	sdelay $0x1  }
0xa2: {  	[tilespmem:s3+$0x3460] =	vst.add.f32.msk $0xffff, v2  }
0xa3: {  	[tilespmem:s3+$0x6460] =	vst.add.f32.msk $0xffff, v2  }
0xa4: {  	s22 =	sor.u32 $0x470, s3;
	[tilespmem:s3+$0x9460] =	vst.add.f32.msk $0xffff, v2  }
0xa5: {  	[tilespmem:s22+$0x0] =	vst.add.f32.msk $0xffff, v0  }
0xa6: {  	v1 =	vld [tilespmem:s3+$0x19470]  }
0xa7: {  	v5 =	vld [tilespmem:s3+$0x18800]  }
0xa8: {  	v6 =	vld [tilespmem:s3+$0x18810]  }
0xa9: {  	v7 =	vld [tilespmem:s3+$0x18820]  }
0xaa: {  	v8 =	vld [tilespmem:s3+$0x18830]  }
0xab: {  	v9 =	vld [tilespmem:s3+$0x18840]  }
0xac: {  	v10 =	vld [tilespmem:s3+$0x18850]  }
0xad: {  	v11 =	vld [tilespmem:s3+$0x18860]  }
0xae: {  	v12 =	vld [tilespmem:s3+$0x18870]  }
0xaf: {  	v13 =	vld [tilespmem:s3+$0x18C00]  }
0xb0: {  	v14 =	vld [tilespmem:s3+$0x18C10]  }
0xb1: {  	v15 =	vld [tilespmem:s3+$0x18C20]  }
0xb2: {  	v16 =	vld [tilespmem:s3+$0x18C30]  }
0xb3: {  	v17 =	vld [tilespmem:s3+$0x18C40]  }
0xb4: {  	v18 =	vld [tilespmem:s3+$0x18C50]  }
0xb5: {  	v19 =	vld [tilespmem:s3+$0x18C60]  }
0xb6: {  	v20 =	vld [tilespmem:s3+$0x18C70]  }
0xb7: {  	v21 =	vld [tilespmem:s3+$0x19000]  }
0xb8: {  	v22 =	vld [tilespmem:s3+$0x19010]  }
0xb9: {  	v23 =	vld [tilespmem:s3+$0x19020]  }
0xba: {  	v24 =	vld [tilespmem:s3+$0x19030]  }
0xbb: {  	v25 =	vld [tilespmem:s3+$0x19040]  }
0xbc: {  	v26 =	vld [tilespmem:s3+$0x19050]  }
0xbd: {  	v27 =	vld [tilespmem:s3+$0x19060]  }
0xbe: {  	v28 =	vld [tilespmem:s3+$0x19070]  }
0xbf: {  	v29 =	vld [tilespmem:s3+$0x19400]  }
0xc0: {  	v30 =	vld [tilespmem:s3+$0x19410]  }
0xc1: {  	v31 =	vld [tilespmem:s3+$0x19420]  }
0xc2: {  	v32 =	vld [tilespmem:s3+$0x19430]  }
0xc3: {  	v4 =	vld [tilespmem:s3+$0x19440]  }
0xc4: {  	v3 =	vld [tilespmem:s3+$0x19450]  }
0xc5: {  	v2 =	vld [tilespmem:s3+$0x19460]  }
0xc6: {  	[tilespmem:s3+$0xA470] =	vst.add.f32.msk $0xffff, v1  }
0xc7: {  	[tilespmem:s3+$0x800] =	vst.add.f32.msk $0xffff, v5  }
0xc8: {  	[tilespmem:s3+$0x3800] =	vst.add.f32.msk $0xffff, v5  }
0xc9: {  	[tilespmem:s3+$0x6800] =	vst.add.f32.msk $0xffff, v5  }
0xca: {  	[tilespmem:s3+$0x9800] =	vst.add.f32.msk $0xffff, v5  }
0xcb: {  	[tilespmem:s3+$0x810] =	vst.add.f32.msk $0xffff, v6  }
0xcc: {  	[tilespmem:s3+$0x3810] =	vst.add.f32.msk $0xffff, v6  }
0xcd: {  	[tilespmem:s3+$0x6810] =	vst.add.f32.msk $0xffff, v6  }
0xce: {  	[tilespmem:s3+$0x9810] =	vst.add.f32.msk $0xffff, v6  }
0xcf: {  	[tilespmem:s3+$0x820] =	vst.add.f32.msk $0xffff, v7  }
0xd0: {  	[tilespmem:s3+$0x3820] =	vst.add.f32.msk $0xffff, v7  }
0xd1: {  	[tilespmem:s3+$0x6820] =	vst.add.f32.msk $0xffff, v7  }
0xd2: {  	[tilespmem:s3+$0x9820] =	vst.add.f32.msk $0xffff, v7  }
0xd3: {  	[tilespmem:s3+$0x830] =	vst.add.f32.msk $0xffff, v8  }
0xd4: {  	[tilespmem:s3+$0x3830] =	vst.add.f32.msk $0xffff, v8  }
0xd5: {  	[tilespmem:s3+$0x6830] =	vst.add.f32.msk $0xffff, v8  }
0xd6: {  	[tilespmem:s3+$0x9830] =	vst.add.f32.msk $0xffff, v8  }
0xd7: {  	[tilespmem:s3+$0x840] =	vst.add.f32.msk $0xffff, v9  }
0xd8: {  	[tilespmem:s3+$0x3840] =	vst.add.f32.msk $0xffff, v9  }
0xd9: {  	[tilespmem:s3+$0x6840] =	vst.add.f32.msk $0xffff, v9  }
0xda: {  	[tilespmem:s3+$0x9840] =	vst.add.f32.msk $0xffff, v9  }
0xdb: {  	[tilespmem:s3+$0x850] =	vst.add.f32.msk $0xffff, v10  }
0xdc: {  	[tilespmem:s3+$0x3850] =	vst.add.f32.msk $0xffff, v10  }
0xdd: {  	[tilespmem:s3+$0x6850] =	vst.add.f32.msk $0xffff, v10  }
0xde: {  	[tilespmem:s3+$0x9850] =	vst.add.f32.msk $0xffff, v10  }
0xdf: {  	[tilespmem:s3+$0x860] =	vst.add.f32.msk $0xffff, v11  }
0xe0: {  	[tilespmem:s3+$0x3860] =	vst.add.f32.msk $0xffff, v11  }
0xe1: {  	[tilespmem:s3+$0x6860] =	vst.add.f32.msk $0xffff, v11  }
0xe2: {  	[tilespmem:s3+$0x9860] =	vst.add.f32.msk $0xffff, v11  }
0xe3: {  	[tilespmem:s3+$0x870] =	vst.add.f32.msk $0xffff, v12  }
0xe4: {  	[tilespmem:s3+$0x3870] =	vst.add.f32.msk $0xffff, v12  }
0xe5: {  	[tilespmem:s3+$0x6870] =	vst.add.f32.msk $0xffff, v12  }
0xe6: {  	[tilespmem:s3+$0x9870] =	vst.add.f32.msk $0xffff, v12  }
0xe7: {  	[tilespmem:s3+$0xC00] =	vst.add.f32.msk $0xffff, v13  }
0xe8: {  	[tilespmem:s3+$0x3C00] =	vst.add.f32.msk $0xffff, v13  }
0xe9: {  	[tilespmem:s3+$0x6C00] =	vst.add.f32.msk $0xffff, v13  }
0xea: {  	[tilespmem:s3+$0x9C00] =	vst.add.f32.msk $0xffff, v13  }
0xeb: {  	[tilespmem:s3+$0xC10] =	vst.add.f32.msk $0xffff, v14  }
0xec: {  	[tilespmem:s3+$0x3C10] =	vst.add.f32.msk $0xffff, v14  }
0xed: {  	[tilespmem:s3+$0x6C10] =	vst.add.f32.msk $0xffff, v14  }
0xee: {  	[tilespmem:s3+$0x9C10] =	vst.add.f32.msk $0xffff, v14  }
0xef: {  	[tilespmem:s3+$0xC20] =	vst.add.f32.msk $0xffff, v15  }
0xf0: {  	[tilespmem:s3+$0x3C20] =	vst.add.f32.msk $0xffff, v15  }
0xf1: {  	[tilespmem:s3+$0x6C20] =	vst.add.f32.msk $0xffff, v15  }
0xf2: {  	[tilespmem:s3+$0x9C20] =	vst.add.f32.msk $0xffff, v15  }
0xf3: {  	[tilespmem:s3+$0xC30] =	vst.add.f32.msk $0xffff, v16  }
0xf4: {  	[tilespmem:s3+$0x3C30] =	vst.add.f32.msk $0xffff, v16  }
0xf5: {  	[tilespmem:s3+$0x6C30] =	vst.add.f32.msk $0xffff, v16  }
0xf6: {  	[tilespmem:s3+$0x9C30] =	vst.add.f32.msk $0xffff, v16  }
0xf7: {  	[tilespmem:s3+$0xC40] =	vst.add.f32.msk $0xffff, v17  }
0xf8: {  	[tilespmem:s3+$0x3C40] =	vst.add.f32.msk $0xffff, v17  }
0xf9: {  	[tilespmem:s3+$0x6C40] =	vst.add.f32.msk $0xffff, v17  }
0xfa: {  	[tilespmem:s3+$0x9C40] =	vst.add.f32.msk $0xffff, v17  }
0xfb: {  	[tilespmem:s3+$0xC50] =	vst.add.f32.msk $0xffff, v18  }
0xfc: {  	[tilespmem:s3+$0x3C50] =	vst.add.f32.msk $0xffff, v18  }
0xfd: {  	[tilespmem:s3+$0x6C50] =	vst.add.f32.msk $0xffff, v18  }
0xfe: {  	[tilespmem:s3+$0x9C50] =	vst.add.f32.msk $0xffff, v18  }
0xff: {  	[tilespmem:s3+$0xC60] =	vst.add.f32.msk $0xffff, v19  }
0x100: {  	[tilespmem:s3+$0x3C60] =	vst.add.f32.msk $0xffff, v19  }
0x101: {  	[tilespmem:s3+$0x6C60] =	vst.add.f32.msk $0xffff, v19  }
0x102: {  	[tilespmem:s3+$0x9C60] =	vst.add.f32.msk $0xffff, v19  }
0x103: {  	[tilespmem:s3+$0xC70] =	vst.add.f32.msk $0xffff, v20  }
0x104: {  	[tilespmem:s3+$0x3C70] =	vst.add.f32.msk $0xffff, v20  }
0x105: {  	[tilespmem:s3+$0x6C70] =	vst.add.f32.msk $0xffff, v20  }
0x106: {  	[tilespmem:s3+$0x9C70] =	vst.add.f32.msk $0xffff, v20  }
0x107: {  	[tilespmem:s3+$0x1000] =	vst.add.f32.msk $0xffff, v21  }
0x108: {  	[tilespmem:s3+$0x4000] =	vst.add.f32.msk $0xffff, v21  }
0x109: {  	[tilespmem:s3+$0x7000] =	vst.add.f32.msk $0xffff, v21  }
0x10a: {  	[tilespmem:s3+$0xA000] =	vst.add.f32.msk $0xffff, v21  }
0x10b: {  	[tilespmem:s3+$0x1010] =	vst.add.f32.msk $0xffff, v22  }
0x10c: {  	[tilespmem:s3+$0x4010] =	vst.add.f32.msk $0xffff, v22  }
0x10d: {  	[tilespmem:s3+$0x7010] =	vst.add.f32.msk $0xffff, v22  }
0x10e: {  	[tilespmem:s3+$0xA010] =	vst.add.f32.msk $0xffff, v22  }
0x10f: {  	[tilespmem:s3+$0x1020] =	vst.add.f32.msk $0xffff, v23  }
0x110: {  	[tilespmem:s3+$0x4020] =	vst.add.f32.msk $0xffff, v23  }
0x111: {  	[tilespmem:s3+$0x7020] =	vst.add.f32.msk $0xffff, v23  }
0x112: {  	[tilespmem:s3+$0xA020] =	vst.add.f32.msk $0xffff, v23  }
0x113: {  	[tilespmem:s3+$0x1030] =	vst.add.f32.msk $0xffff, v24  }
0x114: {  	[tilespmem:s3+$0x4030] =	vst.add.f32.msk $0xffff, v24  }
0x115: {  	[tilespmem:s3+$0x7030] =	vst.add.f32.msk $0xffff, v24  }
0x116: {  	[tilespmem:s3+$0xA030] =	vst.add.f32.msk $0xffff, v24  }
0x117: {  	[tilespmem:s3+$0x1040] =	vst.add.f32.msk $0xffff, v25  }
0x118: {  	[tilespmem:s3+$0x4040] =	vst.add.f32.msk $0xffff, v25  }
0x119: {  	[tilespmem:s3+$0x7040] =	vst.add.f32.msk $0xffff, v25  }
0x11a: {  	[tilespmem:s3+$0xA040] =	vst.add.f32.msk $0xffff, v25  }
0x11b: {  	[tilespmem:s3+$0x1050] =	vst.add.f32.msk $0xffff, v26  }
0x11c: {  	[tilespmem:s3+$0x4050] =	vst.add.f32.msk $0xffff, v26  }
0x11d: {  	[tilespmem:s3+$0x7050] =	vst.add.f32.msk $0xffff, v26  }
0x11e: {  	[tilespmem:s3+$0xA050] =	vst.add.f32.msk $0xffff, v26  }
0x11f: {  	[tilespmem:s3+$0x1060] =	vst.add.f32.msk $0xffff, v27  }
0x120: {  	[tilespmem:s3+$0x4060] =	vst.add.f32.msk $0xffff, v27  }
0x121: {  	[tilespmem:s3+$0x7060] =	vst.add.f32.msk $0xffff, v27  }
0x122: {  	[tilespmem:s3+$0xA060] =	vst.add.f32.msk $0xffff, v27  }
0x123: {  	[tilespmem:s3+$0x1070] =	vst.add.f32.msk $0xffff, v28  }
0x124: {  	[tilespmem:s3+$0x4070] =	vst.add.f32.msk $0xffff, v28  }
0x125: {  	[tilespmem:s3+$0x7070] =	vst.add.f32.msk $0xffff, v28  }
0x126: {  	[tilespmem:s3+$0xA070] =	vst.add.f32.msk $0xffff, v28  }
0x127: {  	[tilespmem:s3+$0x1400] =	vst.add.f32.msk $0xffff, v29  }
0x128: {  	[tilespmem:s3+$0x4400] =	vst.add.f32.msk $0xffff, v29  }
0x129: {  	[tilespmem:s3+$0x7400] =	vst.add.f32.msk $0xffff, v29  }
0x12a: {  	[tilespmem:s3+$0xA400] =	vst.add.f32.msk $0xffff, v29  }
0x12b: {  	[tilespmem:s3+$0x1410] =	vst.add.f32.msk $0xffff, v30  }
0x12c: {  	[tilespmem:s3+$0x4410] =	vst.add.f32.msk $0xffff, v30  }
0x12d: {  	[tilespmem:s3+$0x7410] =	vst.add.f32.msk $0xffff, v30  }
0x12e: {  	[tilespmem:s3+$0xA410] =	vst.add.f32.msk $0xffff, v30  }
0x12f: {  	[tilespmem:s3+$0x1420] =	vst.add.f32.msk $0xffff, v31  }
0x130: {  	[tilespmem:s3+$0x4420] =	vst.add.f32.msk $0xffff, v31  }
0x131: {  	[tilespmem:s3+$0x7420] =	vst.add.f32.msk $0xffff, v31  }
0x132: {  	[tilespmem:s3+$0xA420] =	vst.add.f32.msk $0xffff, v31  }
0x133: {  	[tilespmem:s3+$0x1430] =	vst.add.f32.msk $0xffff, v32  }
0x134: {  	s13 =	simm.s32 $0x0;
	[tilespmem:s3+$0x4430] =	vst.add.f32.msk $0xffff, v32  }
0x135: {  	s4 =	simm.s32 $0x80;
	s21 =	smul.u32 $0x1800, s13;
	[tilespmem:s3+$0x7430] =	vst.add.f32.msk $0xffff, v32  }
0x136: {  	s22 =	sand.u32 $0x380, s4;
	[tilespmem:s3+$0xA430] =	vst.add.f32.msk $0xffff, v32  }
0x137: {  	s21 =	sor.u32 s22, s21;
	[tilespmem:s3+$0x1440] =	vst.add.f32.msk $0xffff, v4  }
0x138: {  	s13 =	simm.s32 $0x2;
	v5 =	vld [tilespmem:s21+$0x18000]  }
.LBB2_3:
0x139: {  	p0 =	sne.s32 s13, $0xF;
	[tilespmem:s3+$0x4440] =	vst.add.f32.msk $0xffff, v4  }
0x13a: {  	[tilespmem:s3+$0x7440] =	vst.add.f32.msk $0xffff, v4  }
0x13b: {  	[tilespmem:s3+$0xA440] =	vst.add.f32.msk $0xffff, v4  }
0x13c: {  	v4 =	vld [tilespmem:s21+$0x18010]  }
0x13d: {  	[tilespmem:s21+$0x0] =	vst.add.f32.msk $0xffff, v5  }
0x13e: {  	[tilespmem:s21+$0x3000] =	vst.add.f32.msk $0xffff, v5  }
0x13f: {  	[tilespmem:s21+$0x6000] =	vst.add.f32.msk $0xffff, v5  }
0x140: {  	s22 =	sor.u32 $0x10, s21;
	[tilespmem:s21+$0x9000] =	vst.add.f32.msk $0xffff, v5  }
0x141: {  	[tilespmem:s22+$0x0] =	vst.add.f32.msk $0xffff, v4  }
0x142: {  	v5 =	vld [tilespmem:s21+$0x18020]  }
0x143: {  	[tilespmem:s3+$0x1450] =	vst.add.f32.msk $0xffff, v3  }
0x144: {  	[tilespmem:s21+$0x3010] =	vst.add.f32.msk $0xffff, v4  }
0x145: {  	[tilespmem:s21+$0x6010] =	vst.add.f32.msk $0xffff, v4  }
0x146: {  	s22 =	sor.u32 $0x20, s21;
	[tilespmem:s21+$0x9010] =	vst.add.f32.msk $0xffff, v4  }
0x147: {  	[tilespmem:s22+$0x0] =	vst.add.f32.msk $0xffff, v5  }
0x148: {  	v4 =	vld [tilespmem:s21+$0x18030]  }
0x149: {  	[tilespmem:s3+$0x4450] =	vst.add.f32.msk $0xffff, v3  }
0x14a: {  	[tilespmem:s21+$0x3020] =	vst.add.f32.msk $0xffff, v5  }
0x14b: {  	[tilespmem:s21+$0x6020] =	vst.add.f32.msk $0xffff, v5  }
0x14c: {  	s22 =	sor.u32 $0x30, s21;
	[tilespmem:s21+$0x9020] =	vst.add.f32.msk $0xffff, v5  }
0x14d: {  	[tilespmem:s22+$0x0] =	vst.add.f32.msk $0xffff, v4  }
0x14e: {  	v5 =	vld [tilespmem:s21+$0x18040]  }
0x14f: {  	[tilespmem:s3+$0x7450] =	vst.add.f32.msk $0xffff, v3  }
0x150: {  	[tilespmem:s21+$0x3030] =	vst.add.f32.msk $0xffff, v4  }
0x151: {  	[tilespmem:s21+$0x6030] =	vst.add.f32.msk $0xffff, v4  }
0x152: {  	s22 =	sor.u32 $0x40, s21;
	[tilespmem:s21+$0x9030] =	vst.add.f32.msk $0xffff, v4  }
0x153: {  	[tilespmem:s22+$0x0] =	vst.add.f32.msk $0xffff, v5  }
0x154: {  	v4 =	vld [tilespmem:s21+$0x18050]  }
0x155: {  	[tilespmem:s3+$0xA450] =	vst.add.f32.msk $0xffff, v3  }
0x156: {  	[tilespmem:s21+$0x3040] =	vst.add.f32.msk $0xffff, v5  }
0x157: {  	[tilespmem:s21+$0x6040] =	vst.add.f32.msk $0xffff, v5  }
0x158: {  	s22 =	sor.u32 $0x50, s21;
	[tilespmem:s21+$0x9040] =	vst.add.f32.msk $0xffff, v5  }
0x159: {  	[tilespmem:s22+$0x0] =	vst.add.f32.msk $0xffff, v4  }
0x15a: {  	v3 =	vld [tilespmem:s21+$0x18060]  }
0x15b: {  	[tilespmem:s3+$0x1460] =	vst.add.f32.msk $0xffff, v2  }
0x15c: {  	[tilespmem:s21+$0x3050] =	vst.add.f32.msk $0xffff, v4  }
0x15d: {  	[tilespmem:s21+$0x6050] =	vst.add.f32.msk $0xffff, v4  }
0x15e: {  	s22 =	sor.u32 $0x60, s21;
	[tilespmem:s21+$0x9050] =	vst.add.f32.msk $0xffff, v4  }
0x15f: {  	[tilespmem:s22+$0x0] =	vst.add.f32.msk $0xffff, v3  }
0x160: {  	v4 =	vld [tilespmem:s21+$0x18070]  }
0x161: {  	[tilespmem:s3+$0x4460] =	vst.add.f32.msk $0xffff, v2  }
0x162: {  	[tilespmem:s21+$0x3060] =	vst.add.f32.msk $0xffff, v3  }
0x163: {  	[tilespmem:s21+$0x6060] =	vst.add.f32.msk $0xffff, v3  }
0x164: {  	s22 =	sor.u32 $0x70, s21;
	[tilespmem:s21+$0x9060] =	vst.add.f32.msk $0xffff, v3  }
0x165: {  	[tilespmem:s22+$0x0] =	vst.add.f32.msk $0xffff, v4  }
0x166: {  	v3 =	vld [tilespmem:s21+$0x18400]  }
0x167: {  	[tilespmem:s3+$0x7460] =	vst.add.f32.msk $0xffff, v2  }
0x168: {  	[tilespmem:s21+$0x3070] =	vst.add.f32.msk $0xffff, v4  }
0x169: {  	[tilespmem:s21+$0x6070] =	vst.add.f32.msk $0xffff, v4  }
0x16a: {  	s22 =	sor.u32 $0x400, s21;
	[tilespmem:s21+$0x9070] =	vst.add.f32.msk $0xffff, v4  }
0x16b: {  	[tilespmem:s22+$0x0] =	vst.add.f32.msk $0xffff, v3  }
0x16c: {  	v4 =	vld [tilespmem:s21+$0x18410]  }
0x16d: {  	[tilespmem:s3+$0xA460] =	vst.add.f32.msk $0xffff, v2  }
0x16e: {  	[tilespmem:s21+$0x3400] =	vst.add.f32.msk $0xffff, v3  }
0x16f: {  	[tilespmem:s21+$0x6400] =	vst.add.f32.msk $0xffff, v3  }
0x170: {  	s22 =	sor.u32 $0x410, s21;
	[tilespmem:s21+$0x9400] =	vst.add.f32.msk $0xffff, v3  }
0x171: {  	[tilespmem:s22+$0x0] =	vst.add.f32.msk $0xffff, v4  }
0x172: {  	v2 =	vld [tilespmem:s21+$0x18420]  }
0x173: {  	[tilespmem:s3+$0x1470] =	vst.add.f32.msk $0xffff, v1  }
0x174: {  	[tilespmem:s21+$0x3410] =	vst.add.f32.msk $0xffff, v4  }
0x175: {  	[tilespmem:s21+$0x6410] =	vst.add.f32.msk $0xffff, v4  }
0x176: {  	s22 =	sor.u32 $0x420, s21;
	[tilespmem:s21+$0x9410] =	vst.add.f32.msk $0xffff, v4  }
0x177: {  	[tilespmem:s22+$0x0] =	vst.add.f32.msk $0xffff, v2  }
0x178: {  	v3 =	vld [tilespmem:s21+$0x18430]  }
0x179: {  	[tilespmem:s3+$0x4470] =	vst.add.f32.msk $0xffff, v1  }
0x17a: {  	[tilespmem:s21+$0x3420] =	vst.add.f32.msk $0xffff, v2  }
0x17b: {  	[tilespmem:s21+$0x6420] =	vst.add.f32.msk $0xffff, v2  }
0x17c: {  	s22 =	sor.u32 $0x430, s21;
	[tilespmem:s21+$0x9420] =	vst.add.f32.msk $0xffff, v2  }
0x17d: {  	[tilespmem:s22+$0x0] =	vst.add.f32.msk $0xffff, v3  }
0x17e: {  	v2 =	vld [tilespmem:s21+$0x18440]  }
0x17f: {  	[tilespmem:s3+$0x7470] =	vst.add.f32.msk $0xffff, v1  }
0x180: {  	[tilespmem:s21+$0x3430] =	vst.add.f32.msk $0xffff, v3  }
0x181: {  	[tilespmem:s21+$0x6430] =	vst.add.f32.msk $0xffff, v3  }
0x182: {  	s22 =	sor.u32 $0x440, s21;
	[tilespmem:s21+$0x9430] =	vst.add.f32.msk $0xffff, v3  }
0x183: {  	[tilespmem:s22+$0x0] =	vst.add.f32.msk $0xffff, v2  }
0x184: {  	v1 =	vld [tilespmem:s21+$0x18450]  }
0x185: {  	[tilespmem:s3+$0x3470] =	vst.add.f32.msk $0xffff, v0  }
0x186: {  	[tilespmem:s21+$0x3440] =	vst.add.f32.msk $0xffff, v2  }
0x187: {  	[tilespmem:s21+$0x6440] =	vst.add.f32.msk $0xffff, v2  }
0x188: {  	s22 =	sor.u32 $0x450, s21;
	[tilespmem:s21+$0x9440] =	vst.add.f32.msk $0xffff, v2  }
0x189: {  	[tilespmem:s22+$0x0] =	vst.add.f32.msk $0xffff, v1  }
0x18a: {  	v2 =	vld [tilespmem:s21+$0x18460]  }
0x18b: {  	[tilespmem:s3+$0x6470] =	vst.add.f32.msk $0xffff, v0  }
0x18c: {  	[tilespmem:s21+$0x3450] =	vst.add.f32.msk $0xffff, v1  }
0x18d: {  	[tilespmem:s21+$0x6450] =	vst.add.f32.msk $0xffff, v1  }
0x18e: {  	s22 =	sor.u32 $0x460, s21;
	[tilespmem:s21+$0x9450] =	vst.add.f32.msk $0xffff, v1  }
0x18f: {  	[tilespmem:s22+$0x0] =	vst.add.f32.msk $0xffff, v2  }
0x190: {  	v1 =	vld [tilespmem:s21+$0x18470]  }
0x191: {  	[tilespmem:s3+$0x9470] =	vst.add.f32.msk $0xffff, v0;
	s3 =	smov.u32 s21  }
0x192: {  	[tilespmem:s3+$0x3460] =	vst.add.f32.msk $0xffff, v2  }
0x193: {  	[tilespmem:s3+$0x6460] =	vst.add.f32.msk $0xffff, v2  }
0x194: {  	s21 =	sor.u32 $0x470, s3;
	[tilespmem:s3+$0x9460] =	vst.add.f32.msk $0xffff, v2  }
0x195: {  	[tilespmem:s21+$0x0] =	vst.add.f32.msk $0xffff, v1;
	v0 =	vmov v1  }
0x196: {  	v1 =	vld [tilespmem:s3+$0x19470]  }
0x197: {  	v22 =	vld [tilespmem:s3+$0x18800]  }
0x198: {  	v23 =	vld [tilespmem:s3+$0x18810]  }
0x199: {  	v24 =	vld [tilespmem:s3+$0x18820]  }
0x19a: {  	v25 =	vld [tilespmem:s3+$0x18830]  }
0x19b: {  	[tilespmem:s3+$0xA470] =	vst.add.f32.msk $0xffff, v1  }
0x19c: {  	v26 =	vld [tilespmem:s3+$0x18840]  }
0x19d: {  	v27 =	vld [tilespmem:s3+$0x18850]  }
0x19e: {  	v28 =	vld [tilespmem:s3+$0x18860]  }
0x19f: {  	v29 =	vld [tilespmem:s3+$0x18870]  }
0x1a0: {  	v30 =	vld [tilespmem:s3+$0x18C00]  }
0x1a1: {  	v31 =	vld [tilespmem:s3+$0x18C10]  }
0x1a2: {  	v32 =	vld [tilespmem:s3+$0x18C20]  }
0x1a3: {  	v21 =	vld [tilespmem:s3+$0x18C30]  }
0x1a4: {  	v20 =	vld [tilespmem:s3+$0x18C40]  }
0x1a5: {  	v19 =	vld [tilespmem:s3+$0x18C50]  }
0x1a6: {  	v18 =	vld [tilespmem:s3+$0x18C60]  }
0x1a7: {  	v17 =	vld [tilespmem:s3+$0x18C70]  }
0x1a8: {  	v16 =	vld [tilespmem:s3+$0x19000]  }
0x1a9: {  	v15 =	vld [tilespmem:s3+$0x19010]  }
0x1aa: {  	v14 =	vld [tilespmem:s3+$0x19020]  }
0x1ab: {  	v13 =	vld [tilespmem:s3+$0x19030]  }
0x1ac: {  	v12 =	vld [tilespmem:s3+$0x19040]  }
0x1ad: {  	v11 =	vld [tilespmem:s3+$0x19050]  }
0x1ae: {  	v10 =	vld [tilespmem:s3+$0x19060]  }
0x1af: {  	v9 =	vld [tilespmem:s3+$0x19070]  }
0x1b0: {  	v8 =	vld [tilespmem:s3+$0x19400]  }
0x1b1: {  	v7 =	vld [tilespmem:s3+$0x19410]  }
0x1b2: {  	v6 =	vld [tilespmem:s3+$0x19420]  }
0x1b3: {  	v5 =	vld [tilespmem:s3+$0x19430]  }
0x1b4: {  	v4 =	vld [tilespmem:s3+$0x19440]  }
0x1b5: {  	v3 =	vld [tilespmem:s3+$0x19450]  }
0x1b6: {  	v2 =	vld [tilespmem:s3+$0x19460]  }
0x1b7: {  	[tilespmem:s3+$0x800] =	vst.add.f32.msk $0xffff, v22  }
0x1b8: {  	[tilespmem:s3+$0x3800] =	vst.add.f32.msk $0xffff, v22  }
0x1b9: {  	[tilespmem:s3+$0x6800] =	vst.add.f32.msk $0xffff, v22  }
0x1ba: {  	[tilespmem:s3+$0x9800] =	vst.add.f32.msk $0xffff, v22  }
0x1bb: {  	[tilespmem:s3+$0x810] =	vst.add.f32.msk $0xffff, v23  }
0x1bc: {  	[tilespmem:s3+$0x3810] =	vst.add.f32.msk $0xffff, v23  }
0x1bd: {  	[tilespmem:s3+$0x6810] =	vst.add.f32.msk $0xffff, v23  }
0x1be: {  	[tilespmem:s3+$0x9810] =	vst.add.f32.msk $0xffff, v23  }
0x1bf: {  	[tilespmem:s3+$0x820] =	vst.add.f32.msk $0xffff, v24  }
0x1c0: {  	[tilespmem:s3+$0x3820] =	vst.add.f32.msk $0xffff, v24  }
0x1c1: {  	[tilespmem:s3+$0x6820] =	vst.add.f32.msk $0xffff, v24  }
0x1c2: {  	[tilespmem:s3+$0x9820] =	vst.add.f32.msk $0xffff, v24  }
0x1c3: {  	[tilespmem:s3+$0x830] =	vst.add.f32.msk $0xffff, v25  }
0x1c4: {  	[tilespmem:s3+$0x3830] =	vst.add.f32.msk $0xffff, v25  }
0x1c5: {  	[tilespmem:s3+$0x6830] =	vst.add.f32.msk $0xffff, v25  }
0x1c6: {  	[tilespmem:s3+$0x9830] =	vst.add.f32.msk $0xffff, v25  }
0x1c7: {  	[tilespmem:s3+$0x840] =	vst.add.f32.msk $0xffff, v26  }
0x1c8: {  	[tilespmem:s3+$0x3840] =	vst.add.f32.msk $0xffff, v26  }
0x1c9: {  	[tilespmem:s3+$0x6840] =	vst.add.f32.msk $0xffff, v26  }
0x1ca: {  	[tilespmem:s3+$0x9840] =	vst.add.f32.msk $0xffff, v26  }
0x1cb: {  	[tilespmem:s3+$0x850] =	vst.add.f32.msk $0xffff, v27  }
0x1cc: {  	[tilespmem:s3+$0x3850] =	vst.add.f32.msk $0xffff, v27  }
0x1cd: {  	[tilespmem:s3+$0x6850] =	vst.add.f32.msk $0xffff, v27  }
0x1ce: {  	[tilespmem:s3+$0x9850] =	vst.add.f32.msk $0xffff, v27  }
0x1cf: {  	[tilespmem:s3+$0x860] =	vst.add.f32.msk $0xffff, v28  }
0x1d0: {  	[tilespmem:s3+$0x3860] =	vst.add.f32.msk $0xffff, v28  }
0x1d1: {  	[tilespmem:s3+$0x6860] =	vst.add.f32.msk $0xffff, v28  }
0x1d2: {  	[tilespmem:s3+$0x9860] =	vst.add.f32.msk $0xffff, v28  }
0x1d3: {  	[tilespmem:s3+$0x870] =	vst.add.f32.msk $0xffff, v29  }
0x1d4: {  	[tilespmem:s3+$0x3870] =	vst.add.f32.msk $0xffff, v29  }
0x1d5: {  	[tilespmem:s3+$0x6870] =	vst.add.f32.msk $0xffff, v29  }
0x1d6: {  	[tilespmem:s3+$0x9870] =	vst.add.f32.msk $0xffff, v29  }
0x1d7: {  	[tilespmem:s3+$0xC00] =	vst.add.f32.msk $0xffff, v30  }
0x1d8: {  	[tilespmem:s3+$0x3C00] =	vst.add.f32.msk $0xffff, v30  }
0x1d9: {  	[tilespmem:s3+$0x6C00] =	vst.add.f32.msk $0xffff, v30  }
0x1da: {  	[tilespmem:s3+$0x9C00] =	vst.add.f32.msk $0xffff, v30  }
0x1db: {  	[tilespmem:s3+$0xC10] =	vst.add.f32.msk $0xffff, v31  }
0x1dc: {  	[tilespmem:s3+$0x3C10] =	vst.add.f32.msk $0xffff, v31  }
0x1dd: {  	[tilespmem:s3+$0x6C10] =	vst.add.f32.msk $0xffff, v31  }
0x1de: {  	[tilespmem:s3+$0x9C10] =	vst.add.f32.msk $0xffff, v31  }
0x1df: {  	[tilespmem:s3+$0xC20] =	vst.add.f32.msk $0xffff, v32  }
0x1e0: {  	[tilespmem:s3+$0x3C20] =	vst.add.f32.msk $0xffff, v32  }
0x1e1: {  	[tilespmem:s3+$0x6C20] =	vst.add.f32.msk $0xffff, v32  }
0x1e2: {  	[tilespmem:s3+$0x9C20] =	vst.add.f32.msk $0xffff, v32  }
0x1e3: {  	[tilespmem:s3+$0xC30] =	vst.add.f32.msk $0xffff, v21  }
0x1e4: {  	[tilespmem:s3+$0x3C30] =	vst.add.f32.msk $0xffff, v21  }
0x1e5: {  	[tilespmem:s3+$0x6C30] =	vst.add.f32.msk $0xffff, v21  }
0x1e6: {  	[tilespmem:s3+$0x9C30] =	vst.add.f32.msk $0xffff, v21  }
0x1e7: {  	[tilespmem:s3+$0xC40] =	vst.add.f32.msk $0xffff, v20  }
0x1e8: {  	[tilespmem:s3+$0x3C40] =	vst.add.f32.msk $0xffff, v20  }
0x1e9: {  	[tilespmem:s3+$0x6C40] =	vst.add.f32.msk $0xffff, v20  }
0x1ea: {  	[tilespmem:s3+$0x9C40] =	vst.add.f32.msk $0xffff, v20  }
0x1eb: {  	[tilespmem:s3+$0xC50] =	vst.add.f32.msk $0xffff, v19  }
0x1ec: {  	[tilespmem:s3+$0x3C50] =	vst.add.f32.msk $0xffff, v19  }
0x1ed: {  	[tilespmem:s3+$0x6C50] =	vst.add.f32.msk $0xffff, v19  }
0x1ee: {  	[tilespmem:s3+$0x9C50] =	vst.add.f32.msk $0xffff, v19  }
0x1ef: {  	[tilespmem:s3+$0xC60] =	vst.add.f32.msk $0xffff, v18  }
0x1f0: {  	[tilespmem:s3+$0x3C60] =	vst.add.f32.msk $0xffff, v18  }
0x1f1: {  	[tilespmem:s3+$0x6C60] =	vst.add.f32.msk $0xffff, v18  }
0x1f2: {  	[tilespmem:s3+$0x9C60] =	vst.add.f32.msk $0xffff, v18  }
0x1f3: {  	[tilespmem:s3+$0xC70] =	vst.add.f32.msk $0xffff, v17  }
0x1f4: {  	[tilespmem:s3+$0x3C70] =	vst.add.f32.msk $0xffff, v17  }
0x1f5: {  	[tilespmem:s3+$0x6C70] =	vst.add.f32.msk $0xffff, v17  }
0x1f6: {  	[tilespmem:s3+$0x9C70] =	vst.add.f32.msk $0xffff, v17  }
0x1f7: {  	[tilespmem:s3+$0x1000] =	vst.add.f32.msk $0xffff, v16  }
0x1f8: {  	[tilespmem:s3+$0x4000] =	vst.add.f32.msk $0xffff, v16  }
0x1f9: {  	[tilespmem:s3+$0x7000] =	vst.add.f32.msk $0xffff, v16  }
0x1fa: {  	[tilespmem:s3+$0xA000] =	vst.add.f32.msk $0xffff, v16  }
0x1fb: {  	[tilespmem:s3+$0x1010] =	vst.add.f32.msk $0xffff, v15  }
0x1fc: {  	[tilespmem:s3+$0x4010] =	vst.add.f32.msk $0xffff, v15  }
0x1fd: {  	[tilespmem:s3+$0x7010] =	vst.add.f32.msk $0xffff, v15  }
0x1fe: {  	[tilespmem:s3+$0xA010] =	vst.add.f32.msk $0xffff, v15  }
0x1ff: {  	[tilespmem:s3+$0x1020] =	vst.add.f32.msk $0xffff, v14  }
0x200: {  	[tilespmem:s3+$0x4020] =	vst.add.f32.msk $0xffff, v14  }
0x201: {  	[tilespmem:s3+$0x7020] =	vst.add.f32.msk $0xffff, v14  }
0x202: {  	[tilespmem:s3+$0xA020] =	vst.add.f32.msk $0xffff, v14  }
0x203: {  	[tilespmem:s3+$0x1030] =	vst.add.f32.msk $0xffff, v13  }
0x204: {  	[tilespmem:s3+$0x4030] =	vst.add.f32.msk $0xffff, v13  }
0x205: {  	[tilespmem:s3+$0x7030] =	vst.add.f32.msk $0xffff, v13  }
0x206: {  	[tilespmem:s3+$0xA030] =	vst.add.f32.msk $0xffff, v13  }
0x207: {  	[tilespmem:s3+$0x1040] =	vst.add.f32.msk $0xffff, v12  }
0x208: {  	[tilespmem:s3+$0x4040] =	vst.add.f32.msk $0xffff, v12  }
0x209: {  	[tilespmem:s3+$0x7040] =	vst.add.f32.msk $0xffff, v12  }
0x20a: {  	[tilespmem:s3+$0xA040] =	vst.add.f32.msk $0xffff, v12  }
0x20b: {  	[tilespmem:s3+$0x1050] =	vst.add.f32.msk $0xffff, v11  }
0x20c: {  	[tilespmem:s3+$0x4050] =	vst.add.f32.msk $0xffff, v11  }
0x20d: {  	[tilespmem:s3+$0x7050] =	vst.add.f32.msk $0xffff, v11  }
0x20e: {  	[tilespmem:s3+$0xA050] =	vst.add.f32.msk $0xffff, v11  }
0x20f: {  	[tilespmem:s3+$0x1060] =	vst.add.f32.msk $0xffff, v10  }
0x210: {  	[tilespmem:s3+$0x4060] =	vst.add.f32.msk $0xffff, v10  }
0x211: {  	[tilespmem:s3+$0x7060] =	vst.add.f32.msk $0xffff, v10  }
0x212: {  	[tilespmem:s3+$0xA060] =	vst.add.f32.msk $0xffff, v10  }
0x213: {  	[tilespmem:s3+$0x1070] =	vst.add.f32.msk $0xffff, v9  }
0x214: {  	[tilespmem:s3+$0x4070] =	vst.add.f32.msk $0xffff, v9  }
0x215: {  	[tilespmem:s3+$0x7070] =	vst.add.f32.msk $0xffff, v9  }
0x216: {  	[tilespmem:s3+$0xA070] =	vst.add.f32.msk $0xffff, v9  }
0x217: {  	[tilespmem:s3+$0x1400] =	vst.add.f32.msk $0xffff, v8  }
0x218: {  	[tilespmem:s3+$0x4400] =	vst.add.f32.msk $0xffff, v8  }
0x219: {  	[tilespmem:s3+$0x7400] =	vst.add.f32.msk $0xffff, v8  }
0x21a: {  	[tilespmem:s3+$0xA400] =	vst.add.f32.msk $0xffff, v8  }
0x21b: {  	[tilespmem:s3+$0x1410] =	vst.add.f32.msk $0xffff, v7  }
0x21c: {  	[tilespmem:s3+$0x4410] =	vst.add.f32.msk $0xffff, v7  }
0x21d: {  	[tilespmem:s3+$0x7410] =	vst.add.f32.msk $0xffff, v7  }
0x21e: {  	[tilespmem:s3+$0xA410] =	vst.add.f32.msk $0xffff, v7  }
0x21f: {  	[tilespmem:s3+$0x1420] =	vst.add.f32.msk $0xffff, v6  }
0x220: {  	[tilespmem:s3+$0x4420] =	vst.add.f32.msk $0xffff, v6  }
0x221: {  	[tilespmem:s3+$0x7420] =	vst.add.f32.msk $0xffff, v6  }
0x222: {  	[tilespmem:s3+$0xA420] =	vst.add.f32.msk $0xffff, v6  }
0x223: {  	[tilespmem:s3+$0x1430] =	vst.add.f32.msk $0xffff, v5  }
.Ltmp2:
0x224: {  	s21 =	sshrl.u32 s13, $0x3;
	[tilespmem:s3+$0x4430] =	vst.add.f32.msk $0xffff, v5;
	(pc) =	sbr.rel @p0 .LBB2_3-.Ltmp2, $4  }
0x225: {  	s4 =	sadd.s32 $0x80, s4;
	s21 =	smul.u32 $0x1800, s21;
	[tilespmem:s3+$0x7430] =	vst.add.f32.msk $0xffff, v5  }
0x226: {  	s22 =	sand.u32 $0x380, s4;
	[tilespmem:s3+$0xA430] =	vst.add.f32.msk $0xffff, v5  }
0x227: {  	s21 =	sor.u32 s22, s21;
	[tilespmem:s3+$0x1440] =	vst.add.f32.msk $0xffff, v4  }
0x228: {  	s13 =	sadd.s32 $0x1, s13;
	v5 =	vld [tilespmem:s21+$0x18000]  }
0x229: {  	[tilespmem:s3+$0x4440] =	vst.add.f32.msk $0xffff, v4  }
0x22a: {  	[tilespmem:s3+$0x7440] =	vst.add.f32.msk $0xffff, v4  }
0x22b: {  	[tilespmem:s3+$0xA440] =	vst.add.f32.msk $0xffff, v4  }
0x22c: {  	v55 =	vld [tilespmem:s21+$0x18010]  }
0x22d: {  	[tilespmem:s21+$0x0] =	vst.add.f32.msk $0xffff, v5  }
0x22e: {  	[tilespmem:s21+$0x3000] =	vst.add.f32.msk $0xffff, v5  }
0x22f: {  	[tilespmem:s21+$0x6000] =	vst.add.f32.msk $0xffff, v5  }
0x230: {  	s4 =	sor.u32 $0x10, s21;
	[tilespmem:s21+$0x9000] =	vst.add.f32.msk $0xffff, v5  }
0x231: {  	[tilespmem:s4+$0x0] =	vst.add.f32.msk $0xffff, v55  }
0x232: {  	v56 =	vld [tilespmem:s21+$0x18020]  }
0x233: {  	[tilespmem:s3+$0x1450] =	vst.add.f32.msk $0xffff, v3  }
0x234: {  	[tilespmem:s21+$0x3010] =	vst.add.f32.msk $0xffff, v55  }
0x235: {  	[tilespmem:s21+$0x6010] =	vst.add.f32.msk $0xffff, v55  }
0x236: {  	s22 =	sor.u32 $0x20, s21;
	[tilespmem:s21+$0x9010] =	vst.add.f32.msk $0xffff, v55  }
0x237: {  	[tilespmem:s22+$0x0] =	vst.add.f32.msk $0xffff, v56  }
0x238: {  	v57 =	vld [tilespmem:s21+$0x18030]  }
0x239: {  	[tilespmem:s3+$0x4450] =	vst.add.f32.msk $0xffff, v3  }
0x23a: {  	[tilespmem:s21+$0x3020] =	vst.add.f32.msk $0xffff, v56  }
0x23b: {  	[tilespmem:s21+$0x6020] =	vst.add.f32.msk $0xffff, v56  }
0x23c: {  	s13 =	sor.u32 $0x30, s21;
	[tilespmem:s21+$0x9020] =	vst.add.f32.msk $0xffff, v56  }
0x23d: {  	[tilespmem:s13+$0x0] =	vst.add.f32.msk $0xffff, v57  }
0x23e: {  	v58 =	vld [tilespmem:s21+$0x18040]  }
0x23f: {  	[tilespmem:s3+$0x7450] =	vst.add.f32.msk $0xffff, v3  }
0x240: {  	[tilespmem:s21+$0x3030] =	vst.add.f32.msk $0xffff, v57  }
0x241: {  	[tilespmem:s21+$0x6030] =	vst.add.f32.msk $0xffff, v57  }
0x242: {  	s22 =	sor.u32 $0x40, s21;
	[tilespmem:s21+$0x9030] =	vst.add.f32.msk $0xffff, v57  }
0x243: {  	[tilespmem:s22+$0x0] =	vst.add.f32.msk $0xffff, v58  }
0x244: {  	v59 =	vld [tilespmem:s21+$0x18050]  }
0x245: {  	[tilespmem:s3+$0xA450] =	vst.add.f32.msk $0xffff, v3  }
0x246: {  	[tilespmem:s21+$0x3040] =	vst.add.f32.msk $0xffff, v58  }
0x247: {  	[tilespmem:s21+$0x6040] =	vst.add.f32.msk $0xffff, v58  }
0x248: {  	s13 =	sor.u32 $0x50, s21;
	[tilespmem:s21+$0x9040] =	vst.add.f32.msk $0xffff, v58  }
0x249: {  	[tilespmem:s13+$0x0] =	vst.add.f32.msk $0xffff, v59  }
0x24a: {  	v3 =	vld [tilespmem:s21+$0x18060]  }
0x24b: {  	[tilespmem:s3+$0x1460] =	vst.add.f32.msk $0xffff, v2  }
0x24c: {  	[tilespmem:s21+$0x3050] =	vst.add.f32.msk $0xffff, v59  }
0x24d: {  	[tilespmem:s21+$0x6050] =	vst.add.f32.msk $0xffff, v59  }
0x24e: {  	s22 =	sor.u32 $0x60, s21;
	[tilespmem:s21+$0x9050] =	vst.add.f32.msk $0xffff, v59  }
0x24f: {  	[tilespmem:s22+$0x0] =	vst.add.f32.msk $0xffff, v3  }
0x250: {  	v60 =	vld [tilespmem:s21+$0x18070]  }
0x251: {  	[tilespmem:s3+$0x4460] =	vst.add.f32.msk $0xffff, v2  }
0x252: {  	[tilespmem:s21+$0x3060] =	vst.add.f32.msk $0xffff, v3  }
0x253: {  	[tilespmem:s21+$0x6060] =	vst.add.f32.msk $0xffff, v3  }
0x254: {  	s13 =	sor.u32 $0x70, s21;
	[tilespmem:s21+$0x9060] =	vst.add.f32.msk $0xffff, v3  }
0x255: {  	[tilespmem:s13+$0x0] =	vst.add.f32.msk $0xffff, v60  }
0x256: {  	v3 =	vld [tilespmem:s21+$0x18400]  }
0x257: {  	[tilespmem:s3+$0x7460] =	vst.add.f32.msk $0xffff, v2  }
0x258: {  	[tilespmem:s21+$0x3070] =	vst.add.f32.msk $0xffff, v60  }
0x259: {  	[tilespmem:s21+$0x6070] =	vst.add.f32.msk $0xffff, v60  }
0x25a: {  	s22 =	sor.u32 $0x400, s21;
	[tilespmem:s21+$0x9070] =	vst.add.f32.msk $0xffff, v60  }
0x25b: {  	[tilespmem:s22+$0x0] =	vst.add.f32.msk $0xffff, v3  }
0x25c: {  	v61 =	vld [tilespmem:s21+$0x18410]  }
0x25d: {  	[tilespmem:s3+$0xA460] =	vst.add.f32.msk $0xffff, v2  }
0x25e: {  	[tilespmem:s21+$0x3400] =	vst.add.f32.msk $0xffff, v3  }
0x25f: {  	[tilespmem:s21+$0x6400] =	vst.add.f32.msk $0xffff, v3  }
0x260: {  	s13 =	sor.u32 $0x410, s21;
	[tilespmem:s21+$0x9400] =	vst.add.f32.msk $0xffff, v3  }
0x261: {  	[tilespmem:s13+$0x0] =	vst.add.f32.msk $0xffff, v61  }
0x262: {  	v2 =	vld [tilespmem:s21+$0x18420]  }
0x263: {  	[tilespmem:s3+$0x1470] =	vst.add.f32.msk $0xffff, v1  }
0x264: {  	[tilespmem:s21+$0x3410] =	vst.add.f32.msk $0xffff, v61  }
0x265: {  	[tilespmem:s21+$0x6410] =	vst.add.f32.msk $0xffff, v61  }
0x266: {  	s22 =	sor.u32 $0x420, s21;
	[tilespmem:s21+$0x9410] =	vst.add.f32.msk $0xffff, v61  }
0x267: {  	[tilespmem:s22+$0x0] =	vst.add.f32.msk $0xffff, v2  }
0x268: {  	v3 =	vld [tilespmem:s21+$0x18430]  }
0x269: {  	[tilespmem:s3+$0x4470] =	vst.add.f32.msk $0xffff, v1  }
0x26a: {  	[tilespmem:s21+$0x3420] =	vst.add.f32.msk $0xffff, v2  }
0x26b: {  	[tilespmem:s21+$0x6420] =	vst.add.f32.msk $0xffff, v2  }
0x26c: {  	s13 =	sor.u32 $0x430, s21;
	[tilespmem:s21+$0x9420] =	vst.add.f32.msk $0xffff, v2  }
0x26d: {  	[tilespmem:s13+$0x0] =	vst.add.f32.msk $0xffff, v3  }
0x26e: {  	v2 =	vld [tilespmem:s21+$0x18440]  }
0x26f: {  	[tilespmem:s3+$0x7470] =	vst.add.f32.msk $0xffff, v1  }
0x270: {  	[tilespmem:s21+$0x3430] =	vst.add.f32.msk $0xffff, v3  }
0x271: {  	[tilespmem:s21+$0x6430] =	vst.add.f32.msk $0xffff, v3  }
0x272: {  	s22 =	sor.u32 $0x440, s21;
	[tilespmem:s21+$0x9430] =	vst.add.f32.msk $0xffff, v3  }
0x273: {  	[tilespmem:s22+$0x0] =	vst.add.f32.msk $0xffff, v2  }
0x274: {  	v1 =	vld [tilespmem:s21+$0x18450]  }
0x275: {  	[tilespmem:s3+$0x3470] =	vst.add.f32.msk $0xffff, v0  }
0x276: {  	[tilespmem:s21+$0x3440] =	vst.add.f32.msk $0xffff, v2  }
0x277: {  	[tilespmem:s21+$0x6440] =	vst.add.f32.msk $0xffff, v2  }
0x278: {  	s13 =	sor.u32 $0x450, s21;
	[tilespmem:s21+$0x9440] =	vst.add.f32.msk $0xffff, v2  }
0x279: {  	[tilespmem:s13+$0x0] =	vst.add.f32.msk $0xffff, v1  }
0x27a: {  	v2 =	vld [tilespmem:s21+$0x18460]  }
0x27b: {  	[tilespmem:s3+$0x6470] =	vst.add.f32.msk $0xffff, v0  }
0x27c: {  	[tilespmem:s21+$0x3450] =	vst.add.f32.msk $0xffff, v1  }
0x27d: {  	[tilespmem:s21+$0x6450] =	vst.add.f32.msk $0xffff, v1  }
0x27e: {  	s22 =	sor.u32 $0x460, s21;
	[tilespmem:s21+$0x9450] =	vst.add.f32.msk $0xffff, v1  }
0x27f: {  	[tilespmem:s22+$0x0] =	vst.add.f32.msk $0xffff, v2  }
0x280: {  	v1 =	vld [tilespmem:s21+$0x18470]  }
0x281: {  	[tilespmem:s3+$0x9470] =	vst.add.f32.msk $0xffff, v0  }
0x282: {  	[tilespmem:s21+$0x3460] =	vst.add.f32.msk $0xffff, v2  }
0x283: {  	[tilespmem:s21+$0x6460] =	vst.add.f32.msk $0xffff, v2  }
0x284: {  	s13 =	sor.u32 $0x470, s21;
	[tilespmem:s21+$0x9460] =	vst.add.f32.msk $0xffff, v2  }
0x285: {  	[tilespmem:s13+$0x0] =	vst.add.f32.msk $0xffff, v1  }
0x286: {  	v0 =	vld [tilespmem:s21+$0x19470]  }
0x287: {  	v2 =	vld [tilespmem:s21+$0x18800]  }
0x288: {  	v3 =	vld [tilespmem:s21+$0x18810]  }
0x289: {  	v62 =	vld [tilespmem:s21+$0x18820]  }
0x28a: {  	v63 =	vld [tilespmem:s21+$0x18830]  }
0x28b: {  	v6 =	vld [tilespmem:s21+$0x18840]  }
0x28c: {  	v7 =	vld [tilespmem:s21+$0x18850]  }
0x28d: {  	v8 =	vld [tilespmem:s21+$0x18860]  }
0x28e: {  	v9 =	vld [tilespmem:s21+$0x18870]  }
0x28f: {  	v10 =	vld [tilespmem:s21+$0x18C00]  }
0x290: {  	v11 =	vld [tilespmem:s21+$0x18C10]  }
0x291: {  	v12 =	vld [tilespmem:s21+$0x18C20]  }
0x292: {  	v13 =	vld [tilespmem:s21+$0x18C30]  }
0x293: {  	v14 =	vld [tilespmem:s21+$0x18C40]  }
0x294: {  	v15 =	vld [tilespmem:s21+$0x18C50]  }
0x295: {  	v16 =	vld [tilespmem:s21+$0x18C60]  }
0x296: {  	v17 =	vld [tilespmem:s21+$0x18C70]  }
0x297: {  	v18 =	vld [tilespmem:s21+$0x19000]  }
0x298: {  	v19 =	vld [tilespmem:s21+$0x19010]  }
0x299: {  	v20 =	vld [tilespmem:s21+$0x19020]  }
0x29a: {  	v21 =	vld [tilespmem:s21+$0x19030]  }
0x29b: {  	v22 =	vld [tilespmem:s21+$0x19040]  }
0x29c: {  	v23 =	vld [tilespmem:s21+$0x19050]  }
0x29d: {  	v24 =	vld [tilespmem:s21+$0x19060]  }
0x29e: {  	v25 =	vld [tilespmem:s21+$0x19070]  }
0x29f: {  	v26 =	vld [tilespmem:s21+$0x19400]  }
0x2a0: {  	v27 =	vld [tilespmem:s21+$0x19410]  }
0x2a1: {  	v28 =	vld [tilespmem:s21+$0x19420]  }
0x2a2: {  	v29 =	vld [tilespmem:s21+$0x19430]  }
0x2a3: {  	v30 =	vld [tilespmem:s21+$0x19440]  }
0x2a4: {  	v31 =	vld [tilespmem:s21+$0x19450]  }
0x2a5: {  	v32 =	vld [tilespmem:s21+$0x19460]  }
0x2a6: {  	[tilespmem:s21+$0x3470] =	vst.add.f32.msk $0xffff, v1  }
0x2a7: {  	[tilespmem:s21+$0x6470] =	vst.add.f32.msk $0xffff, v1  }
0x2a8: {  	[tilespmem:s21+$0x9470] =	vst.add.f32.msk $0xffff, v1  }
0x2a9: {  	[tilespmem:s21+$0xA470] =	vst.add.f32.msk $0xffff, v0  }
0x2aa: {  	[tilespmem:s21+$0x800] =	vst.add.f32.msk $0xffff, v2  }
0x2ab: {  	[tilespmem:s21+$0x3800] =	vst.add.f32.msk $0xffff, v2  }
0x2ac: {  	[tilespmem:s21+$0x6800] =	vst.add.f32.msk $0xffff, v2  }
0x2ad: {  	[tilespmem:s21+$0x9800] =	vst.add.f32.msk $0xffff, v2  }
0x2ae: {  	[tilespmem:s21+$0x810] =	vst.add.f32.msk $0xffff, v3  }
0x2af: {  	[tilespmem:s21+$0x3810] =	vst.add.f32.msk $0xffff, v3  }
0x2b0: {  	[tilespmem:s21+$0x6810] =	vst.add.f32.msk $0xffff, v3  }
0x2b1: {  	[tilespmem:s21+$0x9810] =	vst.add.f32.msk $0xffff, v3  }
0x2b2: {  	[tilespmem:s21+$0x820] =	vst.add.f32.msk $0xffff, v62  }
0x2b3: {  	[tilespmem:s21+$0x3820] =	vst.add.f32.msk $0xffff, v62  }
0x2b4: {  	[tilespmem:s21+$0x6820] =	vst.add.f32.msk $0xffff, v62  }
0x2b5: {  	[tilespmem:s21+$0x9820] =	vst.add.f32.msk $0xffff, v62  }
0x2b6: {  	[tilespmem:s21+$0x830] =	vst.add.f32.msk $0xffff, v63  }
0x2b7: {  	[tilespmem:s21+$0x3830] =	vst.add.f32.msk $0xffff, v63  }
0x2b8: {  	[tilespmem:s21+$0x6830] =	vst.add.f32.msk $0xffff, v63  }
0x2b9: {  	[tilespmem:s21+$0x9830] =	vst.add.f32.msk $0xffff, v63  }
0x2ba: {  	[tilespmem:s21+$0x840] =	vst.add.f32.msk $0xffff, v6  }
0x2bb: {  	[tilespmem:s21+$0x3840] =	vst.add.f32.msk $0xffff, v6  }
0x2bc: {  	[tilespmem:s21+$0x6840] =	vst.add.f32.msk $0xffff, v6  }
0x2bd: {  	[tilespmem:s21+$0x9840] =	vst.add.f32.msk $0xffff, v6  }
0x2be: {  	[tilespmem:s21+$0x850] =	vst.add.f32.msk $0xffff, v7  }
0x2bf: {  	[tilespmem:s21+$0x3850] =	vst.add.f32.msk $0xffff, v7  }
0x2c0: {  	[tilespmem:s21+$0x6850] =	vst.add.f32.msk $0xffff, v7  }
0x2c1: {  	[tilespmem:s21+$0x9850] =	vst.add.f32.msk $0xffff, v7  }
0x2c2: {  	[tilespmem:s21+$0x860] =	vst.add.f32.msk $0xffff, v8  }
0x2c3: {  	[tilespmem:s21+$0x3860] =	vst.add.f32.msk $0xffff, v8  }
0x2c4: {  	[tilespmem:s21+$0x6860] =	vst.add.f32.msk $0xffff, v8  }
0x2c5: {  	[tilespmem:s21+$0x9860] =	vst.add.f32.msk $0xffff, v8  }
0x2c6: {  	[tilespmem:s21+$0x870] =	vst.add.f32.msk $0xffff, v9  }
0x2c7: {  	[tilespmem:s21+$0x3870] =	vst.add.f32.msk $0xffff, v9  }
0x2c8: {  	[tilespmem:s21+$0x6870] =	vst.add.f32.msk $0xffff, v9  }
0x2c9: {  	[tilespmem:s21+$0x9870] =	vst.add.f32.msk $0xffff, v9  }
0x2ca: {  	[tilespmem:s21+$0xC00] =	vst.add.f32.msk $0xffff, v10  }
0x2cb: {  	[tilespmem:s21+$0x3C00] =	vst.add.f32.msk $0xffff, v10  }
0x2cc: {  	[tilespmem:s21+$0x6C00] =	vst.add.f32.msk $0xffff, v10  }
0x2cd: {  	[tilespmem:s21+$0x9C00] =	vst.add.f32.msk $0xffff, v10  }
0x2ce: {  	[tilespmem:s21+$0xC10] =	vst.add.f32.msk $0xffff, v11  }
0x2cf: {  	[tilespmem:s21+$0x3C10] =	vst.add.f32.msk $0xffff, v11  }
0x2d0: {  	[tilespmem:s21+$0x6C10] =	vst.add.f32.msk $0xffff, v11  }
0x2d1: {  	[tilespmem:s21+$0x9C10] =	vst.add.f32.msk $0xffff, v11  }
0x2d2: {  	[tilespmem:s21+$0xC20] =	vst.add.f32.msk $0xffff, v12  }
0x2d3: {  	[tilespmem:s21+$0x3C20] =	vst.add.f32.msk $0xffff, v12  }
0x2d4: {  	[tilespmem:s21+$0x6C20] =	vst.add.f32.msk $0xffff, v12  }
0x2d5: {  	[tilespmem:s21+$0x9C20] =	vst.add.f32.msk $0xffff, v12  }
0x2d6: {  	[tilespmem:s21+$0xC30] =	vst.add.f32.msk $0xffff, v13  }
0x2d7: {  	[tilespmem:s21+$0x3C30] =	vst.add.f32.msk $0xffff, v13  }
0x2d8: {  	[tilespmem:s21+$0x6C30] =	vst.add.f32.msk $0xffff, v13  }
0x2d9: {  	[tilespmem:s21+$0x9C30] =	vst.add.f32.msk $0xffff, v13  }
0x2da: {  	[tilespmem:s21+$0xC40] =	vst.add.f32.msk $0xffff, v14  }
0x2db: {  	[tilespmem:s21+$0x3C40] =	vst.add.f32.msk $0xffff, v14  }
0x2dc: {  	[tilespmem:s21+$0x6C40] =	vst.add.f32.msk $0xffff, v14  }
0x2dd: {  	[tilespmem:s21+$0x9C40] =	vst.add.f32.msk $0xffff, v14  }
0x2de: {  	[tilespmem:s21+$0xC50] =	vst.add.f32.msk $0xffff, v15  }
0x2df: {  	[tilespmem:s21+$0x3C50] =	vst.add.f32.msk $0xffff, v15  }
0x2e0: {  	[tilespmem:s21+$0x6C50] =	vst.add.f32.msk $0xffff, v15  }
0x2e1: {  	[tilespmem:s21+$0x9C50] =	vst.add.f32.msk $0xffff, v15  }
0x2e2: {  	[tilespmem:s21+$0xC60] =	vst.add.f32.msk $0xffff, v16  }
0x2e3: {  	[tilespmem:s21+$0x3C60] =	vst.add.f32.msk $0xffff, v16  }
0x2e4: {  	[tilespmem:s21+$0x6C60] =	vst.add.f32.msk $0xffff, v16  }
0x2e5: {  	[tilespmem:s21+$0x9C60] =	vst.add.f32.msk $0xffff, v16  }
0x2e6: {  	[tilespmem:s21+$0xC70] =	vst.add.f32.msk $0xffff, v17  }
0x2e7: {  	[tilespmem:s21+$0x3C70] =	vst.add.f32.msk $0xffff, v17  }
0x2e8: {  	[tilespmem:s21+$0x6C70] =	vst.add.f32.msk $0xffff, v17  }
0x2e9: {  	[tilespmem:s21+$0x9C70] =	vst.add.f32.msk $0xffff, v17  }
0x2ea: {  	[tilespmem:s21+$0x1000] =	vst.add.f32.msk $0xffff, v18  }
0x2eb: {  	[tilespmem:s21+$0x4000] =	vst.add.f32.msk $0xffff, v18  }
0x2ec: {  	[tilespmem:s21+$0x7000] =	vst.add.f32.msk $0xffff, v18  }
0x2ed: {  	[tilespmem:s21+$0xA000] =	vst.add.f32.msk $0xffff, v18  }
0x2ee: {  	[tilespmem:s21+$0x1010] =	vst.add.f32.msk $0xffff, v19  }
0x2ef: {  	[tilespmem:s21+$0x4010] =	vst.add.f32.msk $0xffff, v19  }
0x2f0: {  	[tilespmem:s21+$0x7010] =	vst.add.f32.msk $0xffff, v19  }
0x2f1: {  	[tilespmem:s21+$0xA010] =	vst.add.f32.msk $0xffff, v19  }
0x2f2: {  	[tilespmem:s21+$0x1020] =	vst.add.f32.msk $0xffff, v20  }
0x2f3: {  	[tilespmem:s21+$0x4020] =	vst.add.f32.msk $0xffff, v20  }
0x2f4: {  	[tilespmem:s21+$0x7020] =	vst.add.f32.msk $0xffff, v20  }
0x2f5: {  	[tilespmem:s21+$0xA020] =	vst.add.f32.msk $0xffff, v20  }
0x2f6: {  	[tilespmem:s21+$0x1030] =	vst.add.f32.msk $0xffff, v21  }
0x2f7: {  	[tilespmem:s21+$0x4030] =	vst.add.f32.msk $0xffff, v21  }
0x2f8: {  	[tilespmem:s21+$0x7030] =	vst.add.f32.msk $0xffff, v21  }
0x2f9: {  	[tilespmem:s21+$0xA030] =	vst.add.f32.msk $0xffff, v21  }
0x2fa: {  	[tilespmem:s21+$0x1040] =	vst.add.f32.msk $0xffff, v22  }
0x2fb: {  	[tilespmem:s21+$0x4040] =	vst.add.f32.msk $0xffff, v22  }
0x2fc: {  	[tilespmem:s21+$0x7040] =	vst.add.f32.msk $0xffff, v22  }
0x2fd: {  	[tilespmem:s21+$0xA040] =	vst.add.f32.msk $0xffff, v22  }
0x2fe: {  	[tilespmem:s21+$0x1050] =	vst.add.f32.msk $0xffff, v23  }
0x2ff: {  	[tilespmem:s21+$0x4050] =	vst.add.f32.msk $0xffff, v23  }
0x300: {  	[tilespmem:s21+$0x7050] =	vst.add.f32.msk $0xffff, v23  }
0x301: {  	[tilespmem:s21+$0xA050] =	vst.add.f32.msk $0xffff, v23  }
0x302: {  	[tilespmem:s21+$0x1060] =	vst.add.f32.msk $0xffff, v24  }
0x303: {  	[tilespmem:s21+$0x4060] =	vst.add.f32.msk $0xffff, v24  }
0x304: {  	[tilespmem:s21+$0x7060] =	vst.add.f32.msk $0xffff, v24  }
0x305: {  	[tilespmem:s21+$0xA060] =	vst.add.f32.msk $0xffff, v24  }
0x306: {  	[tilespmem:s21+$0x1070] =	vst.add.f32.msk $0xffff, v25  }
0x307: {  	[tilespmem:s21+$0x4070] =	vst.add.f32.msk $0xffff, v25  }
0x308: {  	[tilespmem:s21+$0x7070] =	vst.add.f32.msk $0xffff, v25  }
0x309: {  	[tilespmem:s21+$0xA070] =	vst.add.f32.msk $0xffff, v25  }
0x30a: {  	[tilespmem:s21+$0x1400] =	vst.add.f32.msk $0xffff, v26  }
0x30b: {  	[tilespmem:s21+$0x4400] =	vst.add.f32.msk $0xffff, v26  }
0x30c: {  	[tilespmem:s21+$0x7400] =	vst.add.f32.msk $0xffff, v26  }
0x30d: {  	[tilespmem:s21+$0xA400] =	vst.add.f32.msk $0xffff, v26  }
0x30e: {  	[tilespmem:s21+$0x1410] =	vst.add.f32.msk $0xffff, v27  }
0x30f: {  	[tilespmem:s21+$0x4410] =	vst.add.f32.msk $0xffff, v27  }
0x310: {  	[tilespmem:s21+$0x7410] =	vst.add.f32.msk $0xffff, v27  }
0x311: {  	[tilespmem:s21+$0xA410] =	vst.add.f32.msk $0xffff, v27  }
0x312: {  	[tilespmem:s21+$0x1420] =	vst.add.f32.msk $0xffff, v28  }
0x313: {  	[tilespmem:s21+$0x4420] =	vst.add.f32.msk $0xffff, v28  }
0x314: {  	[tilespmem:s21+$0x7420] =	vst.add.f32.msk $0xffff, v28  }
0x315: {  	[tilespmem:s21+$0xA420] =	vst.add.f32.msk $0xffff, v28  }
0x316: {  	[tilespmem:s21+$0x1430] =	vst.add.f32.msk $0xffff, v29  }
0x317: {  	[tilespmem:s21+$0x4430] =	vst.add.f32.msk $0xffff, v29  }
0x318: {  	[tilespmem:s21+$0x7430] =	vst.add.f32.msk $0xffff, v29  }
0x319: {  	[tilespmem:s21+$0xA430] =	vst.add.f32.msk $0xffff, v29  }
0x31a: {  	[tilespmem:s21+$0x1440] =	vst.add.f32.msk $0xffff, v30  }
0x31b: {  	[tilespmem:s21+$0x4440] =	vst.add.f32.msk $0xffff, v30  }
0x31c: {  	[tilespmem:s21+$0x7440] =	vst.add.f32.msk $0xffff, v30  }
0x31d: {  	[tilespmem:s21+$0xA440] =	vst.add.f32.msk $0xffff, v30  }
0x31e: {  	[tilespmem:s21+$0x1450] =	vst.add.f32.msk $0xffff, v31  }
0x31f: {  	[tilespmem:s21+$0x4450] =	vst.add.f32.msk $0xffff, v31  }
0x320: {  	[tilespmem:s21+$0x7450] =	vst.add.f32.msk $0xffff, v31  }
0x321: {  	[tilespmem:s21+$0xA450] =	vst.add.f32.msk $0xffff, v31  }
0x322: {  	[tilespmem:s21+$0x1460] =	vst.add.f32.msk $0xffff, v32  }
0x323: {  	[tilespmem:s21+$0x4460] =	vst.add.f32.msk $0xffff, v32  }
0x324: {  	[tilespmem:s21+$0x7460] =	vst.add.f32.msk $0xffff, v32  }
0x325: {  	[tilespmem:s21+$0xA460] =	vst.add.f32.msk $0xffff, v32  }
0x326: {  	[tilespmem:s21+$0x1470] =	vst.add.f32.msk $0xffff, v0  }
0x327: {  	[tilespmem:s21+$0x4470] =	vst.add.f32.msk $0xffff, v0  }
0x328: {  	s3 =	sadd.s32 s5, s14;
	[tilespmem:s21+$0x7470] =	vst.add.f32.msk $0xffff, v0  }
0x329: {  	[hbm4b:s3+s6] =	stream.linear.scatter [tilespmem:s6], [sflag:$0x9], $0x3000, $0x38;
	[tilespmem:$0x1E000] =	vst v63  }
0x32a: {  	p0 =	seq.s32 s7, $0x7;
	s4 =	rddreg [dreg:$0xa]  }
0x32b: {  	s22 =	sadd.s32 $0xC0000, s3;
	s13 =	simm.s32 $0x3000;
	s4 =	sadd.s32 @!p0 s15, s4  }
0x32c: {  	[hbm4b:s22+s6] =	stream.linear.scatter [tilespmem:s13], [sflag:$0xA], $0x3000, $0x38;
	[tilespmem:$0x1E000] =	vst v63  }
0x32d: {  	s14 =	sadd.s32 $0x180000, s3;
	s21 =	simm.s32 $0x6000;
	s4 =	sshrl.u32 @!p0 s4, $0x3  }
0x32e: {  	[hbm4b:s14+s6] =	stream.linear.scatter [tilespmem:s21], [sflag:$0xB], $0x3000, $0x38;
	[tilespmem:$0x1E000] =	vst v63  }
0x32f: {  	s3 =	sadd.s32 $0x240000, s3;
	s22 =	simm.s32 $0x9000;
	s13 =	smul.u32 @!p0 $0x300, s4  }
0x330: {  	[hbm4b:s3+s6] =	stream.linear.scatter [tilespmem:s22], [sflag:$0xC], $0x3000, $0x38;
	[tilespmem:$0x1E000] =	vst v63  }
0x331: {  	s3 =	rddreg [dreg:$0x1]  }
0x332: {  	s14 =	simm.s32 @!p0 $0x18000;
	s3 =	sadd.s32 @!p0 s3, s13;
	s13 =	simm.s32 @!p0 $0x0  }
0x333: {  	[tilespmem:s14], [sflag:$0x11] =	stream.linear.gather @!p0 [hbm4b:s3+s13], $0x3000, $0x38;
	[tilespmem:$0x1E000] =	vst v63  }
0x334: {  	_ =	swait.ge [sflag:s31], $0x3000  }
0x335: {  	[sflag:s31] =	ssyncset.done $0x0  }
0x336: {  	[sflag:s31] =	ssyncadd.s32 $0xFFFFD000  }
0x337: {  	_ =	swait.ge [sflag:s2], $0x3000  }
0x338: {  	[sflag:s2] =	ssyncset.done $0x0  }
0x339: {  	[sflag:s2] =	ssyncadd.s32 $0xFFFFD000  }
0x33a: {  	_ =	swait.ge [sflag:s0], $0x3000  }
0x33b: {  	[sflag:s0] =	ssyncset.done $0x0  }
0x33c: {  	s3 =	smul.u32 @!p0 $0x1800, s4;
	[sflag:s0] =	ssyncadd.s32 $0xFFFFD000  }
0x33d: {  	_ =	swait.ge [sflag:s16], $0x3000  }
0x33e: {  	s3 =	sshrl.u32 @!p0 s3, $0x3;
	[sflag:s16] =	ssyncset.done $0x0  }
0x33f: {  	s3 =	sadd.s32 @!p0 s1, s3;
	[sflag:s16] =	ssyncadd.s32 $0xFFFFD000  }
0x340: {  	[tilespmem:s13], [sflag:$0x1] =	stream.linear.gather @!p0 [hbm4b:s3+s13], $0x3000, $0x38;
	[tilespmem:$0x1E000] =	vst v63  }
0x341: {  	s14 =	simm.s32 @!p0 $0x3000;
	s4 =	sadd.s32 @!p0 $0xC0000, s3  }
0x342: {  	[tilespmem:s14], [sflag:$0x2] =	stream.linear.gather @!p0 [hbm4b:s4+s13], $0x3000, $0x38;
	[tilespmem:$0x1E000] =	vst v63  }
0x343: {  	s4 =	sadd.s32 @!p0 $0x180000, s3;
	s14 =	simm.s32 @!p0 $0x6000  }
0x344: {  	[tilespmem:s14], [sflag:$0x3] =	stream.linear.gather @!p0 [hbm4b:s4+s13], $0x3000, $0x38;
	[tilespmem:$0x1E000] =	vst v63  }
0x345: {  	s3 =	sadd.s32 @!p0 $0x240000, s3;
	s4 =	simm.s32 @!p0 $0x9000  }
0x346: {  	[tilespmem:s4], [sflag:$0x4] =	stream.linear.gather @!p0 [hbm4b:s3+s13], $0x3000, $0x38;
	[tilespmem:$0x1E000] =	vst v63  }
0x347: {  	_ =	swait.ge [sflag:s8], $0x3000  }
0x348: {  	[sflag:s8] =	ssyncset.done $0x0  }
0x349: {  	[sflag:s8] =	ssyncadd.s32 $0xFFFFD000  }
0x34a: {  	_ =	swait.ge [sflag:s9], $0x3000  }
0x34b: {  	[sflag:s9] =	ssyncset.done $0x0  }
0x34c: {  	[sflag:s9] =	ssyncadd.s32 $0xFFFFD000  }
0x34d: {  	_ =	swait.ge [sflag:s10], $0x3000  }
0x34e: {  	[sflag:s10] =	ssyncset.done $0x0  }
0x34f: {  	[sflag:s10] =	ssyncadd.s32 $0xFFFFD000  }
0x350: {  	_ =	swait.ge [sflag:s11], $0x3000  }
0x351: {  	[sflag:s11] =	ssyncset.done $0x0  }
0x352: {  	s21 =	simm.s32 $0x0;
	[sflag:s11] =	ssyncadd.s32 $0xFFFFD000  }
0x353: {  	s14 =	simm.s32 $0x0;
	s3 =	smul.u32 $0x1800, s21;
	_ =	swait.ge [sflag:s12], $0x3000  }
0x354: {  	s22 =	sand.u32 $0x380, s14;
	[sflag:s12] =	ssyncset.done $0x0  }
0x355: {  	s3 =	sor.u32 s22, s3;
	[sflag:s12] =	ssyncadd.s32 $0xFFFFD000  }
0x356: {  	v2 =	vld [tilespmem:s3+$0x1B000]  }
0x357: {  	v3 =	vld [tilespmem:s3+$0x1B010]  }
0x358: {  	v4 =	vld [tilespmem:s3+$0x1B020]  }
0x359: {  	v36 =	vld [tilespmem:s3+$0x1B030]  }
0x35a: {  	v37 =	vld [tilespmem:s3+$0x1B040]  }
0x35b: {  	v38 =	vld [tilespmem:s3+$0x1B050]  }
0x35c: {  	v39 =	vld [tilespmem:s3+$0x1B060]  }
0x35d: {  	v40 =	vld [tilespmem:s3+$0x1B070]  }
0x35e: {  	v41 =	vld [tilespmem:s3+$0x1B400]  }
0x35f: {  	v42 =	vld [tilespmem:s3+$0x1B410]  }
0x360: {  	v43 =	vld [tilespmem:s3+$0x1B420]  }
0x361: {  	v44 =	vld [tilespmem:s3+$0x1B430]  }
0x362: {  	v45 =	vld [tilespmem:s3+$0x1B440]  }
0x363: {  	v46 =	vld [tilespmem:s3+$0x1B450]  }
0x364: {  	v47 =	vld [tilespmem:s3+$0x1B460]  }
0x365: {  	v48 =	vld [tilespmem:s3+$0x1B470]  }
0x366: {  	v49 =	vld [tilespmem:s3+$0x1B800]  }
0x367: {  	v50 =	vld [tilespmem:s3+$0x1B810]  }
0x368: {  	v51 =	vld [tilespmem:s3+$0x1B820]  }
0x369: {  	v52 =	vld [tilespmem:s3+$0x1B830]  }
0x36a: {  	v53 =	vld [tilespmem:s3+$0x1B840]  }
0x36b: {  	v54 =	vld [tilespmem:s3+$0x1B850]  }
0x36c: {  	v55 =	vld [tilespmem:s3+$0x1B860]  }
0x36d: {  	v56 =	vld [tilespmem:s3+$0x1B870]  }
0x36e: {  	v57 =	vld [tilespmem:s3+$0x1BC00]  }
0x36f: {  	v58 =	vld [tilespmem:s3+$0x1BC10]  }
0x370: {  	v59 =	vld [tilespmem:s3+$0x1BC20]  }
0x371: {  	v60 =	vld [tilespmem:s3+$0x1BC30]  }
0x372: {  	v61 =	vld [tilespmem:s3+$0x1BC40]  }
0x373: {  	v62 =	vld [tilespmem:s3+$0x1BC50]  }
0x374: {  	v63 =	vld [tilespmem:s3+$0x1BC60]  }
0x375: {  	v1 =	vld [tilespmem:s3+$0x1BC70]  }
0x376: {  	v0 =	vld [tilespmem:s3+$0x1C000]  }
0x377: {  	[tilespmem:s3+$0xC000] =	vst.add.f32.msk $0xffff, v2  }
0x378: {  	[tilespmem:s3+$0xF000] =	vst.add.f32.msk $0xffff, v2  }
0x379: {  	[tilespmem:s3+$0x12000] =	vst.add.f32.msk $0xffff, v2  }
0x37a: {  	[tilespmem:s3+$0x15000] =	vst.add.f32.msk $0xffff, v2  }
0x37b: {  	[tilespmem:s3+$0xC010] =	vst.add.f32.msk $0xffff, v3  }
0x37c: {  	[tilespmem:s3+$0xF010] =	vst.add.f32.msk $0xffff, v3  }
0x37d: {  	[tilespmem:s3+$0x12010] =	vst.add.f32.msk $0xffff, v3  }
0x37e: {  	[tilespmem:s3+$0x15010] =	vst.add.f32.msk $0xffff, v3  }
0x37f: {  	[tilespmem:s3+$0xC020] =	vst.add.f32.msk $0xffff, v4  }
0x380: {  	[tilespmem:s3+$0xF020] =	vst.add.f32.msk $0xffff, v4  }
0x381: {  	[tilespmem:s3+$0x12020] =	vst.add.f32.msk $0xffff, v4  }
0x382: {  	[tilespmem:s3+$0x15020] =	vst.add.f32.msk $0xffff, v4  }
0x383: {  	[tilespmem:s3+$0xC030] =	vst.add.f32.msk $0xffff, v36  }
0x384: {  	[tilespmem:s3+$0xF030] =	vst.add.f32.msk $0xffff, v36  }
0x385: {  	[tilespmem:s3+$0x12030] =	vst.add.f32.msk $0xffff, v36  }
0x386: {  	[tilespmem:s3+$0x15030] =	vst.add.f32.msk $0xffff, v36  }
0x387: {  	[tilespmem:s3+$0xC040] =	vst.add.f32.msk $0xffff, v37  }
0x388: {  	[tilespmem:s3+$0xF040] =	vst.add.f32.msk $0xffff, v37  }
0x389: {  	[tilespmem:s3+$0x12040] =	vst.add.f32.msk $0xffff, v37  }
0x38a: {  	[tilespmem:s3+$0x15040] =	vst.add.f32.msk $0xffff, v37  }
0x38b: {  	[tilespmem:s3+$0xC050] =	vst.add.f32.msk $0xffff, v38  }
0x38c: {  	[tilespmem:s3+$0xF050] =	vst.add.f32.msk $0xffff, v38  }
0x38d: {  	[tilespmem:s3+$0x12050] =	vst.add.f32.msk $0xffff, v38  }
0x38e: {  	[tilespmem:s3+$0x15050] =	vst.add.f32.msk $0xffff, v38  }
0x38f: {  	[tilespmem:s3+$0xC060] =	vst.add.f32.msk $0xffff, v39  }
0x390: {  	[tilespmem:s3+$0xF060] =	vst.add.f32.msk $0xffff, v39  }
0x391: {  	[tilespmem:s3+$0x12060] =	vst.add.f32.msk $0xffff, v39  }
0x392: {  	[tilespmem:s3+$0x15060] =	vst.add.f32.msk $0xffff, v39  }
0x393: {  	[tilespmem:s3+$0xC070] =	vst.add.f32.msk $0xffff, v40  }
0x394: {  	[tilespmem:s3+$0xF070] =	vst.add.f32.msk $0xffff, v40  }
0x395: {  	[tilespmem:s3+$0x12070] =	vst.add.f32.msk $0xffff, v40  }
0x396: {  	[tilespmem:s3+$0x15070] =	vst.add.f32.msk $0xffff, v40  }
0x397: {  	[tilespmem:s3+$0xC400] =	vst.add.f32.msk $0xffff, v41  }
0x398: {  	[tilespmem:s3+$0xF400] =	vst.add.f32.msk $0xffff, v41  }
0x399: {  	[tilespmem:s3+$0x12400] =	vst.add.f32.msk $0xffff, v41  }
0x39a: {  	[tilespmem:s3+$0x15400] =	vst.add.f32.msk $0xffff, v41  }
0x39b: {  	[tilespmem:s3+$0xC410] =	vst.add.f32.msk $0xffff, v42  }
0x39c: {  	[tilespmem:s3+$0xF410] =	vst.add.f32.msk $0xffff, v42  }
0x39d: {  	[tilespmem:s3+$0x12410] =	vst.add.f32.msk $0xffff, v42  }
0x39e: {  	[tilespmem:s3+$0x15410] =	vst.add.f32.msk $0xffff, v42  }
0x39f: {  	[tilespmem:s3+$0xC420] =	vst.add.f32.msk $0xffff, v43  }
0x3a0: {  	[tilespmem:s3+$0xF420] =	vst.add.f32.msk $0xffff, v43  }
0x3a1: {  	[tilespmem:s3+$0x12420] =	vst.add.f32.msk $0xffff, v43  }
0x3a2: {  	[tilespmem:s3+$0x15420] =	vst.add.f32.msk $0xffff, v43  }
0x3a3: {  	[tilespmem:s3+$0xC430] =	vst.add.f32.msk $0xffff, v44  }
0x3a4: {  	[tilespmem:s3+$0xF430] =	vst.add.f32.msk $0xffff, v44  }
0x3a5: {  	[tilespmem:s3+$0x12430] =	vst.add.f32.msk $0xffff, v44  }
0x3a6: {  	[tilespmem:s3+$0x15430] =	vst.add.f32.msk $0xffff, v44  }
0x3a7: {  	[tilespmem:s3+$0xC440] =	vst.add.f32.msk $0xffff, v45  }
0x3a8: {  	[tilespmem:s3+$0xF440] =	vst.add.f32.msk $0xffff, v45  }
0x3a9: {  	[tilespmem:s3+$0x12440] =	vst.add.f32.msk $0xffff, v45  }
0x3aa: {  	[tilespmem:s3+$0x15440] =	vst.add.f32.msk $0xffff, v45  }
0x3ab: {  	[tilespmem:s3+$0xC450] =	vst.add.f32.msk $0xffff, v46  }
0x3ac: {  	[tilespmem:s3+$0xF450] =	vst.add.f32.msk $0xffff, v46  }
0x3ad: {  	[tilespmem:s3+$0x12450] =	vst.add.f32.msk $0xffff, v46  }
0x3ae: {  	[tilespmem:s3+$0x15450] =	vst.add.f32.msk $0xffff, v46  }
0x3af: {  	[tilespmem:s3+$0xC460] =	vst.add.f32.msk $0xffff, v47  }
0x3b0: {  	[tilespmem:s3+$0xF460] =	vst.add.f32.msk $0xffff, v47  }
0x3b1: {  	[tilespmem:s3+$0x12460] =	vst.add.f32.msk $0xffff, v47  }
0x3b2: {  	[tilespmem:s3+$0x15460] =	vst.add.f32.msk $0xffff, v47  }
0x3b3: {  	[tilespmem:s3+$0xC470] =	vst.add.f32.msk $0xffff, v48  }
0x3b4: {  	[tilespmem:s3+$0xF470] =	vst.add.f32.msk $0xffff, v48  }
0x3b5: {  	[tilespmem:s3+$0x12470] =	vst.add.f32.msk $0xffff, v48  }
0x3b6: {  	[tilespmem:s3+$0x15470] =	vst.add.f32.msk $0xffff, v48  }
0x3b7: {  	[tilespmem:s3+$0xC800] =	vst.add.f32.msk $0xffff, v49  }
0x3b8: {  	[tilespmem:s3+$0xF800] =	vst.add.f32.msk $0xffff, v49  }
0x3b9: {  	[tilespmem:s3+$0x12800] =	vst.add.f32.msk $0xffff, v49  }
0x3ba: {  	[tilespmem:s3+$0x15800] =	vst.add.f32.msk $0xffff, v49  }
0x3bb: {  	[tilespmem:s3+$0xC810] =	vst.add.f32.msk $0xffff, v50  }
0x3bc: {  	[tilespmem:s3+$0xF810] =	vst.add.f32.msk $0xffff, v50  }
0x3bd: {  	[tilespmem:s3+$0x12810] =	vst.add.f32.msk $0xffff, v50  }
0x3be: {  	[tilespmem:s3+$0x15810] =	vst.add.f32.msk $0xffff, v50  }
0x3bf: {  	[tilespmem:s3+$0xC820] =	vst.add.f32.msk $0xffff, v51  }
0x3c0: {  	[tilespmem:s3+$0xF820] =	vst.add.f32.msk $0xffff, v51  }
0x3c1: {  	[tilespmem:s3+$0x12820] =	vst.add.f32.msk $0xffff, v51  }
0x3c2: {  	[tilespmem:s3+$0x15820] =	vst.add.f32.msk $0xffff, v51  }
0x3c3: {  	[tilespmem:s3+$0xC830] =	vst.add.f32.msk $0xffff, v52  }
0x3c4: {  	[tilespmem:s3+$0xF830] =	vst.add.f32.msk $0xffff, v52  }
0x3c5: {  	[tilespmem:s3+$0x12830] =	vst.add.f32.msk $0xffff, v52  }
0x3c6: {  	[tilespmem:s3+$0x15830] =	vst.add.f32.msk $0xffff, v52  }
0x3c7: {  	[tilespmem:s3+$0xC840] =	vst.add.f32.msk $0xffff, v53  }
0x3c8: {  	[tilespmem:s3+$0xF840] =	vst.add.f32.msk $0xffff, v53  }
0x3c9: {  	[tilespmem:s3+$0x12840] =	vst.add.f32.msk $0xffff, v53  }
0x3ca: {  	[tilespmem:s3+$0x15840] =	vst.add.f32.msk $0xffff, v53  }
0x3cb: {  	[tilespmem:s3+$0xC850] =	vst.add.f32.msk $0xffff, v54  }
0x3cc: {  	[tilespmem:s3+$0xF850] =	vst.add.f32.msk $0xffff, v54  }
0x3cd: {  	[tilespmem:s3+$0x12850] =	vst.add.f32.msk $0xffff, v54  }
0x3ce: {  	[tilespmem:s3+$0x15850] =	vst.add.f32.msk $0xffff, v54  }
0x3cf: {  	[tilespmem:s3+$0xC860] =	vst.add.f32.msk $0xffff, v55  }
0x3d0: {  	[tilespmem:s3+$0xF860] =	vst.add.f32.msk $0xffff, v55  }
0x3d1: {  	[tilespmem:s3+$0x12860] =	vst.add.f32.msk $0xffff, v55  }
0x3d2: {  	[tilespmem:s3+$0x15860] =	vst.add.f32.msk $0xffff, v55  }
0x3d3: {  	[tilespmem:s3+$0xC870] =	vst.add.f32.msk $0xffff, v56  }
0x3d4: {  	[tilespmem:s3+$0xF870] =	vst.add.f32.msk $0xffff, v56  }
0x3d5: {  	[tilespmem:s3+$0x12870] =	vst.add.f32.msk $0xffff, v56  }
0x3d6: {  	[tilespmem:s3+$0x15870] =	vst.add.f32.msk $0xffff, v56  }
0x3d7: {  	[tilespmem:s3+$0xCC00] =	vst.add.f32.msk $0xffff, v57  }
0x3d8: {  	[tilespmem:s3+$0xFC00] =	vst.add.f32.msk $0xffff, v57  }
0x3d9: {  	[tilespmem:s3+$0x12C00] =	vst.add.f32.msk $0xffff, v57  }
0x3da: {  	[tilespmem:s3+$0x15C00] =	vst.add.f32.msk $0xffff, v57  }
0x3db: {  	[tilespmem:s3+$0xCC10] =	vst.add.f32.msk $0xffff, v58  }
0x3dc: {  	[tilespmem:s3+$0xFC10] =	vst.add.f32.msk $0xffff, v58  }
0x3dd: {  	[tilespmem:s3+$0x12C10] =	vst.add.f32.msk $0xffff, v58  }
0x3de: {  	[tilespmem:s3+$0x15C10] =	vst.add.f32.msk $0xffff, v58  }
0x3df: {  	[tilespmem:s3+$0xCC20] =	vst.add.f32.msk $0xffff, v59  }
0x3e0: {  	[tilespmem:s3+$0xFC20] =	vst.add.f32.msk $0xffff, v59  }
0x3e1: {  	[tilespmem:s3+$0x12C20] =	vst.add.f32.msk $0xffff, v59  }
0x3e2: {  	[tilespmem:s3+$0x15C20] =	vst.add.f32.msk $0xffff, v59  }
0x3e3: {  	[tilespmem:s3+$0xCC30] =	vst.add.f32.msk $0xffff, v60  }
0x3e4: {  	[tilespmem:s3+$0xFC30] =	vst.add.f32.msk $0xffff, v60  }
0x3e5: {  	[tilespmem:s3+$0x12C30] =	vst.add.f32.msk $0xffff, v60  }
0x3e6: {  	[tilespmem:s3+$0x15C30] =	vst.add.f32.msk $0xffff, v60  }
0x3e7: {  	[tilespmem:s3+$0xCC40] =	vst.add.f32.msk $0xffff, v61  }
0x3e8: {  	[tilespmem:s3+$0xFC40] =	vst.add.f32.msk $0xffff, v61  }
0x3e9: {  	[tilespmem:s3+$0x12C40] =	vst.add.f32.msk $0xffff, v61  }
0x3ea: {  	[tilespmem:s3+$0x15C40] =	vst.add.f32.msk $0xffff, v61  }
0x3eb: {  	[tilespmem:s3+$0xCC50] =	vst.add.f32.msk $0xffff, v62  }
0x3ec: {  	[tilespmem:s3+$0xFC50] =	vst.add.f32.msk $0xffff, v62  }
0x3ed: {  	[tilespmem:s3+$0x12C50] =	vst.add.f32.msk $0xffff, v62  }
0x3ee: {  	[tilespmem:s3+$0x15C50] =	vst.add.f32.msk $0xffff, v62  }
0x3ef: {  	[tilespmem:s3+$0xCC60] =	vst.add.f32.msk $0xffff, v63  }
0x3f0: {  	[tilespmem:s3+$0xFC60] =	vst.add.f32.msk $0xffff, v63  }
0x3f1: {  	[tilespmem:s3+$0x12C60] =	vst.add.f32.msk $0xffff, v63  }
0x3f2: {  	[tilespmem:s3+$0x15C60] =	vst.add.f32.msk $0xffff, v63  }
0x3f3: {  	[tilespmem:s3+$0xCC70] =	vst.add.f32.msk $0xffff, v1  }
0x3f4: {  	[tilespmem:s3+$0xFC70] =	vst.add.f32.msk $0xffff, v1  }
0x3f5: {  	[tilespmem:s3+$0x12C70] =	vst.add.f32.msk $0xffff, v1  }
0x3f6: {  	[tilespmem:s3+$0x15C70] =	vst.add.f32.msk $0xffff, v1  }
0x3f7: {  	s21 =	sadd.s32 $0x1000, s3;
	[tilespmem:s3+$0xD000] =	vst.add.f32.msk $0xffff, v0  }
0x3f8: {  	[tilespmem:s21+$0xF000] =	vst.add.f32.msk $0xffff, v0  }
0x3f9: {  	v2 =	vld [tilespmem:s3+$0x1C010];
	_ =	sdelay $0x2  }
0x3fa: {  	[tilespmem:s3+$0x13000] =	vst.add.f32.msk $0xffff, v0  }
0x3fb: {  	[tilespmem:s3+$0x16000] =	vst.add.f32.msk $0xffff, v0  }
0x3fc: {  	[tilespmem:s3+$0xD010] =	vst.add.f32.msk $0xffff, v2  }
0x3fd: {  	s4 =	simm.s32 $0x1;
	[tilespmem:s21+$0xF010] =	vst.add.f32.msk $0xffff, v2  }
.LBB2_5:
0x3fe: {  	p1 =	sne.s32 s4, $0xF;
	v0 =	vld [tilespmem:s3+$0x1C020];
	_ =	sdelay $0x2  }
0x3ff: {  	[tilespmem:s3+$0x13010] =	vst.add.f32.msk $0xffff, v2  }
0x400: {  	s13 =	sshrl.u32 s4, $0x3;
	[tilespmem:s3+$0x16010] =	vst.add.f32.msk $0xffff, v2  }
0x401: {  	s14 =	sadd.s32 $0x80, s14;
	s13 =	smul.u32 $0x1800, s13;
	[tilespmem:s3+$0xD020] =	vst.add.f32.msk $0xffff, v0  }
0x402: {  	s22 =	sand.u32 $0x380, s14;
	[tilespmem:s21+$0xF020] =	vst.add.f32.msk $0xffff, v0  }
0x403: {  	s13 =	sor.u32 s22, s13;
	v1 =	vld [tilespmem:s3+$0x1C030]  }
0x404: {  	v33 =	vld [tilespmem:s13+$0x1B000]  }
0x405: {  	v29 =	vld [tilespmem:s13+$0x1B010]  }
0x406: {  	[tilespmem:s3+$0x13020] =	vst.add.f32.msk $0xffff, v0  }
0x407: {  	[tilespmem:s3+$0x16020] =	vst.add.f32.msk $0xffff, v0  }
0x408: {  	[tilespmem:s3+$0xD030] =	vst.add.f32.msk $0xffff, v1  }
0x409: {  	[tilespmem:s21+$0xF030] =	vst.add.f32.msk $0xffff, v1  }
0x40a: {  	v0 =	vld [tilespmem:s3+$0x1C040]  }
0x40b: {  	v32 =	vld [tilespmem:s13+$0x1B020]  }
0x40c: {  	v27 =	vld [tilespmem:s13+$0x1B030]  }
0x40d: {  	[tilespmem:s3+$0x13030] =	vst.add.f32.msk $0xffff, v1  }
0x40e: {  	[tilespmem:s3+$0x16030] =	vst.add.f32.msk $0xffff, v1  }
0x40f: {  	[tilespmem:s3+$0xD040] =	vst.add.f32.msk $0xffff, v0  }
0x410: {  	[tilespmem:s21+$0xF040] =	vst.add.f32.msk $0xffff, v0  }
0x411: {  	v1 =	vld [tilespmem:s3+$0x1C050]  }
0x412: {  	v31 =	vld [tilespmem:s13+$0x1B040]  }
0x413: {  	v25 =	vld [tilespmem:s13+$0x1B050]  }
0x414: {  	[tilespmem:s3+$0x13040] =	vst.add.f32.msk $0xffff, v0  }
0x415: {  	[tilespmem:s3+$0x16040] =	vst.add.f32.msk $0xffff, v0  }
0x416: {  	[tilespmem:s3+$0xD050] =	vst.add.f32.msk $0xffff, v1  }
0x417: {  	[tilespmem:s21+$0xF050] =	vst.add.f32.msk $0xffff, v1  }
0x418: {  	v0 =	vld [tilespmem:s3+$0x1C060]  }
0x419: {  	v30 =	vld [tilespmem:s13+$0x1B060]  }
0x41a: {  	v23 =	vld [tilespmem:s13+$0x1B070]  }
0x41b: {  	[tilespmem:s3+$0x13050] =	vst.add.f32.msk $0xffff, v1  }
0x41c: {  	[tilespmem:s3+$0x16050] =	vst.add.f32.msk $0xffff, v1  }
0x41d: {  	[tilespmem:s3+$0xD060] =	vst.add.f32.msk $0xffff, v0  }
0x41e: {  	[tilespmem:s21+$0xF060] =	vst.add.f32.msk $0xffff, v0  }
0x41f: {  	v1 =	vld [tilespmem:s3+$0x1C070]  }
0x420: {  	v28 =	vld [tilespmem:s13+$0x1B400]  }
0x421: {  	v21 =	vld [tilespmem:s13+$0x1B410]  }
0x422: {  	[tilespmem:s3+$0x13060] =	vst.add.f32.msk $0xffff, v0  }
0x423: {  	[tilespmem:s3+$0x16060] =	vst.add.f32.msk $0xffff, v0  }
0x424: {  	[tilespmem:s3+$0xD070] =	vst.add.f32.msk $0xffff, v1  }
0x425: {  	[tilespmem:s21+$0xF070] =	vst.add.f32.msk $0xffff, v1  }
0x426: {  	v0 =	vld [tilespmem:s3+$0x1C400]  }
0x427: {  	v26 =	vld [tilespmem:s13+$0x1B420]  }
0x428: {  	v19 =	vld [tilespmem:s13+$0x1B430]  }
0x429: {  	[tilespmem:s3+$0x13070] =	vst.add.f32.msk $0xffff, v1  }
0x42a: {  	[tilespmem:s3+$0x16070] =	vst.add.f32.msk $0xffff, v1  }
0x42b: {  	s21 =	sadd.s32 $0x1400, s3;
	[tilespmem:s3+$0xD400] =	vst.add.f32.msk $0xffff, v0  }
0x42c: {  	[tilespmem:s21+$0xF000] =	vst.add.f32.msk $0xffff, v0  }
0x42d: {  	v1 =	vld [tilespmem:s3+$0x1C410]  }
0x42e: {  	v24 =	vld [tilespmem:s13+$0x1B440]  }
0x42f: {  	v17 =	vld [tilespmem:s13+$0x1B450]  }
0x430: {  	[tilespmem:s3+$0x13400] =	vst.add.f32.msk $0xffff, v0  }
0x431: {  	[tilespmem:s3+$0x16400] =	vst.add.f32.msk $0xffff, v0  }
0x432: {  	[tilespmem:s3+$0xD410] =	vst.add.f32.msk $0xffff, v1  }
0x433: {  	[tilespmem:s21+$0xF010] =	vst.add.f32.msk $0xffff, v1  }
0x434: {  	v0 =	vld [tilespmem:s3+$0x1C420]  }
0x435: {  	v22 =	vld [tilespmem:s13+$0x1B460]  }
0x436: {  	v15 =	vld [tilespmem:s13+$0x1B470]  }
0x437: {  	[tilespmem:s3+$0x13410] =	vst.add.f32.msk $0xffff, v1  }
0x438: {  	[tilespmem:s3+$0x16410] =	vst.add.f32.msk $0xffff, v1  }
0x439: {  	[tilespmem:s3+$0xD420] =	vst.add.f32.msk $0xffff, v0  }
0x43a: {  	[tilespmem:s21+$0xF020] =	vst.add.f32.msk $0xffff, v0  }
0x43b: {  	v1 =	vld [tilespmem:s3+$0x1C430]  }
0x43c: {  	v20 =	vld [tilespmem:s13+$0x1B800]  }
0x43d: {  	v13 =	vld [tilespmem:s13+$0x1B810]  }
0x43e: {  	[tilespmem:s3+$0x13420] =	vst.add.f32.msk $0xffff, v0  }
0x43f: {  	[tilespmem:s3+$0x16420] =	vst.add.f32.msk $0xffff, v0  }
0x440: {  	[tilespmem:s3+$0xD430] =	vst.add.f32.msk $0xffff, v1  }
0x441: {  	[tilespmem:s21+$0xF030] =	vst.add.f32.msk $0xffff, v1  }
0x442: {  	v0 =	vld [tilespmem:s3+$0x1C440]  }
0x443: {  	v18 =	vld [tilespmem:s13+$0x1B820]  }
0x444: {  	v11 =	vld [tilespmem:s13+$0x1B830]  }
0x445: {  	[tilespmem:s3+$0x13430] =	vst.add.f32.msk $0xffff, v1  }
0x446: {  	[tilespmem:s3+$0x16430] =	vst.add.f32.msk $0xffff, v1  }
0x447: {  	[tilespmem:s3+$0xD440] =	vst.add.f32.msk $0xffff, v0  }
0x448: {  	[tilespmem:s21+$0xF040] =	vst.add.f32.msk $0xffff, v0  }
0x449: {  	v1 =	vld [tilespmem:s3+$0x1C450]  }
0x44a: {  	v16 =	vld [tilespmem:s13+$0x1B840]  }
0x44b: {  	v9 =	vld [tilespmem:s13+$0x1B850]  }
0x44c: {  	[tilespmem:s3+$0x13440] =	vst.add.f32.msk $0xffff, v0  }
0x44d: {  	[tilespmem:s3+$0x16440] =	vst.add.f32.msk $0xffff, v0  }
0x44e: {  	[tilespmem:s3+$0xD450] =	vst.add.f32.msk $0xffff, v1  }
0x44f: {  	[tilespmem:s21+$0xF050] =	vst.add.f32.msk $0xffff, v1  }
0x450: {  	v2 =	vld [tilespmem:s3+$0x1C460]  }
0x451: {  	v14 =	vld [tilespmem:s13+$0x1B860]  }
0x452: {  	v8 =	vld [tilespmem:s13+$0x1B870]  }
0x453: {  	[tilespmem:s3+$0x13450] =	vst.add.f32.msk $0xffff, v1  }
0x454: {  	[tilespmem:s3+$0x16450] =	vst.add.f32.msk $0xffff, v1  }
0x455: {  	[tilespmem:s3+$0xD460] =	vst.add.f32.msk $0xffff, v2  }
0x456: {  	[tilespmem:s21+$0xF060] =	vst.add.f32.msk $0xffff, v2  }
0x457: {  	v0 =	vld [tilespmem:s3+$0x1C470]  }
0x458: {  	v12 =	vld [tilespmem:s13+$0x1BC00]  }
0x459: {  	v7 =	vld [tilespmem:s13+$0x1BC10]  }
0x45a: {  	[tilespmem:s3+$0x13460] =	vst.add.f32.msk $0xffff, v2  }
0x45b: {  	[tilespmem:s3+$0x16460] =	vst.add.f32.msk $0xffff, v2  }
0x45c: {  	[tilespmem:s3+$0xD470] =	vst.add.f32.msk $0xffff, v0  }
0x45d: {  	[tilespmem:s21+$0xF070] =	vst.add.f32.msk $0xffff, v0  }
0x45e: {  	[tilespmem:s3+$0x16470] =	vst.add.f32.msk $0xffff, v0  }
0x45f: {  	v10 =	vld [tilespmem:s13+$0x1BC20]  }
0x460: {  	v6 =	vld [tilespmem:s13+$0x1BC30]  }
0x461: {  	v5 =	vld [tilespmem:s13+$0x1BC40]  }
0x462: {  	v4 =	vld [tilespmem:s13+$0x1BC50]  }
0x463: {  	v3 =	vld [tilespmem:s13+$0x1BC60]  }
0x464: {  	v2 =	vld [tilespmem:s13+$0x1BC70]  }
0x465: {  	v1 =	vld [tilespmem:s13+$0x1C000]  }
0x466: {  	[tilespmem:s13+$0xC000] =	vst.add.f32.msk $0xffff, v33  }
0x467: {  	[tilespmem:s13+$0xF000] =	vst.add.f32.msk $0xffff, v33  }
0x468: {  	[tilespmem:s13+$0x12000] =	vst.add.f32.msk $0xffff, v33  }
0x469: {  	[tilespmem:s13+$0x15000] =	vst.add.f32.msk $0xffff, v33  }
0x46a: {  	[tilespmem:s13+$0xC010] =	vst.add.f32.msk $0xffff, v29  }
0x46b: {  	[tilespmem:s13+$0xF010] =	vst.add.f32.msk $0xffff, v29  }
0x46c: {  	[tilespmem:s13+$0x12010] =	vst.add.f32.msk $0xffff, v29  }
0x46d: {  	[tilespmem:s13+$0x15010] =	vst.add.f32.msk $0xffff, v29  }
0x46e: {  	[tilespmem:s13+$0xC020] =	vst.add.f32.msk $0xffff, v32  }
0x46f: {  	[tilespmem:s13+$0xF020] =	vst.add.f32.msk $0xffff, v32  }
0x470: {  	[tilespmem:s13+$0x12020] =	vst.add.f32.msk $0xffff, v32  }
0x471: {  	[tilespmem:s13+$0x15020] =	vst.add.f32.msk $0xffff, v32  }
0x472: {  	[tilespmem:s13+$0xC030] =	vst.add.f32.msk $0xffff, v27  }
0x473: {  	[tilespmem:s13+$0xF030] =	vst.add.f32.msk $0xffff, v27  }
0x474: {  	[tilespmem:s13+$0x12030] =	vst.add.f32.msk $0xffff, v27  }
0x475: {  	[tilespmem:s13+$0x15030] =	vst.add.f32.msk $0xffff, v27  }
0x476: {  	[tilespmem:s13+$0xC040] =	vst.add.f32.msk $0xffff, v31  }
0x477: {  	[tilespmem:s13+$0xF040] =	vst.add.f32.msk $0xffff, v31  }
0x478: {  	[tilespmem:s13+$0x12040] =	vst.add.f32.msk $0xffff, v31  }
0x479: {  	[tilespmem:s13+$0x15040] =	vst.add.f32.msk $0xffff, v31  }
0x47a: {  	[tilespmem:s13+$0xC050] =	vst.add.f32.msk $0xffff, v25  }
0x47b: {  	[tilespmem:s13+$0xF050] =	vst.add.f32.msk $0xffff, v25  }
0x47c: {  	[tilespmem:s13+$0x12050] =	vst.add.f32.msk $0xffff, v25  }
0x47d: {  	[tilespmem:s13+$0x15050] =	vst.add.f32.msk $0xffff, v25  }
0x47e: {  	[tilespmem:s13+$0xC060] =	vst.add.f32.msk $0xffff, v30  }
0x47f: {  	[tilespmem:s13+$0xF060] =	vst.add.f32.msk $0xffff, v30  }
0x480: {  	[tilespmem:s13+$0x12060] =	vst.add.f32.msk $0xffff, v30  }
0x481: {  	[tilespmem:s13+$0x15060] =	vst.add.f32.msk $0xffff, v30  }
0x482: {  	[tilespmem:s13+$0xC070] =	vst.add.f32.msk $0xffff, v23  }
0x483: {  	[tilespmem:s13+$0xF070] =	vst.add.f32.msk $0xffff, v23  }
0x484: {  	[tilespmem:s13+$0x12070] =	vst.add.f32.msk $0xffff, v23  }
0x485: {  	[tilespmem:s13+$0x15070] =	vst.add.f32.msk $0xffff, v23  }
0x486: {  	[tilespmem:s13+$0xC400] =	vst.add.f32.msk $0xffff, v28  }
0x487: {  	[tilespmem:s13+$0xF400] =	vst.add.f32.msk $0xffff, v28  }
0x488: {  	[tilespmem:s13+$0x12400] =	vst.add.f32.msk $0xffff, v28  }
0x489: {  	[tilespmem:s13+$0x15400] =	vst.add.f32.msk $0xffff, v28  }
0x48a: {  	[tilespmem:s13+$0xC410] =	vst.add.f32.msk $0xffff, v21  }
0x48b: {  	[tilespmem:s13+$0xF410] =	vst.add.f32.msk $0xffff, v21  }
0x48c: {  	[tilespmem:s13+$0x12410] =	vst.add.f32.msk $0xffff, v21  }
0x48d: {  	[tilespmem:s13+$0x15410] =	vst.add.f32.msk $0xffff, v21  }
0x48e: {  	[tilespmem:s13+$0xC420] =	vst.add.f32.msk $0xffff, v26  }
0x48f: {  	[tilespmem:s13+$0xF420] =	vst.add.f32.msk $0xffff, v26  }
0x490: {  	[tilespmem:s13+$0x12420] =	vst.add.f32.msk $0xffff, v26  }
0x491: {  	[tilespmem:s13+$0x15420] =	vst.add.f32.msk $0xffff, v26  }
0x492: {  	[tilespmem:s13+$0xC430] =	vst.add.f32.msk $0xffff, v19  }
0x493: {  	[tilespmem:s13+$0xF430] =	vst.add.f32.msk $0xffff, v19  }
0x494: {  	[tilespmem:s13+$0x12430] =	vst.add.f32.msk $0xffff, v19  }
0x495: {  	[tilespmem:s13+$0x15430] =	vst.add.f32.msk $0xffff, v19  }
0x496: {  	[tilespmem:s13+$0xC440] =	vst.add.f32.msk $0xffff, v24  }
0x497: {  	[tilespmem:s13+$0xF440] =	vst.add.f32.msk $0xffff, v24  }
0x498: {  	[tilespmem:s13+$0x12440] =	vst.add.f32.msk $0xffff, v24  }
0x499: {  	[tilespmem:s13+$0x15440] =	vst.add.f32.msk $0xffff, v24  }
0x49a: {  	[tilespmem:s13+$0xC450] =	vst.add.f32.msk $0xffff, v17  }
0x49b: {  	[tilespmem:s13+$0xF450] =	vst.add.f32.msk $0xffff, v17  }
0x49c: {  	[tilespmem:s13+$0x12450] =	vst.add.f32.msk $0xffff, v17  }
0x49d: {  	[tilespmem:s13+$0x15450] =	vst.add.f32.msk $0xffff, v17  }
0x49e: {  	[tilespmem:s13+$0xC460] =	vst.add.f32.msk $0xffff, v22  }
0x49f: {  	[tilespmem:s13+$0xF460] =	vst.add.f32.msk $0xffff, v22  }
0x4a0: {  	[tilespmem:s13+$0x12460] =	vst.add.f32.msk $0xffff, v22  }
0x4a1: {  	[tilespmem:s13+$0x15460] =	vst.add.f32.msk $0xffff, v22  }
0x4a2: {  	[tilespmem:s13+$0xC470] =	vst.add.f32.msk $0xffff, v15  }
0x4a3: {  	[tilespmem:s13+$0xF470] =	vst.add.f32.msk $0xffff, v15  }
0x4a4: {  	[tilespmem:s13+$0x12470] =	vst.add.f32.msk $0xffff, v15  }
0x4a5: {  	[tilespmem:s13+$0x15470] =	vst.add.f32.msk $0xffff, v15  }
0x4a6: {  	[tilespmem:s13+$0xC800] =	vst.add.f32.msk $0xffff, v20  }
0x4a7: {  	[tilespmem:s13+$0xF800] =	vst.add.f32.msk $0xffff, v20  }
0x4a8: {  	[tilespmem:s13+$0x12800] =	vst.add.f32.msk $0xffff, v20  }
0x4a9: {  	[tilespmem:s13+$0x15800] =	vst.add.f32.msk $0xffff, v20  }
0x4aa: {  	[tilespmem:s13+$0xC810] =	vst.add.f32.msk $0xffff, v13  }
0x4ab: {  	[tilespmem:s13+$0xF810] =	vst.add.f32.msk $0xffff, v13  }
0x4ac: {  	[tilespmem:s13+$0x12810] =	vst.add.f32.msk $0xffff, v13  }
0x4ad: {  	[tilespmem:s13+$0x15810] =	vst.add.f32.msk $0xffff, v13  }
0x4ae: {  	[tilespmem:s13+$0xC820] =	vst.add.f32.msk $0xffff, v18  }
0x4af: {  	[tilespmem:s13+$0xF820] =	vst.add.f32.msk $0xffff, v18  }
0x4b0: {  	[tilespmem:s13+$0x12820] =	vst.add.f32.msk $0xffff, v18  }
0x4b1: {  	[tilespmem:s13+$0x15820] =	vst.add.f32.msk $0xffff, v18  }
0x4b2: {  	[tilespmem:s13+$0xC830] =	vst.add.f32.msk $0xffff, v11  }
0x4b3: {  	[tilespmem:s13+$0xF830] =	vst.add.f32.msk $0xffff, v11  }
0x4b4: {  	[tilespmem:s13+$0x12830] =	vst.add.f32.msk $0xffff, v11  }
0x4b5: {  	[tilespmem:s13+$0x15830] =	vst.add.f32.msk $0xffff, v11  }
0x4b6: {  	[tilespmem:s13+$0xC840] =	vst.add.f32.msk $0xffff, v16  }
0x4b7: {  	[tilespmem:s13+$0xF840] =	vst.add.f32.msk $0xffff, v16  }
0x4b8: {  	[tilespmem:s13+$0x12840] =	vst.add.f32.msk $0xffff, v16  }
0x4b9: {  	[tilespmem:s13+$0x15840] =	vst.add.f32.msk $0xffff, v16  }
0x4ba: {  	[tilespmem:s13+$0xC850] =	vst.add.f32.msk $0xffff, v9  }
0x4bb: {  	[tilespmem:s13+$0xF850] =	vst.add.f32.msk $0xffff, v9  }
0x4bc: {  	[tilespmem:s13+$0x12850] =	vst.add.f32.msk $0xffff, v9  }
0x4bd: {  	[tilespmem:s13+$0x15850] =	vst.add.f32.msk $0xffff, v9  }
0x4be: {  	[tilespmem:s13+$0xC860] =	vst.add.f32.msk $0xffff, v14  }
0x4bf: {  	[tilespmem:s13+$0xF860] =	vst.add.f32.msk $0xffff, v14  }
0x4c0: {  	[tilespmem:s13+$0x12860] =	vst.add.f32.msk $0xffff, v14  }
0x4c1: {  	[tilespmem:s13+$0x15860] =	vst.add.f32.msk $0xffff, v14  }
0x4c2: {  	[tilespmem:s13+$0xC870] =	vst.add.f32.msk $0xffff, v8  }
0x4c3: {  	[tilespmem:s13+$0xF870] =	vst.add.f32.msk $0xffff, v8  }
0x4c4: {  	[tilespmem:s13+$0x12870] =	vst.add.f32.msk $0xffff, v8  }
0x4c5: {  	[tilespmem:s13+$0x15870] =	vst.add.f32.msk $0xffff, v8  }
0x4c6: {  	[tilespmem:s13+$0xCC00] =	vst.add.f32.msk $0xffff, v12  }
0x4c7: {  	[tilespmem:s13+$0xFC00] =	vst.add.f32.msk $0xffff, v12  }
0x4c8: {  	[tilespmem:s13+$0x12C00] =	vst.add.f32.msk $0xffff, v12  }
0x4c9: {  	[tilespmem:s13+$0x15C00] =	vst.add.f32.msk $0xffff, v12  }
0x4ca: {  	[tilespmem:s13+$0xCC10] =	vst.add.f32.msk $0xffff, v7  }
0x4cb: {  	[tilespmem:s13+$0xFC10] =	vst.add.f32.msk $0xffff, v7  }
0x4cc: {  	[tilespmem:s13+$0x12C10] =	vst.add.f32.msk $0xffff, v7  }
0x4cd: {  	[tilespmem:s13+$0x15C10] =	vst.add.f32.msk $0xffff, v7  }
0x4ce: {  	[tilespmem:s13+$0xCC20] =	vst.add.f32.msk $0xffff, v10  }
0x4cf: {  	[tilespmem:s13+$0xFC20] =	vst.add.f32.msk $0xffff, v10  }
0x4d0: {  	[tilespmem:s13+$0x12C20] =	vst.add.f32.msk $0xffff, v10  }
0x4d1: {  	[tilespmem:s13+$0x15C20] =	vst.add.f32.msk $0xffff, v10  }
0x4d2: {  	[tilespmem:s13+$0xCC30] =	vst.add.f32.msk $0xffff, v6  }
0x4d3: {  	[tilespmem:s13+$0xFC30] =	vst.add.f32.msk $0xffff, v6  }
0x4d4: {  	[tilespmem:s13+$0x12C30] =	vst.add.f32.msk $0xffff, v6  }
0x4d5: {  	[tilespmem:s13+$0x15C30] =	vst.add.f32.msk $0xffff, v6  }
0x4d6: {  	[tilespmem:s13+$0xCC40] =	vst.add.f32.msk $0xffff, v5  }
0x4d7: {  	[tilespmem:s13+$0xFC40] =	vst.add.f32.msk $0xffff, v5  }
0x4d8: {  	[tilespmem:s13+$0x12C40] =	vst.add.f32.msk $0xffff, v5  }
0x4d9: {  	[tilespmem:s13+$0x15C40] =	vst.add.f32.msk $0xffff, v5  }
0x4da: {  	[tilespmem:s13+$0xCC50] =	vst.add.f32.msk $0xffff, v4  }
0x4db: {  	[tilespmem:s13+$0xFC50] =	vst.add.f32.msk $0xffff, v4  }
0x4dc: {  	[tilespmem:s13+$0x12C50] =	vst.add.f32.msk $0xffff, v4  }
0x4dd: {  	[tilespmem:s13+$0x15C50] =	vst.add.f32.msk $0xffff, v4  }
0x4de: {  	[tilespmem:s13+$0xCC60] =	vst.add.f32.msk $0xffff, v3  }
0x4df: {  	[tilespmem:s13+$0xFC60] =	vst.add.f32.msk $0xffff, v3  }
0x4e0: {  	[tilespmem:s13+$0x12C60] =	vst.add.f32.msk $0xffff, v3  }
0x4e1: {  	[tilespmem:s13+$0x15C60] =	vst.add.f32.msk $0xffff, v3  }
0x4e2: {  	[tilespmem:s13+$0xCC70] =	vst.add.f32.msk $0xffff, v2  }
0x4e3: {  	[tilespmem:s13+$0xFC70] =	vst.add.f32.msk $0xffff, v2  }
0x4e4: {  	[tilespmem:s13+$0x12C70] =	vst.add.f32.msk $0xffff, v2  }
0x4e5: {  	[tilespmem:s13+$0x15C70] =	vst.add.f32.msk $0xffff, v2  }
0x4e6: {  	s21 =	sadd.s32 $0x1000, s13;
	[tilespmem:s13+$0xD000] =	vst.add.f32.msk $0xffff, v1  }
0x4e7: {  	[tilespmem:s21+$0xF000] =	vst.add.f32.msk $0xffff, v1  }
0x4e8: {  	v2 =	vld [tilespmem:s13+$0x1C010]  }
0x4e9: {  	[tilespmem:s3+$0x13470] =	vst.add.f32.msk $0xffff, v0;
	s3 =	smov.u32 s13  }
.Ltmp3:
0x4ea: {  	(pc) =	sbr.rel @p1 .LBB2_5-.Ltmp3, $4  }
0x4eb: {  	[tilespmem:s3+$0x13000] =	vst.add.f32.msk $0xffff, v1  }
0x4ec: {  	[tilespmem:s3+$0x16000] =	vst.add.f32.msk $0xffff, v1  }
0x4ed: {  	[tilespmem:s3+$0xD010] =	vst.add.f32.msk $0xffff, v2  }
0x4ee: {  	s4 =	sadd.s32 $0x1, s4;
	[tilespmem:s21+$0xF010] =	vst.add.f32.msk $0xffff, v2  }
0x4ef: {  	v0 =	vld [tilespmem:s3+$0x1C020];
	_ =	sdelay $0x2  }
0x4f0: {  	[tilespmem:s3+$0x13010] =	vst.add.f32.msk $0xffff, v2  }
0x4f1: {  	[tilespmem:s3+$0x16010] =	vst.add.f32.msk $0xffff, v2  }
0x4f2: {  	[tilespmem:s3+$0xD020] =	vst.add.f32.msk $0xffff, v0  }
0x4f3: {  	[tilespmem:s21+$0xF020] =	vst.add.f32.msk $0xffff, v0  }
0x4f4: {  	v1 =	vld [tilespmem:s3+$0x1C030];
	_ =	sdelay $0x2  }
0x4f5: {  	[tilespmem:s3+$0x13020] =	vst.add.f32.msk $0xffff, v0  }
0x4f6: {  	[tilespmem:s3+$0x16020] =	vst.add.f32.msk $0xffff, v0  }
0x4f7: {  	[tilespmem:s3+$0xD030] =	vst.add.f32.msk $0xffff, v1  }
0x4f8: {  	[tilespmem:s21+$0xF030] =	vst.add.f32.msk $0xffff, v1  }
0x4f9: {  	v52 =	vld [tilespmem:s3+$0x1C040];
	_ =	sdelay $0x2  }
0x4fa: {  	[tilespmem:s3+$0x13030] =	vst.add.f32.msk $0xffff, v1  }
0x4fb: {  	[tilespmem:s3+$0x16030] =	vst.add.f32.msk $0xffff, v1  }
0x4fc: {  	[tilespmem:s3+$0xD040] =	vst.add.f32.msk $0xffff, v52  }
0x4fd: {  	[tilespmem:s21+$0xF040] =	vst.add.f32.msk $0xffff, v52  }
0x4fe: {  	v53 =	vld [tilespmem:s3+$0x1C050];
	_ =	sdelay $0x2  }
0x4ff: {  	[tilespmem:s3+$0x13040] =	vst.add.f32.msk $0xffff, v52  }
0x500: {  	[tilespmem:s3+$0x16040] =	vst.add.f32.msk $0xffff, v52  }
0x501: {  	[tilespmem:s3+$0xD050] =	vst.add.f32.msk $0xffff, v53  }
0x502: {  	[tilespmem:s21+$0xF050] =	vst.add.f32.msk $0xffff, v53  }
0x503: {  	v54 =	vld [tilespmem:s3+$0x1C060];
	_ =	sdelay $0x2  }
0x504: {  	[tilespmem:s3+$0x13050] =	vst.add.f32.msk $0xffff, v53  }
0x505: {  	[tilespmem:s3+$0x16050] =	vst.add.f32.msk $0xffff, v53  }
0x506: {  	[tilespmem:s3+$0xD060] =	vst.add.f32.msk $0xffff, v54  }
0x507: {  	[tilespmem:s21+$0xF060] =	vst.add.f32.msk $0xffff, v54  }
0x508: {  	v55 =	vld [tilespmem:s3+$0x1C070];
	_ =	sdelay $0x2  }
0x509: {  	[tilespmem:s3+$0x13060] =	vst.add.f32.msk $0xffff, v54  }
0x50a: {  	[tilespmem:s3+$0x16060] =	vst.add.f32.msk $0xffff, v54  }
0x50b: {  	[tilespmem:s3+$0xD070] =	vst.add.f32.msk $0xffff, v55  }
0x50c: {  	[tilespmem:s21+$0xF070] =	vst.add.f32.msk $0xffff, v55  }
0x50d: {  	v56 =	vld [tilespmem:s3+$0x1C400];
	_ =	sdelay $0x2  }
0x50e: {  	[tilespmem:s3+$0x13070] =	vst.add.f32.msk $0xffff, v55  }
0x50f: {  	[tilespmem:s3+$0x16070] =	vst.add.f32.msk $0xffff, v55  }
0x510: {  	s4 =	sadd.s32 $0x1400, s3;
	[tilespmem:s3+$0xD400] =	vst.add.f32.msk $0xffff, v56  }
0x511: {  	[tilespmem:s4+$0xF000] =	vst.add.f32.msk $0xffff, v56  }
0x512: {  	v57 =	vld [tilespmem:s3+$0x1C410];
	_ =	sdelay $0x2  }
0x513: {  	[tilespmem:s3+$0x13400] =	vst.add.f32.msk $0xffff, v56  }
0x514: {  	[tilespmem:s3+$0x16400] =	vst.add.f32.msk $0xffff, v56  }
0x515: {  	[tilespmem:s3+$0xD410] =	vst.add.f32.msk $0xffff, v57  }
0x516: {  	[tilespmem:s4+$0xF010] =	vst.add.f32.msk $0xffff, v57  }
0x517: {  	v58 =	vld [tilespmem:s3+$0x1C420];
	_ =	sdelay $0x2  }
0x518: {  	[tilespmem:s3+$0x13410] =	vst.add.f32.msk $0xffff, v57  }
0x519: {  	[tilespmem:s3+$0x16410] =	vst.add.f32.msk $0xffff, v57  }
0x51a: {  	[tilespmem:s3+$0xD420] =	vst.add.f32.msk $0xffff, v58  }
0x51b: {  	[tilespmem:s4+$0xF020] =	vst.add.f32.msk $0xffff, v58  }
0x51c: {  	v59 =	vld [tilespmem:s3+$0x1C430];
	_ =	sdelay $0x2  }
0x51d: {  	[tilespmem:s3+$0x13420] =	vst.add.f32.msk $0xffff, v58  }
0x51e: {  	[tilespmem:s3+$0x16420] =	vst.add.f32.msk $0xffff, v58  }
0x51f: {  	[tilespmem:s3+$0xD430] =	vst.add.f32.msk $0xffff, v59  }
0x520: {  	[tilespmem:s4+$0xF030] =	vst.add.f32.msk $0xffff, v59  }
0x521: {  	v60 =	vld [tilespmem:s3+$0x1C440];
	_ =	sdelay $0x2  }
0x522: {  	[tilespmem:s3+$0x13430] =	vst.add.f32.msk $0xffff, v59  }
0x523: {  	[tilespmem:s3+$0x16430] =	vst.add.f32.msk $0xffff, v59  }
0x524: {  	[tilespmem:s3+$0xD440] =	vst.add.f32.msk $0xffff, v60  }
0x525: {  	[tilespmem:s4+$0xF040] =	vst.add.f32.msk $0xffff, v60  }
0x526: {  	v61 =	vld [tilespmem:s3+$0x1C450];
	_ =	sdelay $0x2  }
0x527: {  	[tilespmem:s3+$0x13440] =	vst.add.f32.msk $0xffff, v60  }
0x528: {  	[tilespmem:s3+$0x16440] =	vst.add.f32.msk $0xffff, v60  }
0x529: {  	[tilespmem:s3+$0xD450] =	vst.add.f32.msk $0xffff, v61  }
0x52a: {  	[tilespmem:s4+$0xF050] =	vst.add.f32.msk $0xffff, v61  }
0x52b: {  	v62 =	vld [tilespmem:s3+$0x1C460];
	_ =	sdelay $0x2  }
0x52c: {  	[tilespmem:s3+$0x13450] =	vst.add.f32.msk $0xffff, v61  }
0x52d: {  	[tilespmem:s3+$0x16450] =	vst.add.f32.msk $0xffff, v61  }
0x52e: {  	[tilespmem:s3+$0xD460] =	vst.add.f32.msk $0xffff, v62  }
0x52f: {  	[tilespmem:s4+$0xF060] =	vst.add.f32.msk $0xffff, v62  }
0x530: {  	v63 =	vld [tilespmem:s3+$0x1C470];
	_ =	sdelay $0x2  }
0x531: {  	[tilespmem:s3+$0x13460] =	vst.add.f32.msk $0xffff, v62  }
0x532: {  	[tilespmem:s3+$0x16460] =	vst.add.f32.msk $0xffff, v62  }
0x533: {  	[tilespmem:s3+$0xD470] =	vst.add.f32.msk $0xffff, v63  }
0x534: {  	[tilespmem:s4+$0xF070] =	vst.add.f32.msk $0xffff, v63  }
0x535: {  	[tilespmem:s3+$0x16470] =	vst.add.f32.msk $0xffff, v63  }
0x536: {  	s17 =	sadd.s32 s5, s17;
	s13 =	simm.s32 $0xC000;
	[tilespmem:s3+$0x13470] =	vst.add.f32.msk $0xffff, v63  }
0x537: {  	[hbm4b:s17+s6] =	stream.linear.scatter [tilespmem:s13], [sflag:$0xD], $0x3000, $0x38;
	[tilespmem:$0x1E000] =	vst v63  }
0x538: {  	s18 =	sadd.s32 s5, s18;
	s21 =	simm.s32 $0xF000  }
0x539: {  	[hbm4b:s18+s6] =	stream.linear.scatter [tilespmem:s21], [sflag:$0xE], $0x3000, $0x38;
	[tilespmem:$0x1E000] =	vst v63  }
.Ltmp4:
0x53a: {  	_ = 	snop;
	(pc) =	sbr.rel @p0 .LBB2_8-.Ltmp4, $4  }
0x53b: {  	s19 =	sadd.s32 s5, s19;
	s22 =	simm.s32 $0x12000  }
0x53c: {  	[hbm4b:s19+s6] =	stream.linear.scatter [tilespmem:s22], [sflag:$0xF], $0x3000, $0x38;
	[tilespmem:$0x1E000] =	vst v63  }
0x53d: {  	s20 =	sadd.s32 s5, s20  }
0x53e: {  	[hbm4b:s20+s6] =	stream.linear.scatter [tilespmem:s24], [sflag:$0x10], $0x3000, $0x38;
	[tilespmem:$0x1E000] =	vst v63  }
0x53f: {  	s3 =	rddreg [dreg:$0xb]  }
0x540: {  	s3 =	sadd.s32 s15, s3  }
.Ltmp5:
0x541: {  	s3 =	sshrl.u32 s3, $0x3;
	(pc) =	sbr.rel .LBB2_2-.Ltmp5, $4  }
0x542: {  	s3 =	smul.u32 $0x300, s3  }
0x543: {  	s4 =	rddreg [dreg:$0x1]  }
0x544: {  	s20 =	simm.s32 $0x1B000;
	s7 =	sadd.s32 $0x1, s7;
	s3 =	sadd.s32 s4, s3  }
0x545: {  	[tilespmem:s20], [sflag:$0x12] =	stream.linear.gather [hbm4b:s3+s6], $0x3000, $0x38;
	[tilespmem:$0x1E000] =	vst v63  }
.LBB2_9:
0x546: {  	_ =	sfence.sel $0x180000  }
0x547: {  	[bflag:$0x0] =	sbarrier.arrive $0xFFFF  }
0x548: {  	_ =	strace $0x90000047  }
0x549: {  	s0 =	stileid.u32;
	[bflag:$0x2] =	sbarrier.arrive $0xFFFF  }
0x54a: {  	p0 =	sne.s32 s0, $0x0;
	s0 =	rddreg [dreg:$0x3]  }
0x54b: {  	s0 =	sadd.s32 @!p0 $0x100000, s0  }
0x54c: {  	[sflag:s0] =	ssyncadd.tile.s32 @!p0 $0x1;
	_ =	shalt  }
.Lfunc_end2:
_tile_overlayer_lowered:
.L_overlay_start_2:
0x54d: {  	(tag) =	ssettag $0x2  }
0x54e: {  	s0 =	rddreg [dreg:$0x0];
	s2 =	stileid.u32  }
0x54f: {  	s1 =	rddreg [dreg:$0x1];
	p0 =	sne.s32 s2, $0x0  }
0x550: {  	s3 =	rddreg [dreg:$0x2];
	[bflag:$0x3] =	sbarrier.arrive $0xFFFF;
	s2 =	simm.s32 @!p0 $0x1C13  }
0x551: {  	[timem:s3], [sflag:s2] =	dma.local @!p0 [hbm:s0], s1  }
0x552: {  	s0 =	simm.s32 @!p0 $0x13  }
0x553: {  	_ =	swait.ge @!p0 [sflag:s0], s1  }
0x554: {  	s1 =	ssub.s32 @!p0 $0x0, s1;
	[sflag:s0] =	ssyncset.done @!p0 $0x0  }
0x555: {  	[sflag:s0] =	ssyncadd.s32 @!p0 s1  }
0x556: {  	[bflag:$0x3] =	sbarrier.arrive $0xFFFF  }
0x557: {  	_ =	shalt  }

</sc_bundles>
